<compile_context>
chip_gen: v7x
topology: tpu7x:2x2x1
jax: 0.10.2.dev20260603
libtpu: 0.0.44.dev20260713+nightly
codegen_flags: <defaults>
</compile_context>

<pallas_src>
import functools

import jax
import jax.numpy as jnp
from jax import lax
from jax.experimental import pallas as pl
from jax.experimental.pallas import tpu as pltpu
from jax.experimental.pallas import tpu_sc as plsc

_N = 10000
_E = 320000
_F = 128
_HID = 16
_NH = 8
_NC = 40
_ALPHA = 0.2

_NCORE = 2
_NSUB = 16
_NW = _NCORE * _NSUB
_EPW = _E // _NW
_RPB = 624
_RTAIL = _N - _NSUB * _RPB

_A1 = 144
_T1 = 144
_E1 = 128
_C1 = 40
_A2 = 48
_T2 = 48
_E2 = 32
_C2 = 100


def _make_sc_edge(wtab, wacc, ev_off, ch, chunk_heads):
    nck = wacc // 16
    assert len(chunk_heads) == nck
    nchunk = _EPW // ch
    assert nchunk * ch == _EPW and nchunk % 2 == 0 and ch <= 128

    mesh = plsc.VectorSubcoreMesh(core_axis_name="c", subcore_axis_name="s")

    @functools.partial(
        pl.kernel,
        out_type=jax.ShapeDtypeStruct((_NCORE, _N, wacc), jnp.float32),
        mesh=mesh,
        compiler_params=pltpu.CompilerParams(use_tc_tiling_on_sc=False),
        scratch_types=[
            pltpu.VMEM((nchunk, ch), jnp.int32),
            pltpu.VMEM((nchunk, ch), jnp.int32),
            pltpu.VMEM((ch, 16), jnp.float32),
            pltpu.VMEM((ch, wtab), jnp.float32),
            pltpu.VMEM((ch, 16), jnp.float32),
            pltpu.VMEM((ch, wtab), jnp.float32),
            pltpu.VMEM((ch, wacc), jnp.float32),
            pltpu.SemaphoreType.DMA,
            pltpu.SemaphoreType.DMA,
            pltpu.SemaphoreType.DMA,
            pltpu.VMEM_SHARED((_N, wacc), jnp.float32),
        ],
    )
    def sc_edge(src_hbm, dst_hbm, s2_hbm, t_hbm, out_hbm,
                srcv, dstv, s2r0, tr0, s2r1, tr1, comp,
                gsem0, gsem1, ssem, acc):
        c = lax.axis_index("c")
        s = lax.axis_index("s")
        w = c * _NSUB + s

        bufs = ((s2r0, tr0, gsem0), (s2r1, tr1, gsem1))

        def start_gather(ci, b):
            s2r, tr, gsem = b
            pltpu.async_copy(s2_hbm.at[dstv.at[ci]], s2r, gsem)
            pltpu.async_copy(t_hbm.at[srcv.at[ci]], tr, gsem)

        def wait_gather(ci, b):
            s2r, tr, gsem = b
            pltpu.make_async_copy(s2_hbm.at[dstv.at[ci]], s2r, gsem).wait()
            pltpu.make_async_copy(t_hbm.at[srcv.at[ci]], tr, gsem).wait()

        def start_scatter(ci):
            pltpu.async_copy(comp, acc.at[dstv.at[ci]], ssem, add=True)

        def wait_scatter(ci):
            pltpu.make_async_copy(comp, acc.at[dstv.at[ci]], ssem).wait()

        def compute(b):
            s2r, tr, _ = b

            @plsc.parallel_loop(0, ch, 1, unroll=10)
            def edge(e):
                ev = tr[e, pl.ds(ev_off, 16)] + s2r[e]
                ev = jnp.maximum(ev, _ALPHA * ev)
                exv = jnp.exp(ev)
                for j, hk in enumerate(chunk_heads):
                    if hk is None:
                        comp[e, pl.ds(16 * j, 16)] = exv
                    else:
                        t = tr[e, pl.ds(16 * j, 16)]
                        comp[e, pl.ds(16 * j, 16)] = exv[hk] * t

        def zrow(i, carry):
            for j in range(nck):
                comp[i, pl.ds(16 * j, 16)] = jnp.zeros((16,), jnp.float32)
            return carry
        lax.fori_loop(0, ch, zrow, 0)

        r0 = s * _RPB
        off = 0
        while off < _RPB:
            n = min(ch, _RPB - off)
            pltpu.sync_copy(comp.at[pl.ds(0, n)], acc.at[pl.ds(r0 + off, n)])
            off += n

        @pl.when(s == _NSUB - 1)
        def _clear_tail():
            pltpu.sync_copy(comp.at[pl.ds(0, _RTAIL)],
                            acc.at[pl.ds(_NSUB * _RPB, _RTAIL)])

        pltpu.sync_copy(src_hbm.at[pl.ds(w * nchunk, nchunk)], srcv)
        pltpu.sync_copy(dst_hbm.at[pl.ds(w * nchunk, nchunk)], dstv)
        plsc.subcore_barrier()

        start_scatter(0)
        start_gather(0, bufs[0])
        start_gather(1, bufs[1])

        def pipe(i, carry):
            c0 = i * 2
            c1 = c0 + 1
            wait_gather(c0, bufs[0])
            wait_scatter(c0)
            compute(bufs[0])
            start_scatter(c0)

            @pl.when(i < (nchunk // 2) - 1)
            def _pf0():
                start_gather(c0 + 2, bufs[0])

            wait_gather(c1, bufs[1])
            wait_scatter(c1)
            compute(bufs[1])
            start_scatter(c1)

            @pl.when(i < (nchunk // 2) - 1)
            def _pf1():
                start_gather(c1 + 2, bufs[1])
            return carry
        lax.fori_loop(0, nchunk // 2, pipe, 0)

        wait_scatter(nchunk - 1)
        plsc.subcore_barrier()
        off = 0
        while off < _RPB:
            n = min(ch, _RPB - off)
            pltpu.sync_copy(acc.at[pl.ds(r0 + off, n)],
                            out_hbm.at[c, pl.ds(r0 + off, n)])
            off += n

        @pl.when(s == _NSUB - 1)
        def _out_tail():
            pltpu.sync_copy(acc.at[pl.ds(_NSUB * _RPB, _RTAIL)],
                            out_hbm.at[c, pl.ds(_NSUB * _RPB, _RTAIL)])

    return sc_edge


_sc_edge_l1 = _make_sc_edge(_T1, _A1, _E1, _C1, [0, 1, 2, 3, 4, 5, 6, 7, None])
_sc_edge_l2 = _make_sc_edge(_T2, _A2, _E2, _C2, [15, 15, 15])

_BN = 2000


def _tc1_body(x_ref, wpad_ref, b_ref, m2_ref, h_ref, s2_ref):
    xx = x_ref[...]
    h_ref[...] = (jnp.dot(xx, wpad_ref[...],
                          preferred_element_type=jnp.float32) + b_ref[...])
    s2_ref[...] = jnp.dot(xx, m2_ref[...], preferred_element_type=jnp.float32)


def _tc1(x, wpad, b1, m2):
    return pl.pallas_call(
        _tc1_body,
        grid=(_N // _BN,),
        in_specs=[
            pl.BlockSpec((_BN, _F), lambda i: (i, 0)),
            pl.BlockSpec((_F, _T1), lambda i: (0, 0)),
            pl.BlockSpec((1, _T1), lambda i: (0, 0)),
            pl.BlockSpec((_F, 16), lambda i: (0, 0)),
        ],
        out_specs=[
            pl.BlockSpec((_BN, _T1), lambda i: (i, 0)),
            pl.BlockSpec((_BN, 16), lambda i: (i, 0)),
        ],
        out_shape=[
            jax.ShapeDtypeStruct((_N, _T1), jnp.float32),
            jax.ShapeDtypeStruct((_N, 16), jnp.float32),
        ],
    )(x, wpad, b1, m2)


def _tc2_body(p_ref, r8_ref, w2_ref, b2_ref, m2_ref, h2_ref, s2_ref):
    nsum = p_ref[0] + p_ref[1]
    num = nsum[:, :_F]
    den8 = nsum[:, _F:_F + _NH]
    den = jnp.dot(den8, r8_ref[...], preferred_element_type=jnp.float32)
    feat = num / (den + 1e-16)
    feat = jnp.where(feat > 0.0, feat, jnp.exp(feat) - 1.0)
    h2_ref[...] = (jnp.dot(feat, w2_ref[...],
                           preferred_element_type=jnp.float32) + b2_ref[...])
    s2_ref[...] = jnp.dot(feat, m2_ref[...], preferred_element_type=jnp.float32)


def _tc2(p1, r8, w2pad, b2, m2b):
    return pl.pallas_call(
        _tc2_body,
        grid=(_N // _BN,),
        in_specs=[
            pl.BlockSpec((_NCORE, _BN, _A1), lambda i: (0, i, 0)),
            pl.BlockSpec((_NH, _F), lambda i: (0, 0)),
            pl.BlockSpec((_F, _T2), lambda i: (0, 0)),
            pl.BlockSpec((1, _T2), lambda i: (0, 0)),
            pl.BlockSpec((_F, 16), lambda i: (0, 0)),
        ],
        out_specs=[
            pl.BlockSpec((_BN, _T2), lambda i: (i, 0)),
            pl.BlockSpec((_BN, 16), lambda i: (i, 0)),
        ],
        out_shape=[
            jax.ShapeDtypeStruct((_N, _T2), jnp.float32),
            jax.ShapeDtypeStruct((_N, 16), jnp.float32),
        ],
    )(p1, r8, w2pad, b2, m2b)


def _tc3_body(p_ref, o_ref):
    n2 = p_ref[0] + p_ref[1]
    num = n2[:, :_NC]
    den = n2[:, _NC:_NC + 1]
    o = num / (den + 1e-16)
    o = jnp.where(o > 0.0, o, jnp.exp(o) - 1.0)
    pooled = jnp.mean(o, axis=0, keepdims=True)
    m = jnp.max(pooled, axis=1, keepdims=True)
    z = pooled - m
    lse = jnp.log(jnp.sum(jnp.exp(z), axis=1, keepdims=True))
    o_ref[...] = z - lse


def _tc3(p2):
    return pl.pallas_call(
        _tc3_body,
        out_shape=jax.ShapeDtypeStruct((1, _NC), jnp.float32),
    )(p2)


def kernel(x, edge_index, Ws, a_att, W_out, a_out):
    f32 = jnp.float32
    e0 = edge_index[0].astype(jnp.int32)
    e1 = edge_index[1].astype(jnp.int32)
    src1 = e0.reshape(_E // _C1, _C1)
    dst1 = e1.reshape(_E // _C1, _C1)
    src2 = e0.reshape(_E // _C2, _C2)
    dst2 = e1.reshape(_E // _C2, _C2)

    wcat = jnp.transpose(Ws, (1, 0, 2)).reshape(_F, _NH * _HID)
    a1 = a_att[:, :_HID, 0]
    a2 = a_att[:, _HID:, 0]
    m1 = jnp.einsum("kfj,kj->fk", Ws, a1)
    m2 = jnp.pad(jnp.einsum("kfj,kj->fk", Ws, a2), ((0, 0), (0, 16 - _NH)))
    wpad = jnp.zeros((_F, _T1), f32)
    wpad = wpad.at[:, :_NH * _HID].set(wcat)
    wpad = wpad.at[:, _E1:_E1 + _NH].set(m1)
    b1 = jnp.zeros((1, _T1), f32).at[0, _E1 + _NH:].set(-1e30)
    r8 = jnp.repeat(jnp.eye(_NH, dtype=f32), _HID, axis=1)

    w2pad = jnp.zeros((_F, _T2), f32)
    w2pad = w2pad.at[:, :_NC].set(W_out)
    w2pad = w2pad.at[:, _T2 - 1].set(W_out @ a_out[:_NC, 0])
    b2 = jnp.zeros((1, _T2), f32).at[0, _NC].set(1.0)
    m2b = jnp.zeros((_F, 16), f32).at[:, 15].set(W_out @ a_out[_NC:, 0])

    h1t, s2v = _tc1(x, wpad, b1, m2)
    p1 = _sc_edge_l1(src1, dst1, s2v, h1t)
    h2t, s2b = _tc2(p1, r8, w2pad, b2, m2b)
    p2 = _sc_edge_l2(src2, dst2, s2b, h2t)
    return _tc3(p2)

# --- scband reference (transcript-rebuilt; emitter-appended) ---
"""Pipeline reference for scband-gat-base-91036126806368 (READ-ONLY COPY).

The authoritative reference and input builder live on the scoring server;
editing this copy changes nothing except your own understanding.
"""

import jax, jax.numpy as jnp
import numpy as np

N_NODES = 10000
N_EDGES = 320000
NFEAT = 128
NHID = 16
NCLASS = 40
NHEADS = 8
ALPHA = 0.2


def gat_layer(x, W, a, src, dst, n_nodes, apply_elu):
    # h = x @ W  : [N, out]
    h = x @ W
    # per-edge attention logits: concat(h[src], h[dst]) @ a
    e = jnp.concatenate([h[src], h[dst]], axis=-1) @ a  # [E, 1]
    e = jax.nn.leaky_relu(e[:, 0], negative_slope=ALPHA)  # [E]
    # segment softmax over destination nodes (numerically stable)
    e_max = jax.ops.segment_max(e, dst, num_segments=n_nodes)
    e_max = jnp.where(jnp.isfinite(e_max), e_max, 0.0)
    ex = jnp.exp(e - e_max[dst])
    denom = jax.ops.segment_sum(ex, dst, num_segments=n_nodes)
    att = ex / (denom[dst] + 1e-16)
    # weighted scatter-add aggregation of source features into dst nodes
    out = jax.ops.segment_sum(att[:, None] * h[src], dst, num_segments=n_nodes)
    if apply_elu:
        out = jax.nn.elu(out)
    return out


def setup_inputs(seed: int = 0) -> dict:
    key = jax.random.key(seed)
    ks = jax.random.split(key, 7)
    x = jax.random.normal(ks[0], (N_NODES, NFEAT), dtype=jnp.float32)
    edge_index = jax.random.randint(ks[1], (2, N_EDGES), 0, N_NODES)
    # learned params: per-head W [nfeat, nhid], a [2*nhid, 1]; output layer W [nhid*nheads, nclass], a [2*nclass, 1]
    Ws = jax.random.normal(ks[2], (NHEADS, NFEAT, NHID), dtype=jnp.float32) * (1.0 / np.sqrt(NFEAT))
    a_att = jax.random.normal(ks[3], (NHEADS, 2 * NHID, 1), dtype=jnp.float32) * (1.0 / np.sqrt(2 * NHID))
    W_out = jax.random.normal(ks[4], (NHID * NHEADS, NCLASS), dtype=jnp.float32) * (1.0 / np.sqrt(NHID * NHEADS))
    a_out = jax.random.normal(ks[5], (2 * NCLASS, 1), dtype=jnp.float32) * (1.0 / np.sqrt(2 * NCLASS))
    return {"x": x, "edge_index": edge_index, "Ws": Ws, "a_att": a_att, "W_out": W_out, "a_out": a_out}


def reference(x, edge_index, Ws, a_att, W_out, a_out):
    # eval mode: dropout is identity
    src = edge_index[0]
    dst = edge_index[1]
    heads = [gat_layer(x, Ws[h], a_att[h], src, dst, N_NODES, apply_elu=True) for h in range(NHEADS)]
    h = jnp.concatenate(heads, axis=-1)  # [N, nhid*nheads]
    h = gat_layer(h, W_out, a_out, src, dst, N_NODES, apply_elu=False)
    h = jax.nn.elu(h)
    # global_mean_pool with batch=None -> mean over all nodes -> [1, nclass]
    pooled = jnp.mean(h, axis=0, keepdims=True)
    return jax.nn.log_softmax(pooled, axis=1)

if __name__ == "__main__":
    import jax
    _d = setup_inputs()
    print(jax.jit(kernel)(*tuple(_d.values())))

</pallas_src>

<mosaic_0001>
#map = affine_map<(d0, d1) -> (0, 0)>
#map1 = affine_map<(d0, d1) -> (0, 0, 0)>
module attributes {stable_mosaic.version = 14 : i64} {
  func.func @sc_edge(%arg0: i32, %arg1: i32, %arg2: memref<8000x40xi32, #tpu.memory_space<hbm>>, %arg3: memref<8000x40xi32, #tpu.memory_space<hbm>>, %arg4: memref<10000x16xf32, #tpu.memory_space<hbm>>, %arg5: memref<10000x144xf32, #tpu.memory_space<hbm>>, %arg6: memref<2x10000x144xf32, #tpu.memory_space<hbm>>, %arg7: memref<250x40xi32, #tpu.memory_space<vmem>>, %arg8: memref<250x40xi32, #tpu.memory_space<vmem>>, %arg9: memref<40x16xf32, #tpu.memory_space<vmem>>, %arg10: memref<40x144xf32, #tpu.memory_space<vmem>>, %arg11: memref<40x16xf32, #tpu.memory_space<vmem>>, %arg12: memref<40x144xf32, #tpu.memory_space<vmem>>, %arg13: memref<40x144xf32, #tpu.memory_space<vmem>>, %arg14: memref<!tpu.dma_semaphore, #tpu.memory_space<semaphore_mem>>, %arg15: memref<!tpu.dma_semaphore, #tpu.memory_space<semaphore_mem>>, %arg16: memref<!tpu.dma_semaphore, #tpu.memory_space<semaphore_mem>>, %arg17: memref<10000x144xf32, #tpu.memory_space<vmem_shared>>) attributes {dimension_semantics = [#tpu.dimension_semantics<core_parallel>, #tpu.dimension_semantics<subcore_parallel>], iteration_bounds = array<i64: 2, 16>, scalar_prefetch = 0 : i64, scratch_operands = 11 : i64, tpu.core_type = #tpu.core_type<sc_vector_subcore>, window_params = [{transform_indices = #map}, {transform_indices = #map}, {transform_indices = #map}, {transform_indices = #map}, {transform_indices = #map1}]} {
    %mul3A = arith.constant 16 : i32
    %mul3A_0 = arith.muli %arg0, %mul3A : i32
    %add3A = arith.addi %mul3A_0, %arg1 : i32
    %scan3A = arith.constant 0 : i32
    %scan3A_1 = arith.constant 0 : i32
    %scan3A_2 = arith.constant 40 : i32
    %scan3A_3 = arith.addi %scan3A_1, %scan3A_2 : i32
    %scan3A_4 = arith.constant 1 : i32
    scf.for %scan3A_162 = %scan3A_1 to %scan3A_3 step %scan3A_4  : i32 {
      %broadcast_in_dim3A = arith.constant 0.000000e+00 : f32
      %broadcast_in_dim3A_163 = vector.broadcast %broadcast_in_dim3A : f32 to vector<16xf32>
      %swap3A = arith.index_cast %scan3A_162 : i32 to index
      %swap3A_164 = arith.constant 0 : index
      %swap3A_165 = tpu.vector_load %arg13[%swap3A, %swap3A_164] {strides = array<i32>} : memref<40x144xf32, #tpu.memory_space<vmem>>, vector<1x16xf32>,
      %swap3A_166 = vector.shape_cast %swap3A_165 : vector<1x16xf32> to vector<16xf32>
      %swap3A_167 = vector.shape_cast %broadcast_in_dim3A_163 : vector<16xf32> to vector<1x16xf32>
      tpu.vector_store %arg13[%swap3A, %swap3A_164], %swap3A_167 {strides = array<i32>} : memref<40x144xf32, #tpu.memory_space<vmem>>, vector<1x16xf32>,
      %broadcast_in_dim3A_168 = arith.constant 0.000000e+00 : f32
      %broadcast_in_dim3A_169 = vector.broadcast %broadcast_in_dim3A_168 : f32 to vector<16xf32>
      %swap3A_170 = arith.index_cast %scan3A_162 : i32 to index
      %swap3A_171 = arith.constant 16 : index
      %swap3A_172 = tpu.vector_load %arg13[%swap3A_170, %swap3A_171] {strides = array<i32>} : memref<40x144xf32, #tpu.memory_space<vmem>>, vector<1x16xf32>,
      %swap3A_173 = vector.shape_cast %swap3A_172 : vector<1x16xf32> to vector<16xf32>
      %swap3A_174 = vector.shape_cast %broadcast_in_dim3A_169 : vector<16xf32> to vector<1x16xf32>
      tpu.vector_store %arg13[%swap3A_170, %swap3A_171], %swap3A_174 {strides = array<i32>} : memref<40x144xf32, #tpu.memory_space<vmem>>, vector<1x16xf32>,
      %broadcast_in_dim3A_175 = arith.constant 0.000000e+00 : f32
      %broadcast_in_dim3A_176 = vector.broadcast %broadcast_in_dim3A_175 : f32 to vector<16xf32>
      %swap3A_177 = arith.index_cast %scan3A_162 : i32 to index
      %swap3A_178 = arith.constant 32 : index
      %swap3A_179 = tpu.vector_load %arg13[%swap3A_177, %swap3A_178] {strides = array<i32>} : memref<40x144xf32, #tpu.memory_space<vmem>>, vector<1x16xf32>,
      %swap3A_180 = vector.shape_cast %swap3A_179 : vector<1x16xf32> to vector<16xf32>
      %swap3A_181 = vector.shape_cast %broadcast_in_dim3A_176 : vector<16xf32> to vector<1x16xf32>
      tpu.vector_store %arg13[%swap3A_177, %swap3A_178], %swap3A_181 {strides = array<i32>} : memref<40x144xf32, #tpu.memory_space<vmem>>, vector<1x16xf32>,
      %broadcast_in_dim3A_182 = arith.constant 0.000000e+00 : f32
      %broadcast_in_dim3A_183 = vector.broadcast %broadcast_in_dim3A_182 : f32 to vector<16xf32>
      %swap3A_184 = arith.index_cast %scan3A_162 : i32 to index
      %swap3A_185 = arith.constant 48 : index
      %swap3A_186 = tpu.vector_load %arg13[%swap3A_184, %swap3A_185] {strides = array<i32>} : memref<40x144xf32, #tpu.memory_space<vmem>>, vector<1x16xf32>,
      %swap3A_187 = vector.shape_cast %swap3A_186 : vector<1x16xf32> to vector<16xf32>
      %swap3A_188 = vector.shape_cast %broadcast_in_dim3A_183 : vector<16xf32> to vector<1x16xf32>
      tpu.vector_store %arg13[%swap3A_184, %swap3A_185], %swap3A_188 {strides = array<i32>} : memref<40x144xf32, #tpu.memory_space<vmem>>, vector<1x16xf32>,
      %broadcast_in_dim3A_189 = arith.constant 0.000000e+00 : f32
      %broadcast_in_dim3A_190 = vector.broadcast %broadcast_in_dim3A_189 : f32 to vector<16xf32>
      %swap3A_191 = arith.index_cast %scan3A_162 : i32 to index
      %swap3A_192 = arith.constant 64 : index
      %swap3A_193 = tpu.vector_load %arg13[%swap3A_191, %swap3A_192] {strides = array<i32>} : memref<40x144xf32, #tpu.memory_space<vmem>>, vector<1x16xf32>,
      %swap3A_194 = vector.shape_cast %swap3A_193 : vector<1x16xf32> to vector<16xf32>
      %swap3A_195 = vector.shape_cast %broadcast_in_dim3A_190 : vector<16xf32> to vector<1x16xf32>
      tpu.vector_store %arg13[%swap3A_191, %swap3A_192], %swap3A_195 {strides = array<i32>} : memref<40x144xf32, #tpu.memory_space<vmem>>, vector<1x16xf32>,
      %broadcast_in_dim3A_196 = arith.constant 0.000000e+00 : f32
      %broadcast_in_dim3A_197 = vector.broadcast %broadcast_in_dim3A_196 : f32 to vector<16xf32>
      %swap3A_198 = arith.index_cast %scan3A_162 : i32 to index
      %swap3A_199 = arith.constant 80 : index
      %swap3A_200 = tpu.vector_load %arg13[%swap3A_198, %swap3A_199] {strides = array<i32>} : memref<40x144xf32, #tpu.memory_space<vmem>>, vector<1x16xf32>,
      %swap3A_201 = vector.shape_cast %swap3A_200 : vector<1x16xf32> to vector<16xf32>
      %swap3A_202 = vector.shape_cast %broadcast_in_dim3A_197 : vector<16xf32> to vector<1x16xf32>
      tpu.vector_store %arg13[%swap3A_198, %swap3A_199], %swap3A_202 {strides = array<i32>} : memref<40x144xf32, #tpu.memory_space<vmem>>, vector<1x16xf32>,
      %broadcast_in_dim3A_203 = arith.constant 0.000000e+00 : f32
      %broadcast_in_dim3A_204 = vector.broadcast %broadcast_in_dim3A_203 : f32 to vector<16xf32>
      %swap3A_205 = arith.index_cast %scan3A_162 : i32 to index
      %swap3A_206 = arith.constant 96 : index
      %swap3A_207 = tpu.vector_load %arg13[%swap3A_205, %swap3A_206] {strides = array<i32>} : memref<40x144xf32, #tpu.memory_space<vmem>>, vector<1x16xf32>,
      %swap3A_208 = vector.shape_cast %swap3A_207 : vector<1x16xf32> to vector<16xf32>
      %swap3A_209 = vector.shape_cast %broadcast_in_dim3A_204 : vector<16xf32> to vector<1x16xf32>
      tpu.vector_store %arg13[%swap3A_205, %swap3A_206], %swap3A_209 {strides = array<i32>} : memref<40x144xf32, #tpu.memory_space<vmem>>, vector<1x16xf32>,
      %broadcast_in_dim3A_210 = arith.constant 0.000000e+00 : f32
      %broadcast_in_dim3A_211 = vector.broadcast %broadcast_in_dim3A_210 : f32 to vector<16xf32>
      %swap3A_212 = arith.index_cast %scan3A_162 : i32 to index
      %swap3A_213 = arith.constant 112 : index
      %swap3A_214 = tpu.vector_load %arg13[%swap3A_212, %swap3A_213] {strides = array<i32>} : memref<40x144xf32, #tpu.memory_space<vmem>>, vector<1x16xf32>,
      %swap3A_215 = vector.shape_cast %swap3A_214 : vector<1x16xf32> to vector<16xf32>
      %swap3A_216 = vector.shape_cast %broadcast_in_dim3A_211 : vector<16xf32> to vector<1x16xf32>
      tpu.vector_store %arg13[%swap3A_212, %swap3A_213], %swap3A_216 {strides = array<i32>} : memref<40x144xf32, #tpu.memory_space<vmem>>, vector<1x16xf32>,
      %broadcast_in_dim3A_217 = arith.constant 0.000000e+00 : f32
      %broadcast_in_dim3A_218 = vector.broadcast %broadcast_in_dim3A_217 : f32 to vector<16xf32>
      %swap3A_219 = arith.index_cast %scan3A_162 : i32 to index
      %swap3A_220 = arith.constant 128 : index
      %swap3A_221 = tpu.vector_load %arg13[%swap3A_219, %swap3A_220] {strides = array<i32>} : memref<40x144xf32, #tpu.memory_space<vmem>>, vector<1x16xf32>,
      %swap3A_222 = vector.shape_cast %swap3A_221 : vector<1x16xf32> to vector<16xf32>
      %swap3A_223 = vector.shape_cast %broadcast_in_dim3A_218 : vector<16xf32> to vector<1x16xf32>
      tpu.vector_store %arg13[%swap3A_219, %swap3A_220], %swap3A_223 {strides = array<i32>} : memref<40x144xf32, #tpu.memory_space<vmem>>, vector<1x16xf32>,
    }
    %scan3A_5 = arith.constant 40 : i32
    %mul3A_6 = arith.constant 624 : i32
    %mul3A_7 = arith.muli %arg1, %mul3A_6 : i32
    %add3A_8 = arith.constant 0 : i32
    %add3A_9 = arith.addi %mul3A_7, %add3A_8 : i32
    "tpu.region"() ({
      %run_scoped3A = tpu.sem_alloc : memref<!tpu.dma_semaphore, #tpu.memory_space<semaphore_mem>>
      %dma_start3A_162 = arith.constant 0 : i32
      %dma_start3A_163 = arith.constant 0 : i32
      %dma_start3A_164 = tpu.memref_slice %arg13[%dma_start3A_162, %dma_start3A_163] : memref<40x144xf32, #tpu.memory_space<vmem>> -> memref<40x144xf32, #tpu.memory_space<vmem>>
      %dma_start3A_165 = arith.constant 0 : i32
      %dma_start3A_166 = tpu.memref_slice %arg17[%add3A_9, %dma_start3A_165] : memref<10000x144xf32, #tpu.memory_space<vmem_shared>> -> memref<40x144xf32, #tpu.memory_space<vmem_shared>>
      %dma_start3A_167 = arith.constant 0 : i32
      %dma_start3A_168 = tpu.memref_slice %arg17[%add3A_9, %dma_start3A_167] : memref<10000x144xf32, #tpu.memory_space<vmem_shared>> -> memref<40x144xf32, #tpu.memory_space<vmem_shared>>
      %dma_start3A_169 = arith.constant 0 : i32
      %dma_start3A_170 = arith.constant 0 : i32
      %dma_start3A_171 = tpu.memref_slice %arg13[%dma_start3A_169, %dma_start3A_170] : memref<40x144xf32, #tpu.memory_space<vmem>> -> memref<40x144xf32, #tpu.memory_space<vmem>>
      tpu.enqueue_dma source(%dma_start3A_171 : memref<40x144xf32, #tpu.memory_space<vmem>>) target(%dma_start3A_168 : memref<40x144xf32, #tpu.memory_space<vmem_shared>>) target_semaphore(%run_scoped3A : memref<!tpu.dma_semaphore, #tpu.memory_space<semaphore_mem>>)
      %dma_wait3A_172 = arith.constant 0 : i32
      %dma_wait3A_173 = arith.constant 0 : i32
      %dma_wait3A_174 = tpu.memref_slice %arg13[%dma_wait3A_172, %dma_wait3A_173] : memref<40x144xf32, #tpu.memory_space<vmem>> -> memref<40x144xf32, #tpu.memory_space<vmem>>
      %dma_wait3A_175 = arith.constant 0 : i32
      %dma_wait3A_176 = tpu.memref_slice %arg17[%add3A_9, %dma_wait3A_175] : memref<10000x144xf32, #tpu.memory_space<vmem_shared>> -> memref<40x144xf32, #tpu.memory_space<vmem_shared>>
      %dma_wait3A_177 = arith.constant 0 : i32
      %dma_wait3A_178 = tpu.memref_slice %arg17[%add3A_9, %dma_wait3A_177] : memref<10000x144xf32, #tpu.memory_space<vmem_shared>> -> memref<40x144xf32, #tpu.memory_space<vmem_shared>>
      %dma_wait3A_179 = arith.constant 0 : i32
      %dma_wait3A_180 = arith.constant 0 : i32
      %dma_wait3A_181 = tpu.memref_slice %arg13[%dma_wait3A_179, %dma_wait3A_180] : memref<40x144xf32, #tpu.memory_space<vmem>> -> memref<40x144xf32, #tpu.memory_space<vmem>>
      tpu.wait_dma2 semaphore(%run_scoped3A : memref<!tpu.dma_semaphore, #tpu.memory_space<semaphore_mem>>) src(%dma_wait3A_181 : memref<40x144xf32, #tpu.memory_space<vmem>>) dst(%dma_wait3A_178 : memref<40x144xf32, #tpu.memory_space<vmem_shared>>)
      tpu.yield
    }) : () -> ()
    %add3A_10 = arith.constant 40 : i32
    %add3A_11 = arith.addi %mul3A_7, %add3A_10 : i32
    "tpu.region"() ({
      %run_scoped3A = tpu.sem_alloc : memref<!tpu.dma_semaphore, #tpu.memory_space<semaphore_mem>>
      %dma_start3A_162 = arith.constant 0 : i32
      %dma_start3A_163 = arith.constant 0 : i32
      %dma_start3A_164 = tpu.memref_slice %arg13[%dma_start3A_162, %dma_start3A_163] : memref<40x144xf32, #tpu.memory_space<vmem>> -> memref<40x144xf32, #tpu.memory_space<vmem>>
      %dma_start3A_165 = arith.constant 0 : i32
      %dma_start3A_166 = tpu.memref_slice %arg17[%add3A_11, %dma_start3A_165] : memref<10000x144xf32, #tpu.memory_space<vmem_shared>> -> memref<40x144xf32, #tpu.memory_space<vmem_shared>>
      %dma_start3A_167 = arith.constant 0 : i32
      %dma_start3A_168 = tpu.memref_slice %arg17[%add3A_11, %dma_start3A_167] : memref<10000x144xf32, #tpu.memory_space<vmem_shared>> -> memref<40x144xf32, #tpu.memory_space<vmem_shared>>
      %dma_start3A_169 = arith.constant 0 : i32
      %dma_start3A_170 = arith.constant 0 : i32
      %dma_start3A_171 = tpu.memref_slice %arg13[%dma_start3A_169, %dma_start3A_170] : memref<40x144xf32, #tpu.memory_space<vmem>> -> memref<40x144xf32, #tpu.memory_space<vmem>>
      tpu.enqueue_dma source(%dma_start3A_171 : memref<40x144xf32, #tpu.memory_space<vmem>>) target(%dma_start3A_168 : memref<40x144xf32, #tpu.memory_space<vmem_shared>>) target_semaphore(%run_scoped3A : memref<!tpu.dma_semaphore, #tpu.memory_space<semaphore_mem>>)
      %dma_wait3A_172 = arith.constant 0 : i32
      %dma_wait3A_173 = arith.constant 0 : i32
      %dma_wait3A_174 = tpu.memref_slice %arg13[%dma_wait3A_172, %dma_wait3A_173] : memref<40x144xf32, #tpu.memory_space<vmem>> -> memref<40x144xf32, #tpu.memory_space<vmem>>
      %dma_wait3A_175 = arith.constant 0 : i32
      %dma_wait3A_176 = tpu.memref_slice %arg17[%add3A_11, %dma_wait3A_175] : memref<10000x144xf32, #tpu.memory_space<vmem_shared>> -> memref<40x144xf32, #tpu.memory_space<vmem_shared>>
      %dma_wait3A_177 = arith.constant 0 : i32
      %dma_wait3A_178 = tpu.memref_slice %arg17[%add3A_11, %dma_wait3A_177] : memref<10000x144xf32, #tpu.memory_space<vmem_shared>> -> memref<40x144xf32, #tpu.memory_space<vmem_shared>>
      %dma_wait3A_179 = arith.constant 0 : i32
      %dma_wait3A_180 = arith.constant 0 : i32
      %dma_wait3A_181 = tpu.memref_slice %arg13[%dma_wait3A_179, %dma_wait3A_180] : memref<40x144xf32, #tpu.memory_space<vmem>> -> memref<40x144xf32, #tpu.memory_space<vmem>>
      tpu.wait_dma2 semaphore(%run_scoped3A : memref<!tpu.dma_semaphore, #tpu.memory_space<semaphore_mem>>) src(%dma_wait3A_181 : memref<40x144xf32, #tpu.memory_space<vmem>>) dst(%dma_wait3A_178 : memref<40x144xf32, #tpu.memory_space<vmem_shared>>)
      tpu.yield
    }) : () -> ()
    %add3A_12 = arith.constant 80 : i32
    %add3A_13 = arith.addi %mul3A_7, %add3A_12 : i32
    "tpu.region"() ({
      %run_scoped3A = tpu.sem_alloc : memref<!tpu.dma_semaphore, #tpu.memory_space<semaphore_mem>>
      %dma_start3A_162 = arith.constant 0 : i32
      %dma_start3A_163 = arith.constant 0 : i32
      %dma_start3A_164 = tpu.memref_slice %arg13[%dma_start3A_162, %dma_start3A_163] : memref<40x144xf32, #tpu.memory_space<vmem>> -> memref<40x144xf32, #tpu.memory_space<vmem>>
      %dma_start3A_165 = arith.constant 0 : i32
      %dma_start3A_166 = tpu.memref_slice %arg17[%add3A_13, %dma_start3A_165] : memref<10000x144xf32, #tpu.memory_space<vmem_shared>> -> memref<40x144xf32, #tpu.memory_space<vmem_shared>>
      %dma_start3A_167 = arith.constant 0 : i32
      %dma_start3A_168 = tpu.memref_slice %arg17[%add3A_13, %dma_start3A_167] : memref<10000x144xf32, #tpu.memory_space<vmem_shared>> -> memref<40x144xf32, #tpu.memory_space<vmem_shared>>
      %dma_start3A_169 = arith.constant 0 : i32
      %dma_start3A_170 = arith.constant 0 : i32
      %dma_start3A_171 = tpu.memref_slice %arg13[%dma_start3A_169, %dma_start3A_170] : memref<40x144xf32, #tpu.memory_space<vmem>> -> memref<40x144xf32, #tpu.memory_space<vmem>>
      tpu.enqueue_dma source(%dma_start3A_171 : memref<40x144xf32, #tpu.memory_space<vmem>>) target(%dma_start3A_168 : memref<40x144xf32, #tpu.memory_space<vmem_shared>>) target_semaphore(%run_scoped3A : memref<!tpu.dma_semaphore, #tpu.memory_space<semaphore_mem>>)
      %dma_wait3A_172 = arith.constant 0 : i32
      %dma_wait3A_173 = arith.constant 0 : i32
      %dma_wait3A_174 = tpu.memref_slice %arg13[%dma_wait3A_172, %dma_wait3A_173] : memref<40x144xf32, #tpu.memory_space<vmem>> -> memref<40x144xf32, #tpu.memory_space<vmem>>
      %dma_wait3A_175 = arith.constant 0 : i32
      %dma_wait3A_176 = tpu.memref_slice %arg17[%add3A_13, %dma_wait3A_175] : memref<10000x144xf32, #tpu.memory_space<vmem_shared>> -> memref<40x144xf32, #tpu.memory_space<vmem_shared>>
      %dma_wait3A_177 = arith.constant 0 : i32
      %dma_wait3A_178 = tpu.memref_slice %arg17[%add3A_13, %dma_wait3A_177] : memref<10000x144xf32, #tpu.memory_space<vmem_shared>> -> memref<40x144xf32, #tpu.memory_space<vmem_shared>>
      %dma_wait3A_179 = arith.constant 0 : i32
      %dma_wait3A_180 = arith.constant 0 : i32
      %dma_wait3A_181 = tpu.memref_slice %arg13[%dma_wait3A_179, %dma_wait3A_180] : memref<40x144xf32, #tpu.memory_space<vmem>> -> memref<40x144xf32, #tpu.memory_space<vmem>>
      tpu.wait_dma2 semaphore(%run_scoped3A : memref<!tpu.dma_semaphore, #tpu.memory_space<semaphore_mem>>) src(%dma_wait3A_181 : memref<40x144xf32, #tpu.memory_space<vmem>>) dst(%dma_wait3A_178 : memref<40x144xf32, #tpu.memory_space<vmem_shared>>)
      tpu.yield
    }) : () -> ()
    %add3A_14 = arith.constant 120 : i32
    %add3A_15 = arith.addi %mul3A_7, %add3A_14 : i32
    "tpu.region"() ({
      %run_scoped3A = tpu.sem_alloc : memref<!tpu.dma_semaphore, #tpu.memory_space<semaphore_mem>>
      %dma_start3A_162 = arith.constant 0 : i32
      %dma_start3A_163 = arith.constant 0 : i32
      %dma_start3A_164 = tpu.memref_slice %arg13[%dma_start3A_162, %dma_start3A_163] : memref<40x144xf32, #tpu.memory_space<vmem>> -> memref<40x144xf32, #tpu.memory_space<vmem>>
      %dma_start3A_165 = arith.constant 0 : i32
      %dma_start3A_166 = tpu.memref_slice %arg17[%add3A_15, %dma_start3A_165] : memref<10000x144xf32, #tpu.memory_space<vmem_shared>> -> memref<40x144xf32, #tpu.memory_space<vmem_shared>>
      %dma_start3A_167 = arith.constant 0 : i32
      %dma_start3A_168 = tpu.memref_slice %arg17[%add3A_15, %dma_start3A_167] : memref<10000x144xf32, #tpu.memory_space<vmem_shared>> -> memref<40x144xf32, #tpu.memory_space<vmem_shared>>
      %dma_start3A_169 = arith.constant 0 : i32
      %dma_start3A_170 = arith.constant 0 : i32
      %dma_start3A_171 = tpu.memref_slice %arg13[%dma_start3A_169, %dma_start3A_170] : memref<40x144xf32, #tpu.memory_space<vmem>> -> memref<40x144xf32, #tpu.memory_space<vmem>>
      tpu.enqueue_dma source(%dma_start3A_171 : memref<40x144xf32, #tpu.memory_space<vmem>>) target(%dma_start3A_168 : memref<40x144xf32, #tpu.memory_space<vmem_shared>>) target_semaphore(%run_scoped3A : memref<!tpu.dma_semaphore, #tpu.memory_space<semaphore_mem>>)
      %dma_wait3A_172 = arith.constant 0 : i32
      %dma_wait3A_173 = arith.constant 0 : i32
      %dma_wait3A_174 = tpu.memref_slice %arg13[%dma_wait3A_172, %dma_wait3A_173] : memref<40x144xf32, #tpu.memory_space<vmem>> -> memref<40x144xf32, #tpu.memory_space<vmem>>
      %dma_wait3A_175 = arith.constant 0 : i32
      %dma_wait3A_176 = tpu.memref_slice %arg17[%add3A_15, %dma_wait3A_175] : memref<10000x144xf32, #tpu.memory_space<vmem_shared>> -> memref<40x144xf32, #tpu.memory_space<vmem_shared>>
      %dma_wait3A_177 = arith.constant 0 : i32
      %dma_wait3A_178 = tpu.memref_slice %arg17[%add3A_15, %dma_wait3A_177] : memref<10000x144xf32, #tpu.memory_space<vmem_shared>> -> memref<40x144xf32, #tpu.memory_space<vmem_shared>>
      %dma_wait3A_179 = arith.constant 0 : i32
      %dma_wait3A_180 = arith.constant 0 : i32
      %dma_wait3A_181 = tpu.memref_slice %arg13[%dma_wait3A_179, %dma_wait3A_180] : memref<40x144xf32, #tpu.memory_space<vmem>> -> memref<40x144xf32, #tpu.memory_space<vmem>>
      tpu.wait_dma2 semaphore(%run_scoped3A : memref<!tpu.dma_semaphore, #tpu.memory_space<semaphore_mem>>) src(%dma_wait3A_181 : memref<40x144xf32, #tpu.memory_space<vmem>>) dst(%dma_wait3A_178 : memref<40x144xf32, #tpu.memory_space<vmem_shared>>)
      tpu.yield
    }) : () -> ()
    %add3A_16 = arith.constant 160 : i32
    %add3A_17 = arith.addi %mul3A_7, %add3A_16 : i32
    "tpu.region"() ({
      %run_scoped3A = tpu.sem_alloc : memref<!tpu.dma_semaphore, #tpu.memory_space<semaphore_mem>>
      %dma_start3A_162 = arith.constant 0 : i32
      %dma_start3A_163 = arith.constant 0 : i32
      %dma_start3A_164 = tpu.memref_slice %arg13[%dma_start3A_162, %dma_start3A_163] : memref<40x144xf32, #tpu.memory_space<vmem>> -> memref<40x144xf32, #tpu.memory_space<vmem>>
      %dma_start3A_165 = arith.constant 0 : i32
      %dma_start3A_166 = tpu.memref_slice %arg17[%add3A_17, %dma_start3A_165] : memref<10000x144xf32, #tpu.memory_space<vmem_shared>> -> memref<40x144xf32, #tpu.memory_space<vmem_shared>>
      %dma_start3A_167 = arith.constant 0 : i32
      %dma_start3A_168 = tpu.memref_slice %arg17[%add3A_17, %dma_start3A_167] : memref<10000x144xf32, #tpu.memory_space<vmem_shared>> -> memref<40x144xf32, #tpu.memory_space<vmem_shared>>
      %dma_start3A_169 = arith.constant 0 : i32
      %dma_start3A_170 = arith.constant 0 : i32
      %dma_start3A_171 = tpu.memref_slice %arg13[%dma_start3A_169, %dma_start3A_170] : memref<40x144xf32, #tpu.memory_space<vmem>> -> memref<40x144xf32, #tpu.memory_space<vmem>>
      tpu.enqueue_dma source(%dma_start3A_171 : memref<40x144xf32, #tpu.memory_space<vmem>>) target(%dma_start3A_168 : memref<40x144xf32, #tpu.memory_space<vmem_shared>>) target_semaphore(%run_scoped3A : memref<!tpu.dma_semaphore, #tpu.memory_space<semaphore_mem>>)
      %dma_wait3A_172 = arith.constant 0 : i32
      %dma_wait3A_173 = arith.constant 0 : i32
      %dma_wait3A_174 = tpu.memref_slice %arg13[%dma_wait3A_172, %dma_wait3A_173] : memref<40x144xf32, #tpu.memory_space<vmem>> -> memref<40x144xf32, #tpu.memory_space<vmem>>
      %dma_wait3A_175 = arith.constant 0 : i32
      %dma_wait3A_176 = tpu.memref_slice %arg17[%add3A_17, %dma_wait3A_175] : memref<10000x144xf32, #tpu.memory_space<vmem_shared>> -> memref<40x144xf32, #tpu.memory_space<vmem_shared>>
      %dma_wait3A_177 = arith.constant 0 : i32
      %dma_wait3A_178 = tpu.memref_slice %arg17[%add3A_17, %dma_wait3A_177] : memref<10000x144xf32, #tpu.memory_space<vmem_shared>> -> memref<40x144xf32, #tpu.memory_space<vmem_shared>>
      %dma_wait3A_179 = arith.constant 0 : i32
      %dma_wait3A_180 = arith.constant 0 : i32
      %dma_wait3A_181 = tpu.memref_slice %arg13[%dma_wait3A_179, %dma_wait3A_180] : memref<40x144xf32, #tpu.memory_space<vmem>> -> memref<40x144xf32, #tpu.memory_space<vmem>>
      tpu.wait_dma2 semaphore(%run_scoped3A : memref<!tpu.dma_semaphore, #tpu.memory_space<semaphore_mem>>) src(%dma_wait3A_181 : memref<40x144xf32, #tpu.memory_space<vmem>>) dst(%dma_wait3A_178 : memref<40x144xf32, #tpu.memory_space<vmem_shared>>)
      tpu.yield
    }) : () -> ()
    %add3A_18 = arith.constant 200 : i32
    %add3A_19 = arith.addi %mul3A_7, %add3A_18 : i32
    "tpu.region"() ({
      %run_scoped3A = tpu.sem_alloc : memref<!tpu.dma_semaphore, #tpu.memory_space<semaphore_mem>>
      %dma_start3A_162 = arith.constant 0 : i32
      %dma_start3A_163 = arith.constant 0 : i32
      %dma_start3A_164 = tpu.memref_slice %arg13[%dma_start3A_162, %dma_start3A_163] : memref<40x144xf32, #tpu.memory_space<vmem>> -> memref<40x144xf32, #tpu.memory_space<vmem>>
      %dma_start3A_165 = arith.constant 0 : i32
      %dma_start3A_166 = tpu.memref_slice %arg17[%add3A_19, %dma_start3A_165] : memref<10000x144xf32, #tpu.memory_space<vmem_shared>> -> memref<40x144xf32, #tpu.memory_space<vmem_shared>>
      %dma_start3A_167 = arith.constant 0 : i32
      %dma_start3A_168 = tpu.memref_slice %arg17[%add3A_19, %dma_start3A_167] : memref<10000x144xf32, #tpu.memory_space<vmem_shared>> -> memref<40x144xf32, #tpu.memory_space<vmem_shared>>
      %dma_start3A_169 = arith.constant 0 : i32
      %dma_start3A_170 = arith.constant 0 : i32
      %dma_start3A_171 = tpu.memref_slice %arg13[%dma_start3A_169, %dma_start3A_170] : memref<40x144xf32, #tpu.memory_space<vmem>> -> memref<40x144xf32, #tpu.memory_space<vmem>>
      tpu.enqueue_dma source(%dma_start3A_171 : memref<40x144xf32, #tpu.memory_space<vmem>>) target(%dma_start3A_168 : memref<40x144xf32, #tpu.memory_space<vmem_shared>>) target_semaphore(%run_scoped3A : memref<!tpu.dma_semaphore, #tpu.memory_space<semaphore_mem>>)
      %dma_wait3A_172 = arith.constant 0 : i32
      %dma_wait3A_173 = arith.constant 0 : i32
      %dma_wait3A_174 = tpu.memref_slice %arg13[%dma_wait3A_172, %dma_wait3A_173] : memref<40x144xf32, #tpu.memory_space<vmem>> -> memref<40x144xf32, #tpu.memory_space<vmem>>
      %dma_wait3A_175 = arith.constant 0 : i32
      %dma_wait3A_176 = tpu.memref_slice %arg17[%add3A_19, %dma_wait3A_175] : memref<10000x144xf32, #tpu.memory_space<vmem_shared>> -> memref<40x144xf32, #tpu.memory_space<vmem_shared>>
      %dma_wait3A_177 = arith.constant 0 : i32
      %dma_wait3A_178 = tpu.memref_slice %arg17[%add3A_19, %dma_wait3A_177] : memref<10000x144xf32, #tpu.memory_space<vmem_shared>> -> memref<40x144xf32, #tpu.memory_space<vmem_shared>>
      %dma_wait3A_179 = arith.constant 0 : i32
      %dma_wait3A_180 = arith.constant 0 : i32
      %dma_wait3A_181 = tpu.memref_slice %arg13[%dma_wait3A_179, %dma_wait3A_180] : memref<40x144xf32, #tpu.memory_space<vmem>> -> memref<40x144xf32, #tpu.memory_space<vmem>>
      tpu.wait_dma2 semaphore(%run_scoped3A : memref<!tpu.dma_semaphore, #tpu.memory_space<semaphore_mem>>) src(%dma_wait3A_181 : memref<40x144xf32, #tpu.memory_space<vmem>>) dst(%dma_wait3A_178 : memref<40x144xf32, #tpu.memory_space<vmem_shared>>)
      tpu.yield
    }) : () -> ()
    %add3A_20 = arith.constant 240 : i32
    %add3A_21 = arith.addi %mul3A_7, %add3A_20 : i32
    "tpu.region"() ({
      %run_scoped3A = tpu.sem_alloc : memref<!tpu.dma_semaphore, #tpu.memory_space<semaphore_mem>>
      %dma_start3A_162 = arith.constant 0 : i32
      %dma_start3A_163 = arith.constant 0 : i32
      %dma_start3A_164 = tpu.memref_slice %arg13[%dma_start3A_162, %dma_start3A_163] : memref<40x144xf32, #tpu.memory_space<vmem>> -> memref<40x144xf32, #tpu.memory_space<vmem>>
      %dma_start3A_165 = arith.constant 0 : i32
      %dma_start3A_166 = tpu.memref_slice %arg17[%add3A_21, %dma_start3A_165] : memref<10000x144xf32, #tpu.memory_space<vmem_shared>> -> memref<40x144xf32, #tpu.memory_space<vmem_shared>>
      %dma_start3A_167 = arith.constant 0 : i32
      %dma_start3A_168 = tpu.memref_slice %arg17[%add3A_21, %dma_start3A_167] : memref<10000x144xf32, #tpu.memory_space<vmem_shared>> -> memref<40x144xf32, #tpu.memory_space<vmem_shared>>
      %dma_start3A_169 = arith.constant 0 : i32
      %dma_start3A_170 = arith.constant 0 : i32
      %dma_start3A_171 = tpu.memref_slice %arg13[%dma_start3A_169, %dma_start3A_170] : memref<40x144xf32, #tpu.memory_space<vmem>> -> memref<40x144xf32, #tpu.memory_space<vmem>>
      tpu.enqueue_dma source(%dma_start3A_171 : memref<40x144xf32, #tpu.memory_space<vmem>>) target(%dma_start3A_168 : memref<40x144xf32, #tpu.memory_space<vmem_shared>>) target_semaphore(%run_scoped3A : memref<!tpu.dma_semaphore, #tpu.memory_space<semaphore_mem>>)
      %dma_wait3A_172 = arith.constant 0 : i32
      %dma_wait3A_173 = arith.constant 0 : i32
      %dma_wait3A_174 = tpu.memref_slice %arg13[%dma_wait3A_172, %dma_wait3A_173] : memref<40x144xf32, #tpu.memory_space<vmem>> -> memref<40x144xf32, #tpu.memory_space<vmem>>
      %dma_wait3A_175 = arith.constant 0 : i32
      %dma_wait3A_176 = tpu.memref_slice %arg17[%add3A_21, %dma_wait3A_175] : memref<10000x144xf32, #tpu.memory_space<vmem_shared>> -> memref<40x144xf32, #tpu.memory_space<vmem_shared>>
      %dma_wait3A_177 = arith.constant 0 : i32
      %dma_wait3A_178 = tpu.memref_slice %arg17[%add3A_21, %dma_wait3A_177] : memref<10000x144xf32, #tpu.memory_space<vmem_shared>> -> memref<40x144xf32, #tpu.memory_space<vmem_shared>>
      %dma_wait3A_179 = arith.constant 0 : i32
      %dma_wait3A_180 = arith.constant 0 : i32
      %dma_wait3A_181 = tpu.memref_slice %arg13[%dma_wait3A_179, %dma_wait3A_180] : memref<40x144xf32, #tpu.memory_space<vmem>> -> memref<40x144xf32, #tpu.memory_space<vmem>>
      tpu.wait_dma2 semaphore(%run_scoped3A : memref<!tpu.dma_semaphore, #tpu.memory_space<semaphore_mem>>) src(%dma_wait3A_181 : memref<40x144xf32, #tpu.memory_space<vmem>>) dst(%dma_wait3A_178 : memref<40x144xf32, #tpu.memory_space<vmem_shared>>)
      tpu.yield
    }) : () -> ()
    %add3A_22 = arith.constant 280 : i32
    %add3A_23 = arith.addi %mul3A_7, %add3A_22 : i32
    "tpu.region"() ({
      %run_scoped3A = tpu.sem_alloc : memref<!tpu.dma_semaphore, #tpu.memory_space<semaphore_mem>>
      %dma_start3A_162 = arith.constant 0 : i32
      %dma_start3A_163 = arith.constant 0 : i32
      %dma_start3A_164 = tpu.memref_slice %arg13[%dma_start3A_162, %dma_start3A_163] : memref<40x144xf32, #tpu.memory_space<vmem>> -> memref<40x144xf32, #tpu.memory_space<vmem>>
      %dma_start3A_165 = arith.constant 0 : i32
      %dma_start3A_166 = tpu.memref_slice %arg17[%add3A_23, %dma_start3A_165] : memref<10000x144xf32, #tpu.memory_space<vmem_shared>> -> memref<40x144xf32, #tpu.memory_space<vmem_shared>>
      %dma_start3A_167 = arith.constant 0 : i32
      %dma_start3A_168 = tpu.memref_slice %arg17[%add3A_23, %dma_start3A_167] : memref<10000x144xf32, #tpu.memory_space<vmem_shared>> -> memref<40x144xf32, #tpu.memory_space<vmem_shared>>
      %dma_start3A_169 = arith.constant 0 : i32
      %dma_start3A_170 = arith.constant 0 : i32
      %dma_start3A_171 = tpu.memref_slice %arg13[%dma_start3A_169, %dma_start3A_170] : memref<40x144xf32, #tpu.memory_space<vmem>> -> memref<40x144xf32, #tpu.memory_space<vmem>>
      tpu.enqueue_dma source(%dma_start3A_171 : memref<40x144xf32, #tpu.memory_space<vmem>>) target(%dma_start3A_168 : memref<40x144xf32, #tpu.memory_space<vmem_shared>>) target_semaphore(%run_scoped3A : memref<!tpu.dma_semaphore, #tpu.memory_space<semaphore_mem>>)
      %dma_wait3A_172 = arith.constant 0 : i32
      %dma_wait3A_173 = arith.constant 0 : i32
      %dma_wait3A_174 = tpu.memref_slice %arg13[%dma_wait3A_172, %dma_wait3A_173] : memref<40x144xf32, #tpu.memory_space<vmem>> -> memref<40x144xf32, #tpu.memory_space<vmem>>
      %dma_wait3A_175 = arith.constant 0 : i32
      %dma_wait3A_176 = tpu.memref_slice %arg17[%add3A_23, %dma_wait3A_175] : memref<10000x144xf32, #tpu.memory_space<vmem_shared>> -> memref<40x144xf32, #tpu.memory_space<vmem_shared>>
      %dma_wait3A_177 = arith.constant 0 : i32
      %dma_wait3A_178 = tpu.memref_slice %arg17[%add3A_23, %dma_wait3A_177] : memref<10000x144xf32, #tpu.memory_space<vmem_shared>> -> memref<40x144xf32, #tpu.memory_space<vmem_shared>>
      %dma_wait3A_179 = arith.constant 0 : i32
      %dma_wait3A_180 = arith.constant 0 : i32
      %dma_wait3A_181 = tpu.memref_slice %arg13[%dma_wait3A_179, %dma_wait3A_180] : memref<40x144xf32, #tpu.memory_space<vmem>> -> memref<40x144xf32, #tpu.memory_space<vmem>>
      tpu.wait_dma2 semaphore(%run_scoped3A : memref<!tpu.dma_semaphore, #tpu.memory_space<semaphore_mem>>) src(%dma_wait3A_181 : memref<40x144xf32, #tpu.memory_space<vmem>>) dst(%dma_wait3A_178 : memref<40x144xf32, #tpu.memory_space<vmem_shared>>)
      tpu.yield
    }) : () -> ()
    %add3A_24 = arith.constant 320 : i32
    %add3A_25 = arith.addi %mul3A_7, %add3A_24 : i32
    "tpu.region"() ({
      %run_scoped3A = tpu.sem_alloc : memref<!tpu.dma_semaphore, #tpu.memory_space<semaphore_mem>>
      %dma_start3A_162 = arith.constant 0 : i32
      %dma_start3A_163 = arith.constant 0 : i32
      %dma_start3A_164 = tpu.memref_slice %arg13[%dma_start3A_162, %dma_start3A_163] : memref<40x144xf32, #tpu.memory_space<vmem>> -> memref<40x144xf32, #tpu.memory_space<vmem>>
      %dma_start3A_165 = arith.constant 0 : i32
      %dma_start3A_166 = tpu.memref_slice %arg17[%add3A_25, %dma_start3A_165] : memref<10000x144xf32, #tpu.memory_space<vmem_shared>> -> memref<40x144xf32, #tpu.memory_space<vmem_shared>>
      %dma_start3A_167 = arith.constant 0 : i32
      %dma_start3A_168 = tpu.memref_slice %arg17[%add3A_25, %dma_start3A_167] : memref<10000x144xf32, #tpu.memory_space<vmem_shared>> -> memref<40x144xf32, #tpu.memory_space<vmem_shared>>
      %dma_start3A_169 = arith.constant 0 : i32
      %dma_start3A_170 = arith.constant 0 : i32
      %dma_start3A_171 = tpu.memref_slice %arg13[%dma_start3A_169, %dma_start3A_170] : memref<40x144xf32, #tpu.memory_space<vmem>> -> memref<40x144xf32, #tpu.memory_space<vmem>>
      tpu.enqueue_dma source(%dma_start3A_171 : memref<40x144xf32, #tpu.memory_space<vmem>>) target(%dma_start3A_168 : memref<40x144xf32, #tpu.memory_space<vmem_shared>>) target_semaphore(%run_scoped3A : memref<!tpu.dma_semaphore, #tpu.memory_space<semaphore_mem>>)
      %dma_wait3A_172 = arith.constant 0 : i32
      %dma_wait3A_173 = arith.constant 0 : i32
      %dma_wait3A_174 = tpu.memref_slice %arg13[%dma_wait3A_172, %dma_wait3A_173] : memref<40x144xf32, #tpu.memory_space<vmem>> -> memref<40x144xf32, #tpu.memory_space<vmem>>
      %dma_wait3A_175 = arith.constant 0 : i32
      %dma_wait3A_176 = tpu.memref_slice %arg17[%add3A_25, %dma_wait3A_175] : memref<10000x144xf32, #tpu.memory_space<vmem_shared>> -> memref<40x144xf32, #tpu.memory_space<vmem_shared>>
      %dma_wait3A_177 = arith.constant 0 : i32
      %dma_wait3A_178 = tpu.memref_slice %arg17[%add3A_25, %dma_wait3A_177] : memref<10000x144xf32, #tpu.memory_space<vmem_shared>> -> memref<40x144xf32, #tpu.memory_space<vmem_shared>>
      %dma_wait3A_179 = arith.constant 0 : i32
      %dma_wait3A_180 = arith.constant 0 : i32
      %dma_wait3A_181 = tpu.memref_slice %arg13[%dma_wait3A_179, %dma_wait3A_180] : memref<40x144xf32, #tpu.memory_space<vmem>> -> memref<40x144xf32, #tpu.memory_space<vmem>>
      tpu.wait_dma2 semaphore(%run_scoped3A : memref<!tpu.dma_semaphore, #tpu.memory_space<semaphore_mem>>) src(%dma_wait3A_181 : memref<40x144xf32, #tpu.memory_space<vmem>>) dst(%dma_wait3A_178 : memref<40x144xf32, #tpu.memory_space<vmem_shared>>)
      tpu.yield
    }) : () -> ()
    %add3A_26 = arith.constant 360 : i32
    %add3A_27 = arith.addi %mul3A_7, %add3A_26 : i32
    "tpu.region"() ({
      %run_scoped3A = tpu.sem_alloc : memref<!tpu.dma_semaphore, #tpu.memory_space<semaphore_mem>>
      %dma_start3A_162 = arith.constant 0 : i32
      %dma_start3A_163 = arith.constant 0 : i32
      %dma_start3A_164 = tpu.memref_slice %arg13[%dma_start3A_162, %dma_start3A_163] : memref<40x144xf32, #tpu.memory_space<vmem>> -> memref<40x144xf32, #tpu.memory_space<vmem>>
      %dma_start3A_165 = arith.constant 0 : i32
      %dma_start3A_166 = tpu.memref_slice %arg17[%add3A_27, %dma_start3A_165] : memref<10000x144xf32, #tpu.memory_space<vmem_shared>> -> memref<40x144xf32, #tpu.memory_space<vmem_shared>>
      %dma_start3A_167 = arith.constant 0 : i32
      %dma_start3A_168 = tpu.memref_slice %arg17[%add3A_27, %dma_start3A_167] : memref<10000x144xf32, #tpu.memory_space<vmem_shared>> -> memref<40x144xf32, #tpu.memory_space<vmem_shared>>
      %dma_start3A_169 = arith.constant 0 : i32
      %dma_start3A_170 = arith.constant 0 : i32
      %dma_start3A_171 = tpu.memref_slice %arg13[%dma_start3A_169, %dma_start3A_170] : memref<40x144xf32, #tpu.memory_space<vmem>> -> memref<40x144xf32, #tpu.memory_space<vmem>>
      tpu.enqueue_dma source(%dma_start3A_171 : memref<40x144xf32, #tpu.memory_space<vmem>>) target(%dma_start3A_168 : memref<40x144xf32, #tpu.memory_space<vmem_shared>>) target_semaphore(%run_scoped3A : memref<!tpu.dma_semaphore, #tpu.memory_space<semaphore_mem>>)
      %dma_wait3A_172 = arith.constant 0 : i32
      %dma_wait3A_173 = arith.constant 0 : i32
      %dma_wait3A_174 = tpu.memref_slice %arg13[%dma_wait3A_172, %dma_wait3A_173] : memref<40x144xf32, #tpu.memory_space<vmem>> -> memref<40x144xf32, #tpu.memory_space<vmem>>
      %dma_wait3A_175 = arith.constant 0 : i32
      %dma_wait3A_176 = tpu.memref_slice %arg17[%add3A_27, %dma_wait3A_175] : memref<10000x144xf32, #tpu.memory_space<vmem_shared>> -> memref<40x144xf32, #tpu.memory_space<vmem_shared>>
      %dma_wait3A_177 = arith.constant 0 : i32
      %dma_wait3A_178 = tpu.memref_slice %arg17[%add3A_27, %dma_wait3A_177] : memref<10000x144xf32, #tpu.memory_space<vmem_shared>> -> memref<40x144xf32, #tpu.memory_space<vmem_shared>>
      %dma_wait3A_179 = arith.constant 0 : i32
      %dma_wait3A_180 = arith.constant 0 : i32
      %dma_wait3A_181 = tpu.memref_slice %arg13[%dma_wait3A_179, %dma_wait3A_180] : memref<40x144xf32, #tpu.memory_space<vmem>> -> memref<40x144xf32, #tpu.memory_space<vmem>>
      tpu.wait_dma2 semaphore(%run_scoped3A : memref<!tpu.dma_semaphore, #tpu.memory_space<semaphore_mem>>) src(%dma_wait3A_181 : memref<40x144xf32, #tpu.memory_space<vmem>>) dst(%dma_wait3A_178 : memref<40x144xf32, #tpu.memory_space<vmem_shared>>)
      tpu.yield
    }) : () -> ()
    %add3A_28 = arith.constant 400 : i32
    %add3A_29 = arith.addi %mul3A_7, %add3A_28 : i32
    "tpu.region"() ({
      %run_scoped3A = tpu.sem_alloc : memref<!tpu.dma_semaphore, #tpu.memory_space<semaphore_mem>>
      %dma_start3A_162 = arith.constant 0 : i32
      %dma_start3A_163 = arith.constant 0 : i32
      %dma_start3A_164 = tpu.memref_slice %arg13[%dma_start3A_162, %dma_start3A_163] : memref<40x144xf32, #tpu.memory_space<vmem>> -> memref<40x144xf32, #tpu.memory_space<vmem>>
      %dma_start3A_165 = arith.constant 0 : i32
      %dma_start3A_166 = tpu.memref_slice %arg17[%add3A_29, %dma_start3A_165] : memref<10000x144xf32, #tpu.memory_space<vmem_shared>> -> memref<40x144xf32, #tpu.memory_space<vmem_shared>>
      %dma_start3A_167 = arith.constant 0 : i32
      %dma_start3A_168 = tpu.memref_slice %arg17[%add3A_29, %dma_start3A_167] : memref<10000x144xf32, #tpu.memory_space<vmem_shared>> -> memref<40x144xf32, #tpu.memory_space<vmem_shared>>
      %dma_start3A_169 = arith.constant 0 : i32
      %dma_start3A_170 = arith.constant 0 : i32
      %dma_start3A_171 = tpu.memref_slice %arg13[%dma_start3A_169, %dma_start3A_170] : memref<40x144xf32, #tpu.memory_space<vmem>> -> memref<40x144xf32, #tpu.memory_space<vmem>>
      tpu.enqueue_dma source(%dma_start3A_171 : memref<40x144xf32, #tpu.memory_space<vmem>>) target(%dma_start3A_168 : memref<40x144xf32, #tpu.memory_space<vmem_shared>>) target_semaphore(%run_scoped3A : memref<!tpu.dma_semaphore, #tpu.memory_space<semaphore_mem>>)
      %dma_wait3A_172 = arith.constant 0 : i32
      %dma_wait3A_173 = arith.constant 0 : i32
      %dma_wait3A_174 = tpu.memref_slice %arg13[%dma_wait3A_172, %dma_wait3A_173] : memref<40x144xf32, #tpu.memory_space<vmem>> -> memref<40x144xf32, #tpu.memory_space<vmem>>
      %dma_wait3A_175 = arith.constant 0 : i32
      %dma_wait3A_176 = tpu.memref_slice %arg17[%add3A_29, %dma_wait3A_175] : memref<10000x144xf32, #tpu.memory_space<vmem_shared>> -> memref<40x144xf32, #tpu.memory_space<vmem_shared>>
      %dma_wait3A_177 = arith.constant 0 : i32
      %dma_wait3A_178 = tpu.memref_slice %arg17[%add3A_29, %dma_wait3A_177] : memref<10000x144xf32, #tpu.memory_space<vmem_shared>> -> memref<40x144xf32, #tpu.memory_space<vmem_shared>>
      %dma_wait3A_179 = arith.constant 0 : i32
      %dma_wait3A_180 = arith.constant 0 : i32
      %dma_wait3A_181 = tpu.memref_slice %arg13[%dma_wait3A_179, %dma_wait3A_180] : memref<40x144xf32, #tpu.memory_space<vmem>> -> memref<40x144xf32, #tpu.memory_space<vmem>>
      tpu.wait_dma2 semaphore(%run_scoped3A : memref<!tpu.dma_semaphore, #tpu.memory_space<semaphore_mem>>) src(%dma_wait3A_181 : memref<40x144xf32, #tpu.memory_space<vmem>>) dst(%dma_wait3A_178 : memref<40x144xf32, #tpu.memory_space<vmem_shared>>)
      tpu.yield
    }) : () -> ()
    %add3A_30 = arith.constant 440 : i32
    %add3A_31 = arith.addi %mul3A_7, %add3A_30 : i32
    "tpu.region"() ({
      %run_scoped3A = tpu.sem_alloc : memref<!tpu.dma_semaphore, #tpu.memory_space<semaphore_mem>>
      %dma_start3A_162 = arith.constant 0 : i32
      %dma_start3A_163 = arith.constant 0 : i32
      %dma_start3A_164 = tpu.memref_slice %arg13[%dma_start3A_162, %dma_start3A_163] : memref<40x144xf32, #tpu.memory_space<vmem>> -> memref<40x144xf32, #tpu.memory_space<vmem>>
      %dma_start3A_165 = arith.constant 0 : i32
      %dma_start3A_166 = tpu.memref_slice %arg17[%add3A_31, %dma_start3A_165] : memref<10000x144xf32, #tpu.memory_space<vmem_shared>> -> memref<40x144xf32, #tpu.memory_space<vmem_shared>>
      %dma_start3A_167 = arith.constant 0 : i32
      %dma_start3A_168 = tpu.memref_slice %arg17[%add3A_31, %dma_start3A_167] : memref<10000x144xf32, #tpu.memory_space<vmem_shared>> -> memref<40x144xf32, #tpu.memory_space<vmem_shared>>
      %dma_start3A_169 = arith.constant 0 : i32
      %dma_start3A_170 = arith.constant 0 : i32
      %dma_start3A_171 = tpu.memref_slice %arg13[%dma_start3A_169, %dma_start3A_170] : memref<40x144xf32, #tpu.memory_space<vmem>> -> memref<40x144xf32, #tpu.memory_space<vmem>>
      tpu.enqueue_dma source(%dma_start3A_171 : memref<40x144xf32, #tpu.memory_space<vmem>>) target(%dma_start3A_168 : memref<40x144xf32, #tpu.memory_space<vmem_shared>>) target_semaphore(%run_scoped3A : memref<!tpu.dma_semaphore, #tpu.memory_space<semaphore_mem>>)
      %dma_wait3A_172 = arith.constant 0 : i32
      %dma_wait3A_173 = arith.constant 0 : i32
      %dma_wait3A_174 = tpu.memref_slice %arg13[%dma_wait3A_172, %dma_wait3A_173] : memref<40x144xf32, #tpu.memory_space<vmem>> -> memref<40x144xf32, #tpu.memory_space<vmem>>
      %dma_wait3A_175 = arith.constant 0 : i32
      %dma_wait3A_176 = tpu.memref_slice %arg17[%add3A_31, %dma_wait3A_175] : memref<10000x144xf32, #tpu.memory_space<vmem_shared>> -> memref<40x144xf32, #tpu.memory_space<vmem_shared>>
      %dma_wait3A_177 = arith.constant 0 : i32
      %dma_wait3A_178 = tpu.memref_slice %arg17[%add3A_31, %dma_wait3A_177] : memref<10000x144xf32, #tpu.memory_space<vmem_shared>> -> memref<40x144xf32, #tpu.memory_space<vmem_shared>>
      %dma_wait3A_179 = arith.constant 0 : i32
      %dma_wait3A_180 = arith.constant 0 : i32
      %dma_wait3A_181 = tpu.memref_slice %arg13[%dma_wait3A_179, %dma_wait3A_180] : memref<40x144xf32, #tpu.memory_space<vmem>> -> memref<40x144xf32, #tpu.memory_space<vmem>>
      tpu.wait_dma2 semaphore(%run_scoped3A : memref<!tpu.dma_semaphore, #tpu.memory_space<semaphore_mem>>) src(%dma_wait3A_181 : memref<40x144xf32, #tpu.memory_space<vmem>>) dst(%dma_wait3A_178 : memref<40x144xf32, #tpu.memory_space<vmem_shared>>)
      tpu.yield
    }) : () -> ()
    %add3A_32 = arith.constant 480 : i32
    %add3A_33 = arith.addi %mul3A_7, %add3A_32 : i32
    "tpu.region"() ({
      %run_scoped3A = tpu.sem_alloc : memref<!tpu.dma_semaphore, #tpu.memory_space<semaphore_mem>>
      %dma_start3A_162 = arith.constant 0 : i32
      %dma_start3A_163 = arith.constant 0 : i32
      %dma_start3A_164 = tpu.memref_slice %arg13[%dma_start3A_162, %dma_start3A_163] : memref<40x144xf32, #tpu.memory_space<vmem>> -> memref<40x144xf32, #tpu.memory_space<vmem>>
      %dma_start3A_165 = arith.constant 0 : i32
      %dma_start3A_166 = tpu.memref_slice %arg17[%add3A_33, %dma_start3A_165] : memref<10000x144xf32, #tpu.memory_space<vmem_shared>> -> memref<40x144xf32, #tpu.memory_space<vmem_shared>>
      %dma_start3A_167 = arith.constant 0 : i32
      %dma_start3A_168 = tpu.memref_slice %arg17[%add3A_33, %dma_start3A_167] : memref<10000x144xf32, #tpu.memory_space<vmem_shared>> -> memref<40x144xf32, #tpu.memory_space<vmem_shared>>
      %dma_start3A_169 = arith.constant 0 : i32
      %dma_start3A_170 = arith.constant 0 : i32
      %dma_start3A_171 = tpu.memref_slice %arg13[%dma_start3A_169, %dma_start3A_170] : memref<40x144xf32, #tpu.memory_space<vmem>> -> memref<40x144xf32, #tpu.memory_space<vmem>>
      tpu.enqueue_dma source(%dma_start3A_171 : memref<40x144xf32, #tpu.memory_space<vmem>>) target(%dma_start3A_168 : memref<40x144xf32, #tpu.memory_space<vmem_shared>>) target_semaphore(%run_scoped3A : memref<!tpu.dma_semaphore, #tpu.memory_space<semaphore_mem>>)
      %dma_wait3A_172 = arith.constant 0 : i32
      %dma_wait3A_173 = arith.constant 0 : i32
      %dma_wait3A_174 = tpu.memref_slice %arg13[%dma_wait3A_172, %dma_wait3A_173] : memref<40x144xf32, #tpu.memory_space<vmem>> -> memref<40x144xf32, #tpu.memory_space<vmem>>
      %dma_wait3A_175 = arith.constant 0 : i32
      %dma_wait3A_176 = tpu.memref_slice %arg17[%add3A_33, %dma_wait3A_175] : memref<10000x144xf32, #tpu.memory_space<vmem_shared>> -> memref<40x144xf32, #tpu.memory_space<vmem_shared>>
      %dma_wait3A_177 = arith.constant 0 : i32
      %dma_wait3A_178 = tpu.memref_slice %arg17[%add3A_33, %dma_wait3A_177] : memref<10000x144xf32, #tpu.memory_space<vmem_shared>> -> memref<40x144xf32, #tpu.memory_space<vmem_shared>>
      %dma_wait3A_179 = arith.constant 0 : i32
      %dma_wait3A_180 = arith.constant 0 : i32
      %dma_wait3A_181 = tpu.memref_slice %arg13[%dma_wait3A_179, %dma_wait3A_180] : memref<40x144xf32, #tpu.memory_space<vmem>> -> memref<40x144xf32, #tpu.memory_space<vmem>>
      tpu.wait_dma2 semaphore(%run_scoped3A : memref<!tpu.dma_semaphore, #tpu.memory_space<semaphore_mem>>) src(%dma_wait3A_181 : memref<40x144xf32, #tpu.memory_space<vmem>>) dst(%dma_wait3A_178 : memref<40x144xf32, #tpu.memory_space<vmem_shared>>)
      tpu.yield
    }) : () -> ()
    %add3A_34 = arith.constant 520 : i32
    %add3A_35 = arith.addi %mul3A_7, %add3A_34 : i32
    "tpu.region"() ({
      %run_scoped3A = tpu.sem_alloc : memref<!tpu.dma_semaphore, #tpu.memory_space<semaphore_mem>>
      %dma_start3A_162 = arith.constant 0 : i32
      %dma_start3A_163 = arith.constant 0 : i32
      %dma_start3A_164 = tpu.memref_slice %arg13[%dma_start3A_162, %dma_start3A_163] : memref<40x144xf32, #tpu.memory_space<vmem>> -> memref<40x144xf32, #tpu.memory_space<vmem>>
      %dma_start3A_165 = arith.constant 0 : i32
      %dma_start3A_166 = tpu.memref_slice %arg17[%add3A_35, %dma_start3A_165] : memref<10000x144xf32, #tpu.memory_space<vmem_shared>> -> memref<40x144xf32, #tpu.memory_space<vmem_shared>>
      %dma_start3A_167 = arith.constant 0 : i32
      %dma_start3A_168 = tpu.memref_slice %arg17[%add3A_35, %dma_start3A_167] : memref<10000x144xf32, #tpu.memory_space<vmem_shared>> -> memref<40x144xf32, #tpu.memory_space<vmem_shared>>
      %dma_start3A_169 = arith.constant 0 : i32
      %dma_start3A_170 = arith.constant 0 : i32
      %dma_start3A_171 = tpu.memref_slice %arg13[%dma_start3A_169, %dma_start3A_170] : memref<40x144xf32, #tpu.memory_space<vmem>> -> memref<40x144xf32, #tpu.memory_space<vmem>>
      tpu.enqueue_dma source(%dma_start3A_171 : memref<40x144xf32, #tpu.memory_space<vmem>>) target(%dma_start3A_168 : memref<40x144xf32, #tpu.memory_space<vmem_shared>>) target_semaphore(%run_scoped3A : memref<!tpu.dma_semaphore, #tpu.memory_space<semaphore_mem>>)
      %dma_wait3A_172 = arith.constant 0 : i32
      %dma_wait3A_173 = arith.constant 0 : i32
      %dma_wait3A_174 = tpu.memref_slice %arg13[%dma_wait3A_172, %dma_wait3A_173] : memref<40x144xf32, #tpu.memory_space<vmem>> -> memref<40x144xf32, #tpu.memory_space<vmem>>
      %dma_wait3A_175 = arith.constant 0 : i32
      %dma_wait3A_176 = tpu.memref_slice %arg17[%add3A_35, %dma_wait3A_175] : memref<10000x144xf32, #tpu.memory_space<vmem_shared>> -> memref<40x144xf32, #tpu.memory_space<vmem_shared>>
      %dma_wait3A_177 = arith.constant 0 : i32
      %dma_wait3A_178 = tpu.memref_slice %arg17[%add3A_35, %dma_wait3A_177] : memref<10000x144xf32, #tpu.memory_space<vmem_shared>> -> memref<40x144xf32, #tpu.memory_space<vmem_shared>>
      %dma_wait3A_179 = arith.constant 0 : i32
      %dma_wait3A_180 = arith.constant 0 : i32
      %dma_wait3A_181 = tpu.memref_slice %arg13[%dma_wait3A_179, %dma_wait3A_180] : memref<40x144xf32, #tpu.memory_space<vmem>> -> memref<40x144xf32, #tpu.memory_space<vmem>>
      tpu.wait_dma2 semaphore(%run_scoped3A : memref<!tpu.dma_semaphore, #tpu.memory_space<semaphore_mem>>) src(%dma_wait3A_181 : memref<40x144xf32, #tpu.memory_space<vmem>>) dst(%dma_wait3A_178 : memref<40x144xf32, #tpu.memory_space<vmem_shared>>)
      tpu.yield
    }) : () -> ()
    %add3A_36 = arith.constant 560 : i32
    %add3A_37 = arith.addi %mul3A_7, %add3A_36 : i32
    "tpu.region"() ({
      %run_scoped3A = tpu.sem_alloc : memref<!tpu.dma_semaphore, #tpu.memory_space<semaphore_mem>>
      %dma_start3A_162 = arith.constant 0 : i32
      %dma_start3A_163 = arith.constant 0 : i32
      %dma_start3A_164 = tpu.memref_slice %arg13[%dma_start3A_162, %dma_start3A_163] : memref<40x144xf32, #tpu.memory_space<vmem>> -> memref<40x144xf32, #tpu.memory_space<vmem>>
      %dma_start3A_165 = arith.constant 0 : i32
      %dma_start3A_166 = tpu.memref_slice %arg17[%add3A_37, %dma_start3A_165] : memref<10000x144xf32, #tpu.memory_space<vmem_shared>> -> memref<40x144xf32, #tpu.memory_space<vmem_shared>>
      %dma_start3A_167 = arith.constant 0 : i32
      %dma_start3A_168 = tpu.memref_slice %arg17[%add3A_37, %dma_start3A_167] : memref<10000x144xf32, #tpu.memory_space<vmem_shared>> -> memref<40x144xf32, #tpu.memory_space<vmem_shared>>
      %dma_start3A_169 = arith.constant 0 : i32
      %dma_start3A_170 = arith.constant 0 : i32
      %dma_start3A_171 = tpu.memref_slice %arg13[%dma_start3A_169, %dma_start3A_170] : memref<40x144xf32, #tpu.memory_space<vmem>> -> memref<40x144xf32, #tpu.memory_space<vmem>>
      tpu.enqueue_dma source(%dma_start3A_171 : memref<40x144xf32, #tpu.memory_space<vmem>>) target(%dma_start3A_168 : memref<40x144xf32, #tpu.memory_space<vmem_shared>>) target_semaphore(%run_scoped3A : memref<!tpu.dma_semaphore, #tpu.memory_space<semaphore_mem>>)
      %dma_wait3A_172 = arith.constant 0 : i32
      %dma_wait3A_173 = arith.constant 0 : i32
      %dma_wait3A_174 = tpu.memref_slice %arg13[%dma_wait3A_172, %dma_wait3A_173] : memref<40x144xf32, #tpu.memory_space<vmem>> -> memref<40x144xf32, #tpu.memory_space<vmem>>
      %dma_wait3A_175 = arith.constant 0 : i32
      %dma_wait3A_176 = tpu.memref_slice %arg17[%add3A_37, %dma_wait3A_175] : memref<10000x144xf32, #tpu.memory_space<vmem_shared>> -> memref<40x144xf32, #tpu.memory_space<vmem_shared>>
      %dma_wait3A_177 = arith.constant 0 : i32
      %dma_wait3A_178 = tpu.memref_slice %arg17[%add3A_37, %dma_wait3A_177] : memref<10000x144xf32, #tpu.memory_space<vmem_shared>> -> memref<40x144xf32, #tpu.memory_space<vmem_shared>>
      %dma_wait3A_179 = arith.constant 0 : i32
      %dma_wait3A_180 = arith.constant 0 : i32
      %dma_wait3A_181 = tpu.memref_slice %arg13[%dma_wait3A_179, %dma_wait3A_180] : memref<40x144xf32, #tpu.memory_space<vmem>> -> memref<40x144xf32, #tpu.memory_space<vmem>>
      tpu.wait_dma2 semaphore(%run_scoped3A : memref<!tpu.dma_semaphore, #tpu.memory_space<semaphore_mem>>) src(%dma_wait3A_181 : memref<40x144xf32, #tpu.memory_space<vmem>>) dst(%dma_wait3A_178 : memref<40x144xf32, #tpu.memory_space<vmem_shared>>)
      tpu.yield
    }) : () -> ()
    %add3A_38 = arith.constant 600 : i32
    %add3A_39 = arith.addi %mul3A_7, %add3A_38 : i32
    "tpu.region"() ({
      %run_scoped3A = tpu.sem_alloc : memref<!tpu.dma_semaphore, #tpu.memory_space<semaphore_mem>>
      %dma_start3A_162 = arith.constant 0 : i32
      %dma_start3A_163 = arith.constant 0 : i32
      %dma_start3A_164 = tpu.memref_slice %arg13[%dma_start3A_162, %dma_start3A_163] : memref<40x144xf32, #tpu.memory_space<vmem>> -> memref<24x144xf32, #tpu.memory_space<vmem>>
      %dma_start3A_165 = arith.constant 0 : i32
      %dma_start3A_166 = tpu.memref_slice %arg17[%add3A_39, %dma_start3A_165] : memref<10000x144xf32, #tpu.memory_space<vmem_shared>> -> memref<24x144xf32, #tpu.memory_space<vmem_shared>>
      %dma_start3A_167 = arith.constant 0 : i32
      %dma_start3A_168 = tpu.memref_slice %arg17[%add3A_39, %dma_start3A_167] : memref<10000x144xf32, #tpu.memory_space<vmem_shared>> -> memref<24x144xf32, #tpu.memory_space<vmem_shared>>
      %dma_start3A_169 = arith.constant 0 : i32
      %dma_start3A_170 = arith.constant 0 : i32
      %dma_start3A_171 = tpu.memref_slice %arg13[%dma_start3A_169, %dma_start3A_170] : memref<40x144xf32, #tpu.memory_space<vmem>> -> memref<24x144xf32, #tpu.memory_space<vmem>>
      tpu.enqueue_dma source(%dma_start3A_171 : memref<24x144xf32, #tpu.memory_space<vmem>>) target(%dma_start3A_168 : memref<24x144xf32, #tpu.memory_space<vmem_shared>>) target_semaphore(%run_scoped3A : memref<!tpu.dma_semaphore, #tpu.memory_space<semaphore_mem>>)
      %dma_wait3A_172 = arith.constant 0 : i32
      %dma_wait3A_173 = arith.constant 0 : i32
      %dma_wait3A_174 = tpu.memref_slice %arg13[%dma_wait3A_172, %dma_wait3A_173] : memref<40x144xf32, #tpu.memory_space<vmem>> -> memref<24x144xf32, #tpu.memory_space<vmem>>
      %dma_wait3A_175 = arith.constant 0 : i32
      %dma_wait3A_176 = tpu.memref_slice %arg17[%add3A_39, %dma_wait3A_175] : memref<10000x144xf32, #tpu.memory_space<vmem_shared>> -> memref<24x144xf32, #tpu.memory_space<vmem_shared>>
      %dma_wait3A_177 = arith.constant 0 : i32
      %dma_wait3A_178 = tpu.memref_slice %arg17[%add3A_39, %dma_wait3A_177] : memref<10000x144xf32, #tpu.memory_space<vmem_shared>> -> memref<24x144xf32, #tpu.memory_space<vmem_shared>>
      %dma_wait3A_179 = arith.constant 0 : i32
      %dma_wait3A_180 = arith.constant 0 : i32
      %dma_wait3A_181 = tpu.memref_slice %arg13[%dma_wait3A_179, %dma_wait3A_180] : memref<40x144xf32, #tpu.memory_space<vmem>> -> memref<24x144xf32, #tpu.memory_space<vmem>>
      tpu.wait_dma2 semaphore(%run_scoped3A : memref<!tpu.dma_semaphore, #tpu.memory_space<semaphore_mem>>) src(%dma_wait3A_181 : memref<24x144xf32, #tpu.memory_space<vmem>>) dst(%dma_wait3A_178 : memref<24x144xf32, #tpu.memory_space<vmem_shared>>)
      tpu.yield
    }) : () -> ()
    %eq3A = arith.constant 15 : i32
    %eq3A_40 = arith.cmpi eq, %arg1, %eq3A : i32
    %convert_element_type3A = arith.extui %eq3A_40 : i1 to i32
    %cond3A = arith.constant 0 : i32
    %cond3A_41 = arith.cmpi ne, %convert_element_type3A, %cond3A : i32
    scf.if %cond3A_41 {
      "tpu.region"() ({
        %run_scoped3A = tpu.sem_alloc : memref<!tpu.dma_semaphore, #tpu.memory_space<semaphore_mem>>
        %dma_start3A_162 = arith.constant 0 : i32
        %dma_start3A_163 = arith.constant 0 : i32
        %dma_start3A_164 = tpu.memref_slice %arg13[%dma_start3A_162, %dma_start3A_163] : memref<40x144xf32, #tpu.memory_space<vmem>> -> memref<16x144xf32, #tpu.memory_space<vmem>>
        %dma_start3A_165 = arith.constant 9984 : i32
        %dma_start3A_166 = arith.constant 0 : i32
        %dma_start3A_167 = tpu.memref_slice %arg17[%dma_start3A_165, %dma_start3A_166] : memref<10000x144xf32, #tpu.memory_space<vmem_shared>> -> memref<16x144xf32, #tpu.memory_space<vmem_shared>>
        %dma_start3A_168 = arith.constant 9984 : i32
        %dma_start3A_169 = arith.constant 0 : i32
        %dma_start3A_170 = tpu.memref_slice %arg17[%dma_start3A_168, %dma_start3A_169] : memref<10000x144xf32, #tpu.memory_space<vmem_shared>> -> memref<16x144xf32, #tpu.memory_space<vmem_shared>>
        %dma_start3A_171 = arith.constant 0 : i32
        %dma_start3A_172 = arith.constant 0 : i32
        %dma_start3A_173 = tpu.memref_slice %arg13[%dma_start3A_171, %dma_start3A_172] : memref<40x144xf32, #tpu.memory_space<vmem>> -> memref<16x144xf32, #tpu.memory_space<vmem>>
        tpu.enqueue_dma source(%dma_start3A_173 : memref<16x144xf32, #tpu.memory_space<vmem>>) target(%dma_start3A_170 : memref<16x144xf32, #tpu.memory_space<vmem_shared>>) target_semaphore(%run_scoped3A : memref<!tpu.dma_semaphore, #tpu.memory_space<semaphore_mem>>)
        %dma_wait3A_174 = arith.constant 0 : i32
        %dma_wait3A_175 = arith.constant 0 : i32
        %dma_wait3A_176 = tpu.memref_slice %arg13[%dma_wait3A_174, %dma_wait3A_175] : memref<40x144xf32, #tpu.memory_space<vmem>> -> memref<16x144xf32, #tpu.memory_space<vmem>>
        %dma_wait3A_177 = arith.constant 9984 : i32
        %dma_wait3A_178 = arith.constant 0 : i32
        %dma_wait3A_179 = tpu.memref_slice %arg17[%dma_wait3A_177, %dma_wait3A_178] : memref<10000x144xf32, #tpu.memory_space<vmem_shared>> -> memref<16x144xf32, #tpu.memory_space<vmem_shared>>
        %dma_wait3A_180 = arith.constant 9984 : i32
        %dma_wait3A_181 = arith.constant 0 : i32
        %dma_wait3A_182 = tpu.memref_slice %arg17[%dma_wait3A_180, %dma_wait3A_181] : memref<10000x144xf32, #tpu.memory_space<vmem_shared>> -> memref<16x144xf32, #tpu.memory_space<vmem_shared>>
        %dma_wait3A_183 = arith.constant 0 : i32
        %dma_wait3A_184 = arith.constant 0 : i32
        %dma_wait3A_185 = tpu.memref_slice %arg13[%dma_wait3A_183, %dma_wait3A_184] : memref<40x144xf32, #tpu.memory_space<vmem>> -> memref<16x144xf32, #tpu.memory_space<vmem>>
        tpu.wait_dma2 semaphore(%run_scoped3A : memref<!tpu.dma_semaphore, #tpu.memory_space<semaphore_mem>>) src(%dma_wait3A_185 : memref<16x144xf32, #tpu.memory_space<vmem>>) dst(%dma_wait3A_182 : memref<16x144xf32, #tpu.memory_space<vmem_shared>>)
        tpu.yield
      }) : () -> ()
    } else {
    }
    %mul3A_42 = arith.constant 250 : i32
    %mul3A_43 = arith.muli %add3A, %mul3A_42 : i32
    "tpu.region"() ({
      %run_scoped3A = tpu.sem_alloc : memref<!tpu.dma_semaphore, #tpu.memory_space<semaphore_mem>>
      %dma_start3A_162 = arith.constant 0 : i32
      %dma_start3A_163 = tpu.memref_slice %arg2[%mul3A_43, %dma_start3A_162] : memref<8000x40xi32, #tpu.memory_space<hbm>> -> memref<250x40xi32, #tpu.memory_space<hbm>>
      %dma_start3A_164 = arith.constant 0 : i32
      %dma_start3A_165 = tpu.memref_slice %arg2[%mul3A_43, %dma_start3A_164] : memref<8000x40xi32, #tpu.memory_space<hbm>> -> memref<250x40xi32, #tpu.memory_space<hbm>>
      tpu.enqueue_dma source(%dma_start3A_165 : memref<250x40xi32, #tpu.memory_space<hbm>>) target(%arg7 : memref<250x40xi32, #tpu.memory_space<vmem>>) target_semaphore(%run_scoped3A : memref<!tpu.dma_semaphore, #tpu.memory_space<semaphore_mem>>)
      %dma_wait3A_166 = arith.constant 0 : i32
      %dma_wait3A_167 = tpu.memref_slice %arg2[%mul3A_43, %dma_wait3A_166] : memref<8000x40xi32, #tpu.memory_space<hbm>> -> memref<250x40xi32, #tpu.memory_space<hbm>>
      %dma_wait3A_168 = arith.constant 0 : i32
      %dma_wait3A_169 = tpu.memref_slice %arg2[%mul3A_43, %dma_wait3A_168] : memref<8000x40xi32, #tpu.memory_space<hbm>> -> memref<250x40xi32, #tpu.memory_space<hbm>>
      tpu.wait_dma2 semaphore(%run_scoped3A : memref<!tpu.dma_semaphore, #tpu.memory_space<semaphore_mem>>) src(%dma_wait3A_169 : memref<250x40xi32, #tpu.memory_space<hbm>>) dst(%arg7 : memref<250x40xi32, #tpu.memory_space<vmem>>)
      tpu.yield
    }) : () -> ()
    %mul3A_44 = arith.constant 250 : i32
    %mul3A_45 = arith.muli %add3A, %mul3A_44 : i32
    "tpu.region"() ({
      %run_scoped3A = tpu.sem_alloc : memref<!tpu.dma_semaphore, #tpu.memory_space<semaphore_mem>>
      %dma_start3A_162 = arith.constant 0 : i32
      %dma_start3A_163 = tpu.memref_slice %arg3[%mul3A_45, %dma_start3A_162] : memref<8000x40xi32, #tpu.memory_space<hbm>> -> memref<250x40xi32, #tpu.memory_space<hbm>>
      %dma_start3A_164 = arith.constant 0 : i32
      %dma_start3A_165 = tpu.memref_slice %arg3[%mul3A_45, %dma_start3A_164] : memref<8000x40xi32, #tpu.memory_space<hbm>> -> memref<250x40xi32, #tpu.memory_space<hbm>>
      tpu.enqueue_dma source(%dma_start3A_165 : memref<250x40xi32, #tpu.memory_space<hbm>>) target(%arg8 : memref<250x40xi32, #tpu.memory_space<vmem>>) target_semaphore(%run_scoped3A : memref<!tpu.dma_semaphore, #tpu.memory_space<semaphore_mem>>)
      %dma_wait3A_166 = arith.constant 0 : i32
      %dma_wait3A_167 = tpu.memref_slice %arg3[%mul3A_45, %dma_wait3A_166] : memref<8000x40xi32, #tpu.memory_space<hbm>> -> memref<250x40xi32, #tpu.memory_space<hbm>>
      %dma_wait3A_168 = arith.constant 0 : i32
      %dma_wait3A_169 = tpu.memref_slice %arg3[%mul3A_45, %dma_wait3A_168] : memref<8000x40xi32, #tpu.memory_space<hbm>> -> memref<250x40xi32, #tpu.memory_space<hbm>>
      tpu.wait_dma2 semaphore(%run_scoped3A : memref<!tpu.dma_semaphore, #tpu.memory_space<semaphore_mem>>) src(%dma_wait3A_169 : memref<250x40xi32, #tpu.memory_space<hbm>>) dst(%arg8 : memref<250x40xi32, #tpu.memory_space<vmem>>)
      tpu.yield
    }) : () -> ()
    %barrier3A = arith.constant 0 : index
    tpu.barrier barrier_id(%barrier3A)
    %dma_start3A = arith.constant 0 : i32
    %dma_start3A_46 = arith.constant 0 : i32
    %dma_start3A_47 = tpu.memref_slice %arg8[%dma_start3A, %dma_start3A_46] : memref<250x40xi32, #tpu.memory_space<vmem>> -> memref<1x40xi32, #tpu.memory_space<vmem>>
    %dma_start3A_48 = tpu.memref_squeeze %dma_start3A_47 : memref<1x40xi32, #tpu.memory_space<vmem>> -> memref<40xi32, #tpu.memory_space<vmem>>
    %dma_start3A_49 = arith.constant 0 : i32
    %dma_start3A_50 = arith.constant 0 : i32
    %dma_start3A_51 = tpu.memref_slice %arg17[%dma_start3A_49, %dma_start3A_50] : memref<10000x144xf32, #tpu.memory_space<vmem_shared>> -> memref<10000x144xf32, #tpu.memory_space<vmem_shared>>
    tpu.enqueue_indirect_dma source(%arg13 : memref<40x144xf32, #tpu.memory_space<vmem>>) target(%dma_start3A_51 : memref<10000x144xf32, #tpu.memory_space<vmem_shared>>) offsets(%dma_start3A_48 : memref<40xi32, #tpu.memory_space<vmem>>) semaphore(%arg16 : memref<!tpu.dma_semaphore, #tpu.memory_space<semaphore_mem>>) {add = true}
    %dma_start3A_52 = arith.constant 0 : i32
    %dma_start3A_53 = arith.constant 0 : i32
    %dma_start3A_54 = tpu.memref_slice %arg8[%dma_start3A_52, %dma_start3A_53] : memref<250x40xi32, #tpu.memory_space<vmem>> -> memref<1x40xi32, #tpu.memory_space<vmem>>
    %dma_start3A_55 = tpu.memref_squeeze %dma_start3A_54 : memref<1x40xi32, #tpu.memory_space<vmem>> -> memref<40xi32, #tpu.memory_space<vmem>>
    %dma_start3A_56 = arith.constant 0 : i32
    %dma_start3A_57 = arith.constant 0 : i32
    %dma_start3A_58 = tpu.memref_slice %arg4[%dma_start3A_56, %dma_start3A_57] : memref<10000x16xf32, #tpu.memory_space<hbm>> -> memref<10000x16xf32, #tpu.memory_space<hbm>>
    tpu.enqueue_indirect_dma source(%dma_start3A_58 : memref<10000x16xf32, #tpu.memory_space<hbm>>) target(%arg9 : memref<40x16xf32, #tpu.memory_space<vmem>>) offsets(%dma_start3A_55 : memref<40xi32, #tpu.memory_space<vmem>>) semaphore(%arg14 : memref<!tpu.dma_semaphore, #tpu.memory_space<semaphore_mem>>)
    %dma_start3A_59 = arith.constant 0 : i32
    %dma_start3A_60 = arith.constant 0 : i32
    %dma_start3A_61 = tpu.memref_slice %arg7[%dma_start3A_59, %dma_start3A_60] : memref<250x40xi32, #tpu.memory_space<vmem>> -> memref<1x40xi32, #tpu.memory_space<vmem>>
    %dma_start3A_62 = tpu.memref_squeeze %dma_start3A_61 : memref<1x40xi32, #tpu.memory_space<vmem>> -> memref<40xi32, #tpu.memory_space<vmem>>
    %dma_start3A_63 = arith.constant 0 : i32
    %dma_start3A_64 = arith.constant 0 : i32
    %dma_start3A_65 = tpu.memref_slice %arg5[%dma_start3A_63, %dma_start3A_64] : memref<10000x144xf32, #tpu.memory_space<hbm>> -> memref<10000x144xf32, #tpu.memory_space<hbm>>
    tpu.enqueue_indirect_dma source(%dma_start3A_65 : memref<10000x144xf32, #tpu.memory_space<hbm>>) target(%arg10 : memref<40x144xf32, #tpu.memory_space<vmem>>) offsets(%dma_start3A_62 : memref<40xi32, #tpu.memory_space<vmem>>) semaphore(%arg14 : memref<!tpu.dma_semaphore, #tpu.memory_space<semaphore_mem>>)
    %dma_start3A_66 = arith.constant 1 : i32
    %dma_start3A_67 = arith.constant 0 : i32
    %dma_start3A_68 = tpu.memref_slice %arg8[%dma_start3A_66, %dma_start3A_67] : memref<250x40xi32, #tpu.memory_space<vmem>> -> memref<1x40xi32, #tpu.memory_space<vmem>>
    %dma_start3A_69 = tpu.memref_squeeze %dma_start3A_68 : memref<1x40xi32, #tpu.memory_space<vmem>> -> memref<40xi32, #tpu.memory_space<vmem>>
    %dma_start3A_70 = arith.constant 0 : i32
    %dma_start3A_71 = arith.constant 0 : i32
    %dma_start3A_72 = tpu.memref_slice %arg4[%dma_start3A_70, %dma_start3A_71] : memref<10000x16xf32, #tpu.memory_space<hbm>> -> memref<10000x16xf32, #tpu.memory_space<hbm>>
    tpu.enqueue_indirect_dma source(%dma_start3A_72 : memref<10000x16xf32, #tpu.memory_space<hbm>>) target(%arg11 : memref<40x16xf32, #tpu.memory_space<vmem>>) offsets(%dma_start3A_69 : memref<40xi32, #tpu.memory_space<vmem>>) semaphore(%arg15 : memref<!tpu.dma_semaphore, #tpu.memory_space<semaphore_mem>>)
    %dma_start3A_73 = arith.constant 1 : i32
    %dma_start3A_74 = arith.constant 0 : i32
    %dma_start3A_75 = tpu.memref_slice %arg7[%dma_start3A_73, %dma_start3A_74] : memref<250x40xi32, #tpu.memory_space<vmem>> -> memref<1x40xi32, #tpu.memory_space<vmem>>
    %dma_start3A_76 = tpu.memref_squeeze %dma_start3A_75 : memref<1x40xi32, #tpu.memory_space<vmem>> -> memref<40xi32, #tpu.memory_space<vmem>>
    %dma_start3A_77 = arith.constant 0 : i32
    %dma_start3A_78 = arith.constant 0 : i32
    %dma_start3A_79 = tpu.memref_slice %arg5[%dma_start3A_77, %dma_start3A_78] : memref<10000x144xf32, #tpu.memory_space<hbm>> -> memref<10000x144xf32, #tpu.memory_space<hbm>>
    tpu.enqueue_indirect_dma source(%dma_start3A_79 : memref<10000x144xf32, #tpu.memory_space<hbm>>) target(%arg12 : memref<40x144xf32, #tpu.memory_space<vmem>>) offsets(%dma_start3A_76 : memref<40xi32, #tpu.memory_space<vmem>>) semaphore(%arg15 : memref<!tpu.dma_semaphore, #tpu.memory_space<semaphore_mem>>)
    %scan3A_80 = arith.constant 0 : i32
    %scan3A_81 = arith.constant 0 : i32
    %scan3A_82 = arith.constant 125 : i32
    %scan3A_83 = arith.addi %scan3A_81, %scan3A_82 : i32
    %scan3A_84 = arith.constant 1 : i32
    scf.for %scan3A_162 = %scan3A_81 to %scan3A_83 step %scan3A_84  : i32 {
      %mul3A_163 = arith.constant 2 : i32
      %mul3A_164 = arith.muli %scan3A_162, %mul3A_163 : i32
      %add3A_165 = arith.constant 1 : i32
      %add3A_166 = arith.addi %mul3A_164, %add3A_165 : i32
      %dma_wait3A_167 = arith.constant 0 : i32
      %dma_wait3A_168 = tpu.memref_slice %arg8[%mul3A_164, %dma_wait3A_167] : memref<250x40xi32, #tpu.memory_space<vmem>> -> memref<1x40xi32, #tpu.memory_space<vmem>>
      %dma_wait3A_169 = tpu.memref_squeeze %dma_wait3A_168 : memref<1x40xi32, #tpu.memory_space<vmem>> -> memref<40xi32, #tpu.memory_space<vmem>>
      %dma_wait3A_170 = arith.constant 0 : i32
      %dma_wait3A_171 = arith.constant 0 : i32
      %dma_wait3A_172 = tpu.memref_slice %arg4[%dma_wait3A_170, %dma_wait3A_171] : memref<10000x16xf32, #tpu.memory_space<hbm>> -> memref<10000x16xf32, #tpu.memory_space<hbm>>
      tpu.wait_indirect_dma semaphore(%arg14 : memref<!tpu.dma_semaphore, #tpu.memory_space<semaphore_mem>>) src(%dma_wait3A_172 : memref<10000x16xf32, #tpu.memory_space<hbm>>) dst(%arg9 : memref<40x16xf32, #tpu.memory_space<vmem>>)
      %dma_wait3A_173 = arith.constant 0 : i32
      %dma_wait3A_174 = tpu.memref_slice %arg7[%mul3A_164, %dma_wait3A_173] : memref<250x40xi32, #tpu.memory_space<vmem>> -> memref<1x40xi32, #tpu.memory_space<vmem>>
      %dma_wait3A_175 = tpu.memref_squeeze %dma_wait3A_174 : memref<1x40xi32, #tpu.memory_space<vmem>> -> memref<40xi32, #tpu.memory_space<vmem>>
      %dma_wait3A_176 = arith.constant 0 : i32
      %dma_wait3A_177 = arith.constant 0 : i32
      %dma_wait3A_178 = tpu.memref_slice %arg5[%dma_wait3A_176, %dma_wait3A_177] : memref<10000x144xf32, #tpu.memory_space<hbm>> -> memref<10000x144xf32, #tpu.memory_space<hbm>>
      tpu.wait_indirect_dma semaphore(%arg14 : memref<!tpu.dma_semaphore, #tpu.memory_space<semaphore_mem>>) src(%dma_wait3A_178 : memref<10000x144xf32, #tpu.memory_space<hbm>>) dst(%arg10 : memref<40x144xf32, #tpu.memory_space<vmem>>)
      %dma_wait3A_179 = arith.constant 0 : i32
      %dma_wait3A_180 = tpu.memref_slice %arg8[%mul3A_164, %dma_wait3A_179] : memref<250x40xi32, #tpu.memory_space<vmem>> -> memref<1x40xi32, #tpu.memory_space<vmem>>
      %dma_wait3A_181 = tpu.memref_squeeze %dma_wait3A_180 : memref<1x40xi32, #tpu.memory_space<vmem>> -> memref<40xi32, #tpu.memory_space<vmem>>
      %dma_wait3A_182 = arith.constant 0 : i32
      %dma_wait3A_183 = arith.constant 0 : i32
      %dma_wait3A_184 = tpu.memref_slice %arg17[%dma_wait3A_182, %dma_wait3A_183] : memref<10000x144xf32, #tpu.memory_space<vmem_shared>> -> memref<10000x144xf32, #tpu.memory_space<vmem_shared>>
      tpu.wait_indirect_dma semaphore(%arg16 : memref<!tpu.dma_semaphore, #tpu.memory_space<semaphore_mem>>) src(%arg13 : memref<40x144xf32, #tpu.memory_space<vmem>>) dst(%dma_wait3A_184 : memref<10000x144xf32, #tpu.memory_space<vmem_shared>>)
      %parallel_loop3A = arith.constant 0 : i32
      %parallel_loop3A_185 = arith.constant 40 : i32
      %parallel_loop3A_186 = arith.constant 1 : i32
      scf.for %parallel_loop3A_229 = %parallel_loop3A to %parallel_loop3A_185 step %parallel_loop3A_186  : i32 {
        %parallel_loop3A_230 = arith.index_cast %parallel_loop3A_229 : i32 to index
        %parallel_loop3A_231 = arith.constant 128 : index
        %parallel_loop3A_232 = tpu.vector_load %arg10[%parallel_loop3A_230, %parallel_loop3A_231] {strides = array<i32>} : memref<40x144xf32, #tpu.memory_space<vmem>>, vector<1x16xf32>,
        %parallel_loop3A_233 = vector.shape_cast %parallel_loop3A_232 : vector<1x16xf32> to vector<16xf32>
        %parallel_loop3A_234 = arith.index_cast %parallel_loop3A_229 : i32 to index
        %parallel_loop3A_235 = arith.constant 0 : index
        %parallel_loop3A_236 = tpu.vector_load %arg9[%parallel_loop3A_234, %parallel_loop3A_235] {strides = array<i32>} : memref<40x16xf32, #tpu.memory_space<vmem>>, vector<1x16xf32>,
        %parallel_loop3A_237 = vector.shape_cast %parallel_loop3A_236 : vector<1x16xf32> to vector<16xf32>
        %parallel_loop3A_238 = arith.addf %parallel_loop3A_233, %parallel_loop3A_237 : vector<16xf32>
        %parallel_loop3A_239 = arith.constant 2.000000e-01 : f32
        %parallel_loop3A_240 = vector.broadcast %parallel_loop3A_239 : f32 to vector<16xf32>
        %parallel_loop3A_241 = arith.mulf %parallel_loop3A_240, %parallel_loop3A_238 : vector<16xf32>
        %parallel_loop3A_242 = arith.maximumf %parallel_loop3A_238, %parallel_loop3A_241 : vector<16xf32>
        %parallel_loop3A_243 = math.exp %parallel_loop3A_242 : vector<16xf32>
        %parallel_loop3A_244 = arith.index_cast %parallel_loop3A_229 : i32 to index
        %parallel_loop3A_245 = arith.constant 0 : index
        %parallel_loop3A_246 = tpu.vector_load %arg10[%parallel_loop3A_244, %parallel_loop3A_245] {strides = array<i32>} : memref<40x144xf32, #tpu.memory_space<vmem>>, vector<1x16xf32>,
        %parallel_loop3A_247 = vector.shape_cast %parallel_loop3A_246 : vector<1x16xf32> to vector<16xf32>
        %parallel_loop3A_248 = vector.extract_strided_slice %parallel_loop3A_243 {offsets = [0], sizes = [1], strides = [1]} : vector<16xf32> to vector<1xf32>
        %parallel_loop3A_249 = vector.extract %parallel_loop3A_248[0] : f32 from vector<1xf32>
        %parallel_loop3A_250 = vector.broadcast %parallel_loop3A_249 : f32 to vector<16xf32>
        %parallel_loop3A_251 = arith.mulf %parallel_loop3A_250, %parallel_loop3A_247 : vector<16xf32>
        %parallel_loop3A_252 = arith.index_cast %parallel_loop3A_229 : i32 to index
        %parallel_loop3A_253 = arith.constant 0 : index
        %parallel_loop3A_254 = tpu.vector_load %arg13[%parallel_loop3A_252, %parallel_loop3A_253] {strides = array<i32>} : memref<40x144xf32, #tpu.memory_space<vmem>>, vector<1x16xf32>,
        %parallel_loop3A_255 = vector.shape_cast %parallel_loop3A_254 : vector<1x16xf32> to vector<16xf32>
        %parallel_loop3A_256 = vector.shape_cast %parallel_loop3A_251 : vector<16xf32> to vector<1x16xf32>
        tpu.vector_store %arg13[%parallel_loop3A_252, %parallel_loop3A_253], %parallel_loop3A_256 {strides = array<i32>} : memref<40x144xf32, #tpu.memory_space<vmem>>, vector<1x16xf32>,
        %parallel_loop3A_257 = arith.index_cast %parallel_loop3A_229 : i32 to index
        %parallel_loop3A_258 = arith.constant 16 : index
        %parallel_loop3A_259 = tpu.vector_load %arg10[%parallel_loop3A_257, %parallel_loop3A_258] {strides = array<i32>} : memref<40x144xf32, #tpu.memory_space<vmem>>, vector<1x16xf32>,
        %parallel_loop3A_260 = vector.shape_cast %parallel_loop3A_259 : vector<1x16xf32> to vector<16xf32>
        %parallel_loop3A_261 = vector.extract_strided_slice %parallel_loop3A_243 {offsets = [1], sizes = [1], strides = [1]} : vector<16xf32> to vector<1xf32>
        %parallel_loop3A_262 = vector.extract %parallel_loop3A_261[0] : f32 from vector<1xf32>
        %parallel_loop3A_263 = vector.broadcast %parallel_loop3A_262 : f32 to vector<16xf32>
        %parallel_loop3A_264 = arith.mulf %parallel_loop3A_263, %parallel_loop3A_260 : vector<16xf32>
        %parallel_loop3A_265 = arith.index_cast %parallel_loop3A_229 : i32 to index
        %parallel_loop3A_266 = arith.constant 16 : index
        %parallel_loop3A_267 = tpu.vector_load %arg13[%parallel_loop3A_265, %parallel_loop3A_266] {strides = array<i32>} : memref<40x144xf32, #tpu.memory_space<vmem>>, vector<1x16xf32>,
        %parallel_loop3A_268 = vector.shape_cast %parallel_loop3A_267 : vector<1x16xf32> to vector<16xf32>
        %parallel_loop3A_269 = vector.shape_cast %parallel_loop3A_264 : vector<16xf32> to vector<1x16xf32>
        tpu.vector_store %arg13[%parallel_loop3A_265, %parallel_loop3A_266], %parallel_loop3A_269 {strides = array<i32>} : memref<40x144xf32, #tpu.memory_space<vmem>>, vector<1x16xf32>,
        %parallel_loop3A_270 = arith.index_cast %parallel_loop3A_229 : i32 to index
        %parallel_loop3A_271 = arith.constant 32 : index
        %parallel_loop3A_272 = tpu.vector_load %arg10[%parallel_loop3A_270, %parallel_loop3A_271] {strides = array<i32>} : memref<40x144xf32, #tpu.memory_space<vmem>>, vector<1x16xf32>,
        %parallel_loop3A_273 = vector.shape_cast %parallel_loop3A_272 : vector<1x16xf32> to vector<16xf32>
        %parallel_loop3A_274 = vector.extract_strided_slice %parallel_loop3A_243 {offsets = [2], sizes = [1], strides = [1]} : vector<16xf32> to vector<1xf32>
        %parallel_loop3A_275 = vector.extract %parallel_loop3A_274[0] : f32 from vector<1xf32>
        %parallel_loop3A_276 = vector.broadcast %parallel_loop3A_275 : f32 to vector<16xf32>
        %parallel_loop3A_277 = arith.mulf %parallel_loop3A_276, %parallel_loop3A_273 : vector<16xf32>
        %parallel_loop3A_278 = arith.index_cast %parallel_loop3A_229 : i32 to index
        %parallel_loop3A_279 = arith.constant 32 : index
        %parallel_loop3A_280 = tpu.vector_load %arg13[%parallel_loop3A_278, %parallel_loop3A_279] {strides = array<i32>} : memref<40x144xf32, #tpu.memory_space<vmem>>, vector<1x16xf32>,
        %parallel_loop3A_281 = vector.shape_cast %parallel_loop3A_280 : vector<1x16xf32> to vector<16xf32>
        %parallel_loop3A_282 = vector.shape_cast %parallel_loop3A_277 : vector<16xf32> to vector<1x16xf32>
        tpu.vector_store %arg13[%parallel_loop3A_278, %parallel_loop3A_279], %parallel_loop3A_282 {strides = array<i32>} : memref<40x144xf32, #tpu.memory_space<vmem>>, vector<1x16xf32>,
        %parallel_loop3A_283 = arith.index_cast %parallel_loop3A_229 : i32 to index
        %parallel_loop3A_284 = arith.constant 48 : index
        %parallel_loop3A_285 = tpu.vector_load %arg10[%parallel_loop3A_283, %parallel_loop3A_284] {strides = array<i32>} : memref<40x144xf32, #tpu.memory_space<vmem>>, vector<1x16xf32>,
        %parallel_loop3A_286 = vector.shape_cast %parallel_loop3A_285 : vector<1x16xf32> to vector<16xf32>
        %parallel_loop3A_287 = vector.extract_strided_slice %parallel_loop3A_243 {offsets = [3], sizes = [1], strides = [1]} : vector<16xf32> to vector<1xf32>
        %parallel_loop3A_288 = vector.extract %parallel_loop3A_287[0] : f32 from vector<1xf32>
        %parallel_loop3A_289 = vector.broadcast %parallel_loop3A_288 : f32 to vector<16xf32>
        %parallel_loop3A_290 = arith.mulf %parallel_loop3A_289, %parallel_loop3A_286 : vector<16xf32>
        %parallel_loop3A_291 = arith.index_cast %parallel_loop3A_229 : i32 to index
        %parallel_loop3A_292 = arith.constant 48 : index
        %parallel_loop3A_293 = tpu.vector_load %arg13[%parallel_loop3A_291, %parallel_loop3A_292] {strides = array<i32>} : memref<40x144xf32, #tpu.memory_space<vmem>>, vector<1x16xf32>,
        %parallel_loop3A_294 = vector.shape_cast %parallel_loop3A_293 : vector<1x16xf32> to vector<16xf32>
        %parallel_loop3A_295 = vector.shape_cast %parallel_loop3A_290 : vector<16xf32> to vector<1x16xf32>
        tpu.vector_store %arg13[%parallel_loop3A_291, %parallel_loop3A_292], %parallel_loop3A_295 {strides = array<i32>} : memref<40x144xf32, #tpu.memory_space<vmem>>, vector<1x16xf32>,
        %parallel_loop3A_296 = arith.index_cast %parallel_loop3A_229 : i32 to index
        %parallel_loop3A_297 = arith.constant 64 : index
        %parallel_loop3A_298 = tpu.vector_load %arg10[%parallel_loop3A_296, %parallel_loop3A_297] {strides = array<i32>} : memref<40x144xf32, #tpu.memory_space<vmem>>, vector<1x16xf32>,
        %parallel_loop3A_299 = vector.shape_cast %parallel_loop3A_298 : vector<1x16xf32> to vector<16xf32>
        %parallel_loop3A_300 = vector.extract_strided_slice %parallel_loop3A_243 {offsets = [4], sizes = [1], strides = [1]} : vector<16xf32> to vector<1xf32>
        %parallel_loop3A_301 = vector.extract %parallel_loop3A_300[0] : f32 from vector<1xf32>
        %parallel_loop3A_302 = vector.broadcast %parallel_loop3A_301 : f32 to vector<16xf32>
        %parallel_loop3A_303 = arith.mulf %parallel_loop3A_302, %parallel_loop3A_299 : vector<16xf32>
        %parallel_loop3A_304 = arith.index_cast %parallel_loop3A_229 : i32 to index
        %parallel_loop3A_305 = arith.constant 64 : index
        %parallel_loop3A_306 = tpu.vector_load %arg13[%parallel_loop3A_304, %parallel_loop3A_305] {strides = array<i32>} : memref<40x144xf32, #tpu.memory_space<vmem>>, vector<1x16xf32>,
        %parallel_loop3A_307 = vector.shape_cast %parallel_loop3A_306 : vector<1x16xf32> to vector<16xf32>
        %parallel_loop3A_308 = vector.shape_cast %parallel_loop3A_303 : vector<16xf32> to vector<1x16xf32>
        tpu.vector_store %arg13[%parallel_loop3A_304, %parallel_loop3A_305], %parallel_loop3A_308 {strides = array<i32>} : memref<40x144xf32, #tpu.memory_space<vmem>>, vector<1x16xf32>,
        %parallel_loop3A_309 = arith.index_cast %parallel_loop3A_229 : i32 to index
        %parallel_loop3A_310 = arith.constant 80 : index
        %parallel_loop3A_311 = tpu.vector_load %arg10[%parallel_loop3A_309, %parallel_loop3A_310] {strides = array<i32>} : memref<40x144xf32, #tpu.memory_space<vmem>>, vector<1x16xf32>,
        %parallel_loop3A_312 = vector.shape_cast %parallel_loop3A_311 : vector<1x16xf32> to vector<16xf32>
        %parallel_loop3A_313 = vector.extract_strided_slice %parallel_loop3A_243 {offsets = [5], sizes = [1], strides = [1]} : vector<16xf32> to vector<1xf32>
        %parallel_loop3A_314 = vector.extract %parallel_loop3A_313[0] : f32 from vector<1xf32>
        %parallel_loop3A_315 = vector.broadcast %parallel_loop3A_314 : f32 to vector<16xf32>
        %parallel_loop3A_316 = arith.mulf %parallel_loop3A_315, %parallel_loop3A_312 : vector<16xf32>
        %parallel_loop3A_317 = arith.index_cast %parallel_loop3A_229 : i32 to index
        %parallel_loop3A_318 = arith.constant 80 : index
        %parallel_loop3A_319 = tpu.vector_load %arg13[%parallel_loop3A_317, %parallel_loop3A_318] {strides = array<i32>} : memref<40x144xf32, #tpu.memory_space<vmem>>, vector<1x16xf32>,
        %parallel_loop3A_320 = vector.shape_cast %parallel_loop3A_319 : vector<1x16xf32> to vector<16xf32>
        %parallel_loop3A_321 = vector.shape_cast %parallel_loop3A_316 : vector<16xf32> to vector<1x16xf32>
        tpu.vector_store %arg13[%parallel_loop3A_317, %parallel_loop3A_318], %parallel_loop3A_321 {strides = array<i32>} : memref<40x144xf32, #tpu.memory_space<vmem>>, vector<1x16xf32>,
        %parallel_loop3A_322 = arith.index_cast %parallel_loop3A_229 : i32 to index
        %parallel_loop3A_323 = arith.constant 96 : index
        %parallel_loop3A_324 = tpu.vector_load %arg10[%parallel_loop3A_322, %parallel_loop3A_323] {strides = array<i32>} : memref<40x144xf32, #tpu.memory_space<vmem>>, vector<1x16xf32>,
        %parallel_loop3A_325 = vector.shape_cast %parallel_loop3A_324 : vector<1x16xf32> to vector<16xf32>
        %parallel_loop3A_326 = vector.extract_strided_slice %parallel_loop3A_243 {offsets = [6], sizes = [1], strides = [1]} : vector<16xf32> to vector<1xf32>
        %parallel_loop3A_327 = vector.extract %parallel_loop3A_326[0] : f32 from vector<1xf32>
        %parallel_loop3A_328 = vector.broadcast %parallel_loop3A_327 : f32 to vector<16xf32>
        %parallel_loop3A_329 = arith.mulf %parallel_loop3A_328, %parallel_loop3A_325 : vector<16xf32>
        %parallel_loop3A_330 = arith.index_cast %parallel_loop3A_229 : i32 to index
        %parallel_loop3A_331 = arith.constant 96 : index
        %parallel_loop3A_332 = tpu.vector_load %arg13[%parallel_loop3A_330, %parallel_loop3A_331] {strides = array<i32>} : memref<40x144xf32, #tpu.memory_space<vmem>>, vector<1x16xf32>,
        %parallel_loop3A_333 = vector.shape_cast %parallel_loop3A_332 : vector<1x16xf32> to vector<16xf32>
        %parallel_loop3A_334 = vector.shape_cast %parallel_loop3A_329 : vector<16xf32> to vector<1x16xf32>
        tpu.vector_store %arg13[%parallel_loop3A_330, %parallel_loop3A_331], %parallel_loop3A_334 {strides = array<i32>} : memref<40x144xf32, #tpu.memory_space<vmem>>, vector<1x16xf32>,
        %parallel_loop3A_335 = arith.index_cast %parallel_loop3A_229 : i32 to index
        %parallel_loop3A_336 = arith.constant 112 : index
        %parallel_loop3A_337 = tpu.vector_load %arg10[%parallel_loop3A_335, %parallel_loop3A_336] {strides = array<i32>} : memref<40x144xf32, #tpu.memory_space<vmem>>, vector<1x16xf32>,
        %parallel_loop3A_338 = vector.shape_cast %parallel_loop3A_337 : vector<1x16xf32> to vector<16xf32>
        %parallel_loop3A_339 = vector.extract_strided_slice %parallel_loop3A_243 {offsets = [7], sizes = [1], strides = [1]} : vector<16xf32> to vector<1xf32>
        %parallel_loop3A_340 = vector.extract %parallel_loop3A_339[0] : f32 from vector<1xf32>
        %parallel_loop3A_341 = vector.broadcast %parallel_loop3A_340 : f32 to vector<16xf32>
        %parallel_loop3A_342 = arith.mulf %parallel_loop3A_341, %parallel_loop3A_338 : vector<16xf32>
        %parallel_loop3A_343 = arith.index_cast %parallel_loop3A_229 : i32 to index
        %parallel_loop3A_344 = arith.constant 112 : index
        %parallel_loop3A_345 = tpu.vector_load %arg13[%parallel_loop3A_343, %parallel_loop3A_344] {strides = array<i32>} : memref<40x144xf32, #tpu.memory_space<vmem>>, vector<1x16xf32>,
        %parallel_loop3A_346 = vector.shape_cast %parallel_loop3A_345 : vector<1x16xf32> to vector<16xf32>
        %parallel_loop3A_347 = vector.shape_cast %parallel_loop3A_342 : vector<16xf32> to vector<1x16xf32>
        tpu.vector_store %arg13[%parallel_loop3A_343, %parallel_loop3A_344], %parallel_loop3A_347 {strides = array<i32>} : memref<40x144xf32, #tpu.memory_space<vmem>>, vector<1x16xf32>,
        %parallel_loop3A_348 = arith.index_cast %parallel_loop3A_229 : i32 to index
        %parallel_loop3A_349 = arith.constant 128 : index
        %parallel_loop3A_350 = tpu.vector_load %arg13[%parallel_loop3A_348, %parallel_loop3A_349] {strides = array<i32>} : memref<40x144xf32, #tpu.memory_space<vmem>>, vector<1x16xf32>,
        %parallel_loop3A_351 = vector.shape_cast %parallel_loop3A_350 : vector<1x16xf32> to vector<16xf32>
        %parallel_loop3A_352 = vector.shape_cast %parallel_loop3A_243 : vector<16xf32> to vector<1x16xf32>
        tpu.vector_store %arg13[%parallel_loop3A_348, %parallel_loop3A_349], %parallel_loop3A_352 {strides = array<i32>} : memref<40x144xf32, #tpu.memory_space<vmem>>, vector<1x16xf32>,
      } {sc.loop_unroll_factor = 10 : i64, sc.parallel_access}
      %dma_start3A_187 = arith.constant 0 : i32
      %dma_start3A_188 = tpu.memref_slice %arg8[%mul3A_164, %dma_start3A_187] : memref<250x40xi32, #tpu.memory_space<vmem>> -> memref<1x40xi32, #tpu.memory_space<vmem>>
      %dma_start3A_189 = tpu.memref_squeeze %dma_start3A_188 : memref<1x40xi32, #tpu.memory_space<vmem>> -> memref<40xi32, #tpu.memory_space<vmem>>
      %dma_start3A_190 = arith.constant 0 : i32
      %dma_start3A_191 = arith.constant 0 : i32
      %dma_start3A_192 = tpu.memref_slice %arg17[%dma_start3A_190, %dma_start3A_191] : memref<10000x144xf32, #tpu.memory_space<vmem_shared>> -> memref<10000x144xf32, #tpu.memory_space<vmem_shared>>
      tpu.enqueue_indirect_dma source(%arg13 : memref<40x144xf32, #tpu.memory_space<vmem>>) target(%dma_start3A_192 : memref<10000x144xf32, #tpu.memory_space<vmem_shared>>) offsets(%dma_start3A_189 : memref<40xi32, #tpu.memory_space<vmem>>) semaphore(%arg16 : memref<!tpu.dma_semaphore, #tpu.memory_space<semaphore_mem>>) {add = true}
      %lt3A = arith.constant 124 : i32
      %lt3A_193 = arith.cmpi slt, %scan3A_162, %lt3A : i32
      %convert_element_type3A_194 = arith.extui %lt3A_193 : i1 to i32
      %cond3A_195 = arith.constant 0 : i32
      %cond3A_196 = arith.cmpi ne, %convert_element_type3A_194, %cond3A_195 : i32
      scf.if %cond3A_196 {
        %add3A_229 = arith.constant 2 : i32
        %add3A_230 = arith.addi %mul3A_164, %add3A_229 : i32
        %dma_start3A_231 = arith.constant 0 : i32
        %dma_start3A_232 = tpu.memref_slice %arg8[%add3A_230, %dma_start3A_231] : memref<250x40xi32, #tpu.memory_space<vmem>> -> memref<1x40xi32, #tpu.memory_space<vmem>>
        %dma_start3A_233 = tpu.memref_squeeze %dma_start3A_232 : memref<1x40xi32, #tpu.memory_space<vmem>> -> memref<40xi32, #tpu.memory_space<vmem>>
        %dma_start3A_234 = arith.constant 0 : i32
        %dma_start3A_235 = arith.constant 0 : i32
        %dma_start3A_236 = tpu.memref_slice %arg4[%dma_start3A_234, %dma_start3A_235] : memref<10000x16xf32, #tpu.memory_space<hbm>> -> memref<10000x16xf32, #tpu.memory_space<hbm>>
        tpu.enqueue_indirect_dma source(%dma_start3A_236 : memref<10000x16xf32, #tpu.memory_space<hbm>>) target(%arg9 : memref<40x16xf32, #tpu.memory_space<vmem>>) offsets(%dma_start3A_233 : memref<40xi32, #tpu.memory_space<vmem>>) semaphore(%arg14 : memref<!tpu.dma_semaphore, #tpu.memory_space<semaphore_mem>>)
        %dma_start3A_237 = arith.constant 0 : i32
        %dma_start3A_238 = tpu.memref_slice %arg7[%add3A_230, %dma_start3A_237] : memref<250x40xi32, #tpu.memory_space<vmem>> -> memref<1x40xi32, #tpu.memory_space<vmem>>
        %dma_start3A_239 = tpu.memref_squeeze %dma_start3A_238 : memref<1x40xi32, #tpu.memory_space<vmem>> -> memref<40xi32, #tpu.memory_space<vmem>>
        %dma_start3A_240 = arith.constant 0 : i32
        %dma_start3A_241 = arith.constant 0 : i32
        %dma_start3A_242 = tpu.memref_slice %arg5[%dma_start3A_240, %dma_start3A_241] : memref<10000x144xf32, #tpu.memory_space<hbm>> -> memref<10000x144xf32, #tpu.memory_space<hbm>>
        tpu.enqueue_indirect_dma source(%dma_start3A_242 : memref<10000x144xf32, #tpu.memory_space<hbm>>) target(%arg10 : memref<40x144xf32, #tpu.memory_space<vmem>>) offsets(%dma_start3A_239 : memref<40xi32, #tpu.memory_space<vmem>>) semaphore(%arg14 : memref<!tpu.dma_semaphore, #tpu.memory_space<semaphore_mem>>)
      } else {
      }
      %dma_wait3A_197 = arith.constant 0 : i32
      %dma_wait3A_198 = tpu.memref_slice %arg8[%add3A_166, %dma_wait3A_197] : memref<250x40xi32, #tpu.memory_space<vmem>> -> memref<1x40xi32, #tpu.memory_space<vmem>>
      %dma_wait3A_199 = tpu.memref_squeeze %dma_wait3A_198 : memref<1x40xi32, #tpu.memory_space<vmem>> -> memref<40xi32, #tpu.memory_space<vmem>>
      %dma_wait3A_200 = arith.constant 0 : i32
      %dma_wait3A_201 = arith.constant 0 : i32
      %dma_wait3A_202 = tpu.memref_slice %arg4[%dma_wait3A_200, %dma_wait3A_201] : memref<10000x16xf32, #tpu.memory_space<hbm>> -> memref<10000x16xf32, #tpu.memory_space<hbm>>
      tpu.wait_indirect_dma semaphore(%arg15 : memref<!tpu.dma_semaphore, #tpu.memory_space<semaphore_mem>>) src(%dma_wait3A_202 : memref<10000x16xf32, #tpu.memory_space<hbm>>) dst(%arg11 : memref<40x16xf32, #tpu.memory_space<vmem>>)
      %dma_wait3A_203 = arith.constant 0 : i32
      %dma_wait3A_204 = tpu.memref_slice %arg7[%add3A_166, %dma_wait3A_203] : memref<250x40xi32, #tpu.memory_space<vmem>> -> memref<1x40xi32, #tpu.memory_space<vmem>>
      %dma_wait3A_205 = tpu.memref_squeeze %dma_wait3A_204 : memref<1x40xi32, #tpu.memory_space<vmem>> -> memref<40xi32, #tpu.memory_space<vmem>>
      %dma_wait3A_206 = arith.constant 0 : i32
      %dma_wait3A_207 = arith.constant 0 : i32
      %dma_wait3A_208 = tpu.memref_slice %arg5[%dma_wait3A_206, %dma_wait3A_207] : memref<10000x144xf32, #tpu.memory_space<hbm>> -> memref<10000x144xf32, #tpu.memory_space<hbm>>
      tpu.wait_indirect_dma semaphore(%arg15 : memref<!tpu.dma_semaphore, #tpu.memory_space<semaphore_mem>>) src(%dma_wait3A_208 : memref<10000x144xf32, #tpu.memory_space<hbm>>) dst(%arg12 : memref<40x144xf32, #tpu.memory_space<vmem>>)
      %dma_wait3A_209 = arith.constant 0 : i32
      %dma_wait3A_210 = tpu.memref_slice %arg8[%add3A_166, %dma_wait3A_209] : memref<250x40xi32, #tpu.memory_space<vmem>> -> memref<1x40xi32, #tpu.memory_space<vmem>>
      %dma_wait3A_211 = tpu.memref_squeeze %dma_wait3A_210 : memref<1x40xi32, #tpu.memory_space<vmem>> -> memref<40xi32, #tpu.memory_space<vmem>>
      %dma_wait3A_212 = arith.constant 0 : i32
      %dma_wait3A_213 = arith.constant 0 : i32
      %dma_wait3A_214 = tpu.memref_slice %arg17[%dma_wait3A_212, %dma_wait3A_213] : memref<10000x144xf32, #tpu.memory_space<vmem_shared>> -> memref<10000x144xf32, #tpu.memory_space<vmem_shared>>
      tpu.wait_indirect_dma semaphore(%arg16 : memref<!tpu.dma_semaphore, #tpu.memory_space<semaphore_mem>>) src(%arg13 : memref<40x144xf32, #tpu.memory_space<vmem>>) dst(%dma_wait3A_214 : memref<10000x144xf32, #tpu.memory_space<vmem_shared>>)
      %parallel_loop3A_215 = arith.constant 0 : i32
      %parallel_loop3A_216 = arith.constant 40 : i32
      %parallel_loop3A_217 = arith.constant 1 : i32
      scf.for %parallel_loop3A_229 = %parallel_loop3A_215 to %parallel_loop3A_216 step %parallel_loop3A_217  : i32 {
        %parallel_loop3A_230 = arith.index_cast %parallel_loop3A_229 : i32 to index
        %parallel_loop3A_231 = arith.constant 128 : index
        %parallel_loop3A_232 = tpu.vector_load %arg12[%parallel_loop3A_230, %parallel_loop3A_231] {strides = array<i32>} : memref<40x144xf32, #tpu.memory_space<vmem>>, vector<1x16xf32>,
        %parallel_loop3A_233 = vector.shape_cast %parallel_loop3A_232 : vector<1x16xf32> to vector<16xf32>
        %parallel_loop3A_234 = arith.index_cast %parallel_loop3A_229 : i32 to index
        %parallel_loop3A_235 = arith.constant 0 : index
        %parallel_loop3A_236 = tpu.vector_load %arg11[%parallel_loop3A_234, %parallel_loop3A_235] {strides = array<i32>} : memref<40x16xf32, #tpu.memory_space<vmem>>, vector<1x16xf32>,
        %parallel_loop3A_237 = vector.shape_cast %parallel_loop3A_236 : vector<1x16xf32> to vector<16xf32>
        %parallel_loop3A_238 = arith.addf %parallel_loop3A_233, %parallel_loop3A_237 : vector<16xf32>
        %parallel_loop3A_239 = arith.constant 2.000000e-01 : f32
        %parallel_loop3A_240 = vector.broadcast %parallel_loop3A_239 : f32 to vector<16xf32>
        %parallel_loop3A_241 = arith.mulf %parallel_loop3A_240, %parallel_loop3A_238 : vector<16xf32>
        %parallel_loop3A_242 = arith.maximumf %parallel_loop3A_238, %parallel_loop3A_241 : vector<16xf32>
        %parallel_loop3A_243 = math.exp %parallel_loop3A_242 : vector<16xf32>
        %parallel_loop3A_244 = arith.index_cast %parallel_loop3A_229 : i32 to index
        %parallel_loop3A_245 = arith.constant 0 : index
        %parallel_loop3A_246 = tpu.vector_load %arg12[%parallel_loop3A_244, %parallel_loop3A_245] {strides = array<i32>} : memref<40x144xf32, #tpu.memory_space<vmem>>, vector<1x16xf32>,
        %parallel_loop3A_247 = vector.shape_cast %parallel_loop3A_246 : vector<1x16xf32> to vector<16xf32>
        %parallel_loop3A_248 = vector.extract_strided_slice %parallel_loop3A_243 {offsets = [0], sizes = [1], strides = [1]} : vector<16xf32> to vector<1xf32>
        %parallel_loop3A_249 = vector.extract %parallel_loop3A_248[0] : f32 from vector<1xf32>
        %parallel_loop3A_250 = vector.broadcast %parallel_loop3A_249 : f32 to vector<16xf32>
        %parallel_loop3A_251 = arith.mulf %parallel_loop3A_250, %parallel_loop3A_247 : vector<16xf32>
        %parallel_loop3A_252 = arith.index_cast %parallel_loop3A_229 : i32 to index
        %parallel_loop3A_253 = arith.constant 0 : index
        %parallel_loop3A_254 = tpu.vector_load %arg13[%parallel_loop3A_252, %parallel_loop3A_253] {strides = array<i32>} : memref<40x144xf32, #tpu.memory_space<vmem>>, vector<1x16xf32>,
        %parallel_loop3A_255 = vector.shape_cast %parallel_loop3A_254 : vector<1x16xf32> to vector<16xf32>
        %parallel_loop3A_256 = vector.shape_cast %parallel_loop3A_251 : vector<16xf32> to vector<1x16xf32>
        tpu.vector_store %arg13[%parallel_loop3A_252, %parallel_loop3A_253], %parallel_loop3A_256 {strides = array<i32>} : memref<40x144xf32, #tpu.memory_space<vmem>>, vector<1x16xf32>,
        %parallel_loop3A_257 = arith.index_cast %parallel_loop3A_229 : i32 to index
        %parallel_loop3A_258 = arith.constant 16 : index
        %parallel_loop3A_259 = tpu.vector_load %arg12[%parallel_loop3A_257, %parallel_loop3A_258] {strides = array<i32>} : memref<40x144xf32, #tpu.memory_space<vmem>>, vector<1x16xf32>,
        %parallel_loop3A_260 = vector.shape_cast %parallel_loop3A_259 : vector<1x16xf32> to vector<16xf32>
        %parallel_loop3A_261 = vector.extract_strided_slice %parallel_loop3A_243 {offsets = [1], sizes = [1], strides = [1]} : vector<16xf32> to vector<1xf32>
        %parallel_loop3A_262 = vector.extract %parallel_loop3A_261[0] : f32 from vector<1xf32>
        %parallel_loop3A_263 = vector.broadcast %parallel_loop3A_262 : f32 to vector<16xf32>
        %parallel_loop3A_264 = arith.mulf %parallel_loop3A_263, %parallel_loop3A_260 : vector<16xf32>
        %parallel_loop3A_265 = arith.index_cast %parallel_loop3A_229 : i32 to index
        %parallel_loop3A_266 = arith.constant 16 : index
        %parallel_loop3A_267 = tpu.vector_load %arg13[%parallel_loop3A_265, %parallel_loop3A_266] {strides = array<i32>} : memref<40x144xf32, #tpu.memory_space<vmem>>, vector<1x16xf32>,
        %parallel_loop3A_268 = vector.shape_cast %parallel_loop3A_267 : vector<1x16xf32> to vector<16xf32>
        %parallel_loop3A_269 = vector.shape_cast %parallel_loop3A_264 : vector<16xf32> to vector<1x16xf32>
        tpu.vector_store %arg13[%parallel_loop3A_265, %parallel_loop3A_266], %parallel_loop3A_269 {strides = array<i32>} : memref<40x144xf32, #tpu.memory_space<vmem>>, vector<1x16xf32>,
        %parallel_loop3A_270 = arith.index_cast %parallel_loop3A_229 : i32 to index
        %parallel_loop3A_271 = arith.constant 32 : index
        %parallel_loop3A_272 = tpu.vector_load %arg12[%parallel_loop3A_270, %parallel_loop3A_271] {strides = array<i32>} : memref<40x144xf32, #tpu.memory_space<vmem>>, vector<1x16xf32>,
        %parallel_loop3A_273 = vector.shape_cast %parallel_loop3A_272 : vector<1x16xf32> to vector<16xf32>
        %parallel_loop3A_274 = vector.extract_strided_slice %parallel_loop3A_243 {offsets = [2], sizes = [1], strides = [1]} : vector<16xf32> to vector<1xf32>
        %parallel_loop3A_275 = vector.extract %parallel_loop3A_274[0] : f32 from vector<1xf32>
        %parallel_loop3A_276 = vector.broadcast %parallel_loop3A_275 : f32 to vector<16xf32>
        %parallel_loop3A_277 = arith.mulf %parallel_loop3A_276, %parallel_loop3A_273 : vector<16xf32>
        %parallel_loop3A_278 = arith.index_cast %parallel_loop3A_229 : i32 to index
        %parallel_loop3A_279 = arith.constant 32 : index
        %parallel_loop3A_280 = tpu.vector_load %arg13[%parallel_loop3A_278, %parallel_loop3A_279] {strides = array<i32>} : memref<40x144xf32, #tpu.memory_space<vmem>>, vector<1x16xf32>,
        %parallel_loop3A_281 = vector.shape_cast %parallel_loop3A_280 : vector<1x16xf32> to vector<16xf32>
        %parallel_loop3A_282 = vector.shape_cast %parallel_loop3A_277 : vector<16xf32> to vector<1x16xf32>
        tpu.vector_store %arg13[%parallel_loop3A_278, %parallel_loop3A_279], %parallel_loop3A_282 {strides = array<i32>} : memref<40x144xf32, #tpu.memory_space<vmem>>, vector<1x16xf32>,
        %parallel_loop3A_283 = arith.index_cast %parallel_loop3A_229 : i32 to index
        %parallel_loop3A_284 = arith.constant 48 : index
        %parallel_loop3A_285 = tpu.vector_load %arg12[%parallel_loop3A_283, %parallel_loop3A_284] {strides = array<i32>} : memref<40x144xf32, #tpu.memory_space<vmem>>, vector<1x16xf32>,
        %parallel_loop3A_286 = vector.shape_cast %parallel_loop3A_285 : vector<1x16xf32> to vector<16xf32>
        %parallel_loop3A_287 = vector.extract_strided_slice %parallel_loop3A_243 {offsets = [3], sizes = [1], strides = [1]} : vector<16xf32> to vector<1xf32>
        %parallel_loop3A_288 = vector.extract %parallel_loop3A_287[0] : f32 from vector<1xf32>
        %parallel_loop3A_289 = vector.broadcast %parallel_loop3A_288 : f32 to vector<16xf32>
        %parallel_loop3A_290 = arith.mulf %parallel_loop3A_289, %parallel_loop3A_286 : vector<16xf32>
        %parallel_loop3A_291 = arith.index_cast %parallel_loop3A_229 : i32 to index
        %parallel_loop3A_292 = arith.constant 48 : index
        %parallel_loop3A_293 = tpu.vector_load %arg13[%parallel_loop3A_291, %parallel_loop3A_292] {strides = array<i32>} : memref<40x144xf32, #tpu.memory_space<vmem>>, vector<1x16xf32>,
        %parallel_loop3A_294 = vector.shape_cast %parallel_loop3A_293 : vector<1x16xf32> to vector<16xf32>
        %parallel_loop3A_295 = vector.shape_cast %parallel_loop3A_290 : vector<16xf32> to vector<1x16xf32>
        tpu.vector_store %arg13[%parallel_loop3A_291, %parallel_loop3A_292], %parallel_loop3A_295 {strides = array<i32>} : memref<40x144xf32, #tpu.memory_space<vmem>>, vector<1x16xf32>,
        %parallel_loop3A_296 = arith.index_cast %parallel_loop3A_229 : i32 to index
        %parallel_loop3A_297 = arith.constant 64 : index
        %parallel_loop3A_298 = tpu.vector_load %arg12[%parallel_loop3A_296, %parallel_loop3A_297] {strides = array<i32>} : memref<40x144xf32, #tpu.memory_space<vmem>>, vector<1x16xf32>,
        %parallel_loop3A_299 = vector.shape_cast %parallel_loop3A_298 : vector<1x16xf32> to vector<16xf32>
        %parallel_loop3A_300 = vector.extract_strided_slice %parallel_loop3A_243 {offsets = [4], sizes = [1], strides = [1]} : vector<16xf32> to vector<1xf32>
        %parallel_loop3A_301 = vector.extract %parallel_loop3A_300[0] : f32 from vector<1xf32>
        %parallel_loop3A_302 = vector.broadcast %parallel_loop3A_301 : f32 to vector<16xf32>
        %parallel_loop3A_303 = arith.mulf %parallel_loop3A_302, %parallel_loop3A_299 : vector<16xf32>
        %parallel_loop3A_304 = arith.index_cast %parallel_loop3A_229 : i32 to index
        %parallel_loop3A_305 = arith.constant 64 : index
        %parallel_loop3A_306 = tpu.vector_load %arg13[%parallel_loop3A_304, %parallel_loop3A_305] {strides = array<i32>} : memref<40x144xf32, #tpu.memory_space<vmem>>, vector<1x16xf32>,
        %parallel_loop3A_307 = vector.shape_cast %parallel_loop3A_306 : vector<1x16xf32> to vector<16xf32>
        %parallel_loop3A_308 = vector.shape_cast %parallel_loop3A_303 : vector<16xf32> to vector<1x16xf32>
        tpu.vector_store %arg13[%parallel_loop3A_304, %parallel_loop3A_305], %parallel_loop3A_308 {strides = array<i32>} : memref<40x144xf32, #tpu.memory_space<vmem>>, vector<1x16xf32>,
        %parallel_loop3A_309 = arith.index_cast %parallel_loop3A_229 : i32 to index
        %parallel_loop3A_310 = arith.constant 80 : index
        %parallel_loop3A_311 = tpu.vector_load %arg12[%parallel_loop3A_309, %parallel_loop3A_310] {strides = array<i32>} : memref<40x144xf32, #tpu.memory_space<vmem>>, vector<1x16xf32>,
        %parallel_loop3A_312 = vector.shape_cast %parallel_loop3A_311 : vector<1x16xf32> to vector<16xf32>
        %parallel_loop3A_313 = vector.extract_strided_slice %parallel_loop3A_243 {offsets = [5], sizes = [1], strides = [1]} : vector<16xf32> to vector<1xf32>
        %parallel_loop3A_314 = vector.extract %parallel_loop3A_313[0] : f32 from vector<1xf32>
        %parallel_loop3A_315 = vector.broadcast %parallel_loop3A_314 : f32 to vector<16xf32>
        %parallel_loop3A_316 = arith.mulf %parallel_loop3A_315, %parallel_loop3A_312 : vector<16xf32>
        %parallel_loop3A_317 = arith.index_cast %parallel_loop3A_229 : i32 to index
        %parallel_loop3A_318 = arith.constant 80 : index
        %parallel_loop3A_319 = tpu.vector_load %arg13[%parallel_loop3A_317, %parallel_loop3A_318] {strides = array<i32>} : memref<40x144xf32, #tpu.memory_space<vmem>>, vector<1x16xf32>,
        %parallel_loop3A_320 = vector.shape_cast %parallel_loop3A_319 : vector<1x16xf32> to vector<16xf32>
        %parallel_loop3A_321 = vector.shape_cast %parallel_loop3A_316 : vector<16xf32> to vector<1x16xf32>
        tpu.vector_store %arg13[%parallel_loop3A_317, %parallel_loop3A_318], %parallel_loop3A_321 {strides = array<i32>} : memref<40x144xf32, #tpu.memory_space<vmem>>, vector<1x16xf32>,
        %parallel_loop3A_322 = arith.index_cast %parallel_loop3A_229 : i32 to index
        %parallel_loop3A_323 = arith.constant 96 : index
        %parallel_loop3A_324 = tpu.vector_load %arg12[%parallel_loop3A_322, %parallel_loop3A_323] {strides = array<i32>} : memref<40x144xf32, #tpu.memory_space<vmem>>, vector<1x16xf32>,
        %parallel_loop3A_325 = vector.shape_cast %parallel_loop3A_324 : vector<1x16xf32> to vector<16xf32>
        %parallel_loop3A_326 = vector.extract_strided_slice %parallel_loop3A_243 {offsets = [6], sizes = [1], strides = [1]} : vector<16xf32> to vector<1xf32>
        %parallel_loop3A_327 = vector.extract %parallel_loop3A_326[0] : f32 from vector<1xf32>
        %parallel_loop3A_328 = vector.broadcast %parallel_loop3A_327 : f32 to vector<16xf32>
        %parallel_loop3A_329 = arith.mulf %parallel_loop3A_328, %parallel_loop3A_325 : vector<16xf32>
        %parallel_loop3A_330 = arith.index_cast %parallel_loop3A_229 : i32 to index
        %parallel_loop3A_331 = arith.constant 96 : index
        %parallel_loop3A_332 = tpu.vector_load %arg13[%parallel_loop3A_330, %parallel_loop3A_331] {strides = array<i32>} : memref<40x144xf32, #tpu.memory_space<vmem>>, vector<1x16xf32>,
        %parallel_loop3A_333 = vector.shape_cast %parallel_loop3A_332 : vector<1x16xf32> to vector<16xf32>
        %parallel_loop3A_334 = vector.shape_cast %parallel_loop3A_329 : vector<16xf32> to vector<1x16xf32>
        tpu.vector_store %arg13[%parallel_loop3A_330, %parallel_loop3A_331], %parallel_loop3A_334 {strides = array<i32>} : memref<40x144xf32, #tpu.memory_space<vmem>>, vector<1x16xf32>,
        %parallel_loop3A_335 = arith.index_cast %parallel_loop3A_229 : i32 to index
        %parallel_loop3A_336 = arith.constant 112 : index
        %parallel_loop3A_337 = tpu.vector_load %arg12[%parallel_loop3A_335, %parallel_loop3A_336] {strides = array<i32>} : memref<40x144xf32, #tpu.memory_space<vmem>>, vector<1x16xf32>,
        %parallel_loop3A_338 = vector.shape_cast %parallel_loop3A_337 : vector<1x16xf32> to vector<16xf32>
        %parallel_loop3A_339 = vector.extract_strided_slice %parallel_loop3A_243 {offsets = [7], sizes = [1], strides = [1]} : vector<16xf32> to vector<1xf32>
        %parallel_loop3A_340 = vector.extract %parallel_loop3A_339[0] : f32 from vector<1xf32>
        %parallel_loop3A_341 = vector.broadcast %parallel_loop3A_340 : f32 to vector<16xf32>
        %parallel_loop3A_342 = arith.mulf %parallel_loop3A_341, %parallel_loop3A_338 : vector<16xf32>
        %parallel_loop3A_343 = arith.index_cast %parallel_loop3A_229 : i32 to index
        %parallel_loop3A_344 = arith.constant 112 : index
        %parallel_loop3A_345 = tpu.vector_load %arg13[%parallel_loop3A_343, %parallel_loop3A_344] {strides = array<i32>} : memref<40x144xf32, #tpu.memory_space<vmem>>, vector<1x16xf32>,
        %parallel_loop3A_346 = vector.shape_cast %parallel_loop3A_345 : vector<1x16xf32> to vector<16xf32>
        %parallel_loop3A_347 = vector.shape_cast %parallel_loop3A_342 : vector<16xf32> to vector<1x16xf32>
        tpu.vector_store %arg13[%parallel_loop3A_343, %parallel_loop3A_344], %parallel_loop3A_347 {strides = array<i32>} : memref<40x144xf32, #tpu.memory_space<vmem>>, vector<1x16xf32>,
        %parallel_loop3A_348 = arith.index_cast %parallel_loop3A_229 : i32 to index
        %parallel_loop3A_349 = arith.constant 128 : index
        %parallel_loop3A_350 = tpu.vector_load %arg13[%parallel_loop3A_348, %parallel_loop3A_349] {strides = array<i32>} : memref<40x144xf32, #tpu.memory_space<vmem>>, vector<1x16xf32>,
        %parallel_loop3A_351 = vector.shape_cast %parallel_loop3A_350 : vector<1x16xf32> to vector<16xf32>
        %parallel_loop3A_352 = vector.shape_cast %parallel_loop3A_243 : vector<16xf32> to vector<1x16xf32>
        tpu.vector_store %arg13[%parallel_loop3A_348, %parallel_loop3A_349], %parallel_loop3A_352 {strides = array<i32>} : memref<40x144xf32, #tpu.memory_space<vmem>>, vector<1x16xf32>,
      } {sc.loop_unroll_factor = 10 : i64, sc.parallel_access}
      %dma_start3A_218 = arith.constant 0 : i32
      %dma_start3A_219 = tpu.memref_slice %arg8[%add3A_166, %dma_start3A_218] : memref<250x40xi32, #tpu.memory_space<vmem>> -> memref<1x40xi32, #tpu.memory_space<vmem>>
      %dma_start3A_220 = tpu.memref_squeeze %dma_start3A_219 : memref<1x40xi32, #tpu.memory_space<vmem>> -> memref<40xi32, #tpu.memory_space<vmem>>
      %dma_start3A_221 = arith.constant 0 : i32
      %dma_start3A_222 = arith.constant 0 : i32
      %dma_start3A_223 = tpu.memref_slice %arg17[%dma_start3A_221, %dma_start3A_222] : memref<10000x144xf32, #tpu.memory_space<vmem_shared>> -> memref<10000x144xf32, #tpu.memory_space<vmem_shared>>
      tpu.enqueue_indirect_dma source(%arg13 : memref<40x144xf32, #tpu.memory_space<vmem>>) target(%dma_start3A_223 : memref<10000x144xf32, #tpu.memory_space<vmem_shared>>) offsets(%dma_start3A_220 : memref<40xi32, #tpu.memory_space<vmem>>) semaphore(%arg16 : memref<!tpu.dma_semaphore, #tpu.memory_space<semaphore_mem>>) {add = true}
      %lt3A_224 = arith.constant 124 : i32
      %lt3A_225 = arith.cmpi slt, %scan3A_162, %lt3A_224 : i32
      %convert_element_type3A_226 = arith.extui %lt3A_225 : i1 to i32
      %cond3A_227 = arith.constant 0 : i32
      %cond3A_228 = arith.cmpi ne, %convert_element_type3A_226, %cond3A_227 : i32
      scf.if %cond3A_228 {
        %add3A_229 = arith.constant 2 : i32
        %add3A_230 = arith.addi %add3A_166, %add3A_229 : i32
        %dma_start3A_231 = arith.constant 0 : i32
        %dma_start3A_232 = tpu.memref_slice %arg8[%add3A_230, %dma_start3A_231] : memref<250x40xi32, #tpu.memory_space<vmem>> -> memref<1x40xi32, #tpu.memory_space<vmem>>
        %dma_start3A_233 = tpu.memref_squeeze %dma_start3A_232 : memref<1x40xi32, #tpu.memory_space<vmem>> -> memref<40xi32, #tpu.memory_space<vmem>>
        %dma_start3A_234 = arith.constant 0 : i32
        %dma_start3A_235 = arith.constant 0 : i32
        %dma_start3A_236 = tpu.memref_slice %arg4[%dma_start3A_234, %dma_start3A_235] : memref<10000x16xf32, #tpu.memory_space<hbm>> -> memref<10000x16xf32, #tpu.memory_space<hbm>>
        tpu.enqueue_indirect_dma source(%dma_start3A_236 : memref<10000x16xf32, #tpu.memory_space<hbm>>) target(%arg11 : memref<40x16xf32, #tpu.memory_space<vmem>>) offsets(%dma_start3A_233 : memref<40xi32, #tpu.memory_space<vmem>>) semaphore(%arg15 : memref<!tpu.dma_semaphore, #tpu.memory_space<semaphore_mem>>)
        %dma_start3A_237 = arith.constant 0 : i32
        %dma_start3A_238 = tpu.memref_slice %arg7[%add3A_230, %dma_start3A_237] : memref<250x40xi32, #tpu.memory_space<vmem>> -> memref<1x40xi32, #tpu.memory_space<vmem>>
        %dma_start3A_239 = tpu.memref_squeeze %dma_start3A_238 : memref<1x40xi32, #tpu.memory_space<vmem>> -> memref<40xi32, #tpu.memory_space<vmem>>
        %dma_start3A_240 = arith.constant 0 : i32
        %dma_start3A_241 = arith.constant 0 : i32
        %dma_start3A_242 = tpu.memref_slice %arg5[%dma_start3A_240, %dma_start3A_241] : memref<10000x144xf32, #tpu.memory_space<hbm>> -> memref<10000x144xf32, #tpu.memory_space<hbm>>
        tpu.enqueue_indirect_dma source(%dma_start3A_242 : memref<10000x144xf32, #tpu.memory_space<hbm>>) target(%arg12 : memref<40x144xf32, #tpu.memory_space<vmem>>) offsets(%dma_start3A_239 : memref<40xi32, #tpu.memory_space<vmem>>) semaphore(%arg15 : memref<!tpu.dma_semaphore, #tpu.memory_space<semaphore_mem>>)
      } else {
      }
    }
    %scan3A_85 = arith.constant 125 : i32
    %dma_wait3A = arith.constant 249 : i32
    %dma_wait3A_86 = arith.constant 0 : i32
    %dma_wait3A_87 = tpu.memref_slice %arg8[%dma_wait3A, %dma_wait3A_86] : memref<250x40xi32, #tpu.memory_space<vmem>> -> memref<1x40xi32, #tpu.memory_space<vmem>>
    %dma_wait3A_88 = tpu.memref_squeeze %dma_wait3A_87 : memref<1x40xi32, #tpu.memory_space<vmem>> -> memref<40xi32, #tpu.memory_space<vmem>>
    %dma_wait3A_89 = arith.constant 0 : i32
    %dma_wait3A_90 = arith.constant 0 : i32
    %dma_wait3A_91 = tpu.memref_slice %arg17[%dma_wait3A_89, %dma_wait3A_90] : memref<10000x144xf32, #tpu.memory_space<vmem_shared>> -> memref<10000x144xf32, #tpu.memory_space<vmem_shared>>
    tpu.wait_indirect_dma semaphore(%arg16 : memref<!tpu.dma_semaphore, #tpu.memory_space<semaphore_mem>>) src(%arg13 : memref<40x144xf32, #tpu.memory_space<vmem>>) dst(%dma_wait3A_91 : memref<10000x144xf32, #tpu.memory_space<vmem_shared>>)
    %barrier3A_92 = arith.constant 0 : index
    tpu.barrier barrier_id(%barrier3A_92)
    %add3A_93 = arith.constant 0 : i32
    %add3A_94 = arith.addi %mul3A_7, %add3A_93 : i32
    %add3A_95 = arith.constant 0 : i32
    %add3A_96 = arith.addi %mul3A_7, %add3A_95 : i32
    "tpu.region"() ({
      %run_scoped3A = tpu.sem_alloc : memref<!tpu.dma_semaphore, #tpu.memory_space<semaphore_mem>>
      %dma_start3A_162 = arith.constant 0 : i32
      %dma_start3A_163 = tpu.memref_slice %arg6[%arg0, %add3A_96, %dma_start3A_162] : memref<2x10000x144xf32, #tpu.memory_space<hbm>> -> memref<1x40x144xf32, #tpu.memory_space<hbm>>
      %dma_start3A_164 = tpu.memref_squeeze %dma_start3A_163 : memref<1x40x144xf32, #tpu.memory_space<hbm>> -> memref<40x144xf32, #tpu.memory_space<hbm>>
      %dma_start3A_165 = arith.constant 0 : i32
      %dma_start3A_166 = tpu.memref_slice %arg17[%add3A_94, %dma_start3A_165] : memref<10000x144xf32, #tpu.memory_space<vmem_shared>> -> memref<40x144xf32, #tpu.memory_space<vmem_shared>>
      tpu.enqueue_dma source(%dma_start3A_166 : memref<40x144xf32, #tpu.memory_space<vmem_shared>>) target(%dma_start3A_164 : memref<40x144xf32, #tpu.memory_space<hbm>>) target_semaphore(%run_scoped3A : memref<!tpu.dma_semaphore, #tpu.memory_space<semaphore_mem>>)
      %dma_wait3A_167 = arith.constant 0 : i32
      %dma_wait3A_168 = tpu.memref_slice %arg6[%arg0, %add3A_96, %dma_wait3A_167] : memref<2x10000x144xf32, #tpu.memory_space<hbm>> -> memref<1x40x144xf32, #tpu.memory_space<hbm>>
      %dma_wait3A_169 = tpu.memref_squeeze %dma_wait3A_168 : memref<1x40x144xf32, #tpu.memory_space<hbm>> -> memref<40x144xf32, #tpu.memory_space<hbm>>
      %dma_wait3A_170 = arith.constant 0 : i32
      %dma_wait3A_171 = tpu.memref_slice %arg17[%add3A_94, %dma_wait3A_170] : memref<10000x144xf32, #tpu.memory_space<vmem_shared>> -> memref<40x144xf32, #tpu.memory_space<vmem_shared>>
      tpu.wait_dma2 semaphore(%run_scoped3A : memref<!tpu.dma_semaphore, #tpu.memory_space<semaphore_mem>>) src(%dma_wait3A_171 : memref<40x144xf32, #tpu.memory_space<vmem_shared>>) dst(%dma_wait3A_169 : memref<40x144xf32, #tpu.memory_space<hbm>>)
      tpu.yield
    }) : () -> ()
    %add3A_97 = arith.constant 40 : i32
    %add3A_98 = arith.addi %mul3A_7, %add3A_97 : i32
    %add3A_99 = arith.constant 40 : i32
    %add3A_100 = arith.addi %mul3A_7, %add3A_99 : i32
    "tpu.region"() ({
      %run_scoped3A = tpu.sem_alloc : memref<!tpu.dma_semaphore, #tpu.memory_space<semaphore_mem>>
      %dma_start3A_162 = arith.constant 0 : i32
      %dma_start3A_163 = tpu.memref_slice %arg6[%arg0, %add3A_100, %dma_start3A_162] : memref<2x10000x144xf32, #tpu.memory_space<hbm>> -> memref<1x40x144xf32, #tpu.memory_space<hbm>>
      %dma_start3A_164 = tpu.memref_squeeze %dma_start3A_163 : memref<1x40x144xf32, #tpu.memory_space<hbm>> -> memref<40x144xf32, #tpu.memory_space<hbm>>
      %dma_start3A_165 = arith.constant 0 : i32
      %dma_start3A_166 = tpu.memref_slice %arg17[%add3A_98, %dma_start3A_165] : memref<10000x144xf32, #tpu.memory_space<vmem_shared>> -> memref<40x144xf32, #tpu.memory_space<vmem_shared>>
      tpu.enqueue_dma source(%dma_start3A_166 : memref<40x144xf32, #tpu.memory_space<vmem_shared>>) target(%dma_start3A_164 : memref<40x144xf32, #tpu.memory_space<hbm>>) target_semaphore(%run_scoped3A : memref<!tpu.dma_semaphore, #tpu.memory_space<semaphore_mem>>)
      %dma_wait3A_167 = arith.constant 0 : i32
      %dma_wait3A_168 = tpu.memref_slice %arg6[%arg0, %add3A_100, %dma_wait3A_167] : memref<2x10000x144xf32, #tpu.memory_space<hbm>> -> memref<1x40x144xf32, #tpu.memory_space<hbm>>
      %dma_wait3A_169 = tpu.memref_squeeze %dma_wait3A_168 : memref<1x40x144xf32, #tpu.memory_space<hbm>> -> memref<40x144xf32, #tpu.memory_space<hbm>>
      %dma_wait3A_170 = arith.constant 0 : i32
      %dma_wait3A_171 = tpu.memref_slice %arg17[%add3A_98, %dma_wait3A_170] : memref<10000x144xf32, #tpu.memory_space<vmem_shared>> -> memref<40x144xf32, #tpu.memory_space<vmem_shared>>
      tpu.wait_dma2 semaphore(%run_scoped3A : memref<!tpu.dma_semaphore, #tpu.memory_space<semaphore_mem>>) src(%dma_wait3A_171 : memref<40x144xf32, #tpu.memory_space<vmem_shared>>) dst(%dma_wait3A_169 : memref<40x144xf32, #tpu.memory_space<hbm>>)
      tpu.yield
    }) : () -> ()
    %add3A_101 = arith.constant 80 : i32
    %add3A_102 = arith.addi %mul3A_7, %add3A_101 : i32
    %add3A_103 = arith.constant 80 : i32
    %add3A_104 = arith.addi %mul3A_7, %add3A_103 : i32
    "tpu.region"() ({
      %run_scoped3A = tpu.sem_alloc : memref<!tpu.dma_semaphore, #tpu.memory_space<semaphore_mem>>
      %dma_start3A_162 = arith.constant 0 : i32
      %dma_start3A_163 = tpu.memref_slice %arg6[%arg0, %add3A_104, %dma_start3A_162] : memref<2x10000x144xf32, #tpu.memory_space<hbm>> -> memref<1x40x144xf32, #tpu.memory_space<hbm>>
      %dma_start3A_164 = tpu.memref_squeeze %dma_start3A_163 : memref<1x40x144xf32, #tpu.memory_space<hbm>> -> memref<40x144xf32, #tpu.memory_space<hbm>>
      %dma_start3A_165 = arith.constant 0 : i32
      %dma_start3A_166 = tpu.memref_slice %arg17[%add3A_102, %dma_start3A_165] : memref<10000x144xf32, #tpu.memory_space<vmem_shared>> -> memref<40x144xf32, #tpu.memory_space<vmem_shared>>
      tpu.enqueue_dma source(%dma_start3A_166 : memref<40x144xf32, #tpu.memory_space<vmem_shared>>) target(%dma_start3A_164 : memref<40x144xf32, #tpu.memory_space<hbm>>) target_semaphore(%run_scoped3A : memref<!tpu.dma_semaphore, #tpu.memory_space<semaphore_mem>>)
      %dma_wait3A_167 = arith.constant 0 : i32
      %dma_wait3A_168 = tpu.memref_slice %arg6[%arg0, %add3A_104, %dma_wait3A_167] : memref<2x10000x144xf32, #tpu.memory_space<hbm>> -> memref<1x40x144xf32, #tpu.memory_space<hbm>>
      %dma_wait3A_169 = tpu.memref_squeeze %dma_wait3A_168 : memref<1x40x144xf32, #tpu.memory_space<hbm>> -> memref<40x144xf32, #tpu.memory_space<hbm>>
      %dma_wait3A_170 = arith.constant 0 : i32
      %dma_wait3A_171 = tpu.memref_slice %arg17[%add3A_102, %dma_wait3A_170] : memref<10000x144xf32, #tpu.memory_space<vmem_shared>> -> memref<40x144xf32, #tpu.memory_space<vmem_shared>>
      tpu.wait_dma2 semaphore(%run_scoped3A : memref<!tpu.dma_semaphore, #tpu.memory_space<semaphore_mem>>) src(%dma_wait3A_171 : memref<40x144xf32, #tpu.memory_space<vmem_shared>>) dst(%dma_wait3A_169 : memref<40x144xf32, #tpu.memory_space<hbm>>)
      tpu.yield
    }) : () -> ()
    %add3A_105 = arith.constant 120 : i32
    %add3A_106 = arith.addi %mul3A_7, %add3A_105 : i32
    %add3A_107 = arith.constant 120 : i32
    %add3A_108 = arith.addi %mul3A_7, %add3A_107 : i32
    "tpu.region"() ({
      %run_scoped3A = tpu.sem_alloc : memref<!tpu.dma_semaphore, #tpu.memory_space<semaphore_mem>>
      %dma_start3A_162 = arith.constant 0 : i32
      %dma_start3A_163 = tpu.memref_slice %arg6[%arg0, %add3A_108, %dma_start3A_162] : memref<2x10000x144xf32, #tpu.memory_space<hbm>> -> memref<1x40x144xf32, #tpu.memory_space<hbm>>
      %dma_start3A_164 = tpu.memref_squeeze %dma_start3A_163 : memref<1x40x144xf32, #tpu.memory_space<hbm>> -> memref<40x144xf32, #tpu.memory_space<hbm>>
      %dma_start3A_165 = arith.constant 0 : i32
      %dma_start3A_166 = tpu.memref_slice %arg17[%add3A_106, %dma_start3A_165] : memref<10000x144xf32, #tpu.memory_space<vmem_shared>> -> memref<40x144xf32, #tpu.memory_space<vmem_shared>>
      tpu.enqueue_dma source(%dma_start3A_166 : memref<40x144xf32, #tpu.memory_space<vmem_shared>>) target(%dma_start3A_164 : memref<40x144xf32, #tpu.memory_space<hbm>>) target_semaphore(%run_scoped3A : memref<!tpu.dma_semaphore, #tpu.memory_space<semaphore_mem>>)
      %dma_wait3A_167 = arith.constant 0 : i32
      %dma_wait3A_168 = tpu.memref_slice %arg6[%arg0, %add3A_108, %dma_wait3A_167] : memref<2x10000x144xf32, #tpu.memory_space<hbm>> -> memref<1x40x144xf32, #tpu.memory_space<hbm>>
      %dma_wait3A_169 = tpu.memref_squeeze %dma_wait3A_168 : memref<1x40x144xf32, #tpu.memory_space<hbm>> -> memref<40x144xf32, #tpu.memory_space<hbm>>
      %dma_wait3A_170 = arith.constant 0 : i32
      %dma_wait3A_171 = tpu.memref_slice %arg17[%add3A_106, %dma_wait3A_170] : memref<10000x144xf32, #tpu.memory_space<vmem_shared>> -> memref<40x144xf32, #tpu.memory_space<vmem_shared>>
      tpu.wait_dma2 semaphore(%run_scoped3A : memref<!tpu.dma_semaphore, #tpu.memory_space<semaphore_mem>>) src(%dma_wait3A_171 : memref<40x144xf32, #tpu.memory_space<vmem_shared>>) dst(%dma_wait3A_169 : memref<40x144xf32, #tpu.memory_space<hbm>>)
      tpu.yield
    }) : () -> ()
    %add3A_109 = arith.constant 160 : i32
    %add3A_110 = arith.addi %mul3A_7, %add3A_109 : i32
    %add3A_111 = arith.constant 160 : i32
    %add3A_112 = arith.addi %mul3A_7, %add3A_111 : i32
    "tpu.region"() ({
      %run_scoped3A = tpu.sem_alloc : memref<!tpu.dma_semaphore, #tpu.memory_space<semaphore_mem>>
      %dma_start3A_162 = arith.constant 0 : i32
      %dma_start3A_163 = tpu.memref_slice %arg6[%arg0, %add3A_112, %dma_start3A_162] : memref<2x10000x144xf32, #tpu.memory_space<hbm>> -> memref<1x40x144xf32, #tpu.memory_space<hbm>>
      %dma_start3A_164 = tpu.memref_squeeze %dma_start3A_163 : memref<1x40x144xf32, #tpu.memory_space<hbm>> -> memref<40x144xf32, #tpu.memory_space<hbm>>
      %dma_start3A_165 = arith.constant 0 : i32
      %dma_start3A_166 = tpu.memref_slice %arg17[%add3A_110, %dma_start3A_165] : memref<10000x144xf32, #tpu.memory_space<vmem_shared>> -> memref<40x144xf32, #tpu.memory_space<vmem_shared>>
      tpu.enqueue_dma source(%dma_start3A_166 : memref<40x144xf32, #tpu.memory_space<vmem_shared>>) target(%dma_start3A_164 : memref<40x144xf32, #tpu.memory_space<hbm>>) target_semaphore(%run_scoped3A : memref<!tpu.dma_semaphore, #tpu.memory_space<semaphore_mem>>)
      %dma_wait3A_167 = arith.constant 0 : i32
      %dma_wait3A_168 = tpu.memref_slice %arg6[%arg0, %add3A_112, %dma_wait3A_167] : memref<2x10000x144xf32, #tpu.memory_space<hbm>> -> memref<1x40x144xf32, #tpu.memory_space<hbm>>
      %dma_wait3A_169 = tpu.memref_squeeze %dma_wait3A_168 : memref<1x40x144xf32, #tpu.memory_space<hbm>> -> memref<40x144xf32, #tpu.memory_space<hbm>>
      %dma_wait3A_170 = arith.constant 0 : i32
      %dma_wait3A_171 = tpu.memref_slice %arg17[%add3A_110, %dma_wait3A_170] : memref<10000x144xf32, #tpu.memory_space<vmem_shared>> -> memref<40x144xf32, #tpu.memory_space<vmem_shared>>
      tpu.wait_dma2 semaphore(%run_scoped3A : memref<!tpu.dma_semaphore, #tpu.memory_space<semaphore_mem>>) src(%dma_wait3A_171 : memref<40x144xf32, #tpu.memory_space<vmem_shared>>) dst(%dma_wait3A_169 : memref<40x144xf32, #tpu.memory_space<hbm>>)
      tpu.yield
    }) : () -> ()
    %add3A_113 = arith.constant 200 : i32
    %add3A_114 = arith.addi %mul3A_7, %add3A_113 : i32
    %add3A_115 = arith.constant 200 : i32
    %add3A_116 = arith.addi %mul3A_7, %add3A_115 : i32
    "tpu.region"() ({
      %run_scoped3A = tpu.sem_alloc : memref<!tpu.dma_semaphore, #tpu.memory_space<semaphore_mem>>
      %dma_start3A_162 = arith.constant 0 : i32
      %dma_start3A_163 = tpu.memref_slice %arg6[%arg0, %add3A_116, %dma_start3A_162] : memref<2x10000x144xf32, #tpu.memory_space<hbm>> -> memref<1x40x144xf32, #tpu.memory_space<hbm>>
      %dma_start3A_164 = tpu.memref_squeeze %dma_start3A_163 : memref<1x40x144xf32, #tpu.memory_space<hbm>> -> memref<40x144xf32, #tpu.memory_space<hbm>>
      %dma_start3A_165 = arith.constant 0 : i32
      %dma_start3A_166 = tpu.memref_slice %arg17[%add3A_114, %dma_start3A_165] : memref<10000x144xf32, #tpu.memory_space<vmem_shared>> -> memref<40x144xf32, #tpu.memory_space<vmem_shared>>
      tpu.enqueue_dma source(%dma_start3A_166 : memref<40x144xf32, #tpu.memory_space<vmem_shared>>) target(%dma_start3A_164 : memref<40x144xf32, #tpu.memory_space<hbm>>) target_semaphore(%run_scoped3A : memref<!tpu.dma_semaphore, #tpu.memory_space<semaphore_mem>>)
      %dma_wait3A_167 = arith.constant 0 : i32
      %dma_wait3A_168 = tpu.memref_slice %arg6[%arg0, %add3A_116, %dma_wait3A_167] : memref<2x10000x144xf32, #tpu.memory_space<hbm>> -> memref<1x40x144xf32, #tpu.memory_space<hbm>>
      %dma_wait3A_169 = tpu.memref_squeeze %dma_wait3A_168 : memref<1x40x144xf32, #tpu.memory_space<hbm>> -> memref<40x144xf32, #tpu.memory_space<hbm>>
      %dma_wait3A_170 = arith.constant 0 : i32
      %dma_wait3A_171 = tpu.memref_slice %arg17[%add3A_114, %dma_wait3A_170] : memref<10000x144xf32, #tpu.memory_space<vmem_shared>> -> memref<40x144xf32, #tpu.memory_space<vmem_shared>>
      tpu.wait_dma2 semaphore(%run_scoped3A : memref<!tpu.dma_semaphore, #tpu.memory_space<semaphore_mem>>) src(%dma_wait3A_171 : memref<40x144xf32, #tpu.memory_space<vmem_shared>>) dst(%dma_wait3A_169 : memref<40x144xf32, #tpu.memory_space<hbm>>)
      tpu.yield
    }) : () -> ()
    %add3A_117 = arith.constant 240 : i32
    %add3A_118 = arith.addi %mul3A_7, %add3A_117 : i32
    %add3A_119 = arith.constant 240 : i32
    %add3A_120 = arith.addi %mul3A_7, %add3A_119 : i32
    "tpu.region"() ({
      %run_scoped3A = tpu.sem_alloc : memref<!tpu.dma_semaphore, #tpu.memory_space<semaphore_mem>>
      %dma_start3A_162 = arith.constant 0 : i32
      %dma_start3A_163 = tpu.memref_slice %arg6[%arg0, %add3A_120, %dma_start3A_162] : memref<2x10000x144xf32, #tpu.memory_space<hbm>> -> memref<1x40x144xf32, #tpu.memory_space<hbm>>
      %dma_start3A_164 = tpu.memref_squeeze %dma_start3A_163 : memref<1x40x144xf32, #tpu.memory_space<hbm>> -> memref<40x144xf32, #tpu.memory_space<hbm>>
      %dma_start3A_165 = arith.constant 0 : i32
      %dma_start3A_166 = tpu.memref_slice %arg17[%add3A_118, %dma_start3A_165] : memref<10000x144xf32, #tpu.memory_space<vmem_shared>> -> memref<40x144xf32, #tpu.memory_space<vmem_shared>>
      tpu.enqueue_dma source(%dma_start3A_166 : memref<40x144xf32, #tpu.memory_space<vmem_shared>>) target(%dma_start3A_164 : memref<40x144xf32, #tpu.memory_space<hbm>>) target_semaphore(%run_scoped3A : memref<!tpu.dma_semaphore, #tpu.memory_space<semaphore_mem>>)
      %dma_wait3A_167 = arith.constant 0 : i32
      %dma_wait3A_168 = tpu.memref_slice %arg6[%arg0, %add3A_120, %dma_wait3A_167] : memref<2x10000x144xf32, #tpu.memory_space<hbm>> -> memref<1x40x144xf32, #tpu.memory_space<hbm>>
      %dma_wait3A_169 = tpu.memref_squeeze %dma_wait3A_168 : memref<1x40x144xf32, #tpu.memory_space<hbm>> -> memref<40x144xf32, #tpu.memory_space<hbm>>
      %dma_wait3A_170 = arith.constant 0 : i32
      %dma_wait3A_171 = tpu.memref_slice %arg17[%add3A_118, %dma_wait3A_170] : memref<10000x144xf32, #tpu.memory_space<vmem_shared>> -> memref<40x144xf32, #tpu.memory_space<vmem_shared>>
      tpu.wait_dma2 semaphore(%run_scoped3A : memref<!tpu.dma_semaphore, #tpu.memory_space<semaphore_mem>>) src(%dma_wait3A_171 : memref<40x144xf32, #tpu.memory_space<vmem_shared>>) dst(%dma_wait3A_169 : memref<40x144xf32, #tpu.memory_space<hbm>>)
      tpu.yield
    }) : () -> ()
    %add3A_121 = arith.constant 280 : i32
    %add3A_122 = arith.addi %mul3A_7, %add3A_121 : i32
    %add3A_123 = arith.constant 280 : i32
    %add3A_124 = arith.addi %mul3A_7, %add3A_123 : i32
    "tpu.region"() ({
      %run_scoped3A = tpu.sem_alloc : memref<!tpu.dma_semaphore, #tpu.memory_space<semaphore_mem>>
      %dma_start3A_162 = arith.constant 0 : i32
      %dma_start3A_163 = tpu.memref_slice %arg6[%arg0, %add3A_124, %dma_start3A_162] : memref<2x10000x144xf32, #tpu.memory_space<hbm>> -> memref<1x40x144xf32, #tpu.memory_space<hbm>>
      %dma_start3A_164 = tpu.memref_squeeze %dma_start3A_163 : memref<1x40x144xf32, #tpu.memory_space<hbm>> -> memref<40x144xf32, #tpu.memory_space<hbm>>
      %dma_start3A_165 = arith.constant 0 : i32
      %dma_start3A_166 = tpu.memref_slice %arg17[%add3A_122, %dma_start3A_165] : memref<10000x144xf32, #tpu.memory_space<vmem_shared>> -> memref<40x144xf32, #tpu.memory_space<vmem_shared>>
      tpu.enqueue_dma source(%dma_start3A_166 : memref<40x144xf32, #tpu.memory_space<vmem_shared>>) target(%dma_start3A_164 : memref<40x144xf32, #tpu.memory_space<hbm>>) target_semaphore(%run_scoped3A : memref<!tpu.dma_semaphore, #tpu.memory_space<semaphore_mem>>)
      %dma_wait3A_167 = arith.constant 0 : i32
      %dma_wait3A_168 = tpu.memref_slice %arg6[%arg0, %add3A_124, %dma_wait3A_167] : memref<2x10000x144xf32, #tpu.memory_space<hbm>> -> memref<1x40x144xf32, #tpu.memory_space<hbm>>
      %dma_wait3A_169 = tpu.memref_squeeze %dma_wait3A_168 : memref<1x40x144xf32, #tpu.memory_space<hbm>> -> memref<40x144xf32, #tpu.memory_space<hbm>>
      %dma_wait3A_170 = arith.constant 0 : i32
      %dma_wait3A_171 = tpu.memref_slice %arg17[%add3A_122, %dma_wait3A_170] : memref<10000x144xf32, #tpu.memory_space<vmem_shared>> -> memref<40x144xf32, #tpu.memory_space<vmem_shared>>
      tpu.wait_dma2 semaphore(%run_scoped3A : memref<!tpu.dma_semaphore, #tpu.memory_space<semaphore_mem>>) src(%dma_wait3A_171 : memref<40x144xf32, #tpu.memory_space<vmem_shared>>) dst(%dma_wait3A_169 : memref<40x144xf32, #tpu.memory_space<hbm>>)
      tpu.yield
    }) : () -> ()
    %add3A_125 = arith.constant 320 : i32
    %add3A_126 = arith.addi %mul3A_7, %add3A_125 : i32
    %add3A_127 = arith.constant 320 : i32
    %add3A_128 = arith.addi %mul3A_7, %add3A_127 : i32
    "tpu.region"() ({
      %run_scoped3A = tpu.sem_alloc : memref<!tpu.dma_semaphore, #tpu.memory_space<semaphore_mem>>
      %dma_start3A_162 = arith.constant 0 : i32
      %dma_start3A_163 = tpu.memref_slice %arg6[%arg0, %add3A_128, %dma_start3A_162] : memref<2x10000x144xf32, #tpu.memory_space<hbm>> -> memref<1x40x144xf32, #tpu.memory_space<hbm>>
      %dma_start3A_164 = tpu.memref_squeeze %dma_start3A_163 : memref<1x40x144xf32, #tpu.memory_space<hbm>> -> memref<40x144xf32, #tpu.memory_space<hbm>>
      %dma_start3A_165 = arith.constant 0 : i32
      %dma_start3A_166 = tpu.memref_slice %arg17[%add3A_126, %dma_start3A_165] : memref<10000x144xf32, #tpu.memory_space<vmem_shared>> -> memref<40x144xf32, #tpu.memory_space<vmem_shared>>
      tpu.enqueue_dma source(%dma_start3A_166 : memref<40x144xf32, #tpu.memory_space<vmem_shared>>) target(%dma_start3A_164 : memref<40x144xf32, #tpu.memory_space<hbm>>) target_semaphore(%run_scoped3A : memref<!tpu.dma_semaphore, #tpu.memory_space<semaphore_mem>>)
      %dma_wait3A_167 = arith.constant 0 : i32
      %dma_wait3A_168 = tpu.memref_slice %arg6[%arg0, %add3A_128, %dma_wait3A_167] : memref<2x10000x144xf32, #tpu.memory_space<hbm>> -> memref<1x40x144xf32, #tpu.memory_space<hbm>>
      %dma_wait3A_169 = tpu.memref_squeeze %dma_wait3A_168 : memref<1x40x144xf32, #tpu.memory_space<hbm>> -> memref<40x144xf32, #tpu.memory_space<hbm>>
      %dma_wait3A_170 = arith.constant 0 : i32
      %dma_wait3A_171 = tpu.memref_slice %arg17[%add3A_126, %dma_wait3A_170] : memref<10000x144xf32, #tpu.memory_space<vmem_shared>> -> memref<40x144xf32, #tpu.memory_space<vmem_shared>>
      tpu.wait_dma2 semaphore(%run_scoped3A : memref<!tpu.dma_semaphore, #tpu.memory_space<semaphore_mem>>) src(%dma_wait3A_171 : memref<40x144xf32, #tpu.memory_space<vmem_shared>>) dst(%dma_wait3A_169 : memref<40x144xf32, #tpu.memory_space<hbm>>)
      tpu.yield
    }) : () -> ()
    %add3A_129 = arith.constant 360 : i32
    %add3A_130 = arith.addi %mul3A_7, %add3A_129 : i32
    %add3A_131 = arith.constant 360 : i32
    %add3A_132 = arith.addi %mul3A_7, %add3A_131 : i32
    "tpu.region"() ({
      %run_scoped3A = tpu.sem_alloc : memref<!tpu.dma_semaphore, #tpu.memory_space<semaphore_mem>>
      %dma_start3A_162 = arith.constant 0 : i32
      %dma_start3A_163 = tpu.memref_slice %arg6[%arg0, %add3A_132, %dma_start3A_162] : memref<2x10000x144xf32, #tpu.memory_space<hbm>> -> memref<1x40x144xf32, #tpu.memory_space<hbm>>
      %dma_start3A_164 = tpu.memref_squeeze %dma_start3A_163 : memref<1x40x144xf32, #tpu.memory_space<hbm>> -> memref<40x144xf32, #tpu.memory_space<hbm>>
      %dma_start3A_165 = arith.constant 0 : i32
      %dma_start3A_166 = tpu.memref_slice %arg17[%add3A_130, %dma_start3A_165] : memref<10000x144xf32, #tpu.memory_space<vmem_shared>> -> memref<40x144xf32, #tpu.memory_space<vmem_shared>>
      tpu.enqueue_dma source(%dma_start3A_166 : memref<40x144xf32, #tpu.memory_space<vmem_shared>>) target(%dma_start3A_164 : memref<40x144xf32, #tpu.memory_space<hbm>>) target_semaphore(%run_scoped3A : memref<!tpu.dma_semaphore, #tpu.memory_space<semaphore_mem>>)
      %dma_wait3A_167 = arith.constant 0 : i32
      %dma_wait3A_168 = tpu.memref_slice %arg6[%arg0, %add3A_132, %dma_wait3A_167] : memref<2x10000x144xf32, #tpu.memory_space<hbm>> -> memref<1x40x144xf32, #tpu.memory_space<hbm>>
      %dma_wait3A_169 = tpu.memref_squeeze %dma_wait3A_168 : memref<1x40x144xf32, #tpu.memory_space<hbm>> -> memref<40x144xf32, #tpu.memory_space<hbm>>
      %dma_wait3A_170 = arith.constant 0 : i32
      %dma_wait3A_171 = tpu.memref_slice %arg17[%add3A_130, %dma_wait3A_170] : memref<10000x144xf32, #tpu.memory_space<vmem_shared>> -> memref<40x144xf32, #tpu.memory_space<vmem_shared>>
      tpu.wait_dma2 semaphore(%run_scoped3A : memref<!tpu.dma_semaphore, #tpu.memory_space<semaphore_mem>>) src(%dma_wait3A_171 : memref<40x144xf32, #tpu.memory_space<vmem_shared>>) dst(%dma_wait3A_169 : memref<40x144xf32, #tpu.memory_space<hbm>>)
      tpu.yield
    }) : () -> ()
    %add3A_133 = arith.constant 400 : i32
    %add3A_134 = arith.addi %mul3A_7, %add3A_133 : i32
    %add3A_135 = arith.constant 400 : i32
    %add3A_136 = arith.addi %mul3A_7, %add3A_135 : i32
    "tpu.region"() ({
      %run_scoped3A = tpu.sem_alloc : memref<!tpu.dma_semaphore, #tpu.memory_space<semaphore_mem>>
      %dma_start3A_162 = arith.constant 0 : i32
      %dma_start3A_163 = tpu.memref_slice %arg6[%arg0, %add3A_136, %dma_start3A_162] : memref<2x10000x144xf32, #tpu.memory_space<hbm>> -> memref<1x40x144xf32, #tpu.memory_space<hbm>>
      %dma_start3A_164 = tpu.memref_squeeze %dma_start3A_163 : memref<1x40x144xf32, #tpu.memory_space<hbm>> -> memref<40x144xf32, #tpu.memory_space<hbm>>
      %dma_start3A_165 = arith.constant 0 : i32
      %dma_start3A_166 = tpu.memref_slice %arg17[%add3A_134, %dma_start3A_165] : memref<10000x144xf32, #tpu.memory_space<vmem_shared>> -> memref<40x144xf32, #tpu.memory_space<vmem_shared>>
      tpu.enqueue_dma source(%dma_start3A_166 : memref<40x144xf32, #tpu.memory_space<vmem_shared>>) target(%dma_start3A_164 : memref<40x144xf32, #tpu.memory_space<hbm>>) target_semaphore(%run_scoped3A : memref<!tpu.dma_semaphore, #tpu.memory_space<semaphore_mem>>)
      %dma_wait3A_167 = arith.constant 0 : i32
      %dma_wait3A_168 = tpu.memref_slice %arg6[%arg0, %add3A_136, %dma_wait3A_167] : memref<2x10000x144xf32, #tpu.memory_space<hbm>> -> memref<1x40x144xf32, #tpu.memory_space<hbm>>
      %dma_wait3A_169 = tpu.memref_squeeze %dma_wait3A_168 : memref<1x40x144xf32, #tpu.memory_space<hbm>> -> memref<40x144xf32, #tpu.memory_space<hbm>>
      %dma_wait3A_170 = arith.constant 0 : i32
      %dma_wait3A_171 = tpu.memref_slice %arg17[%add3A_134, %dma_wait3A_170] : memref<10000x144xf32, #tpu.memory_space<vmem_shared>> -> memref<40x144xf32, #tpu.memory_space<vmem_shared>>
      tpu.wait_dma2 semaphore(%run_scoped3A : memref<!tpu.dma_semaphore, #tpu.memory_space<semaphore_mem>>) src(%dma_wait3A_171 : memref<40x144xf32, #tpu.memory_space<vmem_shared>>) dst(%dma_wait3A_169 : memref<40x144xf32, #tpu.memory_space<hbm>>)
      tpu.yield
    }) : () -> ()
    %add3A_137 = arith.constant 440 : i32
    %add3A_138 = arith.addi %mul3A_7, %add3A_137 : i32
    %add3A_139 = arith.constant 440 : i32
    %add3A_140 = arith.addi %mul3A_7, %add3A_139 : i32
    "tpu.region"() ({
      %run_scoped3A = tpu.sem_alloc : memref<!tpu.dma_semaphore, #tpu.memory_space<semaphore_mem>>
      %dma_start3A_162 = arith.constant 0 : i32
      %dma_start3A_163 = tpu.memref_slice %arg6[%arg0, %add3A_140, %dma_start3A_162] : memref<2x10000x144xf32, #tpu.memory_space<hbm>> -> memref<1x40x144xf32, #tpu.memory_space<hbm>>
      %dma_start3A_164 = tpu.memref_squeeze %dma_start3A_163 : memref<1x40x144xf32, #tpu.memory_space<hbm>> -> memref<40x144xf32, #tpu.memory_space<hbm>>
      %dma_start3A_165 = arith.constant 0 : i32
      %dma_start3A_166 = tpu.memref_slice %arg17[%add3A_138, %dma_start3A_165] : memref<10000x144xf32, #tpu.memory_space<vmem_shared>> -> memref<40x144xf32, #tpu.memory_space<vmem_shared>>
      tpu.enqueue_dma source(%dma_start3A_166 : memref<40x144xf32, #tpu.memory_space<vmem_shared>>) target(%dma_start3A_164 : memref<40x144xf32, #tpu.memory_space<hbm>>) target_semaphore(%run_scoped3A : memref<!tpu.dma_semaphore, #tpu.memory_space<semaphore_mem>>)
      %dma_wait3A_167 = arith.constant 0 : i32
      %dma_wait3A_168 = tpu.memref_slice %arg6[%arg0, %add3A_140, %dma_wait3A_167] : memref<2x10000x144xf32, #tpu.memory_space<hbm>> -> memref<1x40x144xf32, #tpu.memory_space<hbm>>
      %dma_wait3A_169 = tpu.memref_squeeze %dma_wait3A_168 : memref<1x40x144xf32, #tpu.memory_space<hbm>> -> memref<40x144xf32, #tpu.memory_space<hbm>>
      %dma_wait3A_170 = arith.constant 0 : i32
      %dma_wait3A_171 = tpu.memref_slice %arg17[%add3A_138, %dma_wait3A_170] : memref<10000x144xf32, #tpu.memory_space<vmem_shared>> -> memref<40x144xf32, #tpu.memory_space<vmem_shared>>
      tpu.wait_dma2 semaphore(%run_scoped3A : memref<!tpu.dma_semaphore, #tpu.memory_space<semaphore_mem>>) src(%dma_wait3A_171 : memref<40x144xf32, #tpu.memory_space<vmem_shared>>) dst(%dma_wait3A_169 : memref<40x144xf32, #tpu.memory_space<hbm>>)
      tpu.yield
    }) : () -> ()
    %add3A_141 = arith.constant 480 : i32
    %add3A_142 = arith.addi %mul3A_7, %add3A_141 : i32
    %add3A_143 = arith.constant 480 : i32
    %add3A_144 = arith.addi %mul3A_7, %add3A_143 : i32
    "tpu.region"() ({
      %run_scoped3A = tpu.sem_alloc : memref<!tpu.dma_semaphore, #tpu.memory_space<semaphore_mem>>
      %dma_start3A_162 = arith.constant 0 : i32
      %dma_start3A_163 = tpu.memref_slice %arg6[%arg0, %add3A_144, %dma_start3A_162] : memref<2x10000x144xf32, #tpu.memory_space<hbm>> -> memref<1x40x144xf32, #tpu.memory_space<hbm>>
      %dma_start3A_164 = tpu.memref_squeeze %dma_start3A_163 : memref<1x40x144xf32, #tpu.memory_space<hbm>> -> memref<40x144xf32, #tpu.memory_space<hbm>>
      %dma_start3A_165 = arith.constant 0 : i32
      %dma_start3A_166 = tpu.memref_slice %arg17[%add3A_142, %dma_start3A_165] : memref<10000x144xf32, #tpu.memory_space<vmem_shared>> -> memref<40x144xf32, #tpu.memory_space<vmem_shared>>
      tpu.enqueue_dma source(%dma_start3A_166 : memref<40x144xf32, #tpu.memory_space<vmem_shared>>) target(%dma_start3A_164 : memref<40x144xf32, #tpu.memory_space<hbm>>) target_semaphore(%run_scoped3A : memref<!tpu.dma_semaphore, #tpu.memory_space<semaphore_mem>>)
      %dma_wait3A_167 = arith.constant 0 : i32
      %dma_wait3A_168 = tpu.memref_slice %arg6[%arg0, %add3A_144, %dma_wait3A_167] : memref<2x10000x144xf32, #tpu.memory_space<hbm>> -> memref<1x40x144xf32, #tpu.memory_space<hbm>>
      %dma_wait3A_169 = tpu.memref_squeeze %dma_wait3A_168 : memref<1x40x144xf32, #tpu.memory_space<hbm>> -> memref<40x144xf32, #tpu.memory_space<hbm>>
      %dma_wait3A_170 = arith.constant 0 : i32
      %dma_wait3A_171 = tpu.memref_slice %arg17[%add3A_142, %dma_wait3A_170] : memref<10000x144xf32, #tpu.memory_space<vmem_shared>> -> memref<40x144xf32, #tpu.memory_space<vmem_shared>>
      tpu.wait_dma2 semaphore(%run_scoped3A : memref<!tpu.dma_semaphore, #tpu.memory_space<semaphore_mem>>) src(%dma_wait3A_171 : memref<40x144xf32, #tpu.memory_space<vmem_shared>>) dst(%dma_wait3A_169 : memref<40x144xf32, #tpu.memory_space<hbm>>)
      tpu.yield
    }) : () -> ()
    %add3A_145 = arith.constant 520 : i32
    %add3A_146 = arith.addi %mul3A_7, %add3A_145 : i32
    %add3A_147 = arith.constant 520 : i32
    %add3A_148 = arith.addi %mul3A_7, %add3A_147 : i32
    "tpu.region"() ({
      %run_scoped3A = tpu.sem_alloc : memref<!tpu.dma_semaphore, #tpu.memory_space<semaphore_mem>>
      %dma_start3A_162 = arith.constant 0 : i32
      %dma_start3A_163 = tpu.memref_slice %arg6[%arg0, %add3A_148, %dma_start3A_162] : memref<2x10000x144xf32, #tpu.memory_space<hbm>> -> memref<1x40x144xf32, #tpu.memory_space<hbm>>
      %dma_start3A_164 = tpu.memref_squeeze %dma_start3A_163 : memref<1x40x144xf32, #tpu.memory_space<hbm>> -> memref<40x144xf32, #tpu.memory_space<hbm>>
      %dma_start3A_165 = arith.constant 0 : i32
      %dma_start3A_166 = tpu.memref_slice %arg17[%add3A_146, %dma_start3A_165] : memref<10000x144xf32, #tpu.memory_space<vmem_shared>> -> memref<40x144xf32, #tpu.memory_space<vmem_shared>>
      tpu.enqueue_dma source(%dma_start3A_166 : memref<40x144xf32, #tpu.memory_space<vmem_shared>>) target(%dma_start3A_164 : memref<40x144xf32, #tpu.memory_space<hbm>>) target_semaphore(%run_scoped3A : memref<!tpu.dma_semaphore, #tpu.memory_space<semaphore_mem>>)
      %dma_wait3A_167 = arith.constant 0 : i32
      %dma_wait3A_168 = tpu.memref_slice %arg6[%arg0, %add3A_148, %dma_wait3A_167] : memref<2x10000x144xf32, #tpu.memory_space<hbm>> -> memref<1x40x144xf32, #tpu.memory_space<hbm>>
      %dma_wait3A_169 = tpu.memref_squeeze %dma_wait3A_168 : memref<1x40x144xf32, #tpu.memory_space<hbm>> -> memref<40x144xf32, #tpu.memory_space<hbm>>
      %dma_wait3A_170 = arith.constant 0 : i32
      %dma_wait3A_171 = tpu.memref_slice %arg17[%add3A_146, %dma_wait3A_170] : memref<10000x144xf32, #tpu.memory_space<vmem_shared>> -> memref<40x144xf32, #tpu.memory_space<vmem_shared>>
      tpu.wait_dma2 semaphore(%run_scoped3A : memref<!tpu.dma_semaphore, #tpu.memory_space<semaphore_mem>>) src(%dma_wait3A_171 : memref<40x144xf32, #tpu.memory_space<vmem_shared>>) dst(%dma_wait3A_169 : memref<40x144xf32, #tpu.memory_space<hbm>>)
      tpu.yield
    }) : () -> ()
    %add3A_149 = arith.constant 560 : i32
    %add3A_150 = arith.addi %mul3A_7, %add3A_149 : i32
    %add3A_151 = arith.constant 560 : i32
    %add3A_152 = arith.addi %mul3A_7, %add3A_151 : i32
    "tpu.region"() ({
      %run_scoped3A = tpu.sem_alloc : memref<!tpu.dma_semaphore, #tpu.memory_space<semaphore_mem>>
      %dma_start3A_162 = arith.constant 0 : i32
      %dma_start3A_163 = tpu.memref_slice %arg6[%arg0, %add3A_152, %dma_start3A_162] : memref<2x10000x144xf32, #tpu.memory_space<hbm>> -> memref<1x40x144xf32, #tpu.memory_space<hbm>>
      %dma_start3A_164 = tpu.memref_squeeze %dma_start3A_163 : memref<1x40x144xf32, #tpu.memory_space<hbm>> -> memref<40x144xf32, #tpu.memory_space<hbm>>
      %dma_start3A_165 = arith.constant 0 : i32
      %dma_start3A_166 = tpu.memref_slice %arg17[%add3A_150, %dma_start3A_165] : memref<10000x144xf32, #tpu.memory_space<vmem_shared>> -> memref<40x144xf32, #tpu.memory_space<vmem_shared>>
      tpu.enqueue_dma source(%dma_start3A_166 : memref<40x144xf32, #tpu.memory_space<vmem_shared>>) target(%dma_start3A_164 : memref<40x144xf32, #tpu.memory_space<hbm>>) target_semaphore(%run_scoped3A : memref<!tpu.dma_semaphore, #tpu.memory_space<semaphore_mem>>)
      %dma_wait3A_167 = arith.constant 0 : i32
      %dma_wait3A_168 = tpu.memref_slice %arg6[%arg0, %add3A_152, %dma_wait3A_167] : memref<2x10000x144xf32, #tpu.memory_space<hbm>> -> memref<1x40x144xf32, #tpu.memory_space<hbm>>
      %dma_wait3A_169 = tpu.memref_squeeze %dma_wait3A_168 : memref<1x40x144xf32, #tpu.memory_space<hbm>> -> memref<40x144xf32, #tpu.memory_space<hbm>>
      %dma_wait3A_170 = arith.constant 0 : i32
      %dma_wait3A_171 = tpu.memref_slice %arg17[%add3A_150, %dma_wait3A_170] : memref<10000x144xf32, #tpu.memory_space<vmem_shared>> -> memref<40x144xf32, #tpu.memory_space<vmem_shared>>
      tpu.wait_dma2 semaphore(%run_scoped3A : memref<!tpu.dma_semaphore, #tpu.memory_space<semaphore_mem>>) src(%dma_wait3A_171 : memref<40x144xf32, #tpu.memory_space<vmem_shared>>) dst(%dma_wait3A_169 : memref<40x144xf32, #tpu.memory_space<hbm>>)
      tpu.yield
    }) : () -> ()
    %add3A_153 = arith.constant 600 : i32
    %add3A_154 = arith.addi %mul3A_7, %add3A_153 : i32
    %add3A_155 = arith.constant 600 : i32
    %add3A_156 = arith.addi %mul3A_7, %add3A_155 : i32
    "tpu.region"() ({
      %run_scoped3A = tpu.sem_alloc : memref<!tpu.dma_semaphore, #tpu.memory_space<semaphore_mem>>
      %dma_start3A_162 = arith.constant 0 : i32
      %dma_start3A_163 = tpu.memref_slice %arg6[%arg0, %add3A_156, %dma_start3A_162] : memref<2x10000x144xf32, #tpu.memory_space<hbm>> -> memref<1x24x144xf32, #tpu.memory_space<hbm>>
      %dma_start3A_164 = tpu.memref_squeeze %dma_start3A_163 : memref<1x24x144xf32, #tpu.memory_space<hbm>> -> memref<24x144xf32, #tpu.memory_space<hbm>>
      %dma_start3A_165 = arith.constant 0 : i32
      %dma_start3A_166 = tpu.memref_slice %arg17[%add3A_154, %dma_start3A_165] : memref<10000x144xf32, #tpu.memory_space<vmem_shared>> -> memref<24x144xf32, #tpu.memory_space<vmem_shared>>
      tpu.enqueue_dma source(%dma_start3A_166 : memref<24x144xf32, #tpu.memory_space<vmem_shared>>) target(%dma_start3A_164 : memref<24x144xf32, #tpu.memory_space<hbm>>) target_semaphore(%run_scoped3A : memref<!tpu.dma_semaphore, #tpu.memory_space<semaphore_mem>>)
      %dma_wait3A_167 = arith.constant 0 : i32
      %dma_wait3A_168 = tpu.memref_slice %arg6[%arg0, %add3A_156, %dma_wait3A_167] : memref<2x10000x144xf32, #tpu.memory_space<hbm>> -> memref<1x24x144xf32, #tpu.memory_space<hbm>>
      %dma_wait3A_169 = tpu.memref_squeeze %dma_wait3A_168 : memref<1x24x144xf32, #tpu.memory_space<hbm>> -> memref<24x144xf32, #tpu.memory_space<hbm>>
      %dma_wait3A_170 = arith.constant 0 : i32
      %dma_wait3A_171 = tpu.memref_slice %arg17[%add3A_154, %dma_wait3A_170] : memref<10000x144xf32, #tpu.memory_space<vmem_shared>> -> memref<24x144xf32, #tpu.memory_space<vmem_shared>>
      tpu.wait_dma2 semaphore(%run_scoped3A : memref<!tpu.dma_semaphore, #tpu.memory_space<semaphore_mem>>) src(%dma_wait3A_171 : memref<24x144xf32, #tpu.memory_space<vmem_shared>>) dst(%dma_wait3A_169 : memref<24x144xf32, #tpu.memory_space<hbm>>)
      tpu.yield
    }) : () -> ()
    %eq3A_157 = arith.constant 15 : i32
    %eq3A_158 = arith.cmpi eq, %arg1, %eq3A_157 : i32
    %convert_element_type3A_159 = arith.extui %eq3A_158 : i1 to i32
    %cond3A_160 = arith.constant 0 : i32
    %cond3A_161 = arith.cmpi ne, %convert_element_type3A_159, %cond3A_160 : i32
    scf.if %cond3A_161 {
      "tpu.region"() ({
        %run_scoped3A = tpu.sem_alloc : memref<!tpu.dma_semaphore, #tpu.memory_space<semaphore_mem>>
        %dma_start3A_162 = arith.constant 9984 : i32
        %dma_start3A_163 = arith.constant 0 : i32
        %dma_start3A_164 = tpu.memref_slice %arg6[%arg0, %dma_start3A_162, %dma_start3A_163] : memref<2x10000x144xf32, #tpu.memory_space<hbm>> -> memref<1x16x144xf32, #tpu.memory_space<hbm>>
        %dma_start3A_165 = tpu.memref_squeeze %dma_start3A_164 : memref<1x16x144xf32, #tpu.memory_space<hbm>> -> memref<16x144xf32, #tpu.memory_space<hbm>>
        %dma_start3A_166 = arith.constant 9984 : i32
        %dma_start3A_167 = arith.constant 0 : i32
        %dma_start3A_168 = tpu.memref_slice %arg17[%dma_start3A_166, %dma_start3A_167] : memref<10000x144xf32, #tpu.memory_space<vmem_shared>> -> memref<16x144xf32, #tpu.memory_space<vmem_shared>>
        tpu.enqueue_dma source(%dma_start3A_168 : memref<16x144xf32, #tpu.memory_space<vmem_shared>>) target(%dma_start3A_165 : memref<16x144xf32, #tpu.memory_space<hbm>>) target_semaphore(%run_scoped3A : memref<!tpu.dma_semaphore, #tpu.memory_space<semaphore_mem>>)
        %dma_wait3A_169 = arith.constant 9984 : i32
        %dma_wait3A_170 = arith.constant 0 : i32
        %dma_wait3A_171 = tpu.memref_slice %arg6[%arg0, %dma_wait3A_169, %dma_wait3A_170] : memref<2x10000x144xf32, #tpu.memory_space<hbm>> -> memref<1x16x144xf32, #tpu.memory_space<hbm>>
        %dma_wait3A_172 = tpu.memref_squeeze %dma_wait3A_171 : memref<1x16x144xf32, #tpu.memory_space<hbm>> -> memref<16x144xf32, #tpu.memory_space<hbm>>
        %dma_wait3A_173 = arith.constant 9984 : i32
        %dma_wait3A_174 = arith.constant 0 : i32
        %dma_wait3A_175 = tpu.memref_slice %arg17[%dma_wait3A_173, %dma_wait3A_174] : memref<10000x144xf32, #tpu.memory_space<vmem_shared>> -> memref<16x144xf32, #tpu.memory_space<vmem_shared>>
        tpu.wait_dma2 semaphore(%run_scoped3A : memref<!tpu.dma_semaphore, #tpu.memory_space<semaphore_mem>>) src(%dma_wait3A_175 : memref<16x144xf32, #tpu.memory_space<vmem_shared>>) dst(%dma_wait3A_172 : memref<16x144xf32, #tpu.memory_space<hbm>>)
        tpu.yield
      }) : () -> ()
    } else {
    }
    return
  }
}

#map = affine_map<(d0, d1) -> (0, 0)>
#map1 = affine_map<(d0, d1) -> (0, 0, 0)>
module attributes {stable_mosaic.version = 14 : i64} {
  func.func @sc_edge(%arg0: i32, %arg1: i32, %arg2: memref<3200x100xi32, #tpu.memory_space<hbm>>, %arg3: memref<3200x100xi32, #tpu.memory_space<hbm>>, %arg4: memref<10000x16xf32, #tpu.memory_space<hbm>>, %arg5: memref<10000x48xf32, #tpu.memory_space<hbm>>, %arg6: memref<2x10000x48xf32, #tpu.memory_space<hbm>>, %arg7: memref<100x100xi32, #tpu.memory_space<vmem>>, %arg8: memref<100x100xi32, #tpu.memory_space<vmem>>, %arg9: memref<100x16xf32, #tpu.memory_space<vmem>>, %arg10: memref<100x48xf32, #tpu.memory_space<vmem>>, %arg11: memref<100x16xf32, #tpu.memory_space<vmem>>, %arg12: memref<100x48xf32, #tpu.memory_space<vmem>>, %arg13: memref<100x48xf32, #tpu.memory_space<vmem>>, %arg14: memref<!tpu.dma_semaphore, #tpu.memory_space<semaphore_mem>>, %arg15: memref<!tpu.dma_semaphore, #tpu.memory_space<semaphore_mem>>, %arg16: memref<!tpu.dma_semaphore, #tpu.memory_space<semaphore_mem>>, %arg17: memref<10000x48xf32, #tpu.memory_space<vmem_shared>>) attributes {dimension_semantics = [#tpu.dimension_semantics<core_parallel>, #tpu.dimension_semantics<subcore_parallel>], iteration_bounds = array<i64: 2, 16>, scalar_prefetch = 0 : i64, scratch_operands = 11 : i64, tpu.core_type = #tpu.core_type<sc_vector_subcore>, window_params = [{transform_indices = #map}, {transform_indices = #map}, {transform_indices = #map}, {transform_indices = #map}, {transform_indices = #map1}]} {
    %mul3A = arith.constant 16 : i32
    %mul3A_0 = arith.muli %arg0, %mul3A : i32
    %add3A = arith.addi %mul3A_0, %arg1 : i32
    %scan3A = arith.constant 0 : i32
    %scan3A_1 = arith.constant 0 : i32
    %scan3A_2 = arith.constant 100 : i32
    %scan3A_3 = arith.addi %scan3A_1, %scan3A_2 : i32
    %scan3A_4 = arith.constant 1 : i32
    scf.for %scan3A_108 = %scan3A_1 to %scan3A_3 step %scan3A_4  : i32 {
      %broadcast_in_dim3A = arith.constant 0.000000e+00 : f32
      %broadcast_in_dim3A_109 = vector.broadcast %broadcast_in_dim3A : f32 to vector<16xf32>
      %swap3A = arith.index_cast %scan3A_108 : i32 to index
      %swap3A_110 = arith.constant 0 : index
      %swap3A_111 = tpu.vector_load %arg13[%swap3A, %swap3A_110] {strides = array<i32>} : memref<100x48xf32, #tpu.memory_space<vmem>>, vector<1x16xf32>,
      %swap3A_112 = vector.shape_cast %swap3A_111 : vector<1x16xf32> to vector<16xf32>
      %swap3A_113 = vector.shape_cast %broadcast_in_dim3A_109 : vector<16xf32> to vector<1x16xf32>
      tpu.vector_store %arg13[%swap3A, %swap3A_110], %swap3A_113 {strides = array<i32>} : memref<100x48xf32, #tpu.memory_space<vmem>>, vector<1x16xf32>,
      %broadcast_in_dim3A_114 = arith.constant 0.000000e+00 : f32
      %broadcast_in_dim3A_115 = vector.broadcast %broadcast_in_dim3A_114 : f32 to vector<16xf32>
      %swap3A_116 = arith.index_cast %scan3A_108 : i32 to index
      %swap3A_117 = arith.constant 16 : index
      %swap3A_118 = tpu.vector_load %arg13[%swap3A_116, %swap3A_117] {strides = array<i32>} : memref<100x48xf32, #tpu.memory_space<vmem>>, vector<1x16xf32>,
      %swap3A_119 = vector.shape_cast %swap3A_118 : vector<1x16xf32> to vector<16xf32>
      %swap3A_120 = vector.shape_cast %broadcast_in_dim3A_115 : vector<16xf32> to vector<1x16xf32>
      tpu.vector_store %arg13[%swap3A_116, %swap3A_117], %swap3A_120 {strides = array<i32>} : memref<100x48xf32, #tpu.memory_space<vmem>>, vector<1x16xf32>,
      %broadcast_in_dim3A_121 = arith.constant 0.000000e+00 : f32
      %broadcast_in_dim3A_122 = vector.broadcast %broadcast_in_dim3A_121 : f32 to vector<16xf32>
      %swap3A_123 = arith.index_cast %scan3A_108 : i32 to index
      %swap3A_124 = arith.constant 32 : index
      %swap3A_125 = tpu.vector_load %arg13[%swap3A_123, %swap3A_124] {strides = array<i32>} : memref<100x48xf32, #tpu.memory_space<vmem>>, vector<1x16xf32>,
      %swap3A_126 = vector.shape_cast %swap3A_125 : vector<1x16xf32> to vector<16xf32>
      %swap3A_127 = vector.shape_cast %broadcast_in_dim3A_122 : vector<16xf32> to vector<1x16xf32>
      tpu.vector_store %arg13[%swap3A_123, %swap3A_124], %swap3A_127 {strides = array<i32>} : memref<100x48xf32, #tpu.memory_space<vmem>>, vector<1x16xf32>,
    }
    %scan3A_5 = arith.constant 100 : i32
    %mul3A_6 = arith.constant 624 : i32
    %mul3A_7 = arith.muli %arg1, %mul3A_6 : i32
    %add3A_8 = arith.constant 0 : i32
    %add3A_9 = arith.addi %mul3A_7, %add3A_8 : i32
    "tpu.region"() ({
      %run_scoped3A = tpu.sem_alloc : memref<!tpu.dma_semaphore, #tpu.memory_space<semaphore_mem>>
      %dma_start3A_108 = arith.constant 0 : i32
      %dma_start3A_109 = arith.constant 0 : i32
      %dma_start3A_110 = tpu.memref_slice %arg13[%dma_start3A_108, %dma_start3A_109] : memref<100x48xf32, #tpu.memory_space<vmem>> -> memref<100x48xf32, #tpu.memory_space<vmem>>
      %dma_start3A_111 = arith.constant 0 : i32
      %dma_start3A_112 = tpu.memref_slice %arg17[%add3A_9, %dma_start3A_111] : memref<10000x48xf32, #tpu.memory_space<vmem_shared>> -> memref<100x48xf32, #tpu.memory_space<vmem_shared>>
      %dma_start3A_113 = arith.constant 0 : i32
      %dma_start3A_114 = tpu.memref_slice %arg17[%add3A_9, %dma_start3A_113] : memref<10000x48xf32, #tpu.memory_space<vmem_shared>> -> memref<100x48xf32, #tpu.memory_space<vmem_shared>>
      %dma_start3A_115 = arith.constant 0 : i32
      %dma_start3A_116 = arith.constant 0 : i32
      %dma_start3A_117 = tpu.memref_slice %arg13[%dma_start3A_115, %dma_start3A_116] : memref<100x48xf32, #tpu.memory_space<vmem>> -> memref<100x48xf32, #tpu.memory_space<vmem>>
      tpu.enqueue_dma source(%dma_start3A_117 : memref<100x48xf32, #tpu.memory_space<vmem>>) target(%dma_start3A_114 : memref<100x48xf32, #tpu.memory_space<vmem_shared>>) target_semaphore(%run_scoped3A : memref<!tpu.dma_semaphore, #tpu.memory_space<semaphore_mem>>)
      %dma_wait3A_118 = arith.constant 0 : i32
      %dma_wait3A_119 = arith.constant 0 : i32
      %dma_wait3A_120 = tpu.memref_slice %arg13[%dma_wait3A_118, %dma_wait3A_119] : memref<100x48xf32, #tpu.memory_space<vmem>> -> memref<100x48xf32, #tpu.memory_space<vmem>>
      %dma_wait3A_121 = arith.constant 0 : i32
      %dma_wait3A_122 = tpu.memref_slice %arg17[%add3A_9, %dma_wait3A_121] : memref<10000x48xf32, #tpu.memory_space<vmem_shared>> -> memref<100x48xf32, #tpu.memory_space<vmem_shared>>
      %dma_wait3A_123 = arith.constant 0 : i32
      %dma_wait3A_124 = tpu.memref_slice %arg17[%add3A_9, %dma_wait3A_123] : memref<10000x48xf32, #tpu.memory_space<vmem_shared>> -> memref<100x48xf32, #tpu.memory_space<vmem_shared>>
      %dma_wait3A_125 = arith.constant 0 : i32
      %dma_wait3A_126 = arith.constant 0 : i32
      %dma_wait3A_127 = tpu.memref_slice %arg13[%dma_wait3A_125, %dma_wait3A_126] : memref<100x48xf32, #tpu.memory_space<vmem>> -> memref<100x48xf32, #tpu.memory_space<vmem>>
      tpu.wait_dma2 semaphore(%run_scoped3A : memref<!tpu.dma_semaphore, #tpu.memory_space<semaphore_mem>>) src(%dma_wait3A_127 : memref<100x48xf32, #tpu.memory_space<vmem>>) dst(%dma_wait3A_124 : memref<100x48xf32, #tpu.memory_space<vmem_shared>>)
      tpu.yield
    }) : () -> ()
    %add3A_10 = arith.constant 100 : i32
    %add3A_11 = arith.addi %mul3A_7, %add3A_10 : i32
    "tpu.region"() ({
      %run_scoped3A = tpu.sem_alloc : memref<!tpu.dma_semaphore, #tpu.memory_space<semaphore_mem>>
      %dma_start3A_108 = arith.constant 0 : i32
      %dma_start3A_109 = arith.constant 0 : i32
      %dma_start3A_110 = tpu.memref_slice %arg13[%dma_start3A_108, %dma_start3A_109] : memref<100x48xf32, #tpu.memory_space<vmem>> -> memref<100x48xf32, #tpu.memory_space<vmem>>
      %dma_start3A_111 = arith.constant 0 : i32
      %dma_start3A_112 = tpu.memref_slice %arg17[%add3A_11, %dma_start3A_111] : memref<10000x48xf32, #tpu.memory_space<vmem_shared>> -> memref<100x48xf32, #tpu.memory_space<vmem_shared>>
      %dma_start3A_113 = arith.constant 0 : i32
      %dma_start3A_114 = tpu.memref_slice %arg17[%add3A_11, %dma_start3A_113] : memref<10000x48xf32, #tpu.memory_space<vmem_shared>> -> memref<100x48xf32, #tpu.memory_space<vmem_shared>>
      %dma_start3A_115 = arith.constant 0 : i32
      %dma_start3A_116 = arith.constant 0 : i32
      %dma_start3A_117 = tpu.memref_slice %arg13[%dma_start3A_115, %dma_start3A_116] : memref<100x48xf32, #tpu.memory_space<vmem>> -> memref<100x48xf32, #tpu.memory_space<vmem>>
      tpu.enqueue_dma source(%dma_start3A_117 : memref<100x48xf32, #tpu.memory_space<vmem>>) target(%dma_start3A_114 : memref<100x48xf32, #tpu.memory_space<vmem_shared>>) target_semaphore(%run_scoped3A : memref<!tpu.dma_semaphore, #tpu.memory_space<semaphore_mem>>)
      %dma_wait3A_118 = arith.constant 0 : i32
      %dma_wait3A_119 = arith.constant 0 : i32
      %dma_wait3A_120 = tpu.memref_slice %arg13[%dma_wait3A_118, %dma_wait3A_119] : memref<100x48xf32, #tpu.memory_space<vmem>> -> memref<100x48xf32, #tpu.memory_space<vmem>>
      %dma_wait3A_121 = arith.constant 0 : i32
      %dma_wait3A_122 = tpu.memref_slice %arg17[%add3A_11, %dma_wait3A_121] : memref<10000x48xf32, #tpu.memory_space<vmem_shared>> -> memref<100x48xf32, #tpu.memory_space<vmem_shared>>
      %dma_wait3A_123 = arith.constant 0 : i32
      %dma_wait3A_124 = tpu.memref_slice %arg17[%add3A_11, %dma_wait3A_123] : memref<10000x48xf32, #tpu.memory_space<vmem_shared>> -> memref<100x48xf32, #tpu.memory_space<vmem_shared>>
      %dma_wait3A_125 = arith.constant 0 : i32
      %dma_wait3A_126 = arith.constant 0 : i32
      %dma_wait3A_127 = tpu.memref_slice %arg13[%dma_wait3A_125, %dma_wait3A_126] : memref<100x48xf32, #tpu.memory_space<vmem>> -> memref<100x48xf32, #tpu.memory_space<vmem>>
      tpu.wait_dma2 semaphore(%run_scoped3A : memref<!tpu.dma_semaphore, #tpu.memory_space<semaphore_mem>>) src(%dma_wait3A_127 : memref<100x48xf32, #tpu.memory_space<vmem>>) dst(%dma_wait3A_124 : memref<100x48xf32, #tpu.memory_space<vmem_shared>>)
      tpu.yield
    }) : () -> ()
    %add3A_12 = arith.constant 200 : i32
    %add3A_13 = arith.addi %mul3A_7, %add3A_12 : i32
    "tpu.region"() ({
      %run_scoped3A = tpu.sem_alloc : memref<!tpu.dma_semaphore, #tpu.memory_space<semaphore_mem>>
      %dma_start3A_108 = arith.constant 0 : i32
      %dma_start3A_109 = arith.constant 0 : i32
      %dma_start3A_110 = tpu.memref_slice %arg13[%dma_start3A_108, %dma_start3A_109] : memref<100x48xf32, #tpu.memory_space<vmem>> -> memref<100x48xf32, #tpu.memory_space<vmem>>
      %dma_start3A_111 = arith.constant 0 : i32
      %dma_start3A_112 = tpu.memref_slice %arg17[%add3A_13, %dma_start3A_111] : memref<10000x48xf32, #tpu.memory_space<vmem_shared>> -> memref<100x48xf32, #tpu.memory_space<vmem_shared>>
      %dma_start3A_113 = arith.constant 0 : i32
      %dma_start3A_114 = tpu.memref_slice %arg17[%add3A_13, %dma_start3A_113] : memref<10000x48xf32, #tpu.memory_space<vmem_shared>> -> memref<100x48xf32, #tpu.memory_space<vmem_shared>>
      %dma_start3A_115 = arith.constant 0 : i32
      %dma_start3A_116 = arith.constant 0 : i32
      %dma_start3A_117 = tpu.memref_slice %arg13[%dma_start3A_115, %dma_start3A_116] : memref<100x48xf32, #tpu.memory_space<vmem>> -> memref<100x48xf32, #tpu.memory_space<vmem>>
      tpu.enqueue_dma source(%dma_start3A_117 : memref<100x48xf32, #tpu.memory_space<vmem>>) target(%dma_start3A_114 : memref<100x48xf32, #tpu.memory_space<vmem_shared>>) target_semaphore(%run_scoped3A : memref<!tpu.dma_semaphore, #tpu.memory_space<semaphore_mem>>)
      %dma_wait3A_118 = arith.constant 0 : i32
      %dma_wait3A_119 = arith.constant 0 : i32
      %dma_wait3A_120 = tpu.memref_slice %arg13[%dma_wait3A_118, %dma_wait3A_119] : memref<100x48xf32, #tpu.memory_space<vmem>> -> memref<100x48xf32, #tpu.memory_space<vmem>>
      %dma_wait3A_121 = arith.constant 0 : i32
      %dma_wait3A_122 = tpu.memref_slice %arg17[%add3A_13, %dma_wait3A_121] : memref<10000x48xf32, #tpu.memory_space<vmem_shared>> -> memref<100x48xf32, #tpu.memory_space<vmem_shared>>
      %dma_wait3A_123 = arith.constant 0 : i32
      %dma_wait3A_124 = tpu.memref_slice %arg17[%add3A_13, %dma_wait3A_123] : memref<10000x48xf32, #tpu.memory_space<vmem_shared>> -> memref<100x48xf32, #tpu.memory_space<vmem_shared>>
      %dma_wait3A_125 = arith.constant 0 : i32
      %dma_wait3A_126 = arith.constant 0 : i32
      %dma_wait3A_127 = tpu.memref_slice %arg13[%dma_wait3A_125, %dma_wait3A_126] : memref<100x48xf32, #tpu.memory_space<vmem>> -> memref<100x48xf32, #tpu.memory_space<vmem>>
      tpu.wait_dma2 semaphore(%run_scoped3A : memref<!tpu.dma_semaphore, #tpu.memory_space<semaphore_mem>>) src(%dma_wait3A_127 : memref<100x48xf32, #tpu.memory_space<vmem>>) dst(%dma_wait3A_124 : memref<100x48xf32, #tpu.memory_space<vmem_shared>>)
      tpu.yield
    }) : () -> ()
    %add3A_14 = arith.constant 300 : i32
    %add3A_15 = arith.addi %mul3A_7, %add3A_14 : i32
    "tpu.region"() ({
      %run_scoped3A = tpu.sem_alloc : memref<!tpu.dma_semaphore, #tpu.memory_space<semaphore_mem>>
      %dma_start3A_108 = arith.constant 0 : i32
      %dma_start3A_109 = arith.constant 0 : i32
      %dma_start3A_110 = tpu.memref_slice %arg13[%dma_start3A_108, %dma_start3A_109] : memref<100x48xf32, #tpu.memory_space<vmem>> -> memref<100x48xf32, #tpu.memory_space<vmem>>
      %dma_start3A_111 = arith.constant 0 : i32
      %dma_start3A_112 = tpu.memref_slice %arg17[%add3A_15, %dma_start3A_111] : memref<10000x48xf32, #tpu.memory_space<vmem_shared>> -> memref<100x48xf32, #tpu.memory_space<vmem_shared>>
      %dma_start3A_113 = arith.constant 0 : i32
      %dma_start3A_114 = tpu.memref_slice %arg17[%add3A_15, %dma_start3A_113] : memref<10000x48xf32, #tpu.memory_space<vmem_shared>> -> memref<100x48xf32, #tpu.memory_space<vmem_shared>>
      %dma_start3A_115 = arith.constant 0 : i32
      %dma_start3A_116 = arith.constant 0 : i32
      %dma_start3A_117 = tpu.memref_slice %arg13[%dma_start3A_115, %dma_start3A_116] : memref<100x48xf32, #tpu.memory_space<vmem>> -> memref<100x48xf32, #tpu.memory_space<vmem>>
      tpu.enqueue_dma source(%dma_start3A_117 : memref<100x48xf32, #tpu.memory_space<vmem>>) target(%dma_start3A_114 : memref<100x48xf32, #tpu.memory_space<vmem_shared>>) target_semaphore(%run_scoped3A : memref<!tpu.dma_semaphore, #tpu.memory_space<semaphore_mem>>)
      %dma_wait3A_118 = arith.constant 0 : i32
      %dma_wait3A_119 = arith.constant 0 : i32
      %dma_wait3A_120 = tpu.memref_slice %arg13[%dma_wait3A_118, %dma_wait3A_119] : memref<100x48xf32, #tpu.memory_space<vmem>> -> memref<100x48xf32, #tpu.memory_space<vmem>>
      %dma_wait3A_121 = arith.constant 0 : i32
      %dma_wait3A_122 = tpu.memref_slice %arg17[%add3A_15, %dma_wait3A_121] : memref<10000x48xf32, #tpu.memory_space<vmem_shared>> -> memref<100x48xf32, #tpu.memory_space<vmem_shared>>
      %dma_wait3A_123 = arith.constant 0 : i32
      %dma_wait3A_124 = tpu.memref_slice %arg17[%add3A_15, %dma_wait3A_123] : memref<10000x48xf32, #tpu.memory_space<vmem_shared>> -> memref<100x48xf32, #tpu.memory_space<vmem_shared>>
      %dma_wait3A_125 = arith.constant 0 : i32
      %dma_wait3A_126 = arith.constant 0 : i32
      %dma_wait3A_127 = tpu.memref_slice %arg13[%dma_wait3A_125, %dma_wait3A_126] : memref<100x48xf32, #tpu.memory_space<vmem>> -> memref<100x48xf32, #tpu.memory_space<vmem>>
      tpu.wait_dma2 semaphore(%run_scoped3A : memref<!tpu.dma_semaphore, #tpu.memory_space<semaphore_mem>>) src(%dma_wait3A_127 : memref<100x48xf32, #tpu.memory_space<vmem>>) dst(%dma_wait3A_124 : memref<100x48xf32, #tpu.memory_space<vmem_shared>>)
      tpu.yield
    }) : () -> ()
    %add3A_16 = arith.constant 400 : i32
    %add3A_17 = arith.addi %mul3A_7, %add3A_16 : i32
    "tpu.region"() ({
      %run_scoped3A = tpu.sem_alloc : memref<!tpu.dma_semaphore, #tpu.memory_space<semaphore_mem>>
      %dma_start3A_108 = arith.constant 0 : i32
      %dma_start3A_109 = arith.constant 0 : i32
      %dma_start3A_110 = tpu.memref_slice %arg13[%dma_start3A_108, %dma_start3A_109] : memref<100x48xf32, #tpu.memory_space<vmem>> -> memref<100x48xf32, #tpu.memory_space<vmem>>
      %dma_start3A_111 = arith.constant 0 : i32
      %dma_start3A_112 = tpu.memref_slice %arg17[%add3A_17, %dma_start3A_111] : memref<10000x48xf32, #tpu.memory_space<vmem_shared>> -> memref<100x48xf32, #tpu.memory_space<vmem_shared>>
      %dma_start3A_113 = arith.constant 0 : i32
      %dma_start3A_114 = tpu.memref_slice %arg17[%add3A_17, %dma_start3A_113] : memref<10000x48xf32, #tpu.memory_space<vmem_shared>> -> memref<100x48xf32, #tpu.memory_space<vmem_shared>>
      %dma_start3A_115 = arith.constant 0 : i32
      %dma_start3A_116 = arith.constant 0 : i32
      %dma_start3A_117 = tpu.memref_slice %arg13[%dma_start3A_115, %dma_start3A_116] : memref<100x48xf32, #tpu.memory_space<vmem>> -> memref<100x48xf32, #tpu.memory_space<vmem>>
      tpu.enqueue_dma source(%dma_start3A_117 : memref<100x48xf32, #tpu.memory_space<vmem>>) target(%dma_start3A_114 : memref<100x48xf32, #tpu.memory_space<vmem_shared>>) target_semaphore(%run_scoped3A : memref<!tpu.dma_semaphore, #tpu.memory_space<semaphore_mem>>)
      %dma_wait3A_118 = arith.constant 0 : i32
      %dma_wait3A_119 = arith.constant 0 : i32
      %dma_wait3A_120 = tpu.memref_slice %arg13[%dma_wait3A_118, %dma_wait3A_119] : memref<100x48xf32, #tpu.memory_space<vmem>> -> memref<100x48xf32, #tpu.memory_space<vmem>>
      %dma_wait3A_121 = arith.constant 0 : i32
      %dma_wait3A_122 = tpu.memref_slice %arg17[%add3A_17, %dma_wait3A_121] : memref<10000x48xf32, #tpu.memory_space<vmem_shared>> -> memref<100x48xf32, #tpu.memory_space<vmem_shared>>
      %dma_wait3A_123 = arith.constant 0 : i32
      %dma_wait3A_124 = tpu.memref_slice %arg17[%add3A_17, %dma_wait3A_123] : memref<10000x48xf32, #tpu.memory_space<vmem_shared>> -> memref<100x48xf32, #tpu.memory_space<vmem_shared>>
      %dma_wait3A_125 = arith.constant 0 : i32
      %dma_wait3A_126 = arith.constant 0 : i32
      %dma_wait3A_127 = tpu.memref_slice %arg13[%dma_wait3A_125, %dma_wait3A_126] : memref<100x48xf32, #tpu.memory_space<vmem>> -> memref<100x48xf32, #tpu.memory_space<vmem>>
      tpu.wait_dma2 semaphore(%run_scoped3A : memref<!tpu.dma_semaphore, #tpu.memory_space<semaphore_mem>>) src(%dma_wait3A_127 : memref<100x48xf32, #tpu.memory_space<vmem>>) dst(%dma_wait3A_124 : memref<100x48xf32, #tpu.memory_space<vmem_shared>>)
      tpu.yield
    }) : () -> ()
    %add3A_18 = arith.constant 500 : i32
    %add3A_19 = arith.addi %mul3A_7, %add3A_18 : i32
    "tpu.region"() ({
      %run_scoped3A = tpu.sem_alloc : memref<!tpu.dma_semaphore, #tpu.memory_space<semaphore_mem>>
      %dma_start3A_108 = arith.constant 0 : i32
      %dma_start3A_109 = arith.constant 0 : i32
      %dma_start3A_110 = tpu.memref_slice %arg13[%dma_start3A_108, %dma_start3A_109] : memref<100x48xf32, #tpu.memory_space<vmem>> -> memref<100x48xf32, #tpu.memory_space<vmem>>
      %dma_start3A_111 = arith.constant 0 : i32
      %dma_start3A_112 = tpu.memref_slice %arg17[%add3A_19, %dma_start3A_111] : memref<10000x48xf32, #tpu.memory_space<vmem_shared>> -> memref<100x48xf32, #tpu.memory_space<vmem_shared>>
      %dma_start3A_113 = arith.constant 0 : i32
      %dma_start3A_114 = tpu.memref_slice %arg17[%add3A_19, %dma_start3A_113] : memref<10000x48xf32, #tpu.memory_space<vmem_shared>> -> memref<100x48xf32, #tpu.memory_space<vmem_shared>>
      %dma_start3A_115 = arith.constant 0 : i32
      %dma_start3A_116 = arith.constant 0 : i32
      %dma_start3A_117 = tpu.memref_slice %arg13[%dma_start3A_115, %dma_start3A_116] : memref<100x48xf32, #tpu.memory_space<vmem>> -> memref<100x48xf32, #tpu.memory_space<vmem>>
      tpu.enqueue_dma source(%dma_start3A_117 : memref<100x48xf32, #tpu.memory_space<vmem>>) target(%dma_start3A_114 : memref<100x48xf32, #tpu.memory_space<vmem_shared>>) target_semaphore(%run_scoped3A : memref<!tpu.dma_semaphore, #tpu.memory_space<semaphore_mem>>)
      %dma_wait3A_118 = arith.constant 0 : i32
      %dma_wait3A_119 = arith.constant 0 : i32
      %dma_wait3A_120 = tpu.memref_slice %arg13[%dma_wait3A_118, %dma_wait3A_119] : memref<100x48xf32, #tpu.memory_space<vmem>> -> memref<100x48xf32, #tpu.memory_space<vmem>>
      %dma_wait3A_121 = arith.constant 0 : i32
      %dma_wait3A_122 = tpu.memref_slice %arg17[%add3A_19, %dma_wait3A_121] : memref<10000x48xf32, #tpu.memory_space<vmem_shared>> -> memref<100x48xf32, #tpu.memory_space<vmem_shared>>
      %dma_wait3A_123 = arith.constant 0 : i32
      %dma_wait3A_124 = tpu.memref_slice %arg17[%add3A_19, %dma_wait3A_123] : memref<10000x48xf32, #tpu.memory_space<vmem_shared>> -> memref<100x48xf32, #tpu.memory_space<vmem_shared>>
      %dma_wait3A_125 = arith.constant 0 : i32
      %dma_wait3A_126 = arith.constant 0 : i32
      %dma_wait3A_127 = tpu.memref_slice %arg13[%dma_wait3A_125, %dma_wait3A_126] : memref<100x48xf32, #tpu.memory_space<vmem>> -> memref<100x48xf32, #tpu.memory_space<vmem>>
      tpu.wait_dma2 semaphore(%run_scoped3A : memref<!tpu.dma_semaphore, #tpu.memory_space<semaphore_mem>>) src(%dma_wait3A_127 : memref<100x48xf32, #tpu.memory_space<vmem>>) dst(%dma_wait3A_124 : memref<100x48xf32, #tpu.memory_space<vmem_shared>>)
      tpu.yield
    }) : () -> ()
    %add3A_20 = arith.constant 600 : i32
    %add3A_21 = arith.addi %mul3A_7, %add3A_20 : i32
    "tpu.region"() ({
      %run_scoped3A = tpu.sem_alloc : memref<!tpu.dma_semaphore, #tpu.memory_space<semaphore_mem>>
      %dma_start3A_108 = arith.constant 0 : i32
      %dma_start3A_109 = arith.constant 0 : i32
      %dma_start3A_110 = tpu.memref_slice %arg13[%dma_start3A_108, %dma_start3A_109] : memref<100x48xf32, #tpu.memory_space<vmem>> -> memref<24x48xf32, #tpu.memory_space<vmem>>
      %dma_start3A_111 = arith.constant 0 : i32
      %dma_start3A_112 = tpu.memref_slice %arg17[%add3A_21, %dma_start3A_111] : memref<10000x48xf32, #tpu.memory_space<vmem_shared>> -> memref<24x48xf32, #tpu.memory_space<vmem_shared>>
      %dma_start3A_113 = arith.constant 0 : i32
      %dma_start3A_114 = tpu.memref_slice %arg17[%add3A_21, %dma_start3A_113] : memref<10000x48xf32, #tpu.memory_space<vmem_shared>> -> memref<24x48xf32, #tpu.memory_space<vmem_shared>>
      %dma_start3A_115 = arith.constant 0 : i32
      %dma_start3A_116 = arith.constant 0 : i32
      %dma_start3A_117 = tpu.memref_slice %arg13[%dma_start3A_115, %dma_start3A_116] : memref<100x48xf32, #tpu.memory_space<vmem>> -> memref<24x48xf32, #tpu.memory_space<vmem>>
      tpu.enqueue_dma source(%dma_start3A_117 : memref<24x48xf32, #tpu.memory_space<vmem>>) target(%dma_start3A_114 : memref<24x48xf32, #tpu.memory_space<vmem_shared>>) target_semaphore(%run_scoped3A : memref<!tpu.dma_semaphore, #tpu.memory_space<semaphore_mem>>)
      %dma_wait3A_118 = arith.constant 0 : i32
      %dma_wait3A_119 = arith.constant 0 : i32
      %dma_wait3A_120 = tpu.memref_slice %arg13[%dma_wait3A_118, %dma_wait3A_119] : memref<100x48xf32, #tpu.memory_space<vmem>> -> memref<24x48xf32, #tpu.memory_space<vmem>>
      %dma_wait3A_121 = arith.constant 0 : i32
      %dma_wait3A_122 = tpu.memref_slice %arg17[%add3A_21, %dma_wait3A_121] : memref<10000x48xf32, #tpu.memory_space<vmem_shared>> -> memref<24x48xf32, #tpu.memory_space<vmem_shared>>
      %dma_wait3A_123 = arith.constant 0 : i32
      %dma_wait3A_124 = tpu.memref_slice %arg17[%add3A_21, %dma_wait3A_123] : memref<10000x48xf32, #tpu.memory_space<vmem_shared>> -> memref<24x48xf32, #tpu.memory_space<vmem_shared>>
      %dma_wait3A_125 = arith.constant 0 : i32
      %dma_wait3A_126 = arith.constant 0 : i32
      %dma_wait3A_127 = tpu.memref_slice %arg13[%dma_wait3A_125, %dma_wait3A_126] : memref<100x48xf32, #tpu.memory_space<vmem>> -> memref<24x48xf32, #tpu.memory_space<vmem>>
      tpu.wait_dma2 semaphore(%run_scoped3A : memref<!tpu.dma_semaphore, #tpu.memory_space<semaphore_mem>>) src(%dma_wait3A_127 : memref<24x48xf32, #tpu.memory_space<vmem>>) dst(%dma_wait3A_124 : memref<24x48xf32, #tpu.memory_space<vmem_shared>>)
      tpu.yield
    }) : () -> ()
    %eq3A = arith.constant 15 : i32
    %eq3A_22 = arith.cmpi eq, %arg1, %eq3A : i32
    %convert_element_type3A = arith.extui %eq3A_22 : i1 to i32
    %cond3A = arith.constant 0 : i32
    %cond3A_23 = arith.cmpi ne, %convert_element_type3A, %cond3A : i32
    scf.if %cond3A_23 {
      "tpu.region"() ({
        %run_scoped3A = tpu.sem_alloc : memref<!tpu.dma_semaphore, #tpu.memory_space<semaphore_mem>>
        %dma_start3A_108 = arith.constant 0 : i32
        %dma_start3A_109 = arith.constant 0 : i32
        %dma_start3A_110 = tpu.memref_slice %arg13[%dma_start3A_108, %dma_start3A_109] : memref<100x48xf32, #tpu.memory_space<vmem>> -> memref<16x48xf32, #tpu.memory_space<vmem>>
        %dma_start3A_111 = arith.constant 9984 : i32
        %dma_start3A_112 = arith.constant 0 : i32
        %dma_start3A_113 = tpu.memref_slice %arg17[%dma_start3A_111, %dma_start3A_112] : memref<10000x48xf32, #tpu.memory_space<vmem_shared>> -> memref<16x48xf32, #tpu.memory_space<vmem_shared>>
        %dma_start3A_114 = arith.constant 9984 : i32
        %dma_start3A_115 = arith.constant 0 : i32
        %dma_start3A_116 = tpu.memref_slice %arg17[%dma_start3A_114, %dma_start3A_115] : memref<10000x48xf32, #tpu.memory_space<vmem_shared>> -> memref<16x48xf32, #tpu.memory_space<vmem_shared>>
        %dma_start3A_117 = arith.constant 0 : i32
        %dma_start3A_118 = arith.constant 0 : i32
        %dma_start3A_119 = tpu.memref_slice %arg13[%dma_start3A_117, %dma_start3A_118] : memref<100x48xf32, #tpu.memory_space<vmem>> -> memref<16x48xf32, #tpu.memory_space<vmem>>
        tpu.enqueue_dma source(%dma_start3A_119 : memref<16x48xf32, #tpu.memory_space<vmem>>) target(%dma_start3A_116 : memref<16x48xf32, #tpu.memory_space<vmem_shared>>) target_semaphore(%run_scoped3A : memref<!tpu.dma_semaphore, #tpu.memory_space<semaphore_mem>>)
        %dma_wait3A_120 = arith.constant 0 : i32
        %dma_wait3A_121 = arith.constant 0 : i32
        %dma_wait3A_122 = tpu.memref_slice %arg13[%dma_wait3A_120, %dma_wait3A_121] : memref<100x48xf32, #tpu.memory_space<vmem>> -> memref<16x48xf32, #tpu.memory_space<vmem>>
        %dma_wait3A_123 = arith.constant 9984 : i32
        %dma_wait3A_124 = arith.constant 0 : i32
        %dma_wait3A_125 = tpu.memref_slice %arg17[%dma_wait3A_123, %dma_wait3A_124] : memref<10000x48xf32, #tpu.memory_space<vmem_shared>> -> memref<16x48xf32, #tpu.memory_space<vmem_shared>>
        %dma_wait3A_126 = arith.constant 9984 : i32
        %dma_wait3A_127 = arith.constant 0 : i32
        %dma_wait3A_128 = tpu.memref_slice %arg17[%dma_wait3A_126, %dma_wait3A_127] : memref<10000x48xf32, #tpu.memory_space<vmem_shared>> -> memref<16x48xf32, #tpu.memory_space<vmem_shared>>
        %dma_wait3A_129 = arith.constant 0 : i32
        %dma_wait3A_130 = arith.constant 0 : i32
        %dma_wait3A_131 = tpu.memref_slice %arg13[%dma_wait3A_129, %dma_wait3A_130] : memref<100x48xf32, #tpu.memory_space<vmem>> -> memref<16x48xf32, #tpu.memory_space<vmem>>
        tpu.wait_dma2 semaphore(%run_scoped3A : memref<!tpu.dma_semaphore, #tpu.memory_space<semaphore_mem>>) src(%dma_wait3A_131 : memref<16x48xf32, #tpu.memory_space<vmem>>) dst(%dma_wait3A_128 : memref<16x48xf32, #tpu.memory_space<vmem_shared>>)
        tpu.yield
      }) : () -> ()
    } else {
    }
    %mul3A_24 = arith.constant 100 : i32
    %mul3A_25 = arith.muli %add3A, %mul3A_24 : i32
    "tpu.region"() ({
      %run_scoped3A = tpu.sem_alloc : memref<!tpu.dma_semaphore, #tpu.memory_space<semaphore_mem>>
      %dma_start3A_108 = arith.constant 0 : i32
      %dma_start3A_109 = tpu.memref_slice %arg2[%mul3A_25, %dma_start3A_108] : memref<3200x100xi32, #tpu.memory_space<hbm>> -> memref<100x100xi32, #tpu.memory_space<hbm>>
      %dma_start3A_110 = arith.constant 0 : i32
      %dma_start3A_111 = tpu.memref_slice %arg2[%mul3A_25, %dma_start3A_110] : memref<3200x100xi32, #tpu.memory_space<hbm>> -> memref<100x100xi32, #tpu.memory_space<hbm>>
      tpu.enqueue_dma source(%dma_start3A_111 : memref<100x100xi32, #tpu.memory_space<hbm>>) target(%arg7 : memref<100x100xi32, #tpu.memory_space<vmem>>) target_semaphore(%run_scoped3A : memref<!tpu.dma_semaphore, #tpu.memory_space<semaphore_mem>>)
      %dma_wait3A_112 = arith.constant 0 : i32
      %dma_wait3A_113 = tpu.memref_slice %arg2[%mul3A_25, %dma_wait3A_112] : memref<3200x100xi32, #tpu.memory_space<hbm>> -> memref<100x100xi32, #tpu.memory_space<hbm>>
      %dma_wait3A_114 = arith.constant 0 : i32
      %dma_wait3A_115 = tpu.memref_slice %arg2[%mul3A_25, %dma_wait3A_114] : memref<3200x100xi32, #tpu.memory_space<hbm>> -> memref<100x100xi32, #tpu.memory_space<hbm>>
      tpu.wait_dma2 semaphore(%run_scoped3A : memref<!tpu.dma_semaphore, #tpu.memory_space<semaphore_mem>>) src(%dma_wait3A_115 : memref<100x100xi32, #tpu.memory_space<hbm>>) dst(%arg7 : memref<100x100xi32, #tpu.memory_space<vmem>>)
      tpu.yield
    }) : () -> ()
    %mul3A_26 = arith.constant 100 : i32
    %mul3A_27 = arith.muli %add3A, %mul3A_26 : i32
    "tpu.region"() ({
      %run_scoped3A = tpu.sem_alloc : memref<!tpu.dma_semaphore, #tpu.memory_space<semaphore_mem>>
      %dma_start3A_108 = arith.constant 0 : i32
      %dma_start3A_109 = tpu.memref_slice %arg3[%mul3A_27, %dma_start3A_108] : memref<3200x100xi32, #tpu.memory_space<hbm>> -> memref<100x100xi32, #tpu.memory_space<hbm>>
      %dma_start3A_110 = arith.constant 0 : i32
      %dma_start3A_111 = tpu.memref_slice %arg3[%mul3A_27, %dma_start3A_110] : memref<3200x100xi32, #tpu.memory_space<hbm>> -> memref<100x100xi32, #tpu.memory_space<hbm>>
      tpu.enqueue_dma source(%dma_start3A_111 : memref<100x100xi32, #tpu.memory_space<hbm>>) target(%arg8 : memref<100x100xi32, #tpu.memory_space<vmem>>) target_semaphore(%run_scoped3A : memref<!tpu.dma_semaphore, #tpu.memory_space<semaphore_mem>>)
      %dma_wait3A_112 = arith.constant 0 : i32
      %dma_wait3A_113 = tpu.memref_slice %arg3[%mul3A_27, %dma_wait3A_112] : memref<3200x100xi32, #tpu.memory_space<hbm>> -> memref<100x100xi32, #tpu.memory_space<hbm>>
      %dma_wait3A_114 = arith.constant 0 : i32
      %dma_wait3A_115 = tpu.memref_slice %arg3[%mul3A_27, %dma_wait3A_114] : memref<3200x100xi32, #tpu.memory_space<hbm>> -> memref<100x100xi32, #tpu.memory_space<hbm>>
      tpu.wait_dma2 semaphore(%run_scoped3A : memref<!tpu.dma_semaphore, #tpu.memory_space<semaphore_mem>>) src(%dma_wait3A_115 : memref<100x100xi32, #tpu.memory_space<hbm>>) dst(%arg8 : memref<100x100xi32, #tpu.memory_space<vmem>>)
      tpu.yield
    }) : () -> ()
    %barrier3A = arith.constant 0 : index
    tpu.barrier barrier_id(%barrier3A)
    %dma_start3A = arith.constant 0 : i32
    %dma_start3A_28 = arith.constant 0 : i32
    %dma_start3A_29 = tpu.memref_slice %arg8[%dma_start3A, %dma_start3A_28] : memref<100x100xi32, #tpu.memory_space<vmem>> -> memref<1x100xi32, #tpu.memory_space<vmem>>
    %dma_start3A_30 = tpu.memref_squeeze %dma_start3A_29 : memref<1x100xi32, #tpu.memory_space<vmem>> -> memref<100xi32, #tpu.memory_space<vmem>>
    %dma_start3A_31 = arith.constant 0 : i32
    %dma_start3A_32 = arith.constant 0 : i32
    %dma_start3A_33 = tpu.memref_slice %arg17[%dma_start3A_31, %dma_start3A_32] : memref<10000x48xf32, #tpu.memory_space<vmem_shared>> -> memref<10000x48xf32, #tpu.memory_space<vmem_shared>>
    tpu.enqueue_indirect_dma source(%arg13 : memref<100x48xf32, #tpu.memory_space<vmem>>) target(%dma_start3A_33 : memref<10000x48xf32, #tpu.memory_space<vmem_shared>>) offsets(%dma_start3A_30 : memref<100xi32, #tpu.memory_space<vmem>>) semaphore(%arg16 : memref<!tpu.dma_semaphore, #tpu.memory_space<semaphore_mem>>) {add = true}
    %dma_start3A_34 = arith.constant 0 : i32
    %dma_start3A_35 = arith.constant 0 : i32
    %dma_start3A_36 = tpu.memref_slice %arg8[%dma_start3A_34, %dma_start3A_35] : memref<100x100xi32, #tpu.memory_space<vmem>> -> memref<1x100xi32, #tpu.memory_space<vmem>>
    %dma_start3A_37 = tpu.memref_squeeze %dma_start3A_36 : memref<1x100xi32, #tpu.memory_space<vmem>> -> memref<100xi32, #tpu.memory_space<vmem>>
    %dma_start3A_38 = arith.constant 0 : i32
    %dma_start3A_39 = arith.constant 0 : i32
    %dma_start3A_40 = tpu.memref_slice %arg4[%dma_start3A_38, %dma_start3A_39] : memref<10000x16xf32, #tpu.memory_space<hbm>> -> memref<10000x16xf32, #tpu.memory_space<hbm>>
    tpu.enqueue_indirect_dma source(%dma_start3A_40 : memref<10000x16xf32, #tpu.memory_space<hbm>>) target(%arg9 : memref<100x16xf32, #tpu.memory_space<vmem>>) offsets(%dma_start3A_37 : memref<100xi32, #tpu.memory_space<vmem>>) semaphore(%arg14 : memref<!tpu.dma_semaphore, #tpu.memory_space<semaphore_mem>>)
    %dma_start3A_41 = arith.constant 0 : i32
    %dma_start3A_42 = arith.constant 0 : i32
    %dma_start3A_43 = tpu.memref_slice %arg7[%dma_start3A_41, %dma_start3A_42] : memref<100x100xi32, #tpu.memory_space<vmem>> -> memref<1x100xi32, #tpu.memory_space<vmem>>
    %dma_start3A_44 = tpu.memref_squeeze %dma_start3A_43 : memref<1x100xi32, #tpu.memory_space<vmem>> -> memref<100xi32, #tpu.memory_space<vmem>>
    %dma_start3A_45 = arith.constant 0 : i32
    %dma_start3A_46 = arith.constant 0 : i32
    %dma_start3A_47 = tpu.memref_slice %arg5[%dma_start3A_45, %dma_start3A_46] : memref<10000x48xf32, #tpu.memory_space<hbm>> -> memref<10000x48xf32, #tpu.memory_space<hbm>>
    tpu.enqueue_indirect_dma source(%dma_start3A_47 : memref<10000x48xf32, #tpu.memory_space<hbm>>) target(%arg10 : memref<100x48xf32, #tpu.memory_space<vmem>>) offsets(%dma_start3A_44 : memref<100xi32, #tpu.memory_space<vmem>>) semaphore(%arg14 : memref<!tpu.dma_semaphore, #tpu.memory_space<semaphore_mem>>)
    %dma_start3A_48 = arith.constant 1 : i32
    %dma_start3A_49 = arith.constant 0 : i32
    %dma_start3A_50 = tpu.memref_slice %arg8[%dma_start3A_48, %dma_start3A_49] : memref<100x100xi32, #tpu.memory_space<vmem>> -> memref<1x100xi32, #tpu.memory_space<vmem>>
    %dma_start3A_51 = tpu.memref_squeeze %dma_start3A_50 : memref<1x100xi32, #tpu.memory_space<vmem>> -> memref<100xi32, #tpu.memory_space<vmem>>
    %dma_start3A_52 = arith.constant 0 : i32
    %dma_start3A_53 = arith.constant 0 : i32
    %dma_start3A_54 = tpu.memref_slice %arg4[%dma_start3A_52, %dma_start3A_53] : memref<10000x16xf32, #tpu.memory_space<hbm>> -> memref<10000x16xf32, #tpu.memory_space<hbm>>
    tpu.enqueue_indirect_dma source(%dma_start3A_54 : memref<10000x16xf32, #tpu.memory_space<hbm>>) target(%arg11 : memref<100x16xf32, #tpu.memory_space<vmem>>) offsets(%dma_start3A_51 : memref<100xi32, #tpu.memory_space<vmem>>) semaphore(%arg15 : memref<!tpu.dma_semaphore, #tpu.memory_space<semaphore_mem>>)
    %dma_start3A_55 = arith.constant 1 : i32
    %dma_start3A_56 = arith.constant 0 : i32
    %dma_start3A_57 = tpu.memref_slice %arg7[%dma_start3A_55, %dma_start3A_56] : memref<100x100xi32, #tpu.memory_space<vmem>> -> memref<1x100xi32, #tpu.memory_space<vmem>>
    %dma_start3A_58 = tpu.memref_squeeze %dma_start3A_57 : memref<1x100xi32, #tpu.memory_space<vmem>> -> memref<100xi32, #tpu.memory_space<vmem>>
    %dma_start3A_59 = arith.constant 0 : i32
    %dma_start3A_60 = arith.constant 0 : i32
    %dma_start3A_61 = tpu.memref_slice %arg5[%dma_start3A_59, %dma_start3A_60] : memref<10000x48xf32, #tpu.memory_space<hbm>> -> memref<10000x48xf32, #tpu.memory_space<hbm>>
    tpu.enqueue_indirect_dma source(%dma_start3A_61 : memref<10000x48xf32, #tpu.memory_space<hbm>>) target(%arg12 : memref<100x48xf32, #tpu.memory_space<vmem>>) offsets(%dma_start3A_58 : memref<100xi32, #tpu.memory_space<vmem>>) semaphore(%arg15 : memref<!tpu.dma_semaphore, #tpu.memory_space<semaphore_mem>>)
    %scan3A_62 = arith.constant 0 : i32
    %scan3A_63 = arith.constant 0 : i32
    %scan3A_64 = arith.constant 50 : i32
    %scan3A_65 = arith.addi %scan3A_63, %scan3A_64 : i32
    %scan3A_66 = arith.constant 1 : i32
    scf.for %scan3A_108 = %scan3A_63 to %scan3A_65 step %scan3A_66  : i32 {
      %mul3A_109 = arith.constant 2 : i32
      %mul3A_110 = arith.muli %scan3A_108, %mul3A_109 : i32
      %add3A_111 = arith.constant 1 : i32
      %add3A_112 = arith.addi %mul3A_110, %add3A_111 : i32
      %dma_wait3A_113 = arith.constant 0 : i32
      %dma_wait3A_114 = tpu.memref_slice %arg8[%mul3A_110, %dma_wait3A_113] : memref<100x100xi32, #tpu.memory_space<vmem>> -> memref<1x100xi32, #tpu.memory_space<vmem>>
      %dma_wait3A_115 = tpu.memref_squeeze %dma_wait3A_114 : memref<1x100xi32, #tpu.memory_space<vmem>> -> memref<100xi32, #tpu.memory_space<vmem>>
      %dma_wait3A_116 = arith.constant 0 : i32
      %dma_wait3A_117 = arith.constant 0 : i32
      %dma_wait3A_118 = tpu.memref_slice %arg4[%dma_wait3A_116, %dma_wait3A_117] : memref<10000x16xf32, #tpu.memory_space<hbm>> -> memref<10000x16xf32, #tpu.memory_space<hbm>>
      tpu.wait_indirect_dma semaphore(%arg14 : memref<!tpu.dma_semaphore, #tpu.memory_space<semaphore_mem>>) src(%dma_wait3A_118 : memref<10000x16xf32, #tpu.memory_space<hbm>>) dst(%arg9 : memref<100x16xf32, #tpu.memory_space<vmem>>)
      %dma_wait3A_119 = arith.constant 0 : i32
      %dma_wait3A_120 = tpu.memref_slice %arg7[%mul3A_110, %dma_wait3A_119] : memref<100x100xi32, #tpu.memory_space<vmem>> -> memref<1x100xi32, #tpu.memory_space<vmem>>
      %dma_wait3A_121 = tpu.memref_squeeze %dma_wait3A_120 : memref<1x100xi32, #tpu.memory_space<vmem>> -> memref<100xi32, #tpu.memory_space<vmem>>
      %dma_wait3A_122 = arith.constant 0 : i32
      %dma_wait3A_123 = arith.constant 0 : i32
      %dma_wait3A_124 = tpu.memref_slice %arg5[%dma_wait3A_122, %dma_wait3A_123] : memref<10000x48xf32, #tpu.memory_space<hbm>> -> memref<10000x48xf32, #tpu.memory_space<hbm>>
      tpu.wait_indirect_dma semaphore(%arg14 : memref<!tpu.dma_semaphore, #tpu.memory_space<semaphore_mem>>) src(%dma_wait3A_124 : memref<10000x48xf32, #tpu.memory_space<hbm>>) dst(%arg10 : memref<100x48xf32, #tpu.memory_space<vmem>>)
      %dma_wait3A_125 = arith.constant 0 : i32
      %dma_wait3A_126 = tpu.memref_slice %arg8[%mul3A_110, %dma_wait3A_125] : memref<100x100xi32, #tpu.memory_space<vmem>> -> memref<1x100xi32, #tpu.memory_space<vmem>>
      %dma_wait3A_127 = tpu.memref_squeeze %dma_wait3A_126 : memref<1x100xi32, #tpu.memory_space<vmem>> -> memref<100xi32, #tpu.memory_space<vmem>>
      %dma_wait3A_128 = arith.constant 0 : i32
      %dma_wait3A_129 = arith.constant 0 : i32
      %dma_wait3A_130 = tpu.memref_slice %arg17[%dma_wait3A_128, %dma_wait3A_129] : memref<10000x48xf32, #tpu.memory_space<vmem_shared>> -> memref<10000x48xf32, #tpu.memory_space<vmem_shared>>
      tpu.wait_indirect_dma semaphore(%arg16 : memref<!tpu.dma_semaphore, #tpu.memory_space<semaphore_mem>>) src(%arg13 : memref<100x48xf32, #tpu.memory_space<vmem>>) dst(%dma_wait3A_130 : memref<10000x48xf32, #tpu.memory_space<vmem_shared>>)
      %parallel_loop3A = arith.constant 0 : i32
      %parallel_loop3A_131 = arith.constant 100 : i32
      %parallel_loop3A_132 = arith.constant 1 : i32
      scf.for %parallel_loop3A_175 = %parallel_loop3A to %parallel_loop3A_131 step %parallel_loop3A_132  : i32 {
        %parallel_loop3A_176 = arith.index_cast %parallel_loop3A_175 : i32 to index
        %parallel_loop3A_177 = arith.constant 32 : index
        %parallel_loop3A_178 = tpu.vector_load %arg10[%parallel_loop3A_176, %parallel_loop3A_177] {strides = array<i32>} : memref<100x48xf32, #tpu.memory_space<vmem>>, vector<1x16xf32>,
        %parallel_loop3A_179 = vector.shape_cast %parallel_loop3A_178 : vector<1x16xf32> to vector<16xf32>
        %parallel_loop3A_180 = arith.index_cast %parallel_loop3A_175 : i32 to index
        %parallel_loop3A_181 = arith.constant 0 : index
        %parallel_loop3A_182 = tpu.vector_load %arg9[%parallel_loop3A_180, %parallel_loop3A_181] {strides = array<i32>} : memref<100x16xf32, #tpu.memory_space<vmem>>, vector<1x16xf32>,
        %parallel_loop3A_183 = vector.shape_cast %parallel_loop3A_182 : vector<1x16xf32> to vector<16xf32>
        %parallel_loop3A_184 = arith.addf %parallel_loop3A_179, %parallel_loop3A_183 : vector<16xf32>
        %parallel_loop3A_185 = arith.constant 2.000000e-01 : f32
        %parallel_loop3A_186 = vector.broadcast %parallel_loop3A_185 : f32 to vector<16xf32>
        %parallel_loop3A_187 = arith.mulf %parallel_loop3A_186, %parallel_loop3A_184 : vector<16xf32>
        %parallel_loop3A_188 = arith.maximumf %parallel_loop3A_184, %parallel_loop3A_187 : vector<16xf32>
        %parallel_loop3A_189 = math.exp %parallel_loop3A_188 : vector<16xf32>
        %parallel_loop3A_190 = arith.index_cast %parallel_loop3A_175 : i32 to index
        %parallel_loop3A_191 = arith.constant 0 : index
        %parallel_loop3A_192 = tpu.vector_load %arg10[%parallel_loop3A_190, %parallel_loop3A_191] {strides = array<i32>} : memref<100x48xf32, #tpu.memory_space<vmem>>, vector<1x16xf32>,
        %parallel_loop3A_193 = vector.shape_cast %parallel_loop3A_192 : vector<1x16xf32> to vector<16xf32>
        %parallel_loop3A_194 = vector.extract_strided_slice %parallel_loop3A_189 {offsets = [15], sizes = [1], strides = [1]} : vector<16xf32> to vector<1xf32>
        %parallel_loop3A_195 = vector.extract %parallel_loop3A_194[0] : f32 from vector<1xf32>
        %parallel_loop3A_196 = vector.broadcast %parallel_loop3A_195 : f32 to vector<16xf32>
        %parallel_loop3A_197 = arith.mulf %parallel_loop3A_196, %parallel_loop3A_193 : vector<16xf32>
        %parallel_loop3A_198 = arith.index_cast %parallel_loop3A_175 : i32 to index
        %parallel_loop3A_199 = arith.constant 0 : index
        %parallel_loop3A_200 = tpu.vector_load %arg13[%parallel_loop3A_198, %parallel_loop3A_199] {strides = array<i32>} : memref<100x48xf32, #tpu.memory_space<vmem>>, vector<1x16xf32>,
        %parallel_loop3A_201 = vector.shape_cast %parallel_loop3A_200 : vector<1x16xf32> to vector<16xf32>
        %parallel_loop3A_202 = vector.shape_cast %parallel_loop3A_197 : vector<16xf32> to vector<1x16xf32>
        tpu.vector_store %arg13[%parallel_loop3A_198, %parallel_loop3A_199], %parallel_loop3A_202 {strides = array<i32>} : memref<100x48xf32, #tpu.memory_space<vmem>>, vector<1x16xf32>,
        %parallel_loop3A_203 = arith.index_cast %parallel_loop3A_175 : i32 to index
        %parallel_loop3A_204 = arith.constant 16 : index
        %parallel_loop3A_205 = tpu.vector_load %arg10[%parallel_loop3A_203, %parallel_loop3A_204] {strides = array<i32>} : memref<100x48xf32, #tpu.memory_space<vmem>>, vector<1x16xf32>,
        %parallel_loop3A_206 = vector.shape_cast %parallel_loop3A_205 : vector<1x16xf32> to vector<16xf32>
        %parallel_loop3A_207 = vector.extract_strided_slice %parallel_loop3A_189 {offsets = [15], sizes = [1], strides = [1]} : vector<16xf32> to vector<1xf32>
        %parallel_loop3A_208 = vector.extract %parallel_loop3A_207[0] : f32 from vector<1xf32>
        %parallel_loop3A_209 = vector.broadcast %parallel_loop3A_208 : f32 to vector<16xf32>
        %parallel_loop3A_210 = arith.mulf %parallel_loop3A_209, %parallel_loop3A_206 : vector<16xf32>
        %parallel_loop3A_211 = arith.index_cast %parallel_loop3A_175 : i32 to index
        %parallel_loop3A_212 = arith.constant 16 : index
        %parallel_loop3A_213 = tpu.vector_load %arg13[%parallel_loop3A_211, %parallel_loop3A_212] {strides = array<i32>} : memref<100x48xf32, #tpu.memory_space<vmem>>, vector<1x16xf32>,
        %parallel_loop3A_214 = vector.shape_cast %parallel_loop3A_213 : vector<1x16xf32> to vector<16xf32>
        %parallel_loop3A_215 = vector.shape_cast %parallel_loop3A_210 : vector<16xf32> to vector<1x16xf32>
        tpu.vector_store %arg13[%parallel_loop3A_211, %parallel_loop3A_212], %parallel_loop3A_215 {strides = array<i32>} : memref<100x48xf32, #tpu.memory_space<vmem>>, vector<1x16xf32>,
        %parallel_loop3A_216 = arith.index_cast %parallel_loop3A_175 : i32 to index
        %parallel_loop3A_217 = arith.constant 32 : index
        %parallel_loop3A_218 = tpu.vector_load %arg10[%parallel_loop3A_216, %parallel_loop3A_217] {strides = array<i32>} : memref<100x48xf32, #tpu.memory_space<vmem>>, vector<1x16xf32>,
        %parallel_loop3A_219 = vector.shape_cast %parallel_loop3A_218 : vector<1x16xf32> to vector<16xf32>
        %parallel_loop3A_220 = vector.extract_strided_slice %parallel_loop3A_189 {offsets = [15], sizes = [1], strides = [1]} : vector<16xf32> to vector<1xf32>
        %parallel_loop3A_221 = vector.extract %parallel_loop3A_220[0] : f32 from vector<1xf32>
        %parallel_loop3A_222 = vector.broadcast %parallel_loop3A_221 : f32 to vector<16xf32>
        %parallel_loop3A_223 = arith.mulf %parallel_loop3A_222, %parallel_loop3A_219 : vector<16xf32>
        %parallel_loop3A_224 = arith.index_cast %parallel_loop3A_175 : i32 to index
        %parallel_loop3A_225 = arith.constant 32 : index
        %parallel_loop3A_226 = tpu.vector_load %arg13[%parallel_loop3A_224, %parallel_loop3A_225] {strides = array<i32>} : memref<100x48xf32, #tpu.memory_space<vmem>>, vector<1x16xf32>,
        %parallel_loop3A_227 = vector.shape_cast %parallel_loop3A_226 : vector<1x16xf32> to vector<16xf32>
        %parallel_loop3A_228 = vector.shape_cast %parallel_loop3A_223 : vector<16xf32> to vector<1x16xf32>
        tpu.vector_store %arg13[%parallel_loop3A_224, %parallel_loop3A_225], %parallel_loop3A_228 {strides = array<i32>} : memref<100x48xf32, #tpu.memory_space<vmem>>, vector<1x16xf32>,
      } {sc.loop_unroll_factor = 10 : i64, sc.parallel_access}
      %dma_start3A_133 = arith.constant 0 : i32
      %dma_start3A_134 = tpu.memref_slice %arg8[%mul3A_110, %dma_start3A_133] : memref<100x100xi32, #tpu.memory_space<vmem>> -> memref<1x100xi32, #tpu.memory_space<vmem>>
      %dma_start3A_135 = tpu.memref_squeeze %dma_start3A_134 : memref<1x100xi32, #tpu.memory_space<vmem>> -> memref<100xi32, #tpu.memory_space<vmem>>
      %dma_start3A_136 = arith.constant 0 : i32
      %dma_start3A_137 = arith.constant 0 : i32
      %dma_start3A_138 = tpu.memref_slice %arg17[%dma_start3A_136, %dma_start3A_137] : memref<10000x48xf32, #tpu.memory_space<vmem_shared>> -> memref<10000x48xf32, #tpu.memory_space<vmem_shared>>
      tpu.enqueue_indirect_dma source(%arg13 : memref<100x48xf32, #tpu.memory_space<vmem>>) target(%dma_start3A_138 : memref<10000x48xf32, #tpu.memory_space<vmem_shared>>) offsets(%dma_start3A_135 : memref<100xi32, #tpu.memory_space<vmem>>) semaphore(%arg16 : memref<!tpu.dma_semaphore, #tpu.memory_space<semaphore_mem>>) {add = true}
      %lt3A = arith.constant 49 : i32
      %lt3A_139 = arith.cmpi slt, %scan3A_108, %lt3A : i32
      %convert_element_type3A_140 = arith.extui %lt3A_139 : i1 to i32
      %cond3A_141 = arith.constant 0 : i32
      %cond3A_142 = arith.cmpi ne, %convert_element_type3A_140, %cond3A_141 : i32
      scf.if %cond3A_142 {
        %add3A_175 = arith.constant 2 : i32
        %add3A_176 = arith.addi %mul3A_110, %add3A_175 : i32
        %dma_start3A_177 = arith.constant 0 : i32
        %dma_start3A_178 = tpu.memref_slice %arg8[%add3A_176, %dma_start3A_177] : memref<100x100xi32, #tpu.memory_space<vmem>> -> memref<1x100xi32, #tpu.memory_space<vmem>>
        %dma_start3A_179 = tpu.memref_squeeze %dma_start3A_178 : memref<1x100xi32, #tpu.memory_space<vmem>> -> memref<100xi32, #tpu.memory_space<vmem>>
        %dma_start3A_180 = arith.constant 0 : i32
        %dma_start3A_181 = arith.constant 0 : i32
        %dma_start3A_182 = tpu.memref_slice %arg4[%dma_start3A_180, %dma_start3A_181] : memref<10000x16xf32, #tpu.memory_space<hbm>> -> memref<10000x16xf32, #tpu.memory_space<hbm>>
        tpu.enqueue_indirect_dma source(%dma_start3A_182 : memref<10000x16xf32, #tpu.memory_space<hbm>>) target(%arg9 : memref<100x16xf32, #tpu.memory_space<vmem>>) offsets(%dma_start3A_179 : memref<100xi32, #tpu.memory_space<vmem>>) semaphore(%arg14 : memref<!tpu.dma_semaphore, #tpu.memory_space<semaphore_mem>>)
        %dma_start3A_183 = arith.constant 0 : i32
        %dma_start3A_184 = tpu.memref_slice %arg7[%add3A_176, %dma_start3A_183] : memref<100x100xi32, #tpu.memory_space<vmem>> -> memref<1x100xi32, #tpu.memory_space<vmem>>
        %dma_start3A_185 = tpu.memref_squeeze %dma_start3A_184 : memref<1x100xi32, #tpu.memory_space<vmem>> -> memref<100xi32, #tpu.memory_space<vmem>>
        %dma_start3A_186 = arith.constant 0 : i32
        %dma_start3A_187 = arith.constant 0 : i32
        %dma_start3A_188 = tpu.memref_slice %arg5[%dma_start3A_186, %dma_start3A_187] : memref<10000x48xf32, #tpu.memory_space<hbm>> -> memref<10000x48xf32, #tpu.memory_space<hbm>>
        tpu.enqueue_indirect_dma source(%dma_start3A_188 : memref<10000x48xf32, #tpu.memory_space<hbm>>) target(%arg10 : memref<100x48xf32, #tpu.memory_space<vmem>>) offsets(%dma_start3A_185 : memref<100xi32, #tpu.memory_space<vmem>>) semaphore(%arg14 : memref<!tpu.dma_semaphore, #tpu.memory_space<semaphore_mem>>)
      } else {
      }
      %dma_wait3A_143 = arith.constant 0 : i32
      %dma_wait3A_144 = tpu.memref_slice %arg8[%add3A_112, %dma_wait3A_143] : memref<100x100xi32, #tpu.memory_space<vmem>> -> memref<1x100xi32, #tpu.memory_space<vmem>>
      %dma_wait3A_145 = tpu.memref_squeeze %dma_wait3A_144 : memref<1x100xi32, #tpu.memory_space<vmem>> -> memref<100xi32, #tpu.memory_space<vmem>>
      %dma_wait3A_146 = arith.constant 0 : i32
      %dma_wait3A_147 = arith.constant 0 : i32
      %dma_wait3A_148 = tpu.memref_slice %arg4[%dma_wait3A_146, %dma_wait3A_147] : memref<10000x16xf32, #tpu.memory_space<hbm>> -> memref<10000x16xf32, #tpu.memory_space<hbm>>
      tpu.wait_indirect_dma semaphore(%arg15 : memref<!tpu.dma_semaphore, #tpu.memory_space<semaphore_mem>>) src(%dma_wait3A_148 : memref<10000x16xf32, #tpu.memory_space<hbm>>) dst(%arg11 : memref<100x16xf32, #tpu.memory_space<vmem>>)
      %dma_wait3A_149 = arith.constant 0 : i32
      %dma_wait3A_150 = tpu.memref_slice %arg7[%add3A_112, %dma_wait3A_149] : memref<100x100xi32, #tpu.memory_space<vmem>> -> memref<1x100xi32, #tpu.memory_space<vmem>>
      %dma_wait3A_151 = tpu.memref_squeeze %dma_wait3A_150 : memref<1x100xi32, #tpu.memory_space<vmem>> -> memref<100xi32, #tpu.memory_space<vmem>>
      %dma_wait3A_152 = arith.constant 0 : i32
      %dma_wait3A_153 = arith.constant 0 : i32
      %dma_wait3A_154 = tpu.memref_slice %arg5[%dma_wait3A_152, %dma_wait3A_153] : memref<10000x48xf32, #tpu.memory_space<hbm>> -> memref<10000x48xf32, #tpu.memory_space<hbm>>
      tpu.wait_indirect_dma semaphore(%arg15 : memref<!tpu.dma_semaphore, #tpu.memory_space<semaphore_mem>>) src(%dma_wait3A_154 : memref<10000x48xf32, #tpu.memory_space<hbm>>) dst(%arg12 : memref<100x48xf32, #tpu.memory_space<vmem>>)
      %dma_wait3A_155 = arith.constant 0 : i32
      %dma_wait3A_156 = tpu.memref_slice %arg8[%add3A_112, %dma_wait3A_155] : memref<100x100xi32, #tpu.memory_space<vmem>> -> memref<1x100xi32, #tpu.memory_space<vmem>>
      %dma_wait3A_157 = tpu.memref_squeeze %dma_wait3A_156 : memref<1x100xi32, #tpu.memory_space<vmem>> -> memref<100xi32, #tpu.memory_space<vmem>>
      %dma_wait3A_158 = arith.constant 0 : i32
      %dma_wait3A_159 = arith.constant 0 : i32
      %dma_wait3A_160 = tpu.memref_slice %arg17[%dma_wait3A_158, %dma_wait3A_159] : memref<10000x48xf32, #tpu.memory_space<vmem_shared>> -> memref<10000x48xf32, #tpu.memory_space<vmem_shared>>
      tpu.wait_indirect_dma semaphore(%arg16 : memref<!tpu.dma_semaphore, #tpu.memory_space<semaphore_mem>>) src(%arg13 : memref<100x48xf32, #tpu.memory_space<vmem>>) dst(%dma_wait3A_160 : memref<10000x48xf32, #tpu.memory_space<vmem_shared>>)
      %parallel_loop3A_161 = arith.constant 0 : i32
      %parallel_loop3A_162 = arith.constant 100 : i32
      %parallel_loop3A_163 = arith.constant 1 : i32
      scf.for %parallel_loop3A_175 = %parallel_loop3A_161 to %parallel_loop3A_162 step %parallel_loop3A_163  : i32 {
        %parallel_loop3A_176 = arith.index_cast %parallel_loop3A_175 : i32 to index
        %parallel_loop3A_177 = arith.constant 32 : index
        %parallel_loop3A_178 = tpu.vector_load %arg12[%parallel_loop3A_176, %parallel_loop3A_177] {strides = array<i32>} : memref<100x48xf32, #tpu.memory_space<vmem>>, vector<1x16xf32>,
        %parallel_loop3A_179 = vector.shape_cast %parallel_loop3A_178 : vector<1x16xf32> to vector<16xf32>
        %parallel_loop3A_180 = arith.index_cast %parallel_loop3A_175 : i32 to index
        %parallel_loop3A_181 = arith.constant 0 : index
        %parallel_loop3A_182 = tpu.vector_load %arg11[%parallel_loop3A_180, %parallel_loop3A_181] {strides = array<i32>} : memref<100x16xf32, #tpu.memory_space<vmem>>, vector<1x16xf32>,
        %parallel_loop3A_183 = vector.shape_cast %parallel_loop3A_182 : vector<1x16xf32> to vector<16xf32>
        %parallel_loop3A_184 = arith.addf %parallel_loop3A_179, %parallel_loop3A_183 : vector<16xf32>
        %parallel_loop3A_185 = arith.constant 2.000000e-01 : f32
        %parallel_loop3A_186 = vector.broadcast %parallel_loop3A_185 : f32 to vector<16xf32>
        %parallel_loop3A_187 = arith.mulf %parallel_loop3A_186, %parallel_loop3A_184 : vector<16xf32>
        %parallel_loop3A_188 = arith.maximumf %parallel_loop3A_184, %parallel_loop3A_187 : vector<16xf32>
        %parallel_loop3A_189 = math.exp %parallel_loop3A_188 : vector<16xf32>
        %parallel_loop3A_190 = arith.index_cast %parallel_loop3A_175 : i32 to index
        %parallel_loop3A_191 = arith.constant 0 : index
        %parallel_loop3A_192 = tpu.vector_load %arg12[%parallel_loop3A_190, %parallel_loop3A_191] {strides = array<i32>} : memref<100x48xf32, #tpu.memory_space<vmem>>, vector<1x16xf32>,
        %parallel_loop3A_193 = vector.shape_cast %parallel_loop3A_192 : vector<1x16xf32> to vector<16xf32>
        %parallel_loop3A_194 = vector.extract_strided_slice %parallel_loop3A_189 {offsets = [15], sizes = [1], strides = [1]} : vector<16xf32> to vector<1xf32>
        %parallel_loop3A_195 = vector.extract %parallel_loop3A_194[0] : f32 from vector<1xf32>
        %parallel_loop3A_196 = vector.broadcast %parallel_loop3A_195 : f32 to vector<16xf32>
        %parallel_loop3A_197 = arith.mulf %parallel_loop3A_196, %parallel_loop3A_193 : vector<16xf32>
        %parallel_loop3A_198 = arith.index_cast %parallel_loop3A_175 : i32 to index
        %parallel_loop3A_199 = arith.constant 0 : index
        %parallel_loop3A_200 = tpu.vector_load %arg13[%parallel_loop3A_198, %parallel_loop3A_199] {strides = array<i32>} : memref<100x48xf32, #tpu.memory_space<vmem>>, vector<1x16xf32>,
        %parallel_loop3A_201 = vector.shape_cast %parallel_loop3A_200 : vector<1x16xf32> to vector<16xf32>
        %parallel_loop3A_202 = vector.shape_cast %parallel_loop3A_197 : vector<16xf32> to vector<1x16xf32>
        tpu.vector_store %arg13[%parallel_loop3A_198, %parallel_loop3A_199], %parallel_loop3A_202 {strides = array<i32>} : memref<100x48xf32, #tpu.memory_space<vmem>>, vector<1x16xf32>,
        %parallel_loop3A_203 = arith.index_cast %parallel_loop3A_175 : i32 to index
        %parallel_loop3A_204 = arith.constant 16 : index
        %parallel_loop3A_205 = tpu.vector_load %arg12[%parallel_loop3A_203, %parallel_loop3A_204] {strides = array<i32>} : memref<100x48xf32, #tpu.memory_space<vmem>>, vector<1x16xf32>,
        %parallel_loop3A_206 = vector.shape_cast %parallel_loop3A_205 : vector<1x16xf32> to vector<16xf32>
        %parallel_loop3A_207 = vector.extract_strided_slice %parallel_loop3A_189 {offsets = [15], sizes = [1], strides = [1]} : vector<16xf32> to vector<1xf32>
        %parallel_loop3A_208 = vector.extract %parallel_loop3A_207[0] : f32 from vector<1xf32>
        %parallel_loop3A_209 = vector.broadcast %parallel_loop3A_208 : f32 to vector<16xf32>
        %parallel_loop3A_210 = arith.mulf %parallel_loop3A_209, %parallel_loop3A_206 : vector<16xf32>
        %parallel_loop3A_211 = arith.index_cast %parallel_loop3A_175 : i32 to index
        %parallel_loop3A_212 = arith.constant 16 : index
        %parallel_loop3A_213 = tpu.vector_load %arg13[%parallel_loop3A_211, %parallel_loop3A_212] {strides = array<i32>} : memref<100x48xf32, #tpu.memory_space<vmem>>, vector<1x16xf32>,
        %parallel_loop3A_214 = vector.shape_cast %parallel_loop3A_213 : vector<1x16xf32> to vector<16xf32>
        %parallel_loop3A_215 = vector.shape_cast %parallel_loop3A_210 : vector<16xf32> to vector<1x16xf32>
        tpu.vector_store %arg13[%parallel_loop3A_211, %parallel_loop3A_212], %parallel_loop3A_215 {strides = array<i32>} : memref<100x48xf32, #tpu.memory_space<vmem>>, vector<1x16xf32>,
        %parallel_loop3A_216 = arith.index_cast %parallel_loop3A_175 : i32 to index
        %parallel_loop3A_217 = arith.constant 32 : index
        %parallel_loop3A_218 = tpu.vector_load %arg12[%parallel_loop3A_216, %parallel_loop3A_217] {strides = array<i32>} : memref<100x48xf32, #tpu.memory_space<vmem>>, vector<1x16xf32>,
        %parallel_loop3A_219 = vector.shape_cast %parallel_loop3A_218 : vector<1x16xf32> to vector<16xf32>
        %parallel_loop3A_220 = vector.extract_strided_slice %parallel_loop3A_189 {offsets = [15], sizes = [1], strides = [1]} : vector<16xf32> to vector<1xf32>
        %parallel_loop3A_221 = vector.extract %parallel_loop3A_220[0] : f32 from vector<1xf32>
        %parallel_loop3A_222 = vector.broadcast %parallel_loop3A_221 : f32 to vector<16xf32>
        %parallel_loop3A_223 = arith.mulf %parallel_loop3A_222, %parallel_loop3A_219 : vector<16xf32>
        %parallel_loop3A_224 = arith.index_cast %parallel_loop3A_175 : i32 to index
        %parallel_loop3A_225 = arith.constant 32 : index
        %parallel_loop3A_226 = tpu.vector_load %arg13[%parallel_loop3A_224, %parallel_loop3A_225] {strides = array<i32>} : memref<100x48xf32, #tpu.memory_space<vmem>>, vector<1x16xf32>,
        %parallel_loop3A_227 = vector.shape_cast %parallel_loop3A_226 : vector<1x16xf32> to vector<16xf32>
        %parallel_loop3A_228 = vector.shape_cast %parallel_loop3A_223 : vector<16xf32> to vector<1x16xf32>
        tpu.vector_store %arg13[%parallel_loop3A_224, %parallel_loop3A_225], %parallel_loop3A_228 {strides = array<i32>} : memref<100x48xf32, #tpu.memory_space<vmem>>, vector<1x16xf32>,
      } {sc.loop_unroll_factor = 10 : i64, sc.parallel_access}
      %dma_start3A_164 = arith.constant 0 : i32
      %dma_start3A_165 = tpu.memref_slice %arg8[%add3A_112, %dma_start3A_164] : memref<100x100xi32, #tpu.memory_space<vmem>> -> memref<1x100xi32, #tpu.memory_space<vmem>>
      %dma_start3A_166 = tpu.memref_squeeze %dma_start3A_165 : memref<1x100xi32, #tpu.memory_space<vmem>> -> memref<100xi32, #tpu.memory_space<vmem>>
      %dma_start3A_167 = arith.constant 0 : i32
      %dma_start3A_168 = arith.constant 0 : i32
      %dma_start3A_169 = tpu.memref_slice %arg17[%dma_start3A_167, %dma_start3A_168] : memref<10000x48xf32, #tpu.memory_space<vmem_shared>> -> memref<10000x48xf32, #tpu.memory_space<vmem_shared>>
      tpu.enqueue_indirect_dma source(%arg13 : memref<100x48xf32, #tpu.memory_space<vmem>>) target(%dma_start3A_169 : memref<10000x48xf32, #tpu.memory_space<vmem_shared>>) offsets(%dma_start3A_166 : memref<100xi32, #tpu.memory_space<vmem>>) semaphore(%arg16 : memref<!tpu.dma_semaphore, #tpu.memory_space<semaphore_mem>>) {add = true}
      %lt3A_170 = arith.constant 49 : i32
      %lt3A_171 = arith.cmpi slt, %scan3A_108, %lt3A_170 : i32
      %convert_element_type3A_172 = arith.extui %lt3A_171 : i1 to i32
      %cond3A_173 = arith.constant 0 : i32
      %cond3A_174 = arith.cmpi ne, %convert_element_type3A_172, %cond3A_173 : i32
      scf.if %cond3A_174 {
        %add3A_175 = arith.constant 2 : i32
        %add3A_176 = arith.addi %add3A_112, %add3A_175 : i32
        %dma_start3A_177 = arith.constant 0 : i32
        %dma_start3A_178 = tpu.memref_slice %arg8[%add3A_176, %dma_start3A_177] : memref<100x100xi32, #tpu.memory_space<vmem>> -> memref<1x100xi32, #tpu.memory_space<vmem>>
        %dma_start3A_179 = tpu.memref_squeeze %dma_start3A_178 : memref<1x100xi32, #tpu.memory_space<vmem>> -> memref<100xi32, #tpu.memory_space<vmem>>
        %dma_start3A_180 = arith.constant 0 : i32
        %dma_start3A_181 = arith.constant 0 : i32
        %dma_start3A_182 = tpu.memref_slice %arg4[%dma_start3A_180, %dma_start3A_181] : memref<10000x16xf32, #tpu.memory_space<hbm>> -> memref<10000x16xf32, #tpu.memory_space<hbm>>
        tpu.enqueue_indirect_dma source(%dma_start3A_182 : memref<10000x16xf32, #tpu.memory_space<hbm>>) target(%arg11 : memref<100x16xf32, #tpu.memory_space<vmem>>) offsets(%dma_start3A_179 : memref<100xi32, #tpu.memory_space<vmem>>) semaphore(%arg15 : memref<!tpu.dma_semaphore, #tpu.memory_space<semaphore_mem>>)
        %dma_start3A_183 = arith.constant 0 : i32
        %dma_start3A_184 = tpu.memref_slice %arg7[%add3A_176, %dma_start3A_183] : memref<100x100xi32, #tpu.memory_space<vmem>> -> memref<1x100xi32, #tpu.memory_space<vmem>>
        %dma_start3A_185 = tpu.memref_squeeze %dma_start3A_184 : memref<1x100xi32, #tpu.memory_space<vmem>> -> memref<100xi32, #tpu.memory_space<vmem>>
        %dma_start3A_186 = arith.constant 0 : i32
        %dma_start3A_187 = arith.constant 0 : i32
        %dma_start3A_188 = tpu.memref_slice %arg5[%dma_start3A_186, %dma_start3A_187] : memref<10000x48xf32, #tpu.memory_space<hbm>> -> memref<10000x48xf32, #tpu.memory_space<hbm>>
        tpu.enqueue_indirect_dma source(%dma_start3A_188 : memref<10000x48xf32, #tpu.memory_space<hbm>>) target(%arg12 : memref<100x48xf32, #tpu.memory_space<vmem>>) offsets(%dma_start3A_185 : memref<100xi32, #tpu.memory_space<vmem>>) semaphore(%arg15 : memref<!tpu.dma_semaphore, #tpu.memory_space<semaphore_mem>>)
      } else {
      }
    }
    %scan3A_67 = arith.constant 50 : i32
    %dma_wait3A = arith.constant 99 : i32
    %dma_wait3A_68 = arith.constant 0 : i32
    %dma_wait3A_69 = tpu.memref_slice %arg8[%dma_wait3A, %dma_wait3A_68] : memref<100x100xi32, #tpu.memory_space<vmem>> -> memref<1x100xi32, #tpu.memory_space<vmem>>
    %dma_wait3A_70 = tpu.memref_squeeze %dma_wait3A_69 : memref<1x100xi32, #tpu.memory_space<vmem>> -> memref<100xi32, #tpu.memory_space<vmem>>
    %dma_wait3A_71 = arith.constant 0 : i32
    %dma_wait3A_72 = arith.constant 0 : i32
    %dma_wait3A_73 = tpu.memref_slice %arg17[%dma_wait3A_71, %dma_wait3A_72] : memref<10000x48xf32, #tpu.memory_space<vmem_shared>> -> memref<10000x48xf32, #tpu.memory_space<vmem_shared>>
    tpu.wait_indirect_dma semaphore(%arg16 : memref<!tpu.dma_semaphore, #tpu.memory_space<semaphore_mem>>) src(%arg13 : memref<100x48xf32, #tpu.memory_space<vmem>>) dst(%dma_wait3A_73 : memref<10000x48xf32, #tpu.memory_space<vmem_shared>>)
    %barrier3A_74 = arith.constant 0 : index
    tpu.barrier barrier_id(%barrier3A_74)
    %add3A_75 = arith.constant 0 : i32
    %add3A_76 = arith.addi %mul3A_7, %add3A_75 : i32
    %add3A_77 = arith.constant 0 : i32
    %add3A_78 = arith.addi %mul3A_7, %add3A_77 : i32
    "tpu.region"() ({
      %run_scoped3A = tpu.sem_alloc : memref<!tpu.dma_semaphore, #tpu.memory_space<semaphore_mem>>
      %dma_start3A_108 = arith.constant 0 : i32
      %dma_start3A_109 = tpu.memref_slice %arg6[%arg0, %add3A_78, %dma_start3A_108] : memref<2x10000x48xf32, #tpu.memory_space<hbm>> -> memref<1x100x48xf32, #tpu.memory_space<hbm>>
      %dma_start3A_110 = tpu.memref_squeeze %dma_start3A_109 : memref<1x100x48xf32, #tpu.memory_space<hbm>> -> memref<100x48xf32, #tpu.memory_space<hbm>>
      %dma_start3A_111 = arith.constant 0 : i32
      %dma_start3A_112 = tpu.memref_slice %arg17[%add3A_76, %dma_start3A_111] : memref<10000x48xf32, #tpu.memory_space<vmem_shared>> -> memref<100x48xf32, #tpu.memory_space<vmem_shared>>
      tpu.enqueue_dma source(%dma_start3A_112 : memref<100x48xf32, #tpu.memory_space<vmem_shared>>) target(%dma_start3A_110 : memref<100x48xf32, #tpu.memory_space<hbm>>) target_semaphore(%run_scoped3A : memref<!tpu.dma_semaphore, #tpu.memory_space<semaphore_mem>>)
      %dma_wait3A_113 = arith.constant 0 : i32
      %dma_wait3A_114 = tpu.memref_slice %arg6[%arg0, %add3A_78, %dma_wait3A_113] : memref<2x10000x48xf32, #tpu.memory_space<hbm>> -> memref<1x100x48xf32, #tpu.memory_space<hbm>>
      %dma_wait3A_115 = tpu.memref_squeeze %dma_wait3A_114 : memref<1x100x48xf32, #tpu.memory_space<hbm>> -> memref<100x48xf32, #tpu.memory_space<hbm>>
      %dma_wait3A_116 = arith.constant 0 : i32
      %dma_wait3A_117 = tpu.memref_slice %arg17[%add3A_76, %dma_wait3A_116] : memref<10000x48xf32, #tpu.memory_space<vmem_shared>> -> memref<100x48xf32, #tpu.memory_space<vmem_shared>>
      tpu.wait_dma2 semaphore(%run_scoped3A : memref<!tpu.dma_semaphore, #tpu.memory_space<semaphore_mem>>) src(%dma_wait3A_117 : memref<100x48xf32, #tpu.memory_space<vmem_shared>>) dst(%dma_wait3A_115 : memref<100x48xf32, #tpu.memory_space<hbm>>)
      tpu.yield
    }) : () -> ()
    %add3A_79 = arith.constant 100 : i32
    %add3A_80 = arith.addi %mul3A_7, %add3A_79 : i32
    %add3A_81 = arith.constant 100 : i32
    %add3A_82 = arith.addi %mul3A_7, %add3A_81 : i32
    "tpu.region"() ({
      %run_scoped3A = tpu.sem_alloc : memref<!tpu.dma_semaphore, #tpu.memory_space<semaphore_mem>>
      %dma_start3A_108 = arith.constant 0 : i32
      %dma_start3A_109 = tpu.memref_slice %arg6[%arg0, %add3A_82, %dma_start3A_108] : memref<2x10000x48xf32, #tpu.memory_space<hbm>> -> memref<1x100x48xf32, #tpu.memory_space<hbm>>
      %dma_start3A_110 = tpu.memref_squeeze %dma_start3A_109 : memref<1x100x48xf32, #tpu.memory_space<hbm>> -> memref<100x48xf32, #tpu.memory_space<hbm>>
      %dma_start3A_111 = arith.constant 0 : i32
      %dma_start3A_112 = tpu.memref_slice %arg17[%add3A_80, %dma_start3A_111] : memref<10000x48xf32, #tpu.memory_space<vmem_shared>> -> memref<100x48xf32, #tpu.memory_space<vmem_shared>>
      tpu.enqueue_dma source(%dma_start3A_112 : memref<100x48xf32, #tpu.memory_space<vmem_shared>>) target(%dma_start3A_110 : memref<100x48xf32, #tpu.memory_space<hbm>>) target_semaphore(%run_scoped3A : memref<!tpu.dma_semaphore, #tpu.memory_space<semaphore_mem>>)
      %dma_wait3A_113 = arith.constant 0 : i32
      %dma_wait3A_114 = tpu.memref_slice %arg6[%arg0, %add3A_82, %dma_wait3A_113] : memref<2x10000x48xf32, #tpu.memory_space<hbm>> -> memref<1x100x48xf32, #tpu.memory_space<hbm>>
      %dma_wait3A_115 = tpu.memref_squeeze %dma_wait3A_114 : memref<1x100x48xf32, #tpu.memory_space<hbm>> -> memref<100x48xf32, #tpu.memory_space<hbm>>
      %dma_wait3A_116 = arith.constant 0 : i32
      %dma_wait3A_117 = tpu.memref_slice %arg17[%add3A_80, %dma_wait3A_116] : memref<10000x48xf32, #tpu.memory_space<vmem_shared>> -> memref<100x48xf32, #tpu.memory_space<vmem_shared>>
      tpu.wait_dma2 semaphore(%run_scoped3A : memref<!tpu.dma_semaphore, #tpu.memory_space<semaphore_mem>>) src(%dma_wait3A_117 : memref<100x48xf32, #tpu.memory_space<vmem_shared>>) dst(%dma_wait3A_115 : memref<100x48xf32, #tpu.memory_space<hbm>>)
      tpu.yield
    }) : () -> ()
    %add3A_83 = arith.constant 200 : i32
    %add3A_84 = arith.addi %mul3A_7, %add3A_83 : i32
    %add3A_85 = arith.constant 200 : i32
    %add3A_86 = arith.addi %mul3A_7, %add3A_85 : i32
    "tpu.region"() ({
      %run_scoped3A = tpu.sem_alloc : memref<!tpu.dma_semaphore, #tpu.memory_space<semaphore_mem>>
      %dma_start3A_108 = arith.constant 0 : i32
      %dma_start3A_109 = tpu.memref_slice %arg6[%arg0, %add3A_86, %dma_start3A_108] : memref<2x10000x48xf32, #tpu.memory_space<hbm>> -> memref<1x100x48xf32, #tpu.memory_space<hbm>>
      %dma_start3A_110 = tpu.memref_squeeze %dma_start3A_109 : memref<1x100x48xf32, #tpu.memory_space<hbm>> -> memref<100x48xf32, #tpu.memory_space<hbm>>
      %dma_start3A_111 = arith.constant 0 : i32
      %dma_start3A_112 = tpu.memref_slice %arg17[%add3A_84, %dma_start3A_111] : memref<10000x48xf32, #tpu.memory_space<vmem_shared>> -> memref<100x48xf32, #tpu.memory_space<vmem_shared>>
      tpu.enqueue_dma source(%dma_start3A_112 : memref<100x48xf32, #tpu.memory_space<vmem_shared>>) target(%dma_start3A_110 : memref<100x48xf32, #tpu.memory_space<hbm>>) target_semaphore(%run_scoped3A : memref<!tpu.dma_semaphore, #tpu.memory_space<semaphore_mem>>)
      %dma_wait3A_113 = arith.constant 0 : i32
      %dma_wait3A_114 = tpu.memref_slice %arg6[%arg0, %add3A_86, %dma_wait3A_113] : memref<2x10000x48xf32, #tpu.memory_space<hbm>> -> memref<1x100x48xf32, #tpu.memory_space<hbm>>
      %dma_wait3A_115 = tpu.memref_squeeze %dma_wait3A_114 : memref<1x100x48xf32, #tpu.memory_space<hbm>> -> memref<100x48xf32, #tpu.memory_space<hbm>>
      %dma_wait3A_116 = arith.constant 0 : i32
      %dma_wait3A_117 = tpu.memref_slice %arg17[%add3A_84, %dma_wait3A_116] : memref<10000x48xf32, #tpu.memory_space<vmem_shared>> -> memref<100x48xf32, #tpu.memory_space<vmem_shared>>
      tpu.wait_dma2 semaphore(%run_scoped3A : memref<!tpu.dma_semaphore, #tpu.memory_space<semaphore_mem>>) src(%dma_wait3A_117 : memref<100x48xf32, #tpu.memory_space<vmem_shared>>) dst(%dma_wait3A_115 : memref<100x48xf32, #tpu.memory_space<hbm>>)
      tpu.yield
    }) : () -> ()
    %add3A_87 = arith.constant 300 : i32
    %add3A_88 = arith.addi %mul3A_7, %add3A_87 : i32
    %add3A_89 = arith.constant 300 : i32
    %add3A_90 = arith.addi %mul3A_7, %add3A_89 : i32
    "tpu.region"() ({
      %run_scoped3A = tpu.sem_alloc : memref<!tpu.dma_semaphore, #tpu.memory_space<semaphore_mem>>
      %dma_start3A_108 = arith.constant 0 : i32
      %dma_start3A_109 = tpu.memref_slice %arg6[%arg0, %add3A_90, %dma_start3A_108] : memref<2x10000x48xf32, #tpu.memory_space<hbm>> -> memref<1x100x48xf32, #tpu.memory_space<hbm>>
      %dma_start3A_110 = tpu.memref_squeeze %dma_start3A_109 : memref<1x100x48xf32, #tpu.memory_space<hbm>> -> memref<100x48xf32, #tpu.memory_space<hbm>>
      %dma_start3A_111 = arith.constant 0 : i32
      %dma_start3A_112 = tpu.memref_slice %arg17[%add3A_88, %dma_start3A_111] : memref<10000x48xf32, #tpu.memory_space<vmem_shared>> -> memref<100x48xf32, #tpu.memory_space<vmem_shared>>
      tpu.enqueue_dma source(%dma_start3A_112 : memref<100x48xf32, #tpu.memory_space<vmem_shared>>) target(%dma_start3A_110 : memref<100x48xf32, #tpu.memory_space<hbm>>) target_semaphore(%run_scoped3A : memref<!tpu.dma_semaphore, #tpu.memory_space<semaphore_mem>>)
      %dma_wait3A_113 = arith.constant 0 : i32
      %dma_wait3A_114 = tpu.memref_slice %arg6[%arg0, %add3A_90, %dma_wait3A_113] : memref<2x10000x48xf32, #tpu.memory_space<hbm>> -> memref<1x100x48xf32, #tpu.memory_space<hbm>>
      %dma_wait3A_115 = tpu.memref_squeeze %dma_wait3A_114 : memref<1x100x48xf32, #tpu.memory_space<hbm>> -> memref<100x48xf32, #tpu.memory_space<hbm>>
      %dma_wait3A_116 = arith.constant 0 : i32
      %dma_wait3A_117 = tpu.memref_slice %arg17[%add3A_88, %dma_wait3A_116] : memref<10000x48xf32, #tpu.memory_space<vmem_shared>> -> memref<100x48xf32, #tpu.memory_space<vmem_shared>>
      tpu.wait_dma2 semaphore(%run_scoped3A : memref<!tpu.dma_semaphore, #tpu.memory_space<semaphore_mem>>) src(%dma_wait3A_117 : memref<100x48xf32, #tpu.memory_space<vmem_shared>>) dst(%dma_wait3A_115 : memref<100x48xf32, #tpu.memory_space<hbm>>)
      tpu.yield
    }) : () -> ()
    %add3A_91 = arith.constant 400 : i32
    %add3A_92 = arith.addi %mul3A_7, %add3A_91 : i32
    %add3A_93 = arith.constant 400 : i32
    %add3A_94 = arith.addi %mul3A_7, %add3A_93 : i32
    "tpu.region"() ({
      %run_scoped3A = tpu.sem_alloc : memref<!tpu.dma_semaphore, #tpu.memory_space<semaphore_mem>>
      %dma_start3A_108 = arith.constant 0 : i32
      %dma_start3A_109 = tpu.memref_slice %arg6[%arg0, %add3A_94, %dma_start3A_108] : memref<2x10000x48xf32, #tpu.memory_space<hbm>> -> memref<1x100x48xf32, #tpu.memory_space<hbm>>
      %dma_start3A_110 = tpu.memref_squeeze %dma_start3A_109 : memref<1x100x48xf32, #tpu.memory_space<hbm>> -> memref<100x48xf32, #tpu.memory_space<hbm>>
      %dma_start3A_111 = arith.constant 0 : i32
      %dma_start3A_112 = tpu.memref_slice %arg17[%add3A_92, %dma_start3A_111] : memref<10000x48xf32, #tpu.memory_space<vmem_shared>> -> memref<100x48xf32, #tpu.memory_space<vmem_shared>>
      tpu.enqueue_dma source(%dma_start3A_112 : memref<100x48xf32, #tpu.memory_space<vmem_shared>>) target(%dma_start3A_110 : memref<100x48xf32, #tpu.memory_space<hbm>>) target_semaphore(%run_scoped3A : memref<!tpu.dma_semaphore, #tpu.memory_space<semaphore_mem>>)
      %dma_wait3A_113 = arith.constant 0 : i32
      %dma_wait3A_114 = tpu.memref_slice %arg6[%arg0, %add3A_94, %dma_wait3A_113] : memref<2x10000x48xf32, #tpu.memory_space<hbm>> -> memref<1x100x48xf32, #tpu.memory_space<hbm>>
      %dma_wait3A_115 = tpu.memref_squeeze %dma_wait3A_114 : memref<1x100x48xf32, #tpu.memory_space<hbm>> -> memref<100x48xf32, #tpu.memory_space<hbm>>
      %dma_wait3A_116 = arith.constant 0 : i32
      %dma_wait3A_117 = tpu.memref_slice %arg17[%add3A_92, %dma_wait3A_116] : memref<10000x48xf32, #tpu.memory_space<vmem_shared>> -> memref<100x48xf32, #tpu.memory_space<vmem_shared>>
      tpu.wait_dma2 semaphore(%run_scoped3A : memref<!tpu.dma_semaphore, #tpu.memory_space<semaphore_mem>>) src(%dma_wait3A_117 : memref<100x48xf32, #tpu.memory_space<vmem_shared>>) dst(%dma_wait3A_115 : memref<100x48xf32, #tpu.memory_space<hbm>>)
      tpu.yield
    }) : () -> ()
    %add3A_95 = arith.constant 500 : i32
    %add3A_96 = arith.addi %mul3A_7, %add3A_95 : i32
    %add3A_97 = arith.constant 500 : i32
    %add3A_98 = arith.addi %mul3A_7, %add3A_97 : i32
    "tpu.region"() ({
      %run_scoped3A = tpu.sem_alloc : memref<!tpu.dma_semaphore, #tpu.memory_space<semaphore_mem>>
      %dma_start3A_108 = arith.constant 0 : i32
      %dma_start3A_109 = tpu.memref_slice %arg6[%arg0, %add3A_98, %dma_start3A_108] : memref<2x10000x48xf32, #tpu.memory_space<hbm>> -> memref<1x100x48xf32, #tpu.memory_space<hbm>>
      %dma_start3A_110 = tpu.memref_squeeze %dma_start3A_109 : memref<1x100x48xf32, #tpu.memory_space<hbm>> -> memref<100x48xf32, #tpu.memory_space<hbm>>
      %dma_start3A_111 = arith.constant 0 : i32
      %dma_start3A_112 = tpu.memref_slice %arg17[%add3A_96, %dma_start3A_111] : memref<10000x48xf32, #tpu.memory_space<vmem_shared>> -> memref<100x48xf32, #tpu.memory_space<vmem_shared>>
      tpu.enqueue_dma source(%dma_start3A_112 : memref<100x48xf32, #tpu.memory_space<vmem_shared>>) target(%dma_start3A_110 : memref<100x48xf32, #tpu.memory_space<hbm>>) target_semaphore(%run_scoped3A : memref<!tpu.dma_semaphore, #tpu.memory_space<semaphore_mem>>)
      %dma_wait3A_113 = arith.constant 0 : i32
      %dma_wait3A_114 = tpu.memref_slice %arg6[%arg0, %add3A_98, %dma_wait3A_113] : memref<2x10000x48xf32, #tpu.memory_space<hbm>> -> memref<1x100x48xf32, #tpu.memory_space<hbm>>
      %dma_wait3A_115 = tpu.memref_squeeze %dma_wait3A_114 : memref<1x100x48xf32, #tpu.memory_space<hbm>> -> memref<100x48xf32, #tpu.memory_space<hbm>>
      %dma_wait3A_116 = arith.constant 0 : i32
      %dma_wait3A_117 = tpu.memref_slice %arg17[%add3A_96, %dma_wait3A_116] : memref<10000x48xf32, #tpu.memory_space<vmem_shared>> -> memref<100x48xf32, #tpu.memory_space<vmem_shared>>
      tpu.wait_dma2 semaphore(%run_scoped3A : memref<!tpu.dma_semaphore, #tpu.memory_space<semaphore_mem>>) src(%dma_wait3A_117 : memref<100x48xf32, #tpu.memory_space<vmem_shared>>) dst(%dma_wait3A_115 : memref<100x48xf32, #tpu.memory_space<hbm>>)
      tpu.yield
    }) : () -> ()
    %add3A_99 = arith.constant 600 : i32
    %add3A_100 = arith.addi %mul3A_7, %add3A_99 : i32
    %add3A_101 = arith.constant 600 : i32
    %add3A_102 = arith.addi %mul3A_7, %add3A_101 : i32
    "tpu.region"() ({
      %run_scoped3A = tpu.sem_alloc : memref<!tpu.dma_semaphore, #tpu.memory_space<semaphore_mem>>
      %dma_start3A_108 = arith.constant 0 : i32
      %dma_start3A_109 = tpu.memref_slice %arg6[%arg0, %add3A_102, %dma_start3A_108] : memref<2x10000x48xf32, #tpu.memory_space<hbm>> -> memref<1x24x48xf32, #tpu.memory_space<hbm>>
      %dma_start3A_110 = tpu.memref_squeeze %dma_start3A_109 : memref<1x24x48xf32, #tpu.memory_space<hbm>> -> memref<24x48xf32, #tpu.memory_space<hbm>>
      %dma_start3A_111 = arith.constant 0 : i32
      %dma_start3A_112 = tpu.memref_slice %arg17[%add3A_100, %dma_start3A_111] : memref<10000x48xf32, #tpu.memory_space<vmem_shared>> -> memref<24x48xf32, #tpu.memory_space<vmem_shared>>
      tpu.enqueue_dma source(%dma_start3A_112 : memref<24x48xf32, #tpu.memory_space<vmem_shared>>) target(%dma_start3A_110 : memref<24x48xf32, #tpu.memory_space<hbm>>) target_semaphore(%run_scoped3A : memref<!tpu.dma_semaphore, #tpu.memory_space<semaphore_mem>>)
      %dma_wait3A_113 = arith.constant 0 : i32
      %dma_wait3A_114 = tpu.memref_slice %arg6[%arg0, %add3A_102, %dma_wait3A_113] : memref<2x10000x48xf32, #tpu.memory_space<hbm>> -> memref<1x24x48xf32, #tpu.memory_space<hbm>>
      %dma_wait3A_115 = tpu.memref_squeeze %dma_wait3A_114 : memref<1x24x48xf32, #tpu.memory_space<hbm>> -> memref<24x48xf32, #tpu.memory_space<hbm>>
      %dma_wait3A_116 = arith.constant 0 : i32
      %dma_wait3A_117 = tpu.memref_slice %arg17[%add3A_100, %dma_wait3A_116] : memref<10000x48xf32, #tpu.memory_space<vmem_shared>> -> memref<24x48xf32, #tpu.memory_space<vmem_shared>>
      tpu.wait_dma2 semaphore(%run_scoped3A : memref<!tpu.dma_semaphore, #tpu.memory_space<semaphore_mem>>) src(%dma_wait3A_117 : memref<24x48xf32, #tpu.memory_space<vmem_shared>>) dst(%dma_wait3A_115 : memref<24x48xf32, #tpu.memory_space<hbm>>)
      tpu.yield
    }) : () -> ()
    %eq3A_103 = arith.constant 15 : i32
    %eq3A_104 = arith.cmpi eq, %arg1, %eq3A_103 : i32
    %convert_element_type3A_105 = arith.extui %eq3A_104 : i1 to i32
    %cond3A_106 = arith.constant 0 : i32
    %cond3A_107 = arith.cmpi ne, %convert_element_type3A_105, %cond3A_106 : i32
    scf.if %cond3A_107 {
      "tpu.region"() ({
        %run_scoped3A = tpu.sem_alloc : memref<!tpu.dma_semaphore, #tpu.memory_space<semaphore_mem>>
        %dma_start3A_108 = arith.constant 9984 : i32
        %dma_start3A_109 = arith.constant 0 : i32
        %dma_start3A_110 = tpu.memref_slice %arg6[%arg0, %dma_start3A_108, %dma_start3A_109] : memref<2x10000x48xf32, #tpu.memory_space<hbm>> -> memref<1x16x48xf32, #tpu.memory_space<hbm>>
        %dma_start3A_111 = tpu.memref_squeeze %dma_start3A_110 : memref<1x16x48xf32, #tpu.memory_space<hbm>> -> memref<16x48xf32, #tpu.memory_space<hbm>>
        %dma_start3A_112 = arith.constant 9984 : i32
        %dma_start3A_113 = arith.constant 0 : i32
        %dma_start3A_114 = tpu.memref_slice %arg17[%dma_start3A_112, %dma_start3A_113] : memref<10000x48xf32, #tpu.memory_space<vmem_shared>> -> memref<16x48xf32, #tpu.memory_space<vmem_shared>>
        tpu.enqueue_dma source(%dma_start3A_114 : memref<16x48xf32, #tpu.memory_space<vmem_shared>>) target(%dma_start3A_111 : memref<16x48xf32, #tpu.memory_space<hbm>>) target_semaphore(%run_scoped3A : memref<!tpu.dma_semaphore, #tpu.memory_space<semaphore_mem>>)
        %dma_wait3A_115 = arith.constant 9984 : i32
        %dma_wait3A_116 = arith.constant 0 : i32
        %dma_wait3A_117 = tpu.memref_slice %arg6[%arg0, %dma_wait3A_115, %dma_wait3A_116] : memref<2x10000x48xf32, #tpu.memory_space<hbm>> -> memref<1x16x48xf32, #tpu.memory_space<hbm>>
        %dma_wait3A_118 = tpu.memref_squeeze %dma_wait3A_117 : memref<1x16x48xf32, #tpu.memory_space<hbm>> -> memref<16x48xf32, #tpu.memory_space<hbm>>
        %dma_wait3A_119 = arith.constant 9984 : i32
        %dma_wait3A_120 = arith.constant 0 : i32
        %dma_wait3A_121 = tpu.memref_slice %arg17[%dma_wait3A_119, %dma_wait3A_120] : memref<10000x48xf32, #tpu.memory_space<vmem_shared>> -> memref<16x48xf32, #tpu.memory_space<vmem_shared>>
        tpu.wait_dma2 semaphore(%run_scoped3A : memref<!tpu.dma_semaphore, #tpu.memory_space<semaphore_mem>>) src(%dma_wait3A_121 : memref<16x48xf32, #tpu.memory_space<vmem_shared>>) dst(%dma_wait3A_118 : memref<16x48xf32, #tpu.memory_space<hbm>>)
        tpu.yield
      }) : () -> ()
    } else {
    }
    return
  }
}

module attributes {stable_mosaic.version = 14 : i64} {
  func.func @_tc1_body(%arg0: i32, %arg1: memref<2000x128xf32, #tpu.memory_space<vmem>>, %arg2: memref<128x144xf32, #tpu.memory_space<vmem>>, %arg3: memref<1x144xf32, #tpu.memory_space<vmem>>, %arg4: memref<128x16xf32, #tpu.memory_space<vmem>>, %arg5: memref<2000x144xf32, #tpu.memory_space<vmem>>, %arg6: memref<2000x16xf32, #tpu.memory_space<vmem>>) attributes {dimension_semantics = [#tpu.dimension_semantics<arbitrary>], iteration_bounds = array<i64: 5>, scalar_prefetch = 0 : i64, scratch_operands = 0 : i64, tpu.core_type = #tpu.core_type<tc>, window_params = [{transform_indices = @transform_0, window_bounds = array<i64: 2000, 128>}, {pipeline_mode = #tpu.pipeline_mode<synchronous>, transform_indices = @transform_1, window_bounds = array<i64: 128, 144>}, {pipeline_mode = #tpu.pipeline_mode<synchronous>, transform_indices = @transform_2, window_bounds = array<i64: 1, 144>}, {pipeline_mode = #tpu.pipeline_mode<synchronous>, transform_indices = @transform_3, window_bounds = array<i64: 128, 16>}, {transform_indices = @transform_4, window_bounds = array<i64: 2000, 144>}, {transform_indices = @transform_5, window_bounds = array<i64: 2000, 16>}]} {
    %get3A = arith.constant 0 : index
    %get3A_0 = arith.constant 0 : index
    %get3A_1 = vector.load %arg1[%get3A, %get3A_0] : memref<2000x128xf32, #tpu.memory_space<vmem>>, vector<2000x128xf32>
    %get3A_2 = arith.constant 0 : index
    %get3A_3 = arith.constant 0 : index
    %get3A_4 = vector.load %arg2[%get3A_2, %get3A_3] : memref<128x144xf32, #tpu.memory_space<vmem>>, vector<128x144xf32>
    %dot_general3A = arith.constant dense<0.000000e+00> : vector<2000x144xf32>
    %dot_general3A_5 = tpu.matmul %get3A_1, %get3A_4, %dot_general3A {dimension_numbers = #tpu.dot_dimension_numbers<[1], [0], [0], [1], [0, 0, 1, 1], [], []>, transpose_lhs_hint = false} : vector<2000x128xf32>, vector<128x144xf32>, vector<2000x144xf32> -> vector<2000x144xf32>
    %get3A_6 = arith.constant 0 : index
    %get3A_7 = arith.constant 0 : index
    %get3A_8 = vector.load %arg3[%get3A_6, %get3A_7] : memref<1x144xf32, #tpu.memory_space<vmem>>, vector<1x144xf32>
    %add3A = vector.broadcast %get3A_8 : vector<1x144xf32> to vector<2000x144xf32>
    %add3A_9 = arith.addf %dot_general3A_5, %add3A : vector<2000x144xf32>
    %swap3A = arith.constant 0 : index
    %swap3A_10 = arith.constant 0 : index
    %swap3A_11 = vector.load %arg5[%swap3A, %swap3A_10] : memref<2000x144xf32, #tpu.memory_space<vmem>>, vector<2000x144xf32>
    tpu.vector_store %arg5[%swap3A, %swap3A_10], %add3A_9 {strides = array<i32>} : memref<2000x144xf32, #tpu.memory_space<vmem>>, vector<2000x144xf32>,
    %get3A_12 = arith.constant 0 : index
    %get3A_13 = arith.constant 0 : index
    %get3A_14 = vector.load %arg4[%get3A_12, %get3A_13] : memref<128x16xf32, #tpu.memory_space<vmem>>, vector<128x16xf32>
    %dot_general3A_15 = arith.constant dense<0.000000e+00> : vector<2000x16xf32>
    %dot_general3A_16 = tpu.matmul %get3A_1, %get3A_14, %dot_general3A_15 {dimension_numbers = #tpu.dot_dimension_numbers<[1], [0], [0], [1], [0, 0, 1, 1], [], []>, transpose_lhs_hint = false} : vector<2000x128xf32>, vector<128x16xf32>, vector<2000x16xf32> -> vector<2000x16xf32>
    %swap3A_17 = arith.constant 0 : index
    %swap3A_18 = arith.constant 0 : index
    %swap3A_19 = vector.load %arg6[%swap3A_17, %swap3A_18] : memref<2000x16xf32, #tpu.memory_space<vmem>>, vector<2000x16xf32>
    tpu.vector_store %arg6[%swap3A_17, %swap3A_18], %dot_general3A_16 {strides = array<i32>} : memref<2000x16xf32, #tpu.memory_space<vmem>>, vector<2000x16xf32>,
    return
  }
  func.func @transform_0(%arg0: i32) -> (i32, i32) {
    %c0_i32 = arith.constant 0 : i32
    %c0_i32_0 = arith.constant 0 : i32
    return %arg0, %c0_i32 : i32, i32
  }
  func.func @transform_1(%arg0: i32) -> (i32, i32) {
    %c0_i32 = arith.constant 0 : i32
    %c0_i32_0 = arith.constant 0 : i32
    %c0_i32_1 = arith.constant 0 : i32
    return %c0_i32, %c0_i32_0 : i32, i32
  }
  func.func @transform_2(%arg0: i32) -> (i32, i32) {
    %c0_i32 = arith.constant 0 : i32
    %c0_i32_0 = arith.constant 0 : i32
    %c0_i32_1 = arith.constant 0 : i32
    return %c0_i32, %c0_i32_0 : i32, i32
  }
  func.func @transform_3(%arg0: i32) -> (i32, i32) {
    %c0_i32 = arith.constant 0 : i32
    %c0_i32_0 = arith.constant 0 : i32
    %c0_i32_1 = arith.constant 0 : i32
    return %c0_i32, %c0_i32_0 : i32, i32
  }
  func.func @transform_4(%arg0: i32) -> (i32, i32) {
    %c0_i32 = arith.constant 0 : i32
    %c0_i32_0 = arith.constant 0 : i32
    return %arg0, %c0_i32 : i32, i32
  }
  func.func @transform_5(%arg0: i32) -> (i32, i32) {
    %c0_i32 = arith.constant 0 : i32
    %c0_i32_0 = arith.constant 0 : i32
    return %arg0, %c0_i32 : i32, i32
  }
}

module attributes {stable_mosaic.version = 14 : i64} {
  func.func @_tc2_body(%arg0: i32, %arg1: memref<2x2000x144xf32, #tpu.memory_space<vmem>>, %arg2: memref<8x128xf32, #tpu.memory_space<vmem>>, %arg3: memref<128x48xf32, #tpu.memory_space<vmem>>, %arg4: memref<1x48xf32, #tpu.memory_space<vmem>>, %arg5: memref<128x16xf32, #tpu.memory_space<vmem>>, %arg6: memref<2000x48xf32, #tpu.memory_space<vmem>>, %arg7: memref<2000x16xf32, #tpu.memory_space<vmem>>) attributes {dimension_semantics = [#tpu.dimension_semantics<arbitrary>], iteration_bounds = array<i64: 5>, scalar_prefetch = 0 : i64, scratch_operands = 0 : i64, tpu.core_type = #tpu.core_type<tc>, window_params = [{transform_indices = @transform_0, window_bounds = array<i64: 2, 2000, 144>}, {pipeline_mode = #tpu.pipeline_mode<synchronous>, transform_indices = @transform_1, window_bounds = array<i64: 8, 128>}, {pipeline_mode = #tpu.pipeline_mode<synchronous>, transform_indices = @transform_2, window_bounds = array<i64: 128, 48>}, {pipeline_mode = #tpu.pipeline_mode<synchronous>, transform_indices = @transform_3, window_bounds = array<i64: 1, 48>}, {pipeline_mode = #tpu.pipeline_mode<synchronous>, transform_indices = @transform_4, window_bounds = array<i64: 128, 16>}, {transform_indices = @transform_5, window_bounds = array<i64: 2000, 48>}, {transform_indices = @transform_6, window_bounds = array<i64: 2000, 16>}]} {
    %get3A = arith.constant 0 : index
    %get3A_0 = arith.constant 0 : index
    %get3A_1 = arith.constant 0 : index
    %get3A_2 = vector.load %arg1[%get3A, %get3A_0, %get3A_1] : memref<2x2000x144xf32, #tpu.memory_space<vmem>>, vector<1x2000x144xf32>
    %get3A_3 = vector.shape_cast %get3A_2 : vector<1x2000x144xf32> to vector<2000x144xf32>
    %get3A_4 = arith.constant 1 : index
    %get3A_5 = arith.constant 0 : index
    %get3A_6 = arith.constant 0 : index
    %get3A_7 = vector.load %arg1[%get3A_4, %get3A_5, %get3A_6] : memref<2x2000x144xf32, #tpu.memory_space<vmem>>, vector<1x2000x144xf32>
    %get3A_8 = vector.shape_cast %get3A_7 : vector<1x2000x144xf32> to vector<2000x144xf32>
    %add3A = arith.addf %get3A_3, %get3A_8 : vector<2000x144xf32>
    %slice3A = vector.extract_strided_slice %add3A {offsets = [0, 0], sizes = [2000, 128], strides = [1, 1]} : vector<2000x144xf32> to vector<2000x128xf32>
    %slice3A_9 = vector.extract_strided_slice %add3A {offsets = [0, 128], sizes = [2000, 8], strides = [1, 1]} : vector<2000x144xf32> to vector<2000x8xf32>
    %get3A_10 = arith.constant 0 : index
    %get3A_11 = arith.constant 0 : index
    %get3A_12 = vector.load %arg2[%get3A_10, %get3A_11] : memref<8x128xf32, #tpu.memory_space<vmem>>, vector<8x128xf32>
    %dot_general3A = arith.constant dense<0.000000e+00> : vector<2000x128xf32>
    %dot_general3A_13 = tpu.matmul %slice3A_9, %get3A_12, %dot_general3A {dimension_numbers = #tpu.dot_dimension_numbers<[1], [0], [0], [1], [0, 0, 1, 1], [], []>, transpose_lhs_hint = false} : vector<2000x8xf32>, vector<8x128xf32>, vector<2000x128xf32> -> vector<2000x128xf32>
    %add3A_14 = arith.constant 1.000000e-16 : f32
    %add3A_15 = vector.broadcast %add3A_14 : f32 to vector<2000x128xf32>
    %add3A_16 = arith.addf %dot_general3A_13, %add3A_15 : vector<2000x128xf32>
    %div3A = arith.divf %slice3A, %add3A_16 : vector<2000x128xf32>
    %gt3A = arith.constant 0.000000e+00 : f32
    %gt3A_17 = vector.broadcast %gt3A : f32 to vector<2000x128xf32>
    %gt3A_18 = arith.cmpf ogt, %div3A, %gt3A_17 : vector<2000x128xf32>
    %exp3A = math.exp %div3A : vector<2000x128xf32>
    %sub3A = arith.constant 1.000000e+00 : f32
    %sub3A_19 = vector.broadcast %sub3A : f32 to vector<2000x128xf32>
    %sub3A_20 = arith.subf %exp3A, %sub3A_19 : vector<2000x128xf32>
    %select_n3A = arith.select %gt3A_18, %div3A, %sub3A_20 : vector<2000x128xi1>, vector<2000x128xf32>
    %get3A_21 = arith.constant 0 : index
    %get3A_22 = arith.constant 0 : index
    %get3A_23 = vector.load %arg3[%get3A_21, %get3A_22] : memref<128x48xf32, #tpu.memory_space<vmem>>, vector<128x48xf32>
    %dot_general3A_24 = arith.constant dense<0.000000e+00> : vector<2000x48xf32>
    %dot_general3A_25 = tpu.matmul %select_n3A, %get3A_23, %dot_general3A_24 {dimension_numbers = #tpu.dot_dimension_numbers<[1], [0], [0], [1], [0, 0, 1, 1], [], []>, transpose_lhs_hint = false} : vector<2000x128xf32>, vector<128x48xf32>, vector<2000x48xf32> -> vector<2000x48xf32>
    %get3A_26 = arith.constant 0 : index
    %get3A_27 = arith.constant 0 : index
    %get3A_28 = vector.load %arg4[%get3A_26, %get3A_27] : memref<1x48xf32, #tpu.memory_space<vmem>>, vector<1x48xf32>
    %add3A_29 = vector.broadcast %get3A_28 : vector<1x48xf32> to vector<2000x48xf32>
    %add3A_30 = arith.addf %dot_general3A_25, %add3A_29 : vector<2000x48xf32>
    %swap3A = arith.constant 0 : index
    %swap3A_31 = arith.constant 0 : index
    %swap3A_32 = vector.load %arg6[%swap3A, %swap3A_31] : memref<2000x48xf32, #tpu.memory_space<vmem>>, vector<2000x48xf32>
    tpu.vector_store %arg6[%swap3A, %swap3A_31], %add3A_30 {strides = array<i32>} : memref<2000x48xf32, #tpu.memory_space<vmem>>, vector<2000x48xf32>,
    %get3A_33 = arith.constant 0 : index
    %get3A_34 = arith.constant 0 : index
    %get3A_35 = vector.load %arg5[%get3A_33, %get3A_34] : memref<128x16xf32, #tpu.memory_space<vmem>>, vector<128x16xf32>
    %dot_general3A_36 = arith.constant dense<0.000000e+00> : vector<2000x16xf32>
    %dot_general3A_37 = tpu.matmul %select_n3A, %get3A_35, %dot_general3A_36 {dimension_numbers = #tpu.dot_dimension_numbers<[1], [0], [0], [1], [0, 0, 1, 1], [], []>, transpose_lhs_hint = false} : vector<2000x128xf32>, vector<128x16xf32>, vector<2000x16xf32> -> vector<2000x16xf32>
    %swap3A_38 = arith.constant 0 : index
    %swap3A_39 = arith.constant 0 : index
    %swap3A_40 = vector.load %arg7[%swap3A_38, %swap3A_39] : memref<2000x16xf32, #tpu.memory_space<vmem>>, vector<2000x16xf32>
    tpu.vector_store %arg7[%swap3A_38, %swap3A_39], %dot_general3A_37 {strides = array<i32>} : memref<2000x16xf32, #tpu.memory_space<vmem>>, vector<2000x16xf32>,
    return
  }
  func.func @transform_0(%arg0: i32) -> (i32, i32, i32) {
    %c0_i32 = arith.constant 0 : i32
    %c0_i32_0 = arith.constant 0 : i32
    %c0_i32_1 = arith.constant 0 : i32
    return %c0_i32, %arg0, %c0_i32_0 : i32, i32, i32
  }
  func.func @transform_1(%arg0: i32) -> (i32, i32) {
    %c0_i32 = arith.constant 0 : i32
    %c0_i32_0 = arith.constant 0 : i32
    %c0_i32_1 = arith.constant 0 : i32
    return %c0_i32, %c0_i32_0 : i32, i32
  }
  func.func @transform_2(%arg0: i32) -> (i32, i32) {
    %c0_i32 = arith.constant 0 : i32
    %c0_i32_0 = arith.constant 0 : i32
    %c0_i32_1 = arith.constant 0 : i32
    return %c0_i32, %c0_i32_0 : i32, i32
  }
  func.func @transform_3(%arg0: i32) -> (i32, i32) {
    %c0_i32 = arith.constant 0 : i32
    %c0_i32_0 = arith.constant 0 : i32
    %c0_i32_1 = arith.constant 0 : i32
    return %c0_i32, %c0_i32_0 : i32, i32
  }
  func.func @transform_4(%arg0: i32) -> (i32, i32) {
    %c0_i32 = arith.constant 0 : i32
    %c0_i32_0 = arith.constant 0 : i32
    %c0_i32_1 = arith.constant 0 : i32
    return %c0_i32, %c0_i32_0 : i32, i32
  }
  func.func @transform_5(%arg0: i32) -> (i32, i32) {
    %c0_i32 = arith.constant 0 : i32
    %c0_i32_0 = arith.constant 0 : i32
    return %arg0, %c0_i32 : i32, i32
  }
  func.func @transform_6(%arg0: i32) -> (i32, i32) {
    %c0_i32 = arith.constant 0 : i32
    %c0_i32_0 = arith.constant 0 : i32
    return %arg0, %c0_i32 : i32, i32
  }
}

module attributes {stable_mosaic.version = 14 : i64} {
  func.func @_tc3_body(%arg0: memref<2x10000x48xf32, #tpu.memory_space<vmem>>, %arg1: memref<1x40xf32, #tpu.memory_space<vmem>>) attributes {dimension_semantics = [], scalar_prefetch = 0 : i64, scratch_operands = 0 : i64, tpu.core_type = #tpu.core_type<tc>} {
    %get3A = arith.constant 0 : index
    %get3A_0 = arith.constant 0 : index
    %get3A_1 = arith.constant 0 : index
    %get3A_2 = vector.load %arg0[%get3A, %get3A_0, %get3A_1] : memref<2x10000x48xf32, #tpu.memory_space<vmem>>, vector<1x10000x48xf32>
    %get3A_3 = vector.shape_cast %get3A_2 : vector<1x10000x48xf32> to vector<10000x48xf32>
    %get3A_4 = arith.constant 1 : index
    %get3A_5 = arith.constant 0 : index
    %get3A_6 = arith.constant 0 : index
    %get3A_7 = vector.load %arg0[%get3A_4, %get3A_5, %get3A_6] : memref<2x10000x48xf32, #tpu.memory_space<vmem>>, vector<1x10000x48xf32>
    %get3A_8 = vector.shape_cast %get3A_7 : vector<1x10000x48xf32> to vector<10000x48xf32>
    %add3A = arith.addf %get3A_3, %get3A_8 : vector<10000x48xf32>
    %slice3A = vector.extract_strided_slice %add3A {offsets = [0, 0], sizes = [10000, 40], strides = [1, 1]} : vector<10000x48xf32> to vector<10000x40xf32>
    %slice3A_9 = vector.extract_strided_slice %add3A {offsets = [0, 40], sizes = [10000, 1], strides = [1, 1]} : vector<10000x48xf32> to vector<10000x1xf32>
    %add3A_10 = arith.constant 1.000000e-16 : f32
    %add3A_11 = vector.broadcast %add3A_10 : f32 to vector<10000x1xf32>
    %add3A_12 = arith.addf %slice3A_9, %add3A_11 : vector<10000x1xf32>
    %div3A = vector.broadcast %add3A_12 : vector<10000x1xf32> to vector<10000x40xf32>
    %div3A_13 = arith.divf %slice3A, %div3A : vector<10000x40xf32>
    %gt3A = arith.constant 0.000000e+00 : f32
    %gt3A_14 = vector.broadcast %gt3A : f32 to vector<10000x40xf32>
    %gt3A_15 = arith.cmpf ogt, %div3A_13, %gt3A_14 : vector<10000x40xf32>
    %exp3A = math.exp %div3A_13 : vector<10000x40xf32>
    %sub3A = arith.constant 1.000000e+00 : f32
    %sub3A_16 = vector.broadcast %sub3A : f32 to vector<10000x40xf32>
    %sub3A_17 = arith.subf %exp3A, %sub3A_16 : vector<10000x40xf32>
    %select_n3A = arith.select %gt3A_15, %div3A_13, %sub3A_17 : vector<10000x40xi1>, vector<10000x40xf32>
    %reduce_sum3A = arith.constant dense<0.000000e+00> : vector<40xf32>
    %reduce_sum3A_18 = vector.multi_reduction <add>, %select_n3A, %reduce_sum3A [0] : vector<10000x40xf32> to vector<40xf32>
    %broadcast_in_dim3A = vector.shape_cast %reduce_sum3A_18 : vector<40xf32> to vector<1x40xf32>
    %div3A_19 = arith.constant 1.000000e+04 : f32
    %div3A_20 = vector.broadcast %div3A_19 : f32 to vector<1x40xf32>
    %div3A_21 = arith.divf %broadcast_in_dim3A, %div3A_20 : vector<1x40xf32>
    %reduce_max3A = arith.constant dense<0xFF800000> : vector<1xf32>
    %reduce_max3A_22 = vector.multi_reduction <maximumf>, %div3A_21, %reduce_max3A [1] : vector<1x40xf32> to vector<1xf32>
    %broadcast_in_dim3A_23 = vector.shape_cast %reduce_max3A_22 : vector<1xf32> to vector<1x1xf32>
    %sub3A_24 = vector.broadcast %broadcast_in_dim3A_23 : vector<1x1xf32> to vector<1x40xf32>
    %sub3A_25 = arith.subf %div3A_21, %sub3A_24 : vector<1x40xf32>
    %exp3A_26 = math.exp %sub3A_25 : vector<1x40xf32>
    %reduce_sum3A_27 = arith.constant dense<0.000000e+00> : vector<1xf32>
    %reduce_sum3A_28 = vector.multi_reduction <add>, %exp3A_26, %reduce_sum3A_27 [1] : vector<1x40xf32> to vector<1xf32>
    %broadcast_in_dim3A_29 = vector.shape_cast %reduce_sum3A_28 : vector<1xf32> to vector<1x1xf32>
    %log3A = math.log %broadcast_in_dim3A_29 : vector<1x1xf32>
    %sub3A_30 = vector.broadcast %log3A : vector<1x1xf32> to vector<1x40xf32>
    %sub3A_31 = arith.subf %sub3A_25, %sub3A_30 : vector<1x40xf32>
    %swap3A = arith.constant 0 : index
    %swap3A_32 = arith.constant 0 : index
    %swap3A_33 = vector.load %arg1[%swap3A, %swap3A_32] : memref<1x40xf32, #tpu.memory_space<vmem>>, vector<1x40xf32>
    tpu.vector_store %arg1[%swap3A, %swap3A_32], %sub3A_31 {strides = array<i32>} : memref<1x40xf32, #tpu.memory_space<vmem>>, vector<1x40xf32>,
    return
  }
}

</mosaic_0001>

<sc_bundles>
// kernel: kernel.10.cloned.1.call-start
scs
__scs_entry_jumppad:
0x0: {  	(pc) =	sbr.rel $0x88, $3  }
0x1: {  	(tag) =	ssettag $0x0;
	lr =	simm.s32 $0x1  }
0x2: {  	[smem:$0x3F9B] =	sst lr;
	_ =	strace $0xD0000000  }
0x3: {  	_ = 	snop  }
0x4: {  	_ = 	snop  }
0x5: {  	_ = 	snop  }
0x6: {  	_ = 	snop  }
0x7: {  	_ = 	snop  }
__scs_overlays_trampoline_lowered:
0x8: {  	[smem:$0x3FAA] =	sst s0  }
0x9: {  	[smem:$0x3FAB] =	sst s1  }
0xa: {  	[smem:$0x3FAC] =	sst s2  }
0xb: {  	[smem:$0x3FAD] =	sst s3  }
0xc: {  	[smem:$0x3FAE] =	sst s4  }
0xd: {  	[smem:$0x3FAF] =	sst s5  }
0xe: {  	[smem:$0x3FB0] =	sst s6  }
0xf: {  	[smem:$0x3FB1] =	sst s7  }
0x10: {  	[smem:$0x3FB2] =	sst s8  }
0x11: {  	[smem:$0x3FB3] =	sst s9;
	s0 =	simm.s32 @!p0 $0x0  }
0x12: {  	s1 =	sld [smem:$0x3F99];
	s0 =	simm.s32 @p0 $0x1  }
0x13: {  	[smem:$0x3FB4] =	sst s0;
	s0 =	simm.s32 @!p1 $0x0  }
0x14: {  	s2 =	sld [smem:$0x3F98];
	s0 =	simm.s32 @p1 $0x1  }
0x15: {  	[smem:$0x3FB5] =	sst s0;
	s0 =	simm.s32 @!p2 $0x0  }
0x16: {  	s3 =	sld [smem:$0x3FDB];
	s0 =	simm.s32 @p2 $0x1  }
0x17: {  	s4 =	simm.s32 $0x1BF5;
	[smem:$0x3FB7] =	sst s0  }
0x18: {  	s0 =	sld [smem:$0x3F9A];
	_ =	swait.ge [sflag:s4], $0x0  }
0x19: {  	s7 =	sld [smem:$0x3F9B]  }
0x1a: {  	s8 =	sadd.s32 $0xFFFFE003, lr  }
0x1b: {  	s9 =	sadd.s32 $0xFFFFFEF7, lr;
	s5 =	simm.s32 $0xFFFFFFFF;
	p2 =	slt.u32 s8, $0xFFFFF086  }
0x1c: {  	p1 =	slt.u32 s9, $0xF7A;
	s5 =	simm.s32 @!p2 $0x0  }
0x1d: {  	s5 =	simm.s32 @p1 $0x1;
	p0 =	seq.s32 s7, s2  }
0x1e: {  	s7 =	smul.u32 @!p0 $0xF7A, s2;
	p2 =	seq.s32 @!p0 s5, $0x0  }
0x1f: {  	s9 =	smul.u32 $0xF7A, s1;
	s8 =	simm.s32 @!p0 $0x1BF5;
	p2 =	por !p2, p0  }
0x20: {  	[sflag:s8] =	ssyncset.s32 @!p0 $0xFFFFF086;
	s6 =	sadd.s32 @!p0 s3, s7;
	s7 =	simm.s32 @!p0 $0x108  }
0x21: {  	s3 =	sadd.s32 s3, s9;
	s6 =	sadd.s32 @!p0 $0x88, s6;
	s7 =	simm.s32 @p2 $0x1082  }
0x22: {  	[simem:s7], [sflag:s8] =	dma.local @!p0 [hbm:s6], $0xF7A  }
0x23: {  	s9 =	sor.u32 $0xD0000000, s2;
	s6 =	simm.s32 $0x108;
	_ =	swait.ge @!p0 [sflag:s8], $0x0  }
0x24: {  	s3 =	sadd.s32 $0x88, s3;
	s6 =	simm.s32 @!p1 $0x1082;
	[sflag:s4] =	ssyncset.s32 $0xFFFFF086  }
0x25: {  	[simem:s6], [sflag:s4] =	dma.local [hbm:s3], $0xF7A  }
0x26: {  	[smem:$0x3F9B] =	sst s1;
	(tag) =	ssettag s2;
	_ =	strace s9  }
0x27: {  	s1 =	sld [smem:$0x3FAB]  }
0x28: {  	s2 =	sld [smem:$0x3FAC]  }
0x29: {  	s4 =	sld [smem:$0x3FAE]  }
0x2a: {  	p0 =	seq.s32 s5, $0x0;
	s5 =	sld [smem:$0x3FAF]  }
0x2b: {  	s6 =	sld [smem:$0x3FB0]  }
0x2c: {  	s7 =	sld [smem:$0x3FB1]  }
0x2d: {  	s3 =	simm.s32 $0x108;
	s8 =	sld [smem:$0x3FB2]  }
0x2e: {  	s3 =	simm.s32 @!p0 $0x1082;
	s9 =	sld [smem:$0x3FB3]  }
0x2f: {  	lr =	sadd.s32 s0, s3;
	s0 =	sld [smem:$0x3FAA]  }
0x30: {  	s3 =	sld [smem:$0x3FAD]  }
0x31: {  	[smem:$0x3FB6] =	sst s10  }
0x32: {  	s10 =	sld [smem:$0x3FB4];
	_ =	sdelay $0x3  }
0x33: {  	p0 =	seq.s32 s10, $0x1;
	s10 =	sld [smem:$0x3FB6];
	_ =	sdelay $0x3  }
0x34: {  	[smem:$0x3FB6] =	sst s10  }
0x35: {  	s10 =	sld [smem:$0x3FB5];
	_ =	sdelay $0x3  }
0x36: {  	p1 =	seq.s32 s10, $0x1;
	s10 =	sld [smem:$0x3FB6];
	_ =	sdelay $0x3  }
0x37: {  	[smem:$0x3FB6] =	sst s10  }
0x38: {  	s10 =	sld [smem:$0x3FB7]  }
0x39: {  	_ = 	snop;
	(pc) =	sbr.ind lr, $3  }
0x3a: {  	_ = 	snop  }
0x3b: {  	_ = 	snop  }
0x3c: {  	p2 =	seq.s32 s10, $0x1;
	s10 =	sld [smem:$0x3FB6]  }
0x3d: {  	_ =	shalt  }
0x3e: {  	_ =	shalt  }
0x3f: {  	_ =	shalt  }
0x40: {  	_ =	shalt  }
0x41: {  	_ =	shalt  }
0x42: {  	_ =	shalt  }
0x43: {  	_ =	shalt  }
0x44: {  	_ =	shalt  }
0x45: {  	_ =	shalt  }
0x46: {  	_ =	shalt  }
0x47: {  	_ =	shalt  }
0x48: {  	_ =	shalt  }
0x49: {  	_ =	shalt  }
0x4a: {  	_ =	shalt  }
0x4b: {  	_ =	shalt  }
0x4c: {  	_ =	shalt  }
0x4d: {  	_ =	shalt  }
0x4e: {  	_ =	shalt  }
0x4f: {  	_ =	shalt  }
0x50: {  	_ =	shalt  }
0x51: {  	_ =	shalt  }
0x52: {  	_ =	shalt  }
0x53: {  	_ =	shalt  }
0x54: {  	_ =	shalt  }
0x55: {  	_ =	shalt  }
0x56: {  	_ =	shalt  }
0x57: {  	_ =	shalt  }
0x58: {  	_ =	shalt  }
0x59: {  	_ =	shalt  }
0x5a: {  	_ =	shalt  }
0x5b: {  	_ =	shalt  }
0x5c: {  	_ =	shalt  }
0x5d: {  	_ =	shalt  }
0x5e: {  	_ =	shalt  }
0x5f: {  	_ =	shalt  }
0x60: {  	_ =	shalt  }
0x61: {  	_ =	shalt  }
0x62: {  	_ =	shalt  }
0x63: {  	_ =	shalt  }
0x64: {  	_ =	shalt  }
0x65: {  	_ =	shalt  }
0x66: {  	_ =	shalt  }
0x67: {  	_ =	shalt  }
0x68: {  	_ =	shalt  }
0x69: {  	_ =	shalt  }
0x6a: {  	_ =	shalt  }
0x6b: {  	_ =	shalt  }
0x6c: {  	_ =	shalt  }
0x6d: {  	_ =	shalt  }
0x6e: {  	_ =	shalt  }
0x6f: {  	_ =	shalt  }
0x70: {  	_ =	shalt  }
0x71: {  	_ =	shalt  }
0x72: {  	_ =	shalt  }
0x73: {  	_ =	shalt  }
0x74: {  	_ =	shalt  }
0x75: {  	_ =	shalt  }
0x76: {  	_ =	shalt  }
0x77: {  	_ =	shalt  }
0x78: {  	_ =	shalt  }
0x79: {  	_ =	shalt  }
0x7a: {  	_ =	shalt  }
0x7b: {  	_ =	shalt  }
0x7c: {  	_ =	shalt  }
0x7d: {  	_ =	shalt  }
0x7e: {  	_ =	shalt  }
0x7f: {  	_ =	shalt  }
0x80: {  	_ =	shalt  }
0x81: {  	_ =	shalt  }
0x82: {  	_ =	shalt  }
0x83: {  	_ =	shalt  }
0x84: {  	_ =	shalt  }
0x85: {  	_ =	shalt  }
0x86: {  	_ =	shalt  }
0x87: {  	_ =	shalt  }
.Lfunc_end0:
.L_simem_size_0:
called_computation.1_lowered:
.L_overlay_start_0:
0x88: {  	s2 =	sld [smem:$0x3FD9]  }
0x89: {  	s3 =	sld [smem:$0x3FFE];
	_ =	sdelay $0x1  }
0x8a: {  	s1 =	srdreg.scid  }
0x8b: {  	s0 =	sand.u32 $0x1, s1  }
0x8c: {  	s16 =	sshll.u32 s0, $0xA;
	s2 =	sadd.s32 s3, s2  }
0x8d: {  	s2 =	sadd.s32 s2, s16  }
0x8e: {  	[smem:$0x3FC2] =	sst s2  }
0x8f: {  	_ = 	snop  }
0x90: {  	(tm) =	ssettm $0x1  }
0x91: {  	s17 =	sld [smem:$0x3FFB];
	_ =	sdelay $0x3  }
0x92: {  	_ =	strace s17  }
0x93: {  	s2 =	sld [smem:$0x3FFC];
	_ =	sdelay $0x3  }
0x94: {  	_ =	strace s2  }
0x95: {  	s2 =	sld [smem:$0x3FFD];
	_ =	sdelay $0x3  }
0x96: {  	_ =	strace s2  }
0x97: {  	_ =	strace $0x8FFFFFFF  }
0x98: {  	s18 =	sld [smem:$0x3FDB];
	_ =	sdelay $0x1  }
0x99: {  	s19 =	simm.s32 $_scs_section_size  }
0x9a: {  	s4 =	simm.s32 $_size__tile_overlayer_lowered;
	s5 =	simm.s32 $_tile_overlayer_lowered  }
0x9b: {  	s22 =	simm.s32 $0x1BFF;
	s21 =	sshll.u32 s5, $0x1;
	s2 =	sadd.s32 s19, s18  }
0x9c: {  	s6 =	simm.s32 $0x0;
	s20 =	sshll.u32 s4, $0x1;
	s4 =	sadd.s32 s21, s2  }
0x9d: {  	[timem:s6], [sflag:s22] =	dma.local [hbm:s4], s20  }
0x9e: {  	_ =	swait.ge [sflag:s22], s20  }
0x9f: {  	s3 =	ssub.s32 $0x0, s20;
	[sflag:s22] =	ssyncset.done $0x0  }
0xa0: {  	[sflag:s22] =	ssyncadd.s32 s3;
	_ =	sdelay $0x1  }
0xa1: {  	s23 =	simm.s32 $0x1B8B  }
0xa2: {  	_ =	swait.ge [sflag:s23], $0x1  }
0xa3: {  	[sflag:s23] =	ssyncset.done $0x0  }
0xa4: {  	s25 =	simm.s32 $0x1B8E;
	s24 =	sld [smem:$0x3FFE];
	[sflag:s23] =	ssyncadd.s32 $0xFFFFFFFF  }
0xa5: {  	s26 =	simm.s32 $execute0_lowered;
	[smem:$0x3FD2] =	sst s25  }
0xa6: {  	s4 =	sshll.u32 s26, $0x1;
	_ =	strace $0x80000049;
	[dreg:$0x1] =	wrdreg $0xFFFFFFFF  }
0xa7: {  	s28 =	simm.s32 $_size_execute0_lowered;
	s2 =	sadd.s32 s2, s4;
	[dreg:$0x0] =	wrdreg $0x0  }
0xa8: {  	s4 =	sshll.u32 s28, $0x1;
	[dreg:$0x2] =	wrdreg s2  }
0xa9: {  	[dreg:$0x3] =	wrdreg s4  }
0xaa: {  	[dreg:$0x4] =	wrdreg $0xC0  }
0xab: {  	_ =	task [dreg:s6], $0x5FFFF  }
0xac: {  	[dreg:$0x1] =	wrdreg $0xFFFFFFFF  }
0xad: {  	[dreg:$0x0] =	wrdreg $0x60  }
0xae: {  	[dreg:$0x2] =	wrdreg s24  }
0xaf: {  	[dreg:$0x3] =	wrdreg $0x96000  }
0xb0: {  	[dreg:$0x4] =	wrdreg $0x9  }
0xb1: {  	_ =	task.clear_ibuf [dreg:s6], $0x5FFFF;
	_ =	strace $0x90000049  }
0xb2: {  	s29 =	simm.s32 $0x9;
	_ =	strace $0x8000004B  }
0xb3: {  	_ =	swait.ge [sflag:s29], $0x1  }
0xb4: {  	[sflag:s29] =	ssyncadd.s32 $0xFFFFFFFF  }
0xb5: {  	_ =	strace $0x9000004B  }
0xb6: {  	_ =	sfence  }
0xb7: {  	s30 =	sld [smem:$0x0];
	_ =	sdelay $0x2  }
0xb8: {  	s31 =	sshll.u32 s1, $0xD;
	s1 =	sshrl.u32 s1, $0x2  }
0xb9: {  	s3 =	sand.u32 $0x4000, s31;
	s1 =	sadd.s32 s1, s30  }
0xba: {  	s0 =	sor.u32 s3, s0;
	s1 =	sshll.u32 s1, $0x11  }
0xbb: {  	s0 =	sor.u32 s1, s0  }
0xbc: {  	s0 =	sadd.s32 $0x8F2B, s0  }
0xbd: {  	[sflag:s0] =	ssyncadd.remote.s32 $0x1  }
0xbe: {  	_ =	sfence.sel $0xFFFF  }
0xbf: {  	[dreg:$0x0] =	wrdreg $0xFFFFFFFF;
	(pc) =	sbr.abs _section_cstart, $3  }
0xc0: {  	[dreg:$0x1] =	wrdreg $0xFFFFFFFF  }
0xc1: {  	_ =	task.clear_ibuf [dreg:s6], $0x2FFFF;
	_ =	strace $0x9FFFFFFF  }
0xc2: {  	(tm) =	ssettm $0x7FFFFFFF  }
0xc3: {  	_ =	shalt  }
tec
execute0_lowered:
.L_overlay_start_1:
0x0: {  	(tag) =	ssettag $0x1  }
0x1: {  	s0 =	srdreg.scid;
	s2 =	rddreg [dreg:$0x0]  }
0x2: {  	s3 =	rddreg [dreg:$0x1];
	s25 =	stileid.u32;
	s4 =	simm.s32 $0x0  }
0x3: {  	s28 =	simm.s32 $0x28A0;
	s29 =	simm.s32 $0x64;
	s30 =	simm.s32 $0x6A40  }
0x4: {  	s31 =	simm.s32 $0x1;
	s0 =	sand.u32 $0x1, s0;
	[smem:$0x7FF] =	sst s4  }
0x5: {  	s14 =	smul.u32 $0x7500, s25;
	s5 =	sadd.s32 $0xEC00, s2;
	s15 =	sadd.s32 $0x13C00, s2  }
0x6: {  	s13 =	sadd.s32 $0x75000, s3;
	p0 =	sne.s32 s25, $0xF;
	s1 =	sshll.u32 s0, $0x4  }
0x7: {  	_ =	strace $0x8000004A;
	s6 =	ssub.s32 $0x2, s0;
	s0 =	smul.u32 $0x75300, s0  }
0x8: {  	s1 =	sor.u32 s25, s1;
	s7 =	sshrl.u32 s6, $0x1;
	s17 =	sadd.s32 $0x12C0, s14  }
0x9: {  	s18 =	sadd.s32 $0x2580, s14;
	s19 =	sadd.s32 $0x3840, s14;
	s20 =	sadd.s32 $0x4B00, s14  }
0xa: {  	s21 =	sadd.s32 $0x5DC0, s14;
	s22 =	sadd.s32 $0x7080, s14;
	s25 =	simm.s32 $0x8340  }
0xb: {  	s1 =	smul.u32 $0x514, s1;
	s16 =	ssub.s32 s6, s7;
	s6 =	sadd.s32 s14, s3  }
0xc: {  	s7 =	sadd.s32 s17, s3;
	s8 =	sadd.s32 s18, s3;
	s9 =	sadd.s32 s19, s3  }
0xd: {  	s10 =	sadd.s32 s20, s3;
	s11 =	sadd.s32 s21, s3;
	s14 =	sadd.s32 s14, s0  }
0xe: {  	s12 =	sadd.s32 s22, s3;
	s17 =	sadd.s32 s0, s17;
	s14 =	sshrl.u32 s14, $0x3  }
0xf: {  	s17 =	sshrl.u32 s17, $0x3;
	s1 =	sadd.s32 s1, s2;
	s24 =	sadd.s32 s15, s14  }
0x10: {  	s26 =	sadd.s32 s15, s17;
	s14 =	sadd.s32 s0, s18;
	[dreg:$0x5] =	wrdreg s24  }
0x11: {  	s17 =	sadd.s32 s0, s19;
	s23 =	sadd.s32 $0xA7200, s1;
	[dreg:$0x6] =	wrdreg s26  }
0x12: {  	s18 =	sadd.s32 s0, s20;
	s1 =	sadd.s32 $0x9CE00, s1;
	[dreg:$0x3] =	wrdreg s23  }
0x13: {  	s24 =	sadd.s32 s0, s22;
	[dreg:$0x4] =	wrdreg s1;
	s1 =	sshrl.u32 s14, $0x3  }
0x14: {  	s14 =	sshrl.u32 s17, $0x3;
	s17 =	sshrl.u32 s18, $0x3;
	s23 =	sadd.s32 s0, s21  }
0x15: {  	s0 =	sshrl.u32 s0, $0x3;
	s1 =	sadd.s32 s15, s1;
	s19 =	sadd.s32 s15, s14  }
0x16: {  	s20 =	sadd.s32 s15, s17;
	s14 =	sshrl.u32 s24, $0x3;
	[dreg:$0x7] =	wrdreg s1  }
.Ltmp0:
0x17: {  	s0 =	sadd.s32 s15, s0;
	[dreg:$0x8] =	wrdreg s19;
	(pc) =	sbr.rel .LBB2_1-.Ltmp0, $4  }
0x18: {  	s24 =	smax.u32 s16, $0x1;
	[dreg:$0x9] =	wrdreg s20;
	s1 =	sshrl.u32 s23, $0x3  }
0x19: {  	s26 =	sadd.s32 s15, s14;
	s23 =	sadd.s32 $0xEA00, s0;
	s0 =	simm.s32 $0x7080  }
0x1a: {  	s14 =	simm.s32 $0x2;
	s1 =	sadd.s32 s15, s1;
	[dreg:$0xb] =	wrdreg s26  }
0x1b: {  	v0 =	vimm.f32 $0.0e+00;
	s26 =	simm.s32 $0x4;
	[dreg:$0xa] =	wrdreg s1;
	s1 =	simm.s32 $0x3  }
.LBB2_10:
0x1c: {  	_ =	swait.ge [sflag:s1], $0x12C0  }
0x1d: {  	[sflag:s1] =	ssyncset.done $0x0  }
0x1e: {  	s15 =	stileid.u32;
	[sflag:s1] =	ssyncadd.s32 $0xFFFFED40  }
0x1f: {  	s15 =	sshll.u32 s15, $0x6;
	[bflag:$0x0] =	sbarrier.arrive $0xFFFF  }
0x20: {  	s16 =	sshrl.u32 s6, $0x3;
	s15 =	sor.u32 $0x1C04, s15;
	s17 =	rddreg [dreg:$0x5]  }
0x21: {  	[hbm:s17], [sflag:s15] =	dma.local [spmem:s16], $0x258  }
0x22: {  	_ =	swait.ge [sflag:s26], $0x258  }
0x23: {  	[sflag:s26] =	ssyncset.done $0x0  }
0x24: {  	s17 =	sshrl.u32 s7, $0x3;
	s18 =	rddreg [dreg:$0x6];
	[sflag:s26] =	ssyncadd.s32 $0xFFFFFDA8  }
0x25: {  	[hbm:s18], [sflag:s15] =	dma.local [spmem:s17], $0x258  }
0x26: {  	_ =	swait.ge [sflag:s26], $0x258  }
0x27: {  	[sflag:s26] =	ssyncset.done $0x0  }
0x28: {  	s19 =	sshrl.u32 s8, $0x3;
	s20 =	rddreg [dreg:$0x7];
	[sflag:s26] =	ssyncadd.s32 $0xFFFFFDA8  }
0x29: {  	[hbm:s20], [sflag:s15] =	dma.local [spmem:s19], $0x258  }
0x2a: {  	_ =	swait.ge [sflag:s26], $0x258  }
0x2b: {  	[sflag:s26] =	ssyncset.done $0x0  }
0x2c: {  	s21 =	sshrl.u32 s9, $0x3;
	s22 =	rddreg [dreg:$0x8];
	[sflag:s26] =	ssyncadd.s32 $0xFFFFFDA8  }
0x2d: {  	[hbm:s22], [sflag:s15] =	dma.local [spmem:s21], $0x258  }
0x2e: {  	_ =	swait.ge [sflag:s26], $0x258  }
0x2f: {  	[sflag:s26] =	ssyncset.done $0x0  }
0x30: {  	s17 =	sshrl.u32 s10, $0x3;
	s18 =	rddreg [dreg:$0x9];
	[sflag:s26] =	ssyncadd.s32 $0xFFFFFDA8  }
0x31: {  	[hbm:s18], [sflag:s15] =	dma.local [spmem:s17], $0x258  }
0x32: {  	_ =	swait.ge [sflag:s26], $0x258  }
0x33: {  	[sflag:s26] =	ssyncset.done $0x0  }
0x34: {  	s19 =	sshrl.u32 s11, $0x3;
	s20 =	rddreg [dreg:$0xa];
	[sflag:s26] =	ssyncadd.s32 $0xFFFFFDA8  }
0x35: {  	[hbm:s20], [sflag:s15] =	dma.local [spmem:s19], $0x258  }
0x36: {  	_ =	swait.ge [sflag:s26], $0x258  }
0x37: {  	[sflag:s26] =	ssyncset.done $0x0  }
0x38: {  	s21 =	sshrl.u32 s12, $0x3;
	s22 =	rddreg [dreg:$0xb];
	[sflag:s26] =	ssyncadd.s32 $0xFFFFFDA8  }
0x39: {  	[hbm:s22], [sflag:s15] =	dma.local [spmem:s21], $0x90  }
0x3a: {  	_ =	swait.ge [sflag:s26], $0x90  }
0x3b: {  	s4 =	sadd.s32 $0x1, s4;
	[sflag:s26] =	ssyncset.done $0x0  }
0x3c: {  	p1 =	sne.s32 s4, s24;
	s16 =	sshrl.u32 @!p0 s13, $0x3;
	[sflag:s26] =	ssyncadd.s32 $0xFFFFFF70  }
0x3d: {  	[hbm:s23], [sflag:s15] =	dma.local @!p0 [spmem:s16], $0x60  }
.Ltmp1:
0x3e: {  	_ = 	snop;
	(pc) =	sbr.rel @!p1 .LBB2_11-.Ltmp1, $4  }
0x3f: {  	s15 =	simm.s32 @!p0 $0x4  }
0x40: {  	_ =	swait.ge @!p0 [sflag:s15], $0x60  }
0x41: {  	[sflag:s15] =	ssyncset.done @!p0 $0x0  }
0x42: {  	[sflag:s15] =	ssyncadd.s32 @!p0 $0xFFFFFFA0  }
.LBB2_1:
0x43: {  	s15 =	simm.s32 $0xC0;
	s16 =	simm.s32 $0x0  }
.LBB2_2:
0x44: {  	p1 =	sne.s32 s15, $0x4A40;
	[tilespmem:s16+$0x8360] =	vst v0;
	s17 =	smov.u32 s15;
	s15 =	sadd.s32 $0xC0, s15  }
.Ltmp2:
0x45: {  	[tilespmem:s16+$0x8340] =	vst v0;
	(pc) =	sbr.rel @p1 .LBB2_2-.Ltmp2, $2  }
0x46: {  	[tilespmem:s16+$0x8350] =	vst v0;
	_ =	sdelay $0x2  }
0x47: {  	s16 =	sshra.s32 s17, $0x2  }
0x48: {  	[tilespmem:s16+$0x8360] =	vst v0  }
0x49: {  	[tilespmem:s16+$0x8340] =	vst v0  }
0x4a: {  	[tilespmem:s16+$0x8350] =	vst v0  }
0x4b: {  	[spmem:s6] =	stream.linear.scatter [tilespmem:s25], [sflag:$0x4], $0x12C0, $0x38;
	[tilespmem:$0x10B30] =	vst v63  }
0x4c: {  	_ =	swait.ge [sflag:s26], $0x12C0  }
0x4d: {  	[sflag:s26] =	ssyncset.done $0x0  }
0x4e: {  	[sflag:s26] =	ssyncadd.s32 $0xFFFFED40  }
0x4f: {  	[spmem:s7] =	stream.linear.scatter [tilespmem:s25], [sflag:$0x4], $0x12C0, $0x38;
	[tilespmem:$0x10B30] =	vst v63  }
0x50: {  	_ =	swait.ge [sflag:s26], $0x12C0  }
0x51: {  	[sflag:s26] =	ssyncset.done $0x0  }
0x52: {  	[sflag:s26] =	ssyncadd.s32 $0xFFFFED40  }
0x53: {  	[spmem:s8] =	stream.linear.scatter [tilespmem:s25], [sflag:$0x4], $0x12C0, $0x38;
	[tilespmem:$0x10B30] =	vst v63  }
0x54: {  	_ =	swait.ge [sflag:s26], $0x12C0  }
0x55: {  	[sflag:s26] =	ssyncset.done $0x0  }
0x56: {  	[sflag:s26] =	ssyncadd.s32 $0xFFFFED40  }
0x57: {  	[spmem:s9] =	stream.linear.scatter [tilespmem:s25], [sflag:$0x4], $0x12C0, $0x38;
	[tilespmem:$0x10B30] =	vst v63  }
0x58: {  	_ =	swait.ge [sflag:s26], $0x12C0  }
0x59: {  	[sflag:s26] =	ssyncset.done $0x0  }
0x5a: {  	[sflag:s26] =	ssyncadd.s32 $0xFFFFED40  }
0x5b: {  	[spmem:s10] =	stream.linear.scatter [tilespmem:s25], [sflag:$0x4], $0x12C0, $0x38;
	[tilespmem:$0x10B30] =	vst v63  }
0x5c: {  	_ =	swait.ge [sflag:s26], $0x12C0  }
0x5d: {  	[sflag:s26] =	ssyncset.done $0x0  }
0x5e: {  	[sflag:s26] =	ssyncadd.s32 $0xFFFFED40  }
0x5f: {  	[spmem:s11] =	stream.linear.scatter [tilespmem:s25], [sflag:$0x4], $0x12C0, $0x38;
	[tilespmem:$0x10B30] =	vst v63  }
0x60: {  	_ =	swait.ge [sflag:s26], $0x12C0  }
0x61: {  	[sflag:s26] =	ssyncset.done $0x0  }
0x62: {  	[sflag:s26] =	ssyncadd.s32 $0xFFFFED40  }
0x63: {  	[spmem:s12] =	stream.linear.scatter [tilespmem:s25], [sflag:$0x4], $0x480, $0x38;
	[tilespmem:$0x10B30] =	vst v63  }
0x64: {  	_ =	swait.ge [sflag:s26], $0x480  }
0x65: {  	[sflag:s26] =	ssyncset.done $0x0  }
0x66: {  	s15 =	simm.s32 @!p0 $0x8340;
	[sflag:s26] =	ssyncadd.s32 $0xFFFFFB80  }
0x67: {  	[spmem:s13] =	stream.linear.scatter @!p0 [tilespmem:s15], [sflag:$0x4], $0x300, $0x38;
	[tilespmem:$0x10B30] =	vst v63  }
0x68: {  	s15 =	simm.s32 @!p0 $0x4  }
0x69: {  	_ =	swait.ge @!p0 [sflag:s15], $0x300  }
0x6a: {  	[sflag:s15] =	ssyncset.done @!p0 $0x0  }
0x6b: {  	s17 =	rddreg [dreg:$0x3];
	[sflag:s15] =	ssyncadd.s32 @!p0 $0xFFFFFD00;
	s15 =	simm.s32 $0x0  }
0x6c: {  	[tilespmem:s15], [sflag:$0x4] =	stream.linear.gather [hbm4b:s17+s15], $0x28A0, $0x38;
	[tilespmem:$0x10B30] =	vst v63  }
0x6d: {  	_ =	swait.ge [sflag:s26], $0x28A0  }
0x6e: {  	[sflag:s26] =	ssyncset.done $0x0  }
0x6f: {  	s18 =	rddreg [dreg:$0x4];
	[sflag:s26] =	ssyncadd.s32 $0xFFFFD760  }
0x70: {  	[tilespmem:s28], [sflag:$0x4] =	stream.linear.gather [hbm4b:s18+s15], $0x28A0, $0x38;
	[tilespmem:$0x10B30] =	vst v63  }
0x71: {  	_ =	swait.ge [sflag:s26], $0x28A0  }
0x72: {  	[sflag:s26] =	ssyncset.done $0x0  }
0x73: {  	[sflag:s26] =	ssyncadd.s32 $0xFFFFD760  }
0x74: {  	[bflag:$0x0] =	sbarrier.arrive $0xFFFF  }
0x75: {  	[spmem:s3] =	stream.indirect.scatter.add.f32 [tilespmem:s25], [sflag:$0x3], $0x30, s28, s29, $0xb8;
	[tilespmem:$0x10B30] =	vst v63  }
0x76: {  	s19 =	simm.s32 $0x5140  }
0x77: {  	[tilespmem:s19], [sflag:$0x1] =	stream.indirect.gather [hbm4b:s5+s29], $0x10, s28, s29, $0xb8;
	[tilespmem:$0x10B30] =	vst v63  }
0x78: {  	s20 =	simm.s32 $0x5780  }
0x79: {  	[tilespmem:s20], [sflag:$0x1] =	stream.indirect.gather [hbm4b:s2+s29], $0x30, s15, s29, $0xb8;
	[tilespmem:$0x10B30] =	vst v63  }
0x7a: {  	s21 =	simm.s32 $0x2908  }
0x7b: {  	[tilespmem:s30], [sflag:$0x2] =	stream.indirect.gather [hbm4b:s5+s29], $0x10, s21, s29, $0xb8;
	[tilespmem:$0x10B30] =	vst v63  }
0x7c: {  	s22 =	simm.s32 $0x68  }
0x7d: {  	[tilespmem:s0], [sflag:$0x2] =	stream.indirect.gather [hbm4b:s2+s29], $0x30, s22, s29, $0xb8;
	[tilespmem:$0x10B30] =	vst v63  }
.LBB2_4:
0x7e: {  	_ =	swait.ge [sflag:s31], $0x640  }
0x7f: {  	[sflag:s31] =	ssyncset.done $0x0  }
0x80: {  	[sflag:s31] =	ssyncadd.s32 $0xFFFFF9C0  }
0x81: {  	_ =	swait.ge [sflag:s31], $0x12C0  }
0x82: {  	[sflag:s31] =	ssyncset.done $0x0  }
0x83: {  	[sflag:s31] =	ssyncadd.s32 $0xFFFFED40  }
0x84: {  	_ =	swait.ge [sflag:s1], $0x12C0  }
0x85: {  	[sflag:s1] =	ssyncset.done $0x0  }
0x86: {  	s20 =	simm.s32 $0x5870;
	[sflag:s1] =	ssyncadd.s32 $0xFFFFED40  }
0x87: {  	s16 =	simm.s32 $0x5190;
	v1 =	vld [tilespmem:s20+$0xE0]  }
0x88: {  	v2 =	vld [tilespmem:s16+$0x40]  }
0x89: {  	v3 =	vld [tilespmem:s16+$0xFFFFFFB0]  }
0x8a: {  	v4 =	vld [tilespmem:s20+$0xFFFFFF60]  }
0x8b: {  	v5 =	vld [tilespmem:s16+$0xFFFFFFC0]  }
0x8c: {  	v6 =	vld [tilespmem:s20+$0xFFFFFF90]  }
0x8d: {  	v7 =	vld [tilespmem:s16+$0xFFFFFFD0]  }
0x8e: {  	v8 =	vld [tilespmem:s16+$0xFFFFFFE0];
	v1 =	vadd.f32 v2, v1  }
0x8f: {  	v10 =	vld [tilespmem:s20+$0xFFFFFFF0]  }
0x90: {  	v11 =	vld [tilespmem:s16+$0xFFFFFFF0];
	v9 =	vmul.f32 $2.000000030e-01, v1  }
0x91: {  	v2 =	vld [tilespmem:s20+$0xFFFFFFC0]  }
0x92: {  	v13 =	vld [tilespmem:s20+$0x80];
	v1 =	vmax.f32 v1, v9  }
0x93: {  	v4 =	vadd.f32 v5, v4;
	v5 =	vld [tilespmem:s16+$0x0];
	v1 =	vmul.f32 $1.442695020e+00, v1  }
0x94: {  	v6 =	vadd.f32 v7, v6;
	v9 =	vld [tilespmem:s20+$0x20]  }
0x95: {  	v14 =	vld [tilespmem:s20+$0xFFFFFF30];
	(erf) = vpow2.f32 v1  }
0x96: {  	v7 =	vld [tilespmem:s20+$0x50];
	v12 =	vmul.f32 $2.000000030e-01, v6;
	v2 =	vadd.f32 v8, v2;
	v1 =	vmul.f32 $2.000000030e-01, v4  }
0x97: {  	v10 =	vadd.f32 v11, v10;
	v8 =	vld [tilespmem:s16+$0x10]  }
0x98: {  	v11 =	vld [tilespmem:s16+$0x20];
	v6 =	vmax.f32 v6, v12;
	v1 =	vmax.f32 v4, v1;
	v4 =	vmul.f32 $2.000000030e-01, v2  }
0x99: {  	v12 =	vld [tilespmem:s16+$0x30];
	v6 =	vmul.f32 $1.442695020e+00, v6;
	v5 =	vadd.f32 v5, v9  }
0x9a: {  	v9 =	vld [tilespmem:s20+$0xB0];
	v1 =	vmul.f32 $1.442695020e+00, v1;
	v2 =	vmax.f32 v2, v4;
	v4 =	vmul.f32 $2.000000030e-01, v10  }
0x9b: {  	v16 =	vld [tilespmem:s20+$0x30];
	v3 =	vadd.f32 v3, v14;
	v15 =	vmul.f32 $2.000000030e-01, v5;
	v2 =	vmul.f32 $1.442695020e+00, v2  }
0x9c: {  	(erf) = vpow2.f32 v1;
	v1 =	vmax.f32 v10, v4;
	v4 =	vadd.f32 v8, v7;
	v7 =	vld [tilespmem:s20+$0xC0]  }
0x9d: {  	v17 =	vld [tilespmem:s20+$0x60];
	(erf) = vpow2.f32 v6;
	v8 =	vadd.f32 v11, v13;
	v1 =	vmul.f32 $1.442695020e+00, v1  }
0x9e: {  	s18 =	simm.s32 $0x5230;
	v18 =	vld [tilespmem:s20+$0x90];
	v5 =	vmax.f32 v5, v15;
	v6 =	vmul.f32 $2.000000030e-01, v4;
	v10 =	vpop (erf);
	(erf) = vpow2.f32 v2  }
0x9f: {  	v22 =	vld [tilespmem:s18+$0x40];
	v2 =	vadd.f32 v12, v9;
	v9 =	vbroadcast v10, $0xF;
	v10 =	vmul.f32 $2.000000030e-01, v8  }
0xa0: {  	s17 =	simm.s32 $0x5A50;
	v23 =	vld [tilespmem:s18+$0xFFFFFFB0];
	v5 =	vmul.f32 $1.442695020e+00, v5;
	(erf) = vpow2.f32 v1;
	v1 =	vmax.f32 v4, v6  }
0xa1: {  	v24 =	vld [tilespmem:s17+$0xFFFFFF60];
	v6 =	vmul.f32 v9, v7;
	v7 =	vmax.f32 v8, v10;
	v8 =	vmul.f32 $2.000000030e-01, v3  }
0xa2: {  	v25 =	vld [tilespmem:s18+$0xFFFFFFC0];
	v4 =	vmul.f32 $2.000000030e-01, v2;
	v1 =	vmul.f32 $1.442695020e+00, v1  }
0xa3: {  	v26 =	vld [tilespmem:s17+$0xFFFFFF90];
	(erf) = vpow2.f32 v5;
	v7 =	vmul.f32 $1.442695020e+00, v7;
	v3 =	vmax.f32 v3, v8  }
0xa4: {  	v27 =	vld [tilespmem:s18+$0xFFFFFFD0];
	v2 =	vmax.f32 v2, v4;
	(erf) = vpow2.f32 v1;
	v1 =	vmul.f32 $1.442695020e+00, v3  }
0xa5: {  	s16 =	simm.s32 $0x8430;
	v4 =	vld [tilespmem:s20+$0xFFFFFF40];
	v2 =	vmul.f32 $1.442695020e+00, v2  }
0xa6: {  	[tilespmem:s16+$0xC0] =	vst v6;
	(erf) = vpow2.f32 v7;
	v3 =	vld [tilespmem:s20+$0xFFFFFF70]  }
0xa7: {  	(erf) = vpow2.f32 v2;
	v2 =	vld [tilespmem:s20+$0xD0]  }
0xa8: {  	v28 =	vld [tilespmem:s18+$0xFFFFFFE0];
	(erf) = vpow2.f32 v1;
	v1 =	vpop (erf)  }
0xa9: {  	v30 =	vld [tilespmem:s17+$0xFFFFFFF0];
	v7 =	vpop (erf);
	v15 =	vbroadcast v1, $0xF  }
0xaa: {  	v6 =	vld [tilespmem:s20+$0xFFFFFFA0];
	v1 =	vbroadcast v7, $0xF  }
0xab: {  	v40 =	vld [tilespmem:s17+$0x20];
	v7 =	vmul.f32 v15, v4  }
0xac: {  	v12 =	vld [tilespmem:s20+$0x0];
	v10 =	vpop (erf);
	v2 =	vmul.f32 v9, v2;
	v3 =	vmul.f32 v1, v3  }
0xad: {  	v42 =	vld [tilespmem:s18+$0x0];
	v11 =	vpop (erf);
	v4 =	vbroadcast v10, $0xF  }
0xae: {  	v43 =	vld [tilespmem:s17+$0x50];
	v10 =	vpop (erf);
	[tilespmem:s16+$0xFFFFFF70] =	vst v3  }
0xaf: {  	[tilespmem:s16+$0xFFFFFF40] =	vst v7;
	v6 =	vmul.f32 v4, v6;
	v10 =	vbroadcast v10, $0xF;
	v7 =	vpop (erf);
	v20 =	vld [tilespmem:s20+$0xFFFFFF80]  }
0xb0: {  	v44 =	vld [tilespmem:s18+$0x10];
	v14 =	vbroadcast v11, $0xF;
	[tilespmem:s16+$0xD0] =	vst v2;
	v2 =	vpop (erf);
	v11 =	vbroadcast v7, $0xF  }
0xb1: {  	v49 =	vld [tilespmem:s17+$0xB0];
	[tilespmem:s16+$0xFFFFFFA0] =	vst v6;
	v6 =	vmul.f32 v10, v12;
	v7 =	vpop (erf)  }
0xb2: {  	v8 =	vld [tilespmem:s20+$0xFFFFFFD0];
	v16 =	vmul.f32 v11, v16;
	v12 =	vbroadcast v7, $0xF  }
0xb3: {  	v50 =	vld [tilespmem:s18+$0x30]  }
0xb4: {  	[tilespmem:s16+$0x30] =	vst v16;
	v16 =	vmul.f32 v12, v18;
	v18 =	vmul.f32 v1, v20;
	v20 =	vld [tilespmem:s17+$0xE0]  }
0xb5: {  	v19 =	vld [tilespmem:s20+$0xFFFFFF50]  }
0xb6: {  	v5 =	vld [tilespmem:s20+$0xFFFFFF10];
	v13 =	vbroadcast v2, $0xF  }
0xb7: {  	v41 =	vadd.f32 v27, v26;
	v3 =	vmul.f32 v14, v8;
	v8 =	vld [tilespmem:s20+$0xE0]  }
0xb8: {  	v24 =	vadd.f32 v25, v24;
	v21 =	vld [tilespmem:s20+$0xFFFFFFB0];
	[tilespmem:s16+$0x0] =	vst v6;
	v6 =	vmul.f32 v13, v17  }
0xb9: {  	v26 =	vadd.f32 v42, v40;
	v31 =	vmul.f32 $2.000000030e-01, v41;
	[tilespmem:s16+$0xFFFFFFD0] =	vst v3;
	v2 =	vpop (erf);
	v7 =	vld [tilespmem:s20+$0x10];
	v20 =	vadd.f32 v22, v20  }
0xba: {  	v27 =	vadd.f32 v44, v43;
	v3 =	vbroadcast v2, $0xF;
	v2 =	vld [tilespmem:s20+$0xFFFFFFE0];
	[tilespmem:s16+$0x60] =	vst v6;
	v6 =	vmul.f32 v15, v19  }
0xbb: {  	v25 =	vadd.f32 v50, v49;
	v51 =	vmul.f32 $2.000000030e-01, v26;
	v17 =	vld [tilespmem:s20+$0x40];
	v29 =	vmul.f32 $2.000000030e-01, v20  }
0xbc: {  	v54 =	vmul.f32 $2.000000030e-01, v27;
	v8 =	vmul.f32 v9, v8;
	[tilespmem:s16+$0xFFFFFF50] =	vst v6;
	v22 =	vld [tilespmem:s17+$0xFFFFFFC0]  }
0xbd: {  	v57 =	vmul.f32 $2.000000030e-01, v25;
	v5 =	vmul.f32 v3, v5;
	[tilespmem:s16+$0x90] =	vst v16;
	v16 =	vld [tilespmem:s20+$0xFFFFFF60];
	v20 =	vmax.f32 v20, v29  }
0xbe: {  	v26 =	vmax.f32 v26, v51;
	v9 =	vmul.f32 v4, v21;
	v21 =	vld [tilespmem:s18+$0xFFFFFFF0];
	[tilespmem:s16+$0xE0] =	vst v8;
	v20 =	vmul.f32 $1.442695020e+00, v20  }
0xbf: {  	v8 =	vmul.f32 $1.442695020e+00, v26;
	[tilespmem:s16+$0xFFFFFF10] =	vst v5;
	v5 =	vld [tilespmem:s20+$0x70];
	v2 =	vmul.f32 v14, v2  }
0xc0: {  	v47 =	vld [tilespmem:s18+$0x20];
	(erf) = vpow2.f32 v20;
	v20 =	vmul.f32 $2.000000030e-01, v24  }
0xc1: {  	[tilespmem:s16+$0xFFFFFF80] =	vst v18;
	v6 =	vld [tilespmem:s20+$0xA0];
	v7 =	vmul.f32 v10, v7;
	v17 =	vmul.f32 v11, v17;
	v22 =	vadd.f32 v28, v22  }
0xc2: {  	v18 =	vld [tilespmem:s20+$0xFFFFFF90];
	[tilespmem:s16+$0xFFFFFFE0] =	vst v2;
	v2 =	vmax.f32 v27, v54;
	v15 =	vmul.f32 v15, v16;
	v20 =	vmax.f32 v24, v20  }
0xc3: {  	v16 =	vadd.f32 v21, v30;
	v21 =	vld [tilespmem:s17+$0x80];
	v46 =	vmul.f32 $2.000000030e-01, v22;
	v20 =	vmul.f32 $1.442695020e+00, v20  }
0xc4: {  	v45 =	vmax.f32 v41, v31;
	v19 =	vld [tilespmem:s20+$0xFFFFFF20];
	v2 =	vmul.f32 $1.442695020e+00, v2;
	v5 =	vmul.f32 v13, v5  }
0xc5: {  	v24 =	vmul.f32 $1.442695020e+00, v45;
	v22 =	vmax.f32 v22, v46;
	(erf) = vpow2.f32 v20;
	v20 =	vld [tilespmem:s17+$0xFFFFFF30]  }
0xc6: {  	v48 =	vmul.f32 $2.000000030e-01, v16;
	v22 =	vmul.f32 $1.442695020e+00, v22  }
0xc7: {  	v52 =	vld [tilespmem:s17+$0xC0];
	v6 =	vmul.f32 v12, v6;
	(erf) = vpow2.f32 v24  }
0xc8: {  	v53 =	vld [tilespmem:s17+$0xFFFFFF10];
	v16 =	vmax.f32 v16, v48;
	v21 =	vadd.f32 v47, v21;
	(erf) = vpow2.f32 v22  }
0xc9: {  	v55 =	vld [tilespmem:s17+$0xFFFFFF40];
	v1 =	vmul.f32 v1, v18;
	v16 =	vmul.f32 $1.442695020e+00, v16  }
0xca: {  	v56 =	vld [tilespmem:s17+$0xFFFFFF70];
	[tilespmem:s16+$0xFFFFFFB0] =	vst v9;
	v19 =	vmul.f32 v3, v19;
	v22 =	vpop (erf);
	v9 =	vadd.f32 v23, v20;
	v20 =	vmul.f32 $2.000000030e-01, v21  }
0xcb: {  	v58 =	vld [tilespmem:s17+$0x30];
	[tilespmem:s16+$0x10] =	vst v7;
	(erf) = vpow2.f32 v16;
	v22 =	vbroadcast v22, $0xF  }
0xcc: {  	v59 =	vld [tilespmem:s17+$0x90];
	[tilespmem:s16+$0x40] =	vst v17;
	(erf) = vpow2.f32 v8;
	v7 =	vmax.f32 v21, v20;
	v20 =	vmul.f32 $2.000000030e-01, v9  }
0xcd: {  	v25 =	vmax.f32 v25, v57;
	v62 =	vld [tilespmem:s20+$0x50];
	[tilespmem:s16+$0xA0] =	vst v6;
	v28 =	vmul.f32 v22, v52;
	v7 =	vmul.f32 $1.442695020e+00, v7  }
0xce: {  	s19 =	simm.s32 $0x8610;
	[tilespmem:s16+$0xFFFFFF20] =	vst v19;
	v63 =	vld [tilespmem:s20+$0xB0];
	(erf) = vpow2.f32 v2;
	v8 =	vmax.f32 v9, v20;
	v9 =	vmul.f32 $1.442695020e+00, v25  }
0xcf: {  	v16 =	vld [tilespmem:s17+$0xFFFFFFA0];
	[tilespmem:s19+$0xC0] =	vst v28;
	v2 =	vpop (erf);
	v19 =	vmul.f32 $1.442695020e+00, v8;
	(erf) = vpow2.f32 v7  }
0xd0: {  	v17 =	vld [tilespmem:s17+$0xD0];
	v8 =	vbroadcast v2, $0xF;
	v2 =	vpop (erf);
	(erf) = vpow2.f32 v9  }
0xd1: {  	[tilespmem:s16+$0x70] =	vst v5;
	v5 =	vld [tilespmem:s20+$0xFFFFFF30];
	v9 =	vbroadcast v2, $0xF;
	v2 =	vpop (erf);
	(erf) = vpow2.f32 v19  }
0xd2: {  	[tilespmem:s16+$0xFFFFFF90] =	vst v1;
	v23 =	vld [tilespmem:s17+$0xFFFFFFD0];
	v6 =	vmul.f32 v8, v55;
	v1 =	vbroadcast v2, $0xF  }
0xd3: {  	v7 =	vld [tilespmem:s20+$0xFFFFFFC0]  }
0xd4: {  	v21 =	vld [tilespmem:s17+$0x0];
	v2 =	vpop (erf);
	v18 =	vmul.f32 v9, v56;
	[tilespmem:s19+$0xFFFFFF40] =	vst v6;
	v6 =	vmul.f32 v1, v16  }
0xd5: {  	[tilespmem:s16+$0xFFFFFF60] =	vst v15;
	v20 =	vld [tilespmem:s17+$0x60];
	v2 =	vbroadcast v2, $0xF;
	v15 =	vmul.f32 v22, v17  }
0xd6: {  	v19 =	vld [tilespmem:s20+$0x20];
	[tilespmem:s19+$0xFFFFFF70] =	vst v18  }
0xd7: {  	v5 =	vmul.f32 v3, v5;
	v17 =	vld [tilespmem:s20+$0xFFFFFFF0];
	[tilespmem:s19+$0xD0] =	vst v15;
	v15 =	vmul.f32 v2, v23;
	v23 =	vpop (erf)  }
0xd8: {  	v7 =	vmul.f32 v4, v7;
	[tilespmem:s19+$0xFFFFFFA0] =	vst v6;
	v18 =	vld [tilespmem:s17+$0xE0];
	v3 =	vbroadcast v23, $0xF;
	v6 =	vpop (erf)  }
0xd9: {  	[tilespmem:s16+$0xFFFFFF30] =	vst v5;
	v16 =	vld [tilespmem:s17+$0xFFFFFF50];
	v4 =	vbroadcast v6, $0xF;
	v6 =	vpop (erf)  }
0xda: {  	v60 =	vld [tilespmem:s17+$0xFFFFFF80];
	[tilespmem:s16+$0xFFFFFFC0] =	vst v7;
	v21 =	vmul.f32 v3, v21;
	v61 =	vpop (erf);
	v5 =	vbroadcast v6, $0xF  }
0xdb: {  	v23 =	vld [tilespmem:s17+$0xFFFFFFB0];
	[tilespmem:s19+$0xFFFFFFD0] =	vst v15;
	v27 =	vmul.f32 v4, v58;
	v6 =	vpop (erf)  }
0xdc: {  	v15 =	vld [tilespmem:s17+$0xFFFFFFE0];
	[tilespmem:s19+$0x0] =	vst v21;
	v7 =	vbroadcast v6, $0xF;
	v20 =	vmul.f32 v5, v20  }
0xdd: {  	v21 =	vld [tilespmem:s20+$0x80];
	v6 =	vbroadcast v61, $0xF;
	v18 =	vmul.f32 v22, v18;
	[tilespmem:s19+$0x30] =	vst v27  }
0xde: {  	v22 =	vld [tilespmem:s17+$0x10];
	v24 =	vmul.f32 v7, v53;
	[tilespmem:s19+$0x60] =	vst v20  }
0xdf: {  	v11 =	vmul.f32 v11, v62;
	v27 =	vld [tilespmem:s17+$0x40];
	v25 =	vmul.f32 v6, v59;
	[tilespmem:s19+$0xE0] =	vst v18  }
0xe0: {  	v14 =	vmul.f32 v14, v17;
	v20 =	vmul.f32 v8, v16;
	v16 =	vld [tilespmem:s17+$0x70];
	[tilespmem:s19+$0xFFFFFF10] =	vst v24  }
0xe1: {  	v26 =	vmul.f32 v9, v60;
	v23 =	vmul.f32 v1, v23;
	[tilespmem:s19+$0x90] =	vst v25;
	v17 =	vld [tilespmem:s17+$0xFFFFFF20]  }
0xe2: {  	v18 =	vmul.f32 v2, v15;
	v15 =	vmul.f32 v10, v19;
	[tilespmem:s19+$0xFFFFFF50] =	vst v20;
	v19 =	vld [tilespmem:s17+$0xA0]  }
0xe3: {  	v12 =	vmul.f32 v12, v63;
	[tilespmem:s19+$0xFFFFFF80] =	vst v26;
	v10 =	vmul.f32 v13, v21;
	v13 =	vld [tilespmem:s17+$0xFFFFFF60]  }
0xe4: {  	s21 =	simm.s32 $0x5C30;
	s20 =	simm.s32 $0xA;
	[tilespmem:s19+$0xFFFFFFB0] =	vst v23;
	v20 =	vld [tilespmem:s17+$0xFFFFFF90];
	v21 =	vmul.f32 v3, v22;
	v22 =	vmul.f32 v4, v27  }
.LBB2_5:
0xe5: {  	v23 =	vld [tilespmem:s21+$0xE0];
	[tilespmem:s19+$0xFFFFFFE0] =	vst v18;
	v16 =	vmul.f32 v5, v16;
	s18 =	sadd.s32 $0xA0, s18  }
0xe6: {  	s20 =	sadd.s32 $0xA, s20;
	v18 =	vld [tilespmem:s18+$0x40];
	v17 =	vmul.f32 v7, v17;
	[tilespmem:s19+$0x10] =	vst v21  }
0xe7: {  	p1 =	slt.u32 s20, $0x5A;
	v21 =	vld [tilespmem:s18+$0xFFFFFFB0];
	[tilespmem:s19+$0x40] =	vst v22;
	v19 =	vmul.f32 v6, v19  }
0xe8: {  	v22 =	vld [tilespmem:s21+$0xFFFFFF60];
	[tilespmem:s19+$0xFFFFFF20] =	vst v17;
	v8 =	vmul.f32 v8, v13  }
0xe9: {  	v13 =	vld [tilespmem:s18+$0xFFFFFFC0];
	v9 =	vmul.f32 v9, v20;
	[tilespmem:s19+$0x70] =	vst v16  }
0xea: {  	v16 =	vld [tilespmem:s21+$0xFFFFFF90];
	[tilespmem:s19+$0xA0] =	vst v19  }
0xeb: {  	v17 =	vld [tilespmem:s18+$0xFFFFFFD0];
	v18 =	vadd.f32 v18, v23;
	[tilespmem:s19+$0xFFFFFF60] =	vst v8  }
0xec: {  	v8 =	vld [tilespmem:s21+$0xFFFFFFC0];
	[tilespmem:s19+$0xFFFFFF90] =	vst v9  }
0xed: {  	v9 =	vld [tilespmem:s18+$0xFFFFFFE0];
	v19 =	vmul.f32 $2.000000030e-01, v18;
	[tilespmem:s16+$0xFFFFFFF0] =	vst v14  }
0xee: {  	v13 =	vadd.f32 v13, v22;
	v14 =	vld [tilespmem:s21+$0xFFFFFFF0];
	[tilespmem:s16+$0x20] =	vst v15  }
0xef: {  	v15 =	vld [tilespmem:s18+$0xFFFFFFF0];
	v18 =	vmax.f32 v18, v19;
	[tilespmem:s16+$0x50] =	vst v11  }
0xf0: {  	v11 =	vmul.f32 $2.000000030e-01, v13;
	v16 =	vadd.f32 v17, v16;
	v17 =	vld [tilespmem:s21+$0x20];
	v18 =	vmul.f32 $1.442695020e+00, v18;
	[tilespmem:s16+$0x80] =	vst v10  }
0xf1: {  	v10 =	vld [tilespmem:s18+$0x0];
	[tilespmem:s16+$0xB0] =	vst v12;
	s16 =	smov.u32 s19  }
0xf2: {  	v12 =	vmul.f32 $2.000000030e-01, v16;
	v8 =	vadd.f32 v9, v8;
	v9 =	vld [tilespmem:s21+$0x50];
	(erf) = vpow2.f32 v18  }
0xf3: {  	v11 =	vmax.f32 v13, v11;
	v13 =	vld [tilespmem:s18+$0x10]  }
0xf4: {  	v12 =	vmax.f32 v16, v12;
	v16 =	vmul.f32 $2.000000030e-01, v8;
	v14 =	vadd.f32 v15, v14;
	v15 =	vld [tilespmem:s21+$0x80]  }
0xf5: {  	v11 =	vmul.f32 $1.442695020e+00, v11;
	v12 =	vmul.f32 $1.442695020e+00, v12;
	v18 =	vld [tilespmem:s18+$0x20]  }
0xf6: {  	v8 =	vmax.f32 v8, v16;
	v16 =	vmul.f32 $2.000000030e-01, v14;
	v10 =	vadd.f32 v10, v17;
	v17 =	vld [tilespmem:s21+$0xB0]  }
0xf7: {  	v8 =	vmul.f32 $1.442695020e+00, v8;
	v19 =	vld [tilespmem:s18+$0x30];
	(erf) = vpow2.f32 v11  }
0xf8: {  	v11 =	vld [tilespmem:s21+$0xFFFFFF30];
	v14 =	vmax.f32 v14, v16;
	v16 =	vmul.f32 $2.000000030e-01, v10;
	v9 =	vadd.f32 v13, v9  }
0xf9: {  	v13 =	vmul.f32 $1.442695020e+00, v14;
	v14 =	vld [tilespmem:s21+$0xC0];
	(erf) = vpow2.f32 v12  }
0xfa: {  	v12 =	vld [tilespmem:s21+$0xFFFFFF10];
	v10 =	vmax.f32 v10, v16;
	v16 =	vmul.f32 $2.000000030e-01, v9;
	v15 =	vadd.f32 v18, v15  }
0xfb: {  	v18 =	vld [tilespmem:s21+$0xFFFFFF40];
	v10 =	vmul.f32 $1.442695020e+00, v10;
	(erf) = vpow2.f32 v8;
	v8 =	vpop (erf)  }
0xfc: {  	v20 =	vld [tilespmem:s21+$0xFFFFFF70];
	v22 =	vmul.f32 $2.000000030e-01, v15;
	v17 =	vadd.f32 v19, v17;
	v19 =	vbroadcast v8, $0xF  }
0xfd: {  	v9 =	vmax.f32 v9, v16;
	v8 =	vadd.f32 v21, v11;
	v11 =	vld [tilespmem:s21+$0xFFFFFFA0];
	(erf) = vpow2.f32 v13  }
0xfe: {  	v13 =	vld [tilespmem:s21+$0xFFFFFFD0];
	v15 =	vmax.f32 v15, v22;
	v16 =	vmul.f32 $2.000000030e-01, v17;
	v24 =	vmul.f32 v19, v14  }
0xff: {  	s19 =	sadd.s32 $0x1E0, s19;
	v25 =	vmul.f32 $1.442695020e+00, v9;
	v21 =	vmul.f32 $2.000000030e-01, v8;
	v22 =	vld [tilespmem:s21+$0x0]  }
0x100: {  	v15 =	vmul.f32 $1.442695020e+00, v15;
	v23 =	vld [tilespmem:s21+$0x30];
	v16 =	vmax.f32 v17, v16;
	[tilespmem:s19+$0xC0] =	vst v24;
	v14 =	vpop (erf);
	(erf) = vpow2.f32 v10  }
0x101: {  	v8 =	vmax.f32 v8, v21;
	v24 =	vmul.f32 $1.442695020e+00, v16;
	v16 =	vld [tilespmem:s21+$0xD0];
	(erf) = vpow2.f32 v25  }
0x102: {  	v17 =	vmul.f32 $1.442695020e+00, v8;
	v21 =	vld [tilespmem:s21+$0x60];
	v9 =	vpop (erf);
	(erf) = vpow2.f32 v15  }
0x103: {  	v8 =	vbroadcast v14, $0xF;
	v15 =	vld [tilespmem:s21+$0x90];
	(erf) = vpow2.f32 v24  }
0x104: {  	v9 =	vbroadcast v9, $0xF;
	(erf) = vpow2.f32 v17;
	v10 =	vpop (erf);
	v14 =	vld [tilespmem:s17+$0xFFFFFF30]  }
0x105: {  	v17 =	vmul.f32 v8, v18;
	v10 =	vbroadcast v10, $0xF;
	v18 =	vld [tilespmem:s17+$0xFFFFFFC0]  }
0x106: {  	v27 =	vmul.f32 v9, v20;
	v16 =	vmul.f32 v19, v16;
	v24 =	vpop (erf);
	v25 =	vld [tilespmem:s17+$0xFFFFFFF0]  }
0x107: {  	[tilespmem:s19+$0xFFFFFF40] =	vst v17;
	v11 =	vmul.f32 v10, v11;
	v17 =	vbroadcast v24, $0xF;
	v24 =	vld [tilespmem:s17+$0x20]  }
0x108: {  	v26 =	vld [tilespmem:s21+$0xFFFFFF50];
	[tilespmem:s19+$0xD0] =	vst v16  }
0x109: {  	[tilespmem:s19+$0xFFFFFF70] =	vst v27;
	v13 =	vmul.f32 v17, v13;
	v16 =	vld [tilespmem:s21+$0xE0];
	v20 =	vpop (erf);
	v7 =	vmul.f32 v7, v14  }
0x10a: {  	v27 =	vld [tilespmem:s21+$0xFFFFFF80];
	[tilespmem:s19+$0xFFFFFFA0] =	vst v11;
	v11 =	vbroadcast v20, $0xF;
	v14 =	vpop (erf);
	v18 =	vmul.f32 v1, v18;
	v1 =	vmov v10  }
0x10b: {  	v10 =	vld [tilespmem:s21+$0xFFFFFFB0];
	[tilespmem:s19+$0xFFFFFFD0] =	vst v13;
	v13 =	vbroadcast v14, $0xF;
	v20 =	vpop (erf);
	v14 =	vmul.f32 v2, v25;
	v2 =	vmov v17  }
0x10c: {  	v17 =	vld [tilespmem:s21+$0xFFFFFFE0];
	v22 =	vmul.f32 v11, v22;
	v20 =	vbroadcast v20, $0xF;
	v25 =	vpop (erf);
	[tilespmem:s16+$0xFFFFFF30] =	vst v7  }
0x10d: {  	v23 =	vmul.f32 v13, v23;
	v25 =	vbroadcast v25, $0xF;
	v7 =	vpop (erf);
	[tilespmem:s16+$0xFFFFFFC0] =	vst v18;
	v28 =	vld [tilespmem:s17+$0x50]  }
0x10e: {  	v7 =	vbroadcast v7, $0xF;
	[tilespmem:s19+$0x0] =	vst v22;
	v16 =	vmul.f32 v19, v16;
	v19 =	vld [tilespmem:s17+$0x80]  }
0x10f: {  	v18 =	vmul.f32 v20, v21;
	v22 =	vld [tilespmem:s21+$0x10];
	[tilespmem:s19+$0x30] =	vst v23;
	v21 =	vmul.f32 v25, v15  }
0x110: {  	v23 =	vmul.f32 v8, v26;
	v12 =	vmul.f32 v7, v12;
	v26 =	vld [tilespmem:s21+$0x40];
	[tilespmem:s19+$0xE0] =	vst v16  }
0x111: {  	v27 =	vmul.f32 v9, v27;
	v29 =	vmul.f32 v1, v10;
	[tilespmem:s19+$0x60] =	vst v18;
	v30 =	vld [tilespmem:s17+$0xB0];
	s17 =	smov.u32 s21  }
.Ltmp3:
0x112: {  	v15 =	vmul.f32 v3, v24;
	v3 =	vmov v11;
	v18 =	vmul.f32 v2, v17;
	[tilespmem:s19+$0xFFFFFF10] =	vst v12;
	v16 =	vld [tilespmem:s21+$0x70];
	(pc) =	sbr.rel @p1 .LBB2_5-.Ltmp3, $4  }
0x113: {  	v11 =	vmul.f32 v4, v28;
	v4 =	vmovc v13;
	v17 =	vld [tilespmem:s21+$0xFFFFFF20];
	[tilespmem:s19+$0x90] =	vst v21;
	v10 =	vmul.f32 v5, v19;
	v5 =	vmov v20  }
0x114: {  	[tilespmem:s19+$0xFFFFFF50] =	vst v23;
	v21 =	vmul.f32 v3, v22;
	v19 =	vld [tilespmem:s21+$0xA0]  }
0x115: {  	v13 =	vld [tilespmem:s21+$0xFFFFFF60];
	[tilespmem:s19+$0xFFFFFF80] =	vst v27;
	v22 =	vmul.f32 v4, v26  }
0x116: {  	s21 =	sadd.s32 $0x1E0, s21;
	v20 =	vld [tilespmem:s17+$0xFFFFFF90];
	[tilespmem:s19+$0xFFFFFFB0] =	vst v29;
	v12 =	vmul.f32 v6, v30;
	v6 =	vmov v25  }
0x117: {  	[tilespmem:s19+$0xFFFFFFE0] =	vst v18  }
0x118: {  	[tilespmem:s19+$0x10] =	vst v21  }
0x119: {  	[tilespmem:s19+$0x40] =	vst v22  }
0x11a: {  	[tilespmem:s16+$0xFFFFFFF0] =	vst v14;
	v17 =	vmul.f32 v7, v17  }
0x11b: {  	[tilespmem:s16+$0x20] =	vst v15;
	v8 =	vmul.f32 v8, v13  }
0x11c: {  	[tilespmem:s19+$0xFFFFFF20] =	vst v17;
	v13 =	vld [tilespmem:s17+$0xFFFFFFF0];
	v9 =	vmul.f32 v9, v20  }
0x11d: {  	[tilespmem:s19+$0xFFFFFF60] =	vst v8;
	v8 =	vld [tilespmem:s17+$0xFFFFFF30]  }
0x11e: {  	[tilespmem:s19+$0xFFFFFF90] =	vst v9;
	v9 =	vld [tilespmem:s17+$0xFFFFFFC0]  }
0x11f: {  	v16 =	vmul.f32 v5, v16;
	[tilespmem:s16+$0x50] =	vst v11  }
0x120: {  	[tilespmem:s16+$0x80] =	vst v10;
	v14 =	vld [tilespmem:s17+$0x20];
	v18 =	vmul.f32 v6, v19  }
0x121: {  	v11 =	vld [tilespmem:s17+$0x50];
	[tilespmem:s19+$0x70] =	vst v16  }
0x122: {  	[tilespmem:s19+$0xA0] =	vst v18;
	v2 =	vmul.f32 v2, v13;
	v7 =	vmul.f32 v7, v8;
	v8 =	vld [tilespmem:s17+$0x80]  }
0x123: {  	[tilespmem:s16+$0xB0] =	vst v12;
	v1 =	vmul.f32 v1, v9;
	v9 =	vld [tilespmem:s17+$0xB0]  }
0x124: {  	[tilespmem:s19+$0xFFFFFFF0] =	vst v2  }
0x125: {  	[tilespmem:s19+$0xFFFFFFC0] =	vst v1;
	v1 =	vmul.f32 v3, v14  }
0x126: {  	[tilespmem:s19+$0xFFFFFF30] =	vst v7;
	v3 =	vmul.f32 v4, v11  }
0x127: {  	s20 =	smul.u32 $0x340, s15;
	v2 =	vmul.f32 v5, v8;
	[tilespmem:s19+$0x20] =	vst v1  }
0x128: {  	[tilespmem:s19+$0x50] =	vst v3;
	v1 =	vmul.f32 v6, v9  }
0x129: {  	p1 =	seq.s32 s15, $0x31;
	s16 =	sshra.s32 s20, $0x2;
	[tilespmem:s19+$0x80] =	vst v2  }
0x12a: {  	s18 =	smul.u32 @!p1 $0xD0, s15;
	s21 =	sadd.s32 $0x28A0, s16;
	[tilespmem:s19+$0xB0] =	vst v1  }
0x12b: {  	[spmem:s3] =	stream.indirect.scatter.add.f32 [tilespmem:s25], [sflag:$0x3], $0x30, s21, s29, $0xb8;
	[tilespmem:$0x10B30] =	vst v63  }
0x12c: {  	s20 =	simm.s32 @!p1 $0x5140;
	s17 =	sadd.s32 @!p1 $0x2970, s18;
	s19 =	simm.s32 @!p1 $0x64  }
0x12d: {  	[tilespmem:s20], [sflag:$0x1] =	stream.indirect.gather @!p1 [hbm4b:s5+s19], $0x10, s17, s19, $0xb8;
	[tilespmem:$0x10B30] =	vst v63  }
0x12e: {  	s17 =	sadd.s32 @!p1 $0xD0, s18;
	s18 =	simm.s32 @!p1 $0x5780  }
0x12f: {  	[tilespmem:s18], [sflag:$0x1] =	stream.indirect.gather @!p1 [hbm4b:s2+s19], $0x30, s17, s19, $0xb8;
	[tilespmem:$0x10B30] =	vst v63  }
0x130: {  	_ =	swait.ge [sflag:s14], $0x640  }
0x131: {  	[sflag:s14] =	ssyncset.done $0x0  }
0x132: {  	[sflag:s14] =	ssyncadd.s32 $0xFFFFF9C0  }
0x133: {  	_ =	swait.ge [sflag:s14], $0x12C0  }
0x134: {  	[sflag:s14] =	ssyncset.done $0x0  }
0x135: {  	[sflag:s14] =	ssyncadd.s32 $0xFFFFED40  }
0x136: {  	_ =	swait.ge [sflag:s1], $0x12C0  }
0x137: {  	[sflag:s1] =	ssyncset.done $0x0  }
0x138: {  	s21 =	simm.s32 $0x7170;
	[sflag:s1] =	ssyncadd.s32 $0xFFFFED40  }
0x139: {  	s22 =	simm.s32 $0x6A90;
	v1 =	vld [tilespmem:s21+$0xE0]  }
0x13a: {  	v2 =	vld [tilespmem:s22+$0x40]  }
0x13b: {  	v3 =	vld [tilespmem:s22+$0xFFFFFFB0]  }
0x13c: {  	v4 =	vld [tilespmem:s21+$0xFFFFFF60]  }
0x13d: {  	v5 =	vld [tilespmem:s22+$0xFFFFFFC0]  }
0x13e: {  	v6 =	vld [tilespmem:s21+$0xFFFFFF90]  }
0x13f: {  	v7 =	vld [tilespmem:s22+$0xFFFFFFD0]  }
0x140: {  	v8 =	vld [tilespmem:s22+$0xFFFFFFE0];
	v1 =	vadd.f32 v2, v1  }
0x141: {  	v10 =	vld [tilespmem:s21+$0xFFFFFFF0]  }
0x142: {  	v11 =	vld [tilespmem:s22+$0xFFFFFFF0];
	v9 =	vmul.f32 $2.000000030e-01, v1  }
0x143: {  	v2 =	vld [tilespmem:s21+$0xFFFFFFC0]  }
0x144: {  	v13 =	vld [tilespmem:s21+$0x80];
	v1 =	vmax.f32 v1, v9  }
0x145: {  	v4 =	vadd.f32 v5, v4;
	v5 =	vld [tilespmem:s22+$0x0];
	v1 =	vmul.f32 $1.442695020e+00, v1  }
0x146: {  	v6 =	vadd.f32 v7, v6;
	v9 =	vld [tilespmem:s21+$0x20]  }
0x147: {  	v14 =	vld [tilespmem:s21+$0xFFFFFF30];
	(erf) = vpow2.f32 v1  }
0x148: {  	v7 =	vld [tilespmem:s21+$0x50];
	v12 =	vmul.f32 $2.000000030e-01, v6;
	v2 =	vadd.f32 v8, v2;
	v1 =	vmul.f32 $2.000000030e-01, v4  }
0x149: {  	v10 =	vadd.f32 v11, v10;
	v8 =	vld [tilespmem:s22+$0x10]  }
0x14a: {  	v11 =	vld [tilespmem:s22+$0x20];
	v6 =	vmax.f32 v6, v12;
	v1 =	vmax.f32 v4, v1;
	v4 =	vmul.f32 $2.000000030e-01, v2  }
0x14b: {  	v12 =	vld [tilespmem:s22+$0x30];
	v6 =	vmul.f32 $1.442695020e+00, v6;
	v5 =	vadd.f32 v5, v9  }
0x14c: {  	v9 =	vld [tilespmem:s21+$0xB0];
	v1 =	vmul.f32 $1.442695020e+00, v1;
	v2 =	vmax.f32 v2, v4;
	v4 =	vmul.f32 $2.000000030e-01, v10  }
0x14d: {  	v16 =	vld [tilespmem:s21+$0x30];
	v3 =	vadd.f32 v3, v14;
	v15 =	vmul.f32 $2.000000030e-01, v5;
	v2 =	vmul.f32 $1.442695020e+00, v2  }
0x14e: {  	(erf) = vpow2.f32 v1;
	v1 =	vmax.f32 v10, v4;
	v4 =	vadd.f32 v8, v7;
	v7 =	vld [tilespmem:s21+$0xC0]  }
0x14f: {  	v17 =	vld [tilespmem:s21+$0x60];
	(erf) = vpow2.f32 v6;
	v8 =	vadd.f32 v11, v13;
	v1 =	vmul.f32 $1.442695020e+00, v1  }
0x150: {  	s19 =	simm.s32 $0x6B30;
	v18 =	vld [tilespmem:s21+$0x90];
	v5 =	vmax.f32 v5, v15;
	v6 =	vmul.f32 $2.000000030e-01, v4;
	v10 =	vpop (erf);
	(erf) = vpow2.f32 v2  }
0x151: {  	v22 =	vld [tilespmem:s19+$0x40];
	v2 =	vadd.f32 v12, v9;
	v9 =	vbroadcast v10, $0xF;
	v10 =	vmul.f32 $2.000000030e-01, v8  }
0x152: {  	s18 =	simm.s32 $0x7350;
	v23 =	vld [tilespmem:s19+$0xFFFFFFB0];
	v5 =	vmul.f32 $1.442695020e+00, v5;
	(erf) = vpow2.f32 v1;
	v1 =	vmax.f32 v4, v6  }
0x153: {  	v24 =	vld [tilespmem:s18+$0xFFFFFF60];
	v6 =	vmul.f32 v9, v7;
	v7 =	vmax.f32 v8, v10;
	v8 =	vmul.f32 $2.000000030e-01, v3  }
0x154: {  	v25 =	vld [tilespmem:s19+$0xFFFFFFC0];
	v4 =	vmul.f32 $2.000000030e-01, v2;
	v1 =	vmul.f32 $1.442695020e+00, v1  }
0x155: {  	v26 =	vld [tilespmem:s18+$0xFFFFFF90];
	(erf) = vpow2.f32 v5;
	v7 =	vmul.f32 $1.442695020e+00, v7;
	v3 =	vmax.f32 v3, v8  }
0x156: {  	v27 =	vld [tilespmem:s19+$0xFFFFFFD0];
	v2 =	vmax.f32 v2, v4;
	(erf) = vpow2.f32 v1;
	v1 =	vmul.f32 $1.442695020e+00, v3  }
0x157: {  	s17 =	simm.s32 $0x8430;
	v4 =	vld [tilespmem:s21+$0xFFFFFF40];
	v2 =	vmul.f32 $1.442695020e+00, v2  }
0x158: {  	[tilespmem:s17+$0xC0] =	vst v6;
	(erf) = vpow2.f32 v7;
	v3 =	vld [tilespmem:s21+$0xFFFFFF70]  }
0x159: {  	(erf) = vpow2.f32 v2;
	v2 =	vld [tilespmem:s21+$0xD0]  }
0x15a: {  	v28 =	vld [tilespmem:s19+$0xFFFFFFE0];
	(erf) = vpow2.f32 v1;
	v1 =	vpop (erf)  }
0x15b: {  	v30 =	vld [tilespmem:s18+$0xFFFFFFF0];
	v7 =	vpop (erf);
	v15 =	vbroadcast v1, $0xF  }
0x15c: {  	v6 =	vld [tilespmem:s21+$0xFFFFFFA0];
	v1 =	vbroadcast v7, $0xF  }
0x15d: {  	v40 =	vld [tilespmem:s18+$0x20];
	v7 =	vmul.f32 v15, v4  }
0x15e: {  	v12 =	vld [tilespmem:s21+$0x0];
	v10 =	vpop (erf);
	v2 =	vmul.f32 v9, v2;
	v3 =	vmul.f32 v1, v3  }
0x15f: {  	v42 =	vld [tilespmem:s19+$0x0];
	v11 =	vpop (erf);
	v4 =	vbroadcast v10, $0xF  }
0x160: {  	v43 =	vld [tilespmem:s18+$0x50];
	v10 =	vpop (erf);
	[tilespmem:s17+$0xFFFFFF70] =	vst v3  }
0x161: {  	[tilespmem:s17+$0xFFFFFF40] =	vst v7;
	v6 =	vmul.f32 v4, v6;
	v10 =	vbroadcast v10, $0xF;
	v7 =	vpop (erf);
	v20 =	vld [tilespmem:s21+$0xFFFFFF80]  }
0x162: {  	v44 =	vld [tilespmem:s19+$0x10];
	v14 =	vbroadcast v11, $0xF;
	[tilespmem:s17+$0xD0] =	vst v2;
	v2 =	vpop (erf);
	v11 =	vbroadcast v7, $0xF  }
0x163: {  	v49 =	vld [tilespmem:s18+$0xB0];
	[tilespmem:s17+$0xFFFFFFA0] =	vst v6;
	v6 =	vmul.f32 v10, v12;
	v7 =	vpop (erf)  }
0x164: {  	v8 =	vld [tilespmem:s21+$0xFFFFFFD0];
	v16 =	vmul.f32 v11, v16;
	v12 =	vbroadcast v7, $0xF  }
0x165: {  	v50 =	vld [tilespmem:s19+$0x30]  }
0x166: {  	[tilespmem:s17+$0x30] =	vst v16;
	v16 =	vmul.f32 v12, v18;
	v18 =	vmul.f32 v1, v20;
	v20 =	vld [tilespmem:s18+$0xE0]  }
0x167: {  	v19 =	vld [tilespmem:s21+$0xFFFFFF50]  }
0x168: {  	v5 =	vld [tilespmem:s21+$0xFFFFFF10];
	v13 =	vbroadcast v2, $0xF  }
0x169: {  	v41 =	vadd.f32 v27, v26;
	v3 =	vmul.f32 v14, v8;
	v8 =	vld [tilespmem:s21+$0xE0]  }
0x16a: {  	v24 =	vadd.f32 v25, v24;
	v21 =	vld [tilespmem:s21+$0xFFFFFFB0];
	[tilespmem:s17+$0x0] =	vst v6;
	v6 =	vmul.f32 v13, v17  }
0x16b: {  	v26 =	vadd.f32 v42, v40;
	v31 =	vmul.f32 $2.000000030e-01, v41;
	[tilespmem:s17+$0xFFFFFFD0] =	vst v3;
	v2 =	vpop (erf);
	v7 =	vld [tilespmem:s21+$0x10];
	v20 =	vadd.f32 v22, v20  }
0x16c: {  	v27 =	vadd.f32 v44, v43;
	v3 =	vbroadcast v2, $0xF;
	v2 =	vld [tilespmem:s21+$0xFFFFFFE0];
	[tilespmem:s17+$0x60] =	vst v6;
	v6 =	vmul.f32 v15, v19  }
0x16d: {  	v25 =	vadd.f32 v50, v49;
	v51 =	vmul.f32 $2.000000030e-01, v26;
	v17 =	vld [tilespmem:s21+$0x40];
	v29 =	vmul.f32 $2.000000030e-01, v20  }
0x16e: {  	v54 =	vmul.f32 $2.000000030e-01, v27;
	v8 =	vmul.f32 v9, v8;
	[tilespmem:s17+$0xFFFFFF50] =	vst v6;
	v22 =	vld [tilespmem:s18+$0xFFFFFFC0]  }
0x16f: {  	v57 =	vmul.f32 $2.000000030e-01, v25;
	v5 =	vmul.f32 v3, v5;
	[tilespmem:s17+$0x90] =	vst v16;
	v16 =	vld [tilespmem:s21+$0xFFFFFF60];
	v20 =	vmax.f32 v20, v29  }
0x170: {  	v26 =	vmax.f32 v26, v51;
	v9 =	vmul.f32 v4, v21;
	v21 =	vld [tilespmem:s19+$0xFFFFFFF0];
	[tilespmem:s17+$0xE0] =	vst v8;
	v20 =	vmul.f32 $1.442695020e+00, v20  }
0x171: {  	v8 =	vmul.f32 $1.442695020e+00, v26;
	[tilespmem:s17+$0xFFFFFF10] =	vst v5;
	v5 =	vld [tilespmem:s21+$0x70];
	v2 =	vmul.f32 v14, v2  }
0x172: {  	v47 =	vld [tilespmem:s19+$0x20];
	(erf) = vpow2.f32 v20;
	v20 =	vmul.f32 $2.000000030e-01, v24  }
0x173: {  	[tilespmem:s17+$0xFFFFFF80] =	vst v18;
	v6 =	vld [tilespmem:s21+$0xA0];
	v7 =	vmul.f32 v10, v7;
	v17 =	vmul.f32 v11, v17;
	v22 =	vadd.f32 v28, v22  }
0x174: {  	v18 =	vld [tilespmem:s21+$0xFFFFFF90];
	[tilespmem:s17+$0xFFFFFFE0] =	vst v2;
	v2 =	vmax.f32 v27, v54;
	v15 =	vmul.f32 v15, v16;
	v20 =	vmax.f32 v24, v20  }
0x175: {  	v16 =	vadd.f32 v21, v30;
	v21 =	vld [tilespmem:s18+$0x80];
	v46 =	vmul.f32 $2.000000030e-01, v22;
	v20 =	vmul.f32 $1.442695020e+00, v20  }
0x176: {  	v45 =	vmax.f32 v41, v31;
	v19 =	vld [tilespmem:s21+$0xFFFFFF20];
	v2 =	vmul.f32 $1.442695020e+00, v2;
	v5 =	vmul.f32 v13, v5  }
0x177: {  	v24 =	vmul.f32 $1.442695020e+00, v45;
	v22 =	vmax.f32 v22, v46;
	(erf) = vpow2.f32 v20;
	v20 =	vld [tilespmem:s18+$0xFFFFFF30]  }
0x178: {  	v48 =	vmul.f32 $2.000000030e-01, v16;
	v22 =	vmul.f32 $1.442695020e+00, v22  }
0x179: {  	v52 =	vld [tilespmem:s18+$0xC0];
	v6 =	vmul.f32 v12, v6;
	(erf) = vpow2.f32 v24  }
0x17a: {  	v53 =	vld [tilespmem:s18+$0xFFFFFF10];
	v16 =	vmax.f32 v16, v48;
	v21 =	vadd.f32 v47, v21;
	(erf) = vpow2.f32 v22  }
0x17b: {  	v55 =	vld [tilespmem:s18+$0xFFFFFF40];
	v1 =	vmul.f32 v1, v18;
	v16 =	vmul.f32 $1.442695020e+00, v16  }
0x17c: {  	v56 =	vld [tilespmem:s18+$0xFFFFFF70];
	[tilespmem:s17+$0xFFFFFFB0] =	vst v9;
	v19 =	vmul.f32 v3, v19;
	v22 =	vpop (erf);
	v9 =	vadd.f32 v23, v20;
	v20 =	vmul.f32 $2.000000030e-01, v21  }
0x17d: {  	v58 =	vld [tilespmem:s18+$0x30];
	[tilespmem:s17+$0x10] =	vst v7;
	(erf) = vpow2.f32 v16;
	v22 =	vbroadcast v22, $0xF  }
0x17e: {  	v59 =	vld [tilespmem:s18+$0x90];
	[tilespmem:s17+$0x40] =	vst v17;
	(erf) = vpow2.f32 v8;
	v7 =	vmax.f32 v21, v20;
	v20 =	vmul.f32 $2.000000030e-01, v9  }
0x17f: {  	v25 =	vmax.f32 v25, v57;
	v62 =	vld [tilespmem:s21+$0x50];
	[tilespmem:s17+$0xA0] =	vst v6;
	v28 =	vmul.f32 v22, v52;
	v7 =	vmul.f32 $1.442695020e+00, v7  }
0x180: {  	s20 =	simm.s32 $0x8610;
	[tilespmem:s17+$0xFFFFFF20] =	vst v19;
	v63 =	vld [tilespmem:s21+$0xB0];
	(erf) = vpow2.f32 v2;
	v8 =	vmax.f32 v9, v20;
	v9 =	vmul.f32 $1.442695020e+00, v25  }
0x181: {  	v16 =	vld [tilespmem:s18+$0xFFFFFFA0];
	[tilespmem:s20+$0xC0] =	vst v28;
	v2 =	vpop (erf);
	v19 =	vmul.f32 $1.442695020e+00, v8;
	(erf) = vpow2.f32 v7  }
0x182: {  	v17 =	vld [tilespmem:s18+$0xD0];
	v8 =	vbroadcast v2, $0xF;
	v2 =	vpop (erf);
	(erf) = vpow2.f32 v9  }
0x183: {  	[tilespmem:s17+$0x70] =	vst v5;
	v5 =	vld [tilespmem:s21+$0xFFFFFF30];
	v9 =	vbroadcast v2, $0xF;
	v2 =	vpop (erf);
	(erf) = vpow2.f32 v19  }
0x184: {  	[tilespmem:s17+$0xFFFFFF90] =	vst v1;
	v23 =	vld [tilespmem:s18+$0xFFFFFFD0];
	v6 =	vmul.f32 v8, v55;
	v1 =	vbroadcast v2, $0xF  }
0x185: {  	v7 =	vld [tilespmem:s21+$0xFFFFFFC0]  }
0x186: {  	v21 =	vld [tilespmem:s18+$0x0];
	v2 =	vpop (erf);
	v18 =	vmul.f32 v9, v56;
	[tilespmem:s20+$0xFFFFFF40] =	vst v6;
	v6 =	vmul.f32 v1, v16  }
0x187: {  	[tilespmem:s17+$0xFFFFFF60] =	vst v15;
	v20 =	vld [tilespmem:s18+$0x60];
	v2 =	vbroadcast v2, $0xF;
	v15 =	vmul.f32 v22, v17  }
0x188: {  	v19 =	vld [tilespmem:s21+$0x20];
	[tilespmem:s20+$0xFFFFFF70] =	vst v18  }
0x189: {  	v5 =	vmul.f32 v3, v5;
	v17 =	vld [tilespmem:s21+$0xFFFFFFF0];
	[tilespmem:s20+$0xD0] =	vst v15;
	v15 =	vmul.f32 v2, v23;
	v23 =	vpop (erf)  }
0x18a: {  	v7 =	vmul.f32 v4, v7;
	[tilespmem:s20+$0xFFFFFFA0] =	vst v6;
	v18 =	vld [tilespmem:s18+$0xE0];
	v3 =	vbroadcast v23, $0xF;
	v6 =	vpop (erf)  }
0x18b: {  	[tilespmem:s17+$0xFFFFFF30] =	vst v5;
	v16 =	vld [tilespmem:s18+$0xFFFFFF50];
	v4 =	vbroadcast v6, $0xF;
	v6 =	vpop (erf)  }
0x18c: {  	v60 =	vld [tilespmem:s18+$0xFFFFFF80];
	[tilespmem:s17+$0xFFFFFFC0] =	vst v7;
	v21 =	vmul.f32 v3, v21;
	v61 =	vpop (erf);
	v5 =	vbroadcast v6, $0xF  }
0x18d: {  	v23 =	vld [tilespmem:s18+$0xFFFFFFB0];
	[tilespmem:s20+$0xFFFFFFD0] =	vst v15;
	v27 =	vmul.f32 v4, v58;
	v6 =	vpop (erf)  }
0x18e: {  	v15 =	vld [tilespmem:s18+$0xFFFFFFE0];
	[tilespmem:s20+$0x0] =	vst v21;
	v7 =	vbroadcast v6, $0xF;
	v20 =	vmul.f32 v5, v20  }
0x18f: {  	v21 =	vld [tilespmem:s21+$0x80];
	v6 =	vbroadcast v61, $0xF;
	v18 =	vmul.f32 v22, v18;
	[tilespmem:s20+$0x30] =	vst v27  }
0x190: {  	v22 =	vld [tilespmem:s18+$0x10];
	v24 =	vmul.f32 v7, v53;
	[tilespmem:s20+$0x60] =	vst v20  }
0x191: {  	v11 =	vmul.f32 v11, v62;
	v27 =	vld [tilespmem:s18+$0x40];
	v25 =	vmul.f32 v6, v59;
	[tilespmem:s20+$0xE0] =	vst v18  }
0x192: {  	v14 =	vmul.f32 v14, v17;
	v20 =	vmul.f32 v8, v16;
	v16 =	vld [tilespmem:s18+$0x70];
	[tilespmem:s20+$0xFFFFFF10] =	vst v24  }
0x193: {  	v26 =	vmul.f32 v9, v60;
	v23 =	vmul.f32 v1, v23;
	[tilespmem:s20+$0x90] =	vst v25;
	v17 =	vld [tilespmem:s18+$0xFFFFFF20]  }
0x194: {  	v18 =	vmul.f32 v2, v15;
	v15 =	vmul.f32 v10, v19;
	[tilespmem:s20+$0xFFFFFF50] =	vst v20;
	v19 =	vld [tilespmem:s18+$0xA0]  }
0x195: {  	v12 =	vmul.f32 v12, v63;
	[tilespmem:s20+$0xFFFFFF80] =	vst v26;
	v10 =	vmul.f32 v13, v21;
	v13 =	vld [tilespmem:s18+$0xFFFFFF60]  }
0x196: {  	s22 =	simm.s32 $0x7530;
	s21 =	simm.s32 $0xA;
	[tilespmem:s20+$0xFFFFFFB0] =	vst v23;
	v20 =	vld [tilespmem:s18+$0xFFFFFF90];
	v21 =	vmul.f32 v3, v22;
	v22 =	vmul.f32 v4, v27  }
.LBB2_7:
0x197: {  	v23 =	vld [tilespmem:s22+$0xE0];
	[tilespmem:s20+$0xFFFFFFE0] =	vst v18;
	v16 =	vmul.f32 v5, v16;
	s19 =	sadd.s32 $0xA0, s19  }
0x198: {  	s21 =	sadd.s32 $0xA, s21;
	v18 =	vld [tilespmem:s19+$0x40];
	v17 =	vmul.f32 v7, v17;
	[tilespmem:s20+$0x10] =	vst v21  }
0x199: {  	p2 =	slt.u32 s21, $0x5A;
	v21 =	vld [tilespmem:s19+$0xFFFFFFB0];
	[tilespmem:s20+$0x40] =	vst v22;
	v19 =	vmul.f32 v6, v19  }
0x19a: {  	v22 =	vld [tilespmem:s22+$0xFFFFFF60];
	[tilespmem:s20+$0xFFFFFF20] =	vst v17;
	v8 =	vmul.f32 v8, v13  }
0x19b: {  	v13 =	vld [tilespmem:s19+$0xFFFFFFC0];
	v9 =	vmul.f32 v9, v20;
	[tilespmem:s20+$0x70] =	vst v16  }
0x19c: {  	v16 =	vld [tilespmem:s22+$0xFFFFFF90];
	[tilespmem:s20+$0xA0] =	vst v19  }
0x19d: {  	v17 =	vld [tilespmem:s19+$0xFFFFFFD0];
	v18 =	vadd.f32 v18, v23;
	[tilespmem:s20+$0xFFFFFF60] =	vst v8  }
0x19e: {  	v8 =	vld [tilespmem:s22+$0xFFFFFFC0];
	[tilespmem:s20+$0xFFFFFF90] =	vst v9  }
0x19f: {  	v9 =	vld [tilespmem:s19+$0xFFFFFFE0];
	v19 =	vmul.f32 $2.000000030e-01, v18;
	[tilespmem:s17+$0xFFFFFFF0] =	vst v14  }
0x1a0: {  	v13 =	vadd.f32 v13, v22;
	v14 =	vld [tilespmem:s22+$0xFFFFFFF0];
	[tilespmem:s17+$0x20] =	vst v15  }
0x1a1: {  	v15 =	vld [tilespmem:s19+$0xFFFFFFF0];
	v18 =	vmax.f32 v18, v19;
	[tilespmem:s17+$0x50] =	vst v11  }
0x1a2: {  	v11 =	vmul.f32 $2.000000030e-01, v13;
	v16 =	vadd.f32 v17, v16;
	v17 =	vld [tilespmem:s22+$0x20];
	v18 =	vmul.f32 $1.442695020e+00, v18;
	[tilespmem:s17+$0x80] =	vst v10  }
0x1a3: {  	v10 =	vld [tilespmem:s19+$0x0];
	[tilespmem:s17+$0xB0] =	vst v12;
	s17 =	smov.u32 s20  }
0x1a4: {  	v12 =	vmul.f32 $2.000000030e-01, v16;
	v8 =	vadd.f32 v9, v8;
	v9 =	vld [tilespmem:s22+$0x50];
	(erf) = vpow2.f32 v18  }
0x1a5: {  	v11 =	vmax.f32 v13, v11;
	v13 =	vld [tilespmem:s19+$0x10]  }
0x1a6: {  	v12 =	vmax.f32 v16, v12;
	v16 =	vmul.f32 $2.000000030e-01, v8;
	v14 =	vadd.f32 v15, v14;
	v15 =	vld [tilespmem:s22+$0x80]  }
0x1a7: {  	v11 =	vmul.f32 $1.442695020e+00, v11;
	v12 =	vmul.f32 $1.442695020e+00, v12;
	v18 =	vld [tilespmem:s19+$0x20]  }
0x1a8: {  	v8 =	vmax.f32 v8, v16;
	v16 =	vmul.f32 $2.000000030e-01, v14;
	v10 =	vadd.f32 v10, v17;
	v17 =	vld [tilespmem:s22+$0xB0]  }
0x1a9: {  	v8 =	vmul.f32 $1.442695020e+00, v8;
	v19 =	vld [tilespmem:s19+$0x30];
	(erf) = vpow2.f32 v11  }
0x1aa: {  	v11 =	vld [tilespmem:s22+$0xFFFFFF30];
	v14 =	vmax.f32 v14, v16;
	v16 =	vmul.f32 $2.000000030e-01, v10;
	v9 =	vadd.f32 v13, v9  }
0x1ab: {  	v13 =	vmul.f32 $1.442695020e+00, v14;
	v14 =	vld [tilespmem:s22+$0xC0];
	(erf) = vpow2.f32 v12  }
0x1ac: {  	v12 =	vld [tilespmem:s22+$0xFFFFFF10];
	v10 =	vmax.f32 v10, v16;
	v16 =	vmul.f32 $2.000000030e-01, v9;
	v15 =	vadd.f32 v18, v15  }
0x1ad: {  	v18 =	vld [tilespmem:s22+$0xFFFFFF40];
	v10 =	vmul.f32 $1.442695020e+00, v10;
	(erf) = vpow2.f32 v8;
	v8 =	vpop (erf)  }
0x1ae: {  	v20 =	vld [tilespmem:s22+$0xFFFFFF70];
	v22 =	vmul.f32 $2.000000030e-01, v15;
	v17 =	vadd.f32 v19, v17;
	v19 =	vbroadcast v8, $0xF  }
0x1af: {  	v9 =	vmax.f32 v9, v16;
	v8 =	vadd.f32 v21, v11;
	v11 =	vld [tilespmem:s22+$0xFFFFFFA0];
	(erf) = vpow2.f32 v13  }
0x1b0: {  	v13 =	vld [tilespmem:s22+$0xFFFFFFD0];
	v15 =	vmax.f32 v15, v22;
	v16 =	vmul.f32 $2.000000030e-01, v17;
	v24 =	vmul.f32 v19, v14  }
0x1b1: {  	s20 =	sadd.s32 $0x1E0, s20;
	v25 =	vmul.f32 $1.442695020e+00, v9;
	v21 =	vmul.f32 $2.000000030e-01, v8;
	v22 =	vld [tilespmem:s22+$0x0]  }
0x1b2: {  	v15 =	vmul.f32 $1.442695020e+00, v15;
	v23 =	vld [tilespmem:s22+$0x30];
	v16 =	vmax.f32 v17, v16;
	[tilespmem:s20+$0xC0] =	vst v24;
	v14 =	vpop (erf);
	(erf) = vpow2.f32 v10  }
0x1b3: {  	v8 =	vmax.f32 v8, v21;
	v24 =	vmul.f32 $1.442695020e+00, v16;
	v16 =	vld [tilespmem:s22+$0xD0];
	(erf) = vpow2.f32 v25  }
0x1b4: {  	v17 =	vmul.f32 $1.442695020e+00, v8;
	v21 =	vld [tilespmem:s22+$0x60];
	v9 =	vpop (erf);
	(erf) = vpow2.f32 v15  }
0x1b5: {  	v8 =	vbroadcast v14, $0xF;
	v15 =	vld [tilespmem:s22+$0x90];
	(erf) = vpow2.f32 v24  }
0x1b6: {  	v9 =	vbroadcast v9, $0xF;
	(erf) = vpow2.f32 v17;
	v10 =	vpop (erf);
	v14 =	vld [tilespmem:s18+$0xFFFFFF30]  }
0x1b7: {  	v17 =	vmul.f32 v8, v18;
	v10 =	vbroadcast v10, $0xF;
	v18 =	vld [tilespmem:s18+$0xFFFFFFC0]  }
0x1b8: {  	v27 =	vmul.f32 v9, v20;
	v16 =	vmul.f32 v19, v16;
	v24 =	vpop (erf);
	v25 =	vld [tilespmem:s18+$0xFFFFFFF0]  }
0x1b9: {  	[tilespmem:s20+$0xFFFFFF40] =	vst v17;
	v11 =	vmul.f32 v10, v11;
	v17 =	vbroadcast v24, $0xF;
	v24 =	vld [tilespmem:s18+$0x20]  }
0x1ba: {  	v26 =	vld [tilespmem:s22+$0xFFFFFF50];
	[tilespmem:s20+$0xD0] =	vst v16  }
0x1bb: {  	[tilespmem:s20+$0xFFFFFF70] =	vst v27;
	v13 =	vmul.f32 v17, v13;
	v16 =	vld [tilespmem:s22+$0xE0];
	v20 =	vpop (erf);
	v7 =	vmul.f32 v7, v14  }
0x1bc: {  	v27 =	vld [tilespmem:s22+$0xFFFFFF80];
	[tilespmem:s20+$0xFFFFFFA0] =	vst v11;
	v11 =	vbroadcast v20, $0xF;
	v14 =	vpop (erf);
	v18 =	vmul.f32 v1, v18;
	v1 =	vmov v10  }
0x1bd: {  	v10 =	vld [tilespmem:s22+$0xFFFFFFB0];
	[tilespmem:s20+$0xFFFFFFD0] =	vst v13;
	v13 =	vbroadcast v14, $0xF;
	v20 =	vpop (erf);
	v14 =	vmul.f32 v2, v25;
	v2 =	vmov v17  }
0x1be: {  	v17 =	vld [tilespmem:s22+$0xFFFFFFE0];
	v22 =	vmul.f32 v11, v22;
	v20 =	vbroadcast v20, $0xF;
	v25 =	vpop (erf);
	[tilespmem:s17+$0xFFFFFF30] =	vst v7  }
0x1bf: {  	v23 =	vmul.f32 v13, v23;
	v25 =	vbroadcast v25, $0xF;
	v7 =	vpop (erf);
	[tilespmem:s17+$0xFFFFFFC0] =	vst v18;
	v28 =	vld [tilespmem:s18+$0x50]  }
0x1c0: {  	v7 =	vbroadcast v7, $0xF;
	[tilespmem:s20+$0x0] =	vst v22;
	v16 =	vmul.f32 v19, v16;
	v19 =	vld [tilespmem:s18+$0x80]  }
0x1c1: {  	v18 =	vmul.f32 v20, v21;
	v22 =	vld [tilespmem:s22+$0x10];
	[tilespmem:s20+$0x30] =	vst v23;
	v21 =	vmul.f32 v25, v15  }
0x1c2: {  	v23 =	vmul.f32 v8, v26;
	v12 =	vmul.f32 v7, v12;
	v26 =	vld [tilespmem:s22+$0x40];
	[tilespmem:s20+$0xE0] =	vst v16  }
0x1c3: {  	v27 =	vmul.f32 v9, v27;
	v29 =	vmul.f32 v1, v10;
	[tilespmem:s20+$0x60] =	vst v18;
	v30 =	vld [tilespmem:s18+$0xB0];
	s18 =	smov.u32 s22  }
.Ltmp4:
0x1c4: {  	v15 =	vmul.f32 v3, v24;
	v3 =	vmov v11;
	v18 =	vmul.f32 v2, v17;
	[tilespmem:s20+$0xFFFFFF10] =	vst v12;
	v16 =	vld [tilespmem:s22+$0x70];
	(pc) =	sbr.rel @p2 .LBB2_7-.Ltmp4, $4  }
0x1c5: {  	v11 =	vmul.f32 v4, v28;
	v4 =	vmovc v13;
	v17 =	vld [tilespmem:s22+$0xFFFFFF20];
	[tilespmem:s20+$0x90] =	vst v21;
	v10 =	vmul.f32 v5, v19;
	v5 =	vmov v20  }
0x1c6: {  	[tilespmem:s20+$0xFFFFFF50] =	vst v23;
	v21 =	vmul.f32 v3, v22;
	v19 =	vld [tilespmem:s22+$0xA0]  }
0x1c7: {  	v13 =	vld [tilespmem:s22+$0xFFFFFF60];
	[tilespmem:s20+$0xFFFFFF80] =	vst v27;
	v22 =	vmul.f32 v4, v26  }
0x1c8: {  	s22 =	sadd.s32 $0x1E0, s22;
	v20 =	vld [tilespmem:s18+$0xFFFFFF90];
	[tilespmem:s20+$0xFFFFFFB0] =	vst v29;
	v12 =	vmul.f32 v6, v30;
	v6 =	vmov v25  }
0x1c9: {  	[tilespmem:s20+$0xFFFFFFE0] =	vst v18  }
0x1ca: {  	[tilespmem:s20+$0x10] =	vst v21  }
0x1cb: {  	[tilespmem:s20+$0x40] =	vst v22  }
0x1cc: {  	[tilespmem:s17+$0xFFFFFFF0] =	vst v14  }
0x1cd: {  	[tilespmem:s17+$0x20] =	vst v15  }
0x1ce: {  	[tilespmem:s17+$0x50] =	vst v11  }
0x1cf: {  	v16 =	vmul.f32 v5, v16;
	v57 =	vld [tilespmem:s18+$0xFFFFFFC0];
	[tilespmem:s17+$0x80] =	vst v10  }
0x1d0: {  	v17 =	vmul.f32 v7, v17;
	v58 =	vld [tilespmem:s18+$0xFFFFFFF0];
	[tilespmem:s17+$0xB0] =	vst v12  }
0x1d1: {  	v59 =	vld [tilespmem:s18+$0x20];
	v55 =	vmul.f32 v6, v19;
	[tilespmem:s20+$0x70] =	vst v16  }
0x1d2: {  	v60 =	vld [tilespmem:s18+$0x50];
	[tilespmem:s20+$0xFFFFFF20] =	vst v17;
	v8 =	vmul.f32 v8, v13  }
0x1d3: {  	v62 =	vld [tilespmem:s18+$0x80];
	v9 =	vmul.f32 v9, v20;
	[tilespmem:s20+$0xA0] =	vst v55  }
0x1d4: {  	v56 =	vld [tilespmem:s18+$0xFFFFFF30];
	[tilespmem:s20+$0xFFFFFF60] =	vst v8;
	v1 =	vmul.f32 v1, v57  }
0x1d5: {  	v63 =	vld [tilespmem:s18+$0xB0];
	[tilespmem:s20+$0xFFFFFF90] =	vst v9;
	v2 =	vmul.f32 v2, v58  }
0x1d6: {  	[tilespmem:s20+$0xFFFFFFC0] =	vst v1;
	v1 =	vmul.f32 v3, v59  }
0x1d7: {  	v3 =	vmul.f32 v4, v60;
	[tilespmem:s20+$0xFFFFFFF0] =	vst v2  }
0x1d8: {  	v2 =	vmul.f32 v5, v62;
	[tilespmem:s20+$0x20] =	vst v1  }
.Ltmp5:
0x1d9: {  	v61 =	vmul.f32 v7, v56;
	[tilespmem:s20+$0x50] =	vst v3;
	(pc) =	sbr.rel @p1 .LBB2_10-.Ltmp5, $4  }
0x1da: {  	v1 =	vmul.f32 v6, v63;
	[tilespmem:s20+$0x80] =	vst v2  }
0x1db: {  	[tilespmem:s20+$0xFFFFFF30] =	vst v61  }
0x1dc: {  	s16 =	sadd.s32 $0x2908, s16;
	[tilespmem:s20+$0xB0] =	vst v1  }
0x1dd: {  	[spmem:s3] =	stream.indirect.scatter.add.f32 [tilespmem:s25], [sflag:$0x3], $0x30, s16, s29, $0xb8;
	[tilespmem:$0x10B30] =	vst v63  }
0x1de: {  	s16 =	smul.u32 $0xD0, s15  }
.Ltmp6:
0x1df: {  	_ = 	snop;
	(pc) =	sbr.rel .LBB2_4-.Ltmp6, $4  }
0x1e0: {  	s17 =	sadd.s32 $0x29D8, s16  }
0x1e1: {  	[tilespmem:s30], [sflag:$0x2] =	stream.indirect.gather [hbm4b:s5+s29], $0x10, s17, s29, $0xb8;
	[tilespmem:$0x10B30] =	vst v63  }
0x1e2: {  	s15 =	sadd.s32 $0x1, s15;
	s16 =	sadd.s32 $0x138, s16  }
0x1e3: {  	[tilespmem:s0], [sflag:$0x2] =	stream.indirect.gather [hbm4b:s2+s29], $0x30, s16, s29, $0xb8;
	[tilespmem:$0x10B30] =	vst v63  }
.LBB2_11:
0x1e4: {  	_ =	sfence.sel $0x180000  }
0x1e5: {  	[bflag:$0x0] =	sbarrier.arrive $0xFFFF  }
0x1e6: {  	_ =	strace $0x9000004A  }
0x1e7: {  	s0 =	stileid.u32;
	[bflag:$0x2] =	sbarrier.arrive $0xFFFF  }
0x1e8: {  	p0 =	sne.s32 s0, $0x0;
	s0 =	rddreg [dreg:$0x2]  }
0x1e9: {  	s0 =	sadd.s32 @!p0 $0x100000, s0  }
0x1ea: {  	[sflag:s0] =	ssyncadd.tile.s32 @!p0 $0x1;
	_ =	shalt  }
.Lfunc_end2:
_tile_overlayer_lowered:
.L_overlay_start_2:
0x1eb: {  	(tag) =	ssettag $0x2  }
0x1ec: {  	s0 =	rddreg [dreg:$0x0];
	s2 =	stileid.u32  }
0x1ed: {  	s1 =	rddreg [dreg:$0x1];
	p0 =	sne.s32 s2, $0x0  }
0x1ee: {  	s3 =	rddreg [dreg:$0x2];
	[bflag:$0x3] =	sbarrier.arrive $0xFFFF;
	s2 =	simm.s32 @!p0 $0x1C04  }
0x1ef: {  	[timem:s3], [sflag:s2] =	dma.local @!p0 [hbm:s0], s1  }
0x1f0: {  	s0 =	simm.s32 @!p0 $0x4  }
0x1f1: {  	_ =	swait.ge @!p0 [sflag:s0], s1  }
0x1f2: {  	s1 =	ssub.s32 @!p0 $0x0, s1;
	[sflag:s0] =	ssyncset.done @!p0 $0x0  }
0x1f3: {  	[sflag:s0] =	ssyncadd.s32 @!p0 s1  }
0x1f4: {  	[bflag:$0x3] =	sbarrier.arrive $0xFFFF  }
0x1f5: {  	_ =	shalt  }

// kernel: kernel.7.cloned.1.call-start
scs
__scs_entry_jumppad:
0x0: {  	(pc) =	sbr.rel $0x88, $3  }
0x1: {  	(tag) =	ssettag $0x0;
	lr =	simm.s32 $0x1  }
0x2: {  	[smem:$0x3F9B] =	sst lr;
	_ =	strace $0xD0000000  }
0x3: {  	_ = 	snop  }
0x4: {  	_ = 	snop  }
0x5: {  	_ = 	snop  }
0x6: {  	_ = 	snop  }
0x7: {  	_ = 	snop  }
__scs_overlays_trampoline_lowered:
0x8: {  	[smem:$0x3FAA] =	sst s0  }
0x9: {  	[smem:$0x3FAB] =	sst s1  }
0xa: {  	[smem:$0x3FAC] =	sst s2  }
0xb: {  	[smem:$0x3FAD] =	sst s3  }
0xc: {  	[smem:$0x3FAE] =	sst s4  }
0xd: {  	[smem:$0x3FAF] =	sst s5  }
0xe: {  	[smem:$0x3FB0] =	sst s6  }
0xf: {  	[smem:$0x3FB1] =	sst s7  }
0x10: {  	[smem:$0x3FB2] =	sst s8  }
0x11: {  	[smem:$0x3FB3] =	sst s9;
	s0 =	simm.s32 @!p0 $0x0  }
0x12: {  	s1 =	sld [smem:$0x3F99];
	s0 =	simm.s32 @p0 $0x1  }
0x13: {  	[smem:$0x3FB4] =	sst s0;
	s0 =	simm.s32 @!p1 $0x0  }
0x14: {  	s2 =	sld [smem:$0x3F98];
	s0 =	simm.s32 @p1 $0x1  }
0x15: {  	[smem:$0x3FB5] =	sst s0;
	s0 =	simm.s32 @!p2 $0x0  }
0x16: {  	s3 =	sld [smem:$0x3FDB];
	s0 =	simm.s32 @p2 $0x1  }
0x17: {  	s4 =	simm.s32 $0x1BF5;
	[smem:$0x3FB7] =	sst s0  }
0x18: {  	s0 =	sld [smem:$0x3F9A];
	_ =	swait.ge [sflag:s4], $0x0  }
0x19: {  	s7 =	sld [smem:$0x3F9B]  }
0x1a: {  	s8 =	sadd.s32 $0xFFFFE003, lr  }
0x1b: {  	s9 =	sadd.s32 $0xFFFFFEF7, lr;
	s5 =	simm.s32 $0xFFFFFFFF;
	p2 =	slt.u32 s8, $0xFFFFF086  }
0x1c: {  	p1 =	slt.u32 s9, $0xF7A;
	s5 =	simm.s32 @!p2 $0x0  }
0x1d: {  	s5 =	simm.s32 @p1 $0x1;
	p0 =	seq.s32 s7, s2  }
0x1e: {  	s7 =	smul.u32 @!p0 $0xF7A, s2;
	p2 =	seq.s32 @!p0 s5, $0x0  }
0x1f: {  	s9 =	smul.u32 $0xF7A, s1;
	s8 =	simm.s32 @!p0 $0x1BF5;
	p2 =	por !p2, p0  }
0x20: {  	[sflag:s8] =	ssyncset.s32 @!p0 $0xFFFFF086;
	s6 =	sadd.s32 @!p0 s3, s7;
	s7 =	simm.s32 @!p0 $0x108  }
0x21: {  	s3 =	sadd.s32 s3, s9;
	s6 =	sadd.s32 @!p0 $0x88, s6;
	s7 =	simm.s32 @p2 $0x1082  }
0x22: {  	[simem:s7], [sflag:s8] =	dma.local @!p0 [hbm:s6], $0xF7A  }
0x23: {  	s9 =	sor.u32 $0xD0000000, s2;
	s6 =	simm.s32 $0x108;
	_ =	swait.ge @!p0 [sflag:s8], $0x0  }
0x24: {  	s3 =	sadd.s32 $0x88, s3;
	s6 =	simm.s32 @!p1 $0x1082;
	[sflag:s4] =	ssyncset.s32 $0xFFFFF086  }
0x25: {  	[simem:s6], [sflag:s4] =	dma.local [hbm:s3], $0xF7A  }
0x26: {  	[smem:$0x3F9B] =	sst s1;
	(tag) =	ssettag s2;
	_ =	strace s9  }
0x27: {  	s1 =	sld [smem:$0x3FAB]  }
0x28: {  	s2 =	sld [smem:$0x3FAC]  }
0x29: {  	s4 =	sld [smem:$0x3FAE]  }
0x2a: {  	p0 =	seq.s32 s5, $0x0;
	s5 =	sld [smem:$0x3FAF]  }
0x2b: {  	s6 =	sld [smem:$0x3FB0]  }
0x2c: {  	s7 =	sld [smem:$0x3FB1]  }
0x2d: {  	s3 =	simm.s32 $0x108;
	s8 =	sld [smem:$0x3FB2]  }
0x2e: {  	s3 =	simm.s32 @!p0 $0x1082;
	s9 =	sld [smem:$0x3FB3]  }
0x2f: {  	lr =	sadd.s32 s0, s3;
	s0 =	sld [smem:$0x3FAA]  }
0x30: {  	s3 =	sld [smem:$0x3FAD]  }
0x31: {  	[smem:$0x3FB6] =	sst s10  }
0x32: {  	s10 =	sld [smem:$0x3FB4];
	_ =	sdelay $0x3  }
0x33: {  	p0 =	seq.s32 s10, $0x1;
	s10 =	sld [smem:$0x3FB6];
	_ =	sdelay $0x3  }
0x34: {  	[smem:$0x3FB6] =	sst s10  }
0x35: {  	s10 =	sld [smem:$0x3FB5];
	_ =	sdelay $0x3  }
0x36: {  	p1 =	seq.s32 s10, $0x1;
	s10 =	sld [smem:$0x3FB6];
	_ =	sdelay $0x3  }
0x37: {  	[smem:$0x3FB6] =	sst s10  }
0x38: {  	s10 =	sld [smem:$0x3FB7]  }
0x39: {  	_ = 	snop;
	(pc) =	sbr.ind lr, $3  }
0x3a: {  	_ = 	snop  }
0x3b: {  	_ = 	snop  }
0x3c: {  	p2 =	seq.s32 s10, $0x1;
	s10 =	sld [smem:$0x3FB6]  }
0x3d: {  	_ =	shalt  }
0x3e: {  	_ =	shalt  }
0x3f: {  	_ =	shalt  }
0x40: {  	_ =	shalt  }
0x41: {  	_ =	shalt  }
0x42: {  	_ =	shalt  }
0x43: {  	_ =	shalt  }
0x44: {  	_ =	shalt  }
0x45: {  	_ =	shalt  }
0x46: {  	_ =	shalt  }
0x47: {  	_ =	shalt  }
0x48: {  	_ =	shalt  }
0x49: {  	_ =	shalt  }
0x4a: {  	_ =	shalt  }
0x4b: {  	_ =	shalt  }
0x4c: {  	_ =	shalt  }
0x4d: {  	_ =	shalt  }
0x4e: {  	_ =	shalt  }
0x4f: {  	_ =	shalt  }
0x50: {  	_ =	shalt  }
0x51: {  	_ =	shalt  }
0x52: {  	_ =	shalt  }
0x53: {  	_ =	shalt  }
0x54: {  	_ =	shalt  }
0x55: {  	_ =	shalt  }
0x56: {  	_ =	shalt  }
0x57: {  	_ =	shalt  }
0x58: {  	_ =	shalt  }
0x59: {  	_ =	shalt  }
0x5a: {  	_ =	shalt  }
0x5b: {  	_ =	shalt  }
0x5c: {  	_ =	shalt  }
0x5d: {  	_ =	shalt  }
0x5e: {  	_ =	shalt  }
0x5f: {  	_ =	shalt  }
0x60: {  	_ =	shalt  }
0x61: {  	_ =	shalt  }
0x62: {  	_ =	shalt  }
0x63: {  	_ =	shalt  }
0x64: {  	_ =	shalt  }
0x65: {  	_ =	shalt  }
0x66: {  	_ =	shalt  }
0x67: {  	_ =	shalt  }
0x68: {  	_ =	shalt  }
0x69: {  	_ =	shalt  }
0x6a: {  	_ =	shalt  }
0x6b: {  	_ =	shalt  }
0x6c: {  	_ =	shalt  }
0x6d: {  	_ =	shalt  }
0x6e: {  	_ =	shalt  }
0x6f: {  	_ =	shalt  }
0x70: {  	_ =	shalt  }
0x71: {  	_ =	shalt  }
0x72: {  	_ =	shalt  }
0x73: {  	_ =	shalt  }
0x74: {  	_ =	shalt  }
0x75: {  	_ =	shalt  }
0x76: {  	_ =	shalt  }
0x77: {  	_ =	shalt  }
0x78: {  	_ =	shalt  }
0x79: {  	_ =	shalt  }
0x7a: {  	_ =	shalt  }
0x7b: {  	_ =	shalt  }
0x7c: {  	_ =	shalt  }
0x7d: {  	_ =	shalt  }
0x7e: {  	_ =	shalt  }
0x7f: {  	_ =	shalt  }
0x80: {  	_ =	shalt  }
0x81: {  	_ =	shalt  }
0x82: {  	_ =	shalt  }
0x83: {  	_ =	shalt  }
0x84: {  	_ =	shalt  }
0x85: {  	_ =	shalt  }
0x86: {  	_ =	shalt  }
0x87: {  	_ =	shalt  }
.Lfunc_end0:
.L_simem_size_0:
called_computation_lowered:
.L_overlay_start_0:
0x88: {  	s2 =	sld [smem:$0x3FD9]  }
0x89: {  	s3 =	sld [smem:$0x3FFE];
	_ =	sdelay $0x1  }
0x8a: {  	s1 =	srdreg.scid  }
0x8b: {  	s0 =	sand.u32 $0x1, s1  }
0x8c: {  	s16 =	sshll.u32 s0, $0xA;
	s2 =	sadd.s32 s3, s2  }
0x8d: {  	s2 =	sadd.s32 s2, s16  }
0x8e: {  	[smem:$0x3FC2] =	sst s2  }
0x8f: {  	_ = 	snop  }
0x90: {  	(tm) =	ssettm $0x1  }
0x91: {  	s17 =	sld [smem:$0x3FFB];
	_ =	sdelay $0x3  }
0x92: {  	_ =	strace s17  }
0x93: {  	s2 =	sld [smem:$0x3FFC];
	_ =	sdelay $0x3  }
0x94: {  	_ =	strace s2  }
0x95: {  	s2 =	sld [smem:$0x3FFD];
	_ =	sdelay $0x3  }
0x96: {  	_ =	strace s2  }
0x97: {  	_ =	strace $0x8FFFFFFF  }
0x98: {  	s18 =	sld [smem:$0x3FDB];
	_ =	sdelay $0x1  }
0x99: {  	s19 =	simm.s32 $_scs_section_size  }
0x9a: {  	s4 =	simm.s32 $_size__tile_overlayer_lowered;
	s5 =	simm.s32 $_tile_overlayer_lowered  }
0x9b: {  	s22 =	simm.s32 $0x1BFF;
	s21 =	sshll.u32 s5, $0x1;
	s2 =	sadd.s32 s19, s18  }
0x9c: {  	s6 =	simm.s32 $0x0;
	s20 =	sshll.u32 s4, $0x1;
	s4 =	sadd.s32 s21, s2  }
0x9d: {  	[timem:s6], [sflag:s22] =	dma.local [hbm:s4], s20  }
0x9e: {  	_ =	swait.ge [sflag:s22], s20  }
0x9f: {  	s3 =	ssub.s32 $0x0, s20;
	[sflag:s22] =	ssyncset.done $0x0  }
0xa0: {  	[sflag:s22] =	ssyncadd.s32 s3;
	_ =	sdelay $0x1  }
0xa1: {  	s23 =	simm.s32 $0x1B8B  }
0xa2: {  	_ =	swait.ge [sflag:s23], $0x1  }
0xa3: {  	[sflag:s23] =	ssyncset.done $0x0  }
0xa4: {  	s25 =	simm.s32 $0x1B8E;
	s24 =	sld [smem:$0x3FFE];
	[sflag:s23] =	ssyncadd.s32 $0xFFFFFFFF  }
0xa5: {  	s26 =	simm.s32 $execute0_lowered;
	[smem:$0x3FD2] =	sst s25  }
0xa6: {  	s4 =	sshll.u32 s26, $0x1;
	_ =	strace $0x80000046;
	[dreg:$0x1] =	wrdreg $0xFFFFFFFF  }
0xa7: {  	s28 =	simm.s32 $_size_execute0_lowered;
	s2 =	sadd.s32 s2, s4;
	[dreg:$0x0] =	wrdreg $0x0  }
0xa8: {  	s4 =	sshll.u32 s28, $0x1;
	[dreg:$0x2] =	wrdreg s2  }
0xa9: {  	[dreg:$0x3] =	wrdreg s4  }
0xaa: {  	[dreg:$0x4] =	wrdreg $0xC0  }
0xab: {  	_ =	task [dreg:s6], $0x5FFFF  }
0xac: {  	[dreg:$0x1] =	wrdreg $0xFFFFFFFF  }
0xad: {  	[dreg:$0x0] =	wrdreg $0x60  }
0xae: {  	[dreg:$0x2] =	wrdreg s24  }
0xaf: {  	[dreg:$0x3] =	wrdreg $0x96A00  }
0xb0: {  	[dreg:$0x4] =	wrdreg $0x9  }
0xb1: {  	_ =	task.clear_ibuf [dreg:s6], $0x5FFFF;
	_ =	strace $0x90000046  }
0xb2: {  	s29 =	simm.s32 $0x9;
	_ =	strace $0x80000048  }
0xb3: {  	_ =	swait.ge [sflag:s29], $0x1  }
0xb4: {  	[sflag:s29] =	ssyncadd.s32 $0xFFFFFFFF  }
0xb5: {  	_ =	strace $0x90000048  }
0xb6: {  	_ =	sfence  }
0xb7: {  	s30 =	sld [smem:$0x0];
	_ =	sdelay $0x2  }
0xb8: {  	s31 =	sshll.u32 s1, $0xD;
	s1 =	sshrl.u32 s1, $0x2  }
0xb9: {  	s3 =	sand.u32 $0x4000, s31;
	s1 =	sadd.s32 s1, s30  }
0xba: {  	s0 =	sor.u32 s3, s0;
	s1 =	sshll.u32 s1, $0x11  }
0xbb: {  	s0 =	sor.u32 s1, s0  }
0xbc: {  	s0 =	sadd.s32 $0x8F2B, s0  }
0xbd: {  	[sflag:s0] =	ssyncadd.remote.s32 $0x1  }
0xbe: {  	_ =	sfence.sel $0xFFFF  }
0xbf: {  	[dreg:$0x0] =	wrdreg $0xFFFFFFFF;
	(pc) =	sbr.abs _section_cstart, $3  }
0xc0: {  	[dreg:$0x1] =	wrdreg $0xFFFFFFFF  }
0xc1: {  	_ =	task.clear_ibuf [dreg:s6], $0x2FFFF;
	_ =	strace $0x9FFFFFFF  }
0xc2: {  	(tm) =	ssettm $0x7FFFFFFF  }
0xc3: {  	_ =	shalt  }
tec
execute0_lowered:
.L_overlay_start_1:
0x0: {  	(tag) =	ssettag $0x1  }
0x1: {  	s0 =	rddreg [dreg:$0x0];
	s2 =	simm.s32 $0x0;
	s1 =	srdreg.scid  }
0x2: {  	s24 =	stileid.u32;
	[smem:$0x7FF] =	sst s2;
	s10 =	sand.u32 $0x1, s1  }
0x3: {  	s14 =	sadd.s32 $0x44C00, s0;
	s1 =	sshll.u32 s10, $0x4;
	s15 =	smul.u32 $0x15F900, s10  }
0x4: {  	s4 =	ssub.s32 $0x2, s10;
	s3 =	sor.u32 s24, s1;
	s1 =	smul.u32 $0x15F00, s24  }
0x5: {  	p0 =	sne.s32 s24, $0xF;
	s5 =	sshrl.u32 s4, $0x1;
	s3 =	smul.u32 $0x4E2, s3  }
0x6: {  	s7 =	ssub.s32 s4, s5;
	s4 =	sadd.s32 $0x1680, s1;
	s5 =	sadd.s32 $0x2D00, s1  }
0x7: {  	s6 =	sadd.s32 $0x4380, s1;
	s8 =	sadd.s32 $0x5A00, s1;
	s9 =	sadd.s32 $0x7080, s1  }
0x8: {  	s10 =	sadd.s32 $0x8700, s1;
	s11 =	sadd.s32 $0x9D80, s1;
	s12 =	sadd.s32 $0xB400, s1  }
0x9: {  	s13 =	sadd.s32 $0xCA80, s1;
	s16 =	sadd.s32 s1, s15;
	s7 =	smax.u32 s7, $0x1  }
0xa: {  	s17 =	sadd.s32 s15, s4;
	s16 =	sshrl.u32 s16, $0x3;
	s18 =	sadd.s32 s15, s5  }
0xb: {  	s19 =	sadd.s32 s15, s6;
	s20 =	sadd.s32 s15, s8;
	s21 =	sadd.s32 s15, s9  }
0xc: {  	s25 =	sadd.s32 s15, s10;
	s26 =	sadd.s32 s15, s11;
	s28 =	sadd.s32 s15, s12  }
0xd: {  	s17 =	sshrl.u32 s17, $0x3;
	s16 =	sadd.s32 s14, s16;
	s18 =	sshrl.u32 s18, $0x3  }
0xe: {  	s23 =	sshrl.u32 s21, $0x3;
	[dreg:$0x3] =	wrdreg s16;
	s17 =	sadd.s32 s14, s17  }
0xf: {  	s21 =	sadd.s32 s15, s13;
	s16 =	sadd.s32 s14, s18;
	[dreg:$0x4] =	wrdreg s17  }
0x10: {  	s18 =	sadd.s32 $0xF780, s1;
	[dreg:$0x5] =	wrdreg s16;
	s16 =	sshrl.u32 s19, $0x3  }
0x11: {  	s17 =	sshrl.u32 s20, $0x3;
	s20 =	sshrl.u32 s28, $0x3;
	s16 =	sadd.s32 s14, s16  }
0x12: {  	s22 =	sadd.s32 s14, s17;
	s17 =	sshrl.u32 s26, $0x3;
	[dreg:$0x6] =	wrdreg s16  }
0x13: {  	[dreg:$0x7] =	wrdreg s22;
	s16 =	sadd.s32 s14, s23;
	s19 =	sadd.s32 s14, s17  }
0x14: {  	s17 =	sshrl.u32 s21, $0x3;
	[dreg:$0x8] =	wrdreg s16;
	s16 =	sshrl.u32 s25, $0x3  }
0x15: {  	s23 =	sadd.s32 s15, s18;
	[dreg:$0xa] =	wrdreg s19;
	s16 =	sadd.s32 s14, s16  }
0x16: {  	s21 =	sadd.s32 $0x12480, s1;
	[dreg:$0x9] =	wrdreg s16;
	s16 =	sadd.s32 s14, s20  }
0x17: {  	s17 =	sadd.s32 s14, s17;
	[dreg:$0xb] =	wrdreg s16;
	s16 =	sadd.s32 $0xE100, s1  }
0x18: {  	s25 =	sshrl.u32 s23, $0x3;
	s28 =	sadd.s32 s15, s21;
	s19 =	sadd.s32 s15, s16  }
0x19: {  	[dreg:$0xc] =	wrdreg s17;
	s20 =	sadd.s32 $0x10E00, s1;
	s22 =	sshrl.u32 s19, $0x3  }
0x1a: {  	s26 =	sadd.s32 s15, s20;
	s19 =	sshrl.u32 s28, $0x3;
	s17 =	sadd.s32 s14, s22  }
0x1b: {  	s22 =	sadd.s32 $0x13B00, s1;
	[dreg:$0xd] =	wrdreg s17;
	s17 =	sadd.s32 s14, s25  }
0x1c: {  	s23 =	sadd.s32 s15, s22;
	[dreg:$0xe] =	wrdreg s17;
	s17 =	sshrl.u32 s26, $0x3  }
0x1d: {  	s25 =	sshrl.u32 s23, $0x3;
	s23 =	sadd.s32 $0x15180, s1;
	s17 =	sadd.s32 s14, s17  }
0x1e: {  	s28 =	sadd.s32 s3, s0;
	s26 =	sadd.s32 s15, s23;
	[dreg:$0xf] =	wrdreg s17  }
0x1f: {  	s15 =	sshrl.u32 s15, $0x3;
	s17 =	sadd.s32 s14, s19;
	s19 =	rddreg [dreg:$0x1]  }
0x20: {  	[dreg:$0x10] =	wrdreg s17;
	s17 =	sadd.s32 s14, s25;
	s25 =	sadd.s32 s1, s19  }
0x21: {  	s4 =	sadd.s32 s4, s19;
	s5 =	sadd.s32 s5, s19;
	s6 =	sadd.s32 s6, s19  }
0x22: {  	s8 =	sadd.s32 s8, s19;
	[dreg:$0x11] =	wrdreg s17;
	s17 =	sshrl.u32 s26, $0x3  }
0x23: {  	s9 =	sadd.s32 s9, s19;
	s29 =	sadd.s32 s11, s19;
	s17 =	sadd.s32 s14, s17  }
0x24: {  	s30 =	sadd.s32 s12, s19;
	s31 =	sadd.s32 s13, s19;
	[dreg:$0x12] =	wrdreg s17  }
0x25: {  	s1 =	sadd.s32 s18, s19;
	_ =	strace $0x80000047;
	[dreg:$0x13] =	wrdreg s4  }
0x26: {  	s3 =	sadd.s32 s20, s19;
	s11 =	sadd.s32 $0x2C000, s0;
	[dreg:$0x14] =	wrdreg s5  }
0x27: {  	s12 =	sadd.s32 $0x15F000, s19;
	s13 =	simm.s32 $0x8020;
	[dreg:$0x15] =	wrdreg s6  }
0x28: {  	s18 =	simm.s32 $0x6720;
	s20 =	simm.s32 $0x69A0;
	[dreg:$0x16] =	wrdreg s8  }
0x29: {  	s26 =	sadd.s32 $0x31000, s28;
	s17 =	sadd.s32 s10, s19;
	[dreg:$0x17] =	wrdreg s9  }
0x2a: {  	s14 =	sadd.s32 s14, s15;
	[dreg:$0x18] =	wrdreg s17;
	s17 =	sadd.s32 s16, s19  }
.Ltmp0:
0x2b: {  	s4 =	sadd.s32 s21, s19;
	s5 =	sadd.s32 s22, s19;
	(pc) =	sbr.rel .LBB2_1-.Ltmp0, $4  }
0x2c: {  	s6 =	sadd.s32 s23, s19;
	s23 =	sadd.s32 $0x3AE00, s28;
	[dreg:$0x1a] =	wrdreg s26  }
0x2d: {  	s28 =	sadd.s32 $0x2BE00, s14;
	[dreg:$0x1c] =	wrdreg s7;
	s14 =	simm.s32 $0x4  }
0x2e: {  	s16 =	simm.s32 $0x28;
	s7 =	simm.s32 $0x1;
	[dreg:$0x19] =	wrdreg s23  }
0x2f: {  	v0 =	vimm.f32 $0.0e+00;
	s8 =	simm.s32 $0x3;
	s9 =	simm.s32 $0x2;
	[dreg:$0x1b] =	wrdreg s28  }
.LBB2_10:
0x30: {  	_ =	swait.ge [sflag:s8], $0x1680  }
0x31: {  	[sflag:s8] =	ssyncset.done $0x0  }
0x32: {  	s10 =	stileid.u32;
	[sflag:s8] =	ssyncadd.s32 $0xFFFFE980  }
0x33: {  	s10 =	sshll.u32 s10, $0x6;
	[bflag:$0x0] =	sbarrier.arrive $0xFFFF  }
0x34: {  	s15 =	sshrl.u32 s28, $0x3;
	s10 =	sor.u32 $0x1C04, s10;
	s21 =	rddreg [dreg:$0x3]  }
0x35: {  	[hbm:s21], [sflag:s10] =	dma.local [spmem:s15], $0x2D0  }
0x36: {  	_ =	swait.ge [sflag:s14], $0x2D0  }
0x37: {  	s25 =	smov.u32 s28;
	[sflag:s14] =	ssyncset.done $0x0;
	s26 =	rddreg [dreg:$0x13]  }
0x38: {  	s28 =	rddreg [dreg:$0x4];
	[sflag:s14] =	ssyncadd.s32 $0xFFFFFD30;
	s15 =	sshrl.u32 s26, $0x3  }
0x39: {  	[hbm:s28], [sflag:s10] =	dma.local [spmem:s15], $0x2D0  }
0x3a: {  	_ =	swait.ge [sflag:s14], $0x2D0  }
0x3b: {  	[sflag:s14] =	ssyncset.done $0x0;
	s21 =	rddreg [dreg:$0x14]  }
0x3c: {  	s22 =	rddreg [dreg:$0x5];
	[sflag:s14] =	ssyncadd.s32 $0xFFFFFD30;
	s15 =	sshrl.u32 s21, $0x3  }
0x3d: {  	[hbm:s22], [sflag:s10] =	dma.local [spmem:s15], $0x2D0  }
0x3e: {  	_ =	swait.ge [sflag:s14], $0x2D0  }
0x3f: {  	[sflag:s14] =	ssyncset.done $0x0;
	s23 =	rddreg [dreg:$0x15]  }
0x40: {  	s24 =	rddreg [dreg:$0x6];
	[sflag:s14] =	ssyncadd.s32 $0xFFFFFD30;
	s15 =	sshrl.u32 s23, $0x3  }
0x41: {  	[hbm:s24], [sflag:s10] =	dma.local [spmem:s15], $0x2D0  }
0x42: {  	_ =	swait.ge [sflag:s14], $0x2D0  }
0x43: {  	[sflag:s14] =	ssyncset.done $0x0;
	s26 =	rddreg [dreg:$0x16]  }
0x44: {  	s28 =	rddreg [dreg:$0x7];
	[sflag:s14] =	ssyncadd.s32 $0xFFFFFD30;
	s15 =	sshrl.u32 s26, $0x3  }
0x45: {  	[hbm:s28], [sflag:s10] =	dma.local [spmem:s15], $0x2D0  }
0x46: {  	_ =	swait.ge [sflag:s14], $0x2D0  }
0x47: {  	[sflag:s14] =	ssyncset.done $0x0;
	s21 =	rddreg [dreg:$0x17]  }
0x48: {  	s22 =	rddreg [dreg:$0x8];
	[sflag:s14] =	ssyncadd.s32 $0xFFFFFD30;
	s15 =	sshrl.u32 s21, $0x3  }
0x49: {  	[hbm:s22], [sflag:s10] =	dma.local [spmem:s15], $0x2D0  }
0x4a: {  	_ =	swait.ge [sflag:s14], $0x2D0  }
0x4b: {  	[sflag:s14] =	ssyncset.done $0x0;
	s23 =	rddreg [dreg:$0x18]  }
0x4c: {  	s24 =	rddreg [dreg:$0x9];
	[sflag:s14] =	ssyncadd.s32 $0xFFFFFD30;
	s15 =	sshrl.u32 s23, $0x3  }
0x4d: {  	[hbm:s24], [sflag:s10] =	dma.local [spmem:s15], $0x2D0  }
0x4e: {  	_ =	swait.ge [sflag:s14], $0x2D0  }
0x4f: {  	[sflag:s14] =	ssyncset.done $0x0  }
0x50: {  	s26 =	sshrl.u32 s29, $0x3;
	s28 =	rddreg [dreg:$0xa];
	[sflag:s14] =	ssyncadd.s32 $0xFFFFFD30  }
0x51: {  	[hbm:s28], [sflag:s10] =	dma.local [spmem:s26], $0x2D0  }
0x52: {  	_ =	swait.ge [sflag:s14], $0x2D0  }
0x53: {  	[sflag:s14] =	ssyncset.done $0x0  }
0x54: {  	s21 =	sshrl.u32 s30, $0x3;
	s22 =	rddreg [dreg:$0xb];
	[sflag:s14] =	ssyncadd.s32 $0xFFFFFD30  }
0x55: {  	[hbm:s22], [sflag:s10] =	dma.local [spmem:s21], $0x2D0  }
0x56: {  	_ =	swait.ge [sflag:s14], $0x2D0  }
0x57: {  	[sflag:s14] =	ssyncset.done $0x0  }
0x58: {  	s23 =	sshrl.u32 s31, $0x3;
	s24 =	rddreg [dreg:$0xc];
	[sflag:s14] =	ssyncadd.s32 $0xFFFFFD30  }
0x59: {  	[hbm:s24], [sflag:s10] =	dma.local [spmem:s23], $0x2D0  }
0x5a: {  	_ =	swait.ge [sflag:s14], $0x2D0  }
0x5b: {  	[sflag:s14] =	ssyncset.done $0x0  }
0x5c: {  	s26 =	sshrl.u32 s17, $0x3;
	s28 =	rddreg [dreg:$0xd];
	[sflag:s14] =	ssyncadd.s32 $0xFFFFFD30  }
0x5d: {  	[hbm:s28], [sflag:s10] =	dma.local [spmem:s26], $0x2D0  }
0x5e: {  	_ =	swait.ge [sflag:s14], $0x2D0  }
0x5f: {  	[sflag:s14] =	ssyncset.done $0x0  }
0x60: {  	s21 =	sshrl.u32 s1, $0x3;
	s22 =	rddreg [dreg:$0xe];
	[sflag:s14] =	ssyncadd.s32 $0xFFFFFD30  }
0x61: {  	[hbm:s22], [sflag:s10] =	dma.local [spmem:s21], $0x2D0  }
0x62: {  	_ =	swait.ge [sflag:s14], $0x2D0  }
0x63: {  	[sflag:s14] =	ssyncset.done $0x0  }
0x64: {  	s23 =	sshrl.u32 s3, $0x3;
	s24 =	rddreg [dreg:$0xf];
	[sflag:s14] =	ssyncadd.s32 $0xFFFFFD30  }
0x65: {  	[hbm:s24], [sflag:s10] =	dma.local [spmem:s23], $0x2D0  }
0x66: {  	_ =	swait.ge [sflag:s14], $0x2D0  }
0x67: {  	[sflag:s14] =	ssyncset.done $0x0  }
0x68: {  	s26 =	sshrl.u32 s4, $0x3;
	s28 =	rddreg [dreg:$0x10];
	[sflag:s14] =	ssyncadd.s32 $0xFFFFFD30  }
0x69: {  	[hbm:s28], [sflag:s10] =	dma.local [spmem:s26], $0x2D0  }
0x6a: {  	_ =	swait.ge [sflag:s14], $0x2D0  }
0x6b: {  	[sflag:s14] =	ssyncset.done $0x0  }
0x6c: {  	s22 =	sshrl.u32 s5, $0x3;
	s23 =	rddreg [dreg:$0x11];
	[sflag:s14] =	ssyncadd.s32 $0xFFFFFD30  }
0x6d: {  	[hbm:s23], [sflag:s10] =	dma.local [spmem:s22], $0x2D0  }
0x6e: {  	_ =	swait.ge [sflag:s14], $0x2D0  }
0x6f: {  	[sflag:s14] =	ssyncset.done $0x0  }
0x70: {  	s24 =	sshrl.u32 s6, $0x3;
	s26 =	rddreg [dreg:$0x12];
	[sflag:s14] =	ssyncadd.s32 $0xFFFFFD30  }
0x71: {  	[hbm:s26], [sflag:s10] =	dma.local [spmem:s24], $0x1B0  }
0x72: {  	_ =	swait.ge [sflag:s14], $0x1B0  }
0x73: {  	[sflag:s14] =	ssyncset.done $0x0  }
0x74: {  	s15 =	sshrl.u32 @!p0 s12, $0x3;
	s21 =	rddreg [dreg:$0x1b];
	[sflag:s14] =	ssyncadd.s32 $0xFFFFFE50  }
0x75: {  	[hbm:s21], [sflag:s10] =	dma.local @!p0 [spmem:s15], $0x120  }
0x76: {  	s10 =	simm.s32 @!p0 $0x4  }
0x77: {  	_ =	swait.ge @!p0 [sflag:s10], $0x120  }
0x78: {  	s2 =	sadd.s32 $0x1, s2;
	s28 =	rddreg [dreg:$0x1c]  }
0x79: {  	p1 =	sne.s32 s2, s28  }
.Ltmp1:
0x7a: {  	_ = 	snop;
	(pc) =	sbr.rel @!p1 .LBB2_11-.Ltmp1, $3  }
0x7b: {  	_ =	sdelay $0x1  }
0x7c: {  	[sflag:s10] =	ssyncset.done @!p0 $0x0  }
0x7d: {  	[sflag:s10] =	ssyncadd.s32 @!p0 $0xFFFFFEE0  }
.LBB2_1:
0x7e: {  	s10 =	simm.s32 $0x0;
	s15 =	simm.s32 $0x240  }
.LBB2_2:
0x7f: {  	p1 =	sne.s32 s15, $0x57C0;
	[tilespmem:s10+$0x80A0] =	vst v0  }
0x80: {  	[tilespmem:s10+$0x8020] =	vst v0  }
0x81: {  	[tilespmem:s10+$0x8030] =	vst v0  }
0x82: {  	[tilespmem:s10+$0x8040] =	vst v0  }
.Ltmp2:
0x83: {  	[tilespmem:s10+$0x8050] =	vst v0;
	(pc) =	sbr.rel @p1 .LBB2_2-.Ltmp2, $4  }
0x84: {  	[tilespmem:s10+$0x8060] =	vst v0  }
0x85: {  	[tilespmem:s10+$0x8070] =	vst v0  }
0x86: {  	[tilespmem:s10+$0x8080] =	vst v0  }
0x87: {  	[tilespmem:s10+$0x8090] =	vst v0;
	s10 =	sshra.s32 s15, $0x2;
	s15 =	sadd.s32 $0x240, s15  }
0x88: {  	[tilespmem:s10+$0x80A0] =	vst v0  }
0x89: {  	[tilespmem:s10+$0x8020] =	vst v0  }
0x8a: {  	[tilespmem:s10+$0x8030] =	vst v0  }
0x8b: {  	[tilespmem:s10+$0x8040] =	vst v0  }
0x8c: {  	[tilespmem:s10+$0x8050] =	vst v0  }
0x8d: {  	[tilespmem:s10+$0x8060] =	vst v0  }
0x8e: {  	[tilespmem:s10+$0x8070] =	vst v0  }
0x8f: {  	[tilespmem:s10+$0x8080] =	vst v0  }
0x90: {  	[tilespmem:s10+$0x8090] =	vst v0  }
0x91: {  	[spmem:s25] =	stream.linear.scatter [tilespmem:s13], [sflag:$0x4], $0x1680, $0x38;
	[tilespmem:$0x1F630] =	vst v63  }
0x92: {  	_ =	swait.ge [sflag:s14], $0x1680  }
0x93: {  	[sflag:s14] =	ssyncset.done $0x0  }
0x94: {  	s24 =	rddreg [dreg:$0x13];
	[sflag:s14] =	ssyncadd.s32 $0xFFFFE980  }
0x95: {  	[spmem:s24] =	stream.linear.scatter [tilespmem:s13], [sflag:$0x4], $0x1680, $0x38;
	[tilespmem:$0x1F630] =	vst v63  }
0x96: {  	_ =	swait.ge [sflag:s14], $0x1680  }
0x97: {  	[sflag:s14] =	ssyncset.done $0x0  }
0x98: {  	s28 =	smov.u32 s25;
	s25 =	rddreg [dreg:$0x14];
	[sflag:s14] =	ssyncadd.s32 $0xFFFFE980  }
0x99: {  	[spmem:s25] =	stream.linear.scatter [tilespmem:s13], [sflag:$0x4], $0x1680, $0x38;
	[tilespmem:$0x1F630] =	vst v63  }
0x9a: {  	_ =	swait.ge [sflag:s14], $0x1680  }
0x9b: {  	[sflag:s14] =	ssyncset.done $0x0  }
0x9c: {  	s26 =	rddreg [dreg:$0x15];
	[sflag:s14] =	ssyncadd.s32 $0xFFFFE980  }
0x9d: {  	[spmem:s26] =	stream.linear.scatter [tilespmem:s13], [sflag:$0x4], $0x1680, $0x38;
	[tilespmem:$0x1F630] =	vst v63  }
0x9e: {  	_ =	swait.ge [sflag:s14], $0x1680  }
0x9f: {  	[sflag:s14] =	ssyncset.done $0x0  }
0xa0: {  	s15 =	rddreg [dreg:$0x16];
	[sflag:s14] =	ssyncadd.s32 $0xFFFFE980  }
0xa1: {  	[spmem:s15] =	stream.linear.scatter [tilespmem:s13], [sflag:$0x4], $0x1680, $0x38;
	[tilespmem:$0x1F630] =	vst v63  }
0xa2: {  	_ =	swait.ge [sflag:s14], $0x1680  }
0xa3: {  	[sflag:s14] =	ssyncset.done $0x0  }
0xa4: {  	s21 =	rddreg [dreg:$0x17];
	[sflag:s14] =	ssyncadd.s32 $0xFFFFE980  }
0xa5: {  	[spmem:s21] =	stream.linear.scatter [tilespmem:s13], [sflag:$0x4], $0x1680, $0x38;
	[tilespmem:$0x1F630] =	vst v63  }
0xa6: {  	_ =	swait.ge [sflag:s14], $0x1680  }
0xa7: {  	[sflag:s14] =	ssyncset.done $0x0  }
0xa8: {  	s22 =	rddreg [dreg:$0x18];
	[sflag:s14] =	ssyncadd.s32 $0xFFFFE980  }
0xa9: {  	[spmem:s22] =	stream.linear.scatter [tilespmem:s13], [sflag:$0x4], $0x1680, $0x38;
	[tilespmem:$0x1F630] =	vst v63  }
0xaa: {  	_ =	swait.ge [sflag:s14], $0x1680  }
0xab: {  	[sflag:s14] =	ssyncset.done $0x0  }
0xac: {  	[sflag:s14] =	ssyncadd.s32 $0xFFFFE980  }
0xad: {  	[spmem:s29] =	stream.linear.scatter [tilespmem:s13], [sflag:$0x4], $0x1680, $0x38;
	[tilespmem:$0x1F630] =	vst v63  }
0xae: {  	_ =	swait.ge [sflag:s14], $0x1680  }
0xaf: {  	[sflag:s14] =	ssyncset.done $0x0  }
0xb0: {  	[sflag:s14] =	ssyncadd.s32 $0xFFFFE980  }
0xb1: {  	[spmem:s30] =	stream.linear.scatter [tilespmem:s13], [sflag:$0x4], $0x1680, $0x38;
	[tilespmem:$0x1F630] =	vst v63  }
0xb2: {  	_ =	swait.ge [sflag:s14], $0x1680  }
0xb3: {  	[sflag:s14] =	ssyncset.done $0x0  }
0xb4: {  	[sflag:s14] =	ssyncadd.s32 $0xFFFFE980  }
0xb5: {  	[spmem:s31] =	stream.linear.scatter [tilespmem:s13], [sflag:$0x4], $0x1680, $0x38;
	[tilespmem:$0x1F630] =	vst v63  }
0xb6: {  	_ =	swait.ge [sflag:s14], $0x1680  }
0xb7: {  	[sflag:s14] =	ssyncset.done $0x0  }
0xb8: {  	[sflag:s14] =	ssyncadd.s32 $0xFFFFE980  }
0xb9: {  	[spmem:s17] =	stream.linear.scatter [tilespmem:s13], [sflag:$0x4], $0x1680, $0x38;
	[tilespmem:$0x1F630] =	vst v63  }
0xba: {  	_ =	swait.ge [sflag:s14], $0x1680  }
0xbb: {  	[sflag:s14] =	ssyncset.done $0x0  }
0xbc: {  	[sflag:s14] =	ssyncadd.s32 $0xFFFFE980  }
0xbd: {  	[spmem:s1] =	stream.linear.scatter [tilespmem:s13], [sflag:$0x4], $0x1680, $0x38;
	[tilespmem:$0x1F630] =	vst v63  }
0xbe: {  	_ =	swait.ge [sflag:s14], $0x1680  }
0xbf: {  	[sflag:s14] =	ssyncset.done $0x0  }
0xc0: {  	[sflag:s14] =	ssyncadd.s32 $0xFFFFE980  }
0xc1: {  	[spmem:s3] =	stream.linear.scatter [tilespmem:s13], [sflag:$0x4], $0x1680, $0x38;
	[tilespmem:$0x1F630] =	vst v63  }
0xc2: {  	_ =	swait.ge [sflag:s14], $0x1680  }
0xc3: {  	[sflag:s14] =	ssyncset.done $0x0  }
0xc4: {  	[sflag:s14] =	ssyncadd.s32 $0xFFFFE980  }
0xc5: {  	[spmem:s4] =	stream.linear.scatter [tilespmem:s13], [sflag:$0x4], $0x1680, $0x38;
	[tilespmem:$0x1F630] =	vst v63  }
0xc6: {  	_ =	swait.ge [sflag:s14], $0x1680  }
0xc7: {  	[sflag:s14] =	ssyncset.done $0x0  }
0xc8: {  	[sflag:s14] =	ssyncadd.s32 $0xFFFFE980  }
0xc9: {  	[spmem:s5] =	stream.linear.scatter [tilespmem:s13], [sflag:$0x4], $0x1680, $0x38;
	[tilespmem:$0x1F630] =	vst v63  }
0xca: {  	_ =	swait.ge [sflag:s14], $0x1680  }
0xcb: {  	[sflag:s14] =	ssyncset.done $0x0  }
0xcc: {  	[sflag:s14] =	ssyncadd.s32 $0xFFFFE980  }
0xcd: {  	[spmem:s6] =	stream.linear.scatter [tilespmem:s13], [sflag:$0x4], $0xD80, $0x38;
	[tilespmem:$0x1F630] =	vst v63  }
0xce: {  	_ =	swait.ge [sflag:s14], $0xD80  }
0xcf: {  	[sflag:s14] =	ssyncset.done $0x0  }
0xd0: {  	s10 =	simm.s32 @!p0 $0x8020;
	[sflag:s14] =	ssyncadd.s32 $0xFFFFF280  }
0xd1: {  	[spmem:s12] =	stream.linear.scatter @!p0 [tilespmem:s10], [sflag:$0x4], $0x900, $0x38;
	[tilespmem:$0x1F630] =	vst v63  }
0xd2: {  	s10 =	simm.s32 @!p0 $0x4  }
0xd3: {  	_ =	swait.ge @!p0 [sflag:s10], $0x900  }
0xd4: {  	[sflag:s10] =	ssyncset.done @!p0 $0x0  }
0xd5: {  	s15 =	rddreg [dreg:$0x19];
	[sflag:s10] =	ssyncadd.s32 @!p0 $0xFFFFF700;
	s10 =	simm.s32 $0x0  }
0xd6: {  	[tilespmem:s10], [sflag:$0x4] =	stream.linear.gather [hbm4b:s15+s10], $0x2710, $0x38;
	[tilespmem:$0x1F630] =	vst v63  }
0xd7: {  	_ =	swait.ge [sflag:s14], $0x2710  }
0xd8: {  	[sflag:s14] =	ssyncset.done $0x0  }
0xd9: {  	s21 =	simm.s32 $0x2710;
	s23 =	rddreg [dreg:$0x1a];
	[sflag:s14] =	ssyncadd.s32 $0xFFFFD8F0  }
0xda: {  	[tilespmem:s21], [sflag:$0x4] =	stream.linear.gather [hbm4b:s23+s10], $0x2710, $0x38;
	[tilespmem:$0x1F630] =	vst v63  }
0xdb: {  	_ =	swait.ge [sflag:s14], $0x2710  }
0xdc: {  	[sflag:s14] =	ssyncset.done $0x0  }
0xdd: {  	[sflag:s14] =	ssyncadd.s32 $0xFFFFD8F0  }
0xde: {  	[bflag:$0x0] =	sbarrier.arrive $0xFFFF  }
0xdf: {  	[spmem:s19] =	stream.indirect.scatter.add.f32 [tilespmem:s13], [sflag:$0x3], $0x90, s21, s16, $0xb8;
	[tilespmem:$0x1F630] =	vst v63  }
0xe0: {  	s24 =	simm.s32 $0x4E20  }
0xe1: {  	[tilespmem:s24], [sflag:$0x1] =	stream.indirect.gather [hbm4b:s11+s16], $0x10, s21, s16, $0xb8;
	[tilespmem:$0x1F630] =	vst v63  }
0xe2: {  	s25 =	simm.s32 $0x50A0  }
0xe3: {  	[tilespmem:s25], [sflag:$0x1] =	stream.indirect.gather [hbm4b:s0+s16], $0x90, s10, s16, $0xb8;
	[tilespmem:$0x1F630] =	vst v63  }
0xe4: {  	s26 =	simm.s32 $0x2738  }
0xe5: {  	[tilespmem:s18], [sflag:$0x2] =	stream.indirect.gather [hbm4b:s11+s16], $0x10, s26, s16, $0xb8;
	[tilespmem:$0x1F630] =	vst v63  }
0xe6: {  	_ = 	snop  }
0xe7: {  	[tilespmem:s20], [sflag:$0x2] =	stream.indirect.gather [hbm4b:s0+s16], $0x90, s16, s16, $0xb8;
	[tilespmem:$0x1F630] =	vst v63  }
.LBB2_4:
0xe8: {  	_ =	swait.ge [sflag:s7], $0x280  }
0xe9: {  	[sflag:s7] =	ssyncset.done $0x0  }
0xea: {  	[sflag:s7] =	ssyncadd.s32 $0xFFFFFD80  }
0xeb: {  	_ =	swait.ge [sflag:s7], $0x1680  }
0xec: {  	[sflag:s7] =	ssyncset.done $0x0  }
0xed: {  	[sflag:s7] =	ssyncadd.s32 $0xFFFFE980  }
0xee: {  	_ =	swait.ge [sflag:s8], $0x1680  }
0xef: {  	[sflag:s8] =	ssyncset.done $0x0  }
0xf0: {  	s24 =	simm.s32 $0x5370;
	[sflag:s8] =	ssyncadd.s32 $0xFFFFE980  }
0xf1: {  	s15 =	simm.s32 $0x4E70;
	v1 =	vld [tilespmem:s24+$0x2C0]  }
0xf2: {  	v2 =	vld [tilespmem:s15+$0x40]  }
0xf3: {  	v3 =	vld [tilespmem:s15+$0xFFFFFFB0]  }
0xf4: {  	v4 =	vld [tilespmem:s24+$0xFFFFFE40]  }
0xf5: {  	v5 =	vld [tilespmem:s15+$0xFFFFFFC0]  }
0xf6: {  	v6 =	vld [tilespmem:s24+$0xFFFFFED0]  }
0xf7: {  	v7 =	vld [tilespmem:s15+$0xFFFFFFD0];
	v1 =	vadd.f32 v2, v1  }
0xf8: {  	v8 =	vld [tilespmem:s15+$0xFFFFFFE0]  }
0xf9: {  	v10 =	vld [tilespmem:s24+$0xFFFFFFF0];
	v9 =	vmul.f32 $2.000000030e-01, v1  }
0xfa: {  	v2 =	vld [tilespmem:s24+$0xFFFFFF60]  }
0xfb: {  	v11 =	vld [tilespmem:s15+$0xFFFFFFF0];
	v1 =	vmax.f32 v1, v9  }
0xfc: {  	v4 =	vadd.f32 v5, v4;
	v5 =	vld [tilespmem:s15+$0x0];
	v1 =	vmul.f32 $1.442695020e+00, v1  }
0xfd: {  	v6 =	vadd.f32 v7, v6;
	v9 =	vld [tilespmem:s24+$0x80]  }
0xfe: {  	v13 =	vld [tilespmem:s24+$0x1A0];
	(erf) = vpow2.f32 v1  }
0xff: {  	v7 =	vld [tilespmem:s24+$0x110];
	v12 =	vmul.f32 $2.000000030e-01, v6;
	v2 =	vadd.f32 v8, v2;
	v1 =	vmul.f32 $2.000000030e-01, v4  }
0x100: {  	v10 =	vadd.f32 v11, v10;
	v8 =	vld [tilespmem:s15+$0x10]  }
0x101: {  	v11 =	vld [tilespmem:s15+$0x20];
	v6 =	vmax.f32 v6, v12;
	v1 =	vmax.f32 v4, v1;
	v4 =	vmul.f32 $2.000000030e-01, v2  }
0x102: {  	v12 =	vld [tilespmem:s15+$0x30];
	v6 =	vmul.f32 $1.442695020e+00, v6;
	v5 =	vadd.f32 v5, v9  }
0x103: {  	v9 =	vld [tilespmem:s24+$0x230];
	v1 =	vmul.f32 $1.442695020e+00, v1;
	v2 =	vmax.f32 v2, v4;
	v4 =	vmul.f32 $2.000000030e-01, v10  }
0x104: {  	v14 =	vld [tilespmem:s24+$0xFFFFFDB0];
	v15 =	vmul.f32 $2.000000030e-01, v5;
	v2 =	vmul.f32 $1.442695020e+00, v2  }
0x105: {  	(erf) = vpow2.f32 v1;
	v1 =	vmax.f32 v10, v4;
	v4 =	vadd.f32 v8, v7;
	v7 =	vld [tilespmem:s24+$0x240]  }
0x106: {  	s22 =	simm.s32 $0x4F10;
	(erf) = vpow2.f32 v6;
	v5 =	vmax.f32 v5, v15;
	v1 =	vmul.f32 $1.442695020e+00, v1  }
0x107: {  	s21 =	simm.s32 $0x5910;
	v30 =	vld [tilespmem:s22+$0xFFFFFFB0];
	v8 =	vadd.f32 v11, v13;
	v5 =	vmul.f32 $1.442695020e+00, v5;
	v6 =	vmul.f32 $2.000000030e-01, v4;
	v13 =	vpop (erf)  }
0x108: {  	v33 =	vld [tilespmem:s21+$0xFFFFFE40];
	(erf) = vpow2.f32 v2;
	v2 =	vadd.f32 v12, v9;
	v9 =	vbroadcast v13, $0x0  }
0x109: {  	v35 =	vld [tilespmem:s22+$0xFFFFFFC0];
	v3 =	vadd.f32 v3, v14;
	v10 =	vmul.f32 $2.000000030e-01, v8;
	(erf) = vpow2.f32 v1  }
0x10a: {  	v36 =	vld [tilespmem:s21+$0xFFFFFED0];
	v1 =	vmax.f32 v4, v6;
	v4 =	vmul.f32 $2.000000030e-01, v2;
	v6 =	vmul.f32 v9, v7  }
0x10b: {  	v37 =	vld [tilespmem:s22+$0xFFFFFFD0];
	s15 =	simm.s32 $0x82F0;
	v1 =	vmul.f32 $1.442695020e+00, v1;
	v7 =	vmax.f32 v8, v10;
	v8 =	vmul.f32 $2.000000030e-01, v3  }
0x10c: {  	v39 =	vld [tilespmem:s21+$0xFFFFFF60];
	(erf) = vpow2.f32 v5;
	v7 =	vmul.f32 $1.442695020e+00, v7;
	v2 =	vmax.f32 v2, v4;
	[tilespmem:s15+$0x240] =	vst v6  }
0x10d: {  	(erf) = vpow2.f32 v1;
	v3 =	vmax.f32 v3, v8;
	v2 =	vmul.f32 $1.442695020e+00, v2;
	v4 =	vld [tilespmem:s24+$0x250]  }
0x10e: {  	v40 =	vld [tilespmem:s22+$0xFFFFFFE0];
	v1 =	vmul.f32 $1.442695020e+00, v3;
	(erf) = vpow2.f32 v7  }
0x10f: {  	(erf) = vpow2.f32 v2;
	v2 =	vld [tilespmem:s24+$0xFFFFFDC0]  }
0x110: {  	v41 =	vld [tilespmem:s21+$0xFFFFFFF0];
	v5 =	vbroadcast v13, $0x1;
	(erf) = vpow2.f32 v1  }
0x111: {  	v61 =	vld [tilespmem:s21+$0x110];
	v16 =	vpop (erf)  }
0x112: {  	v18 =	vpop (erf);
	v8 =	vbroadcast v16, $0x0;
	v1 =	vld [tilespmem:s24+$0xFFFFFE50];
	v4 =	vmul.f32 v5, v4  }
0x113: {  	v6 =	vld [tilespmem:s24+$0xFFFFFEE0];
	v17 =	vpop (erf)  }
0x114: {  	v27 =	vpop (erf);
	v5 =	vld [tilespmem:s24+$0xFFFFFF70];
	v2 =	vmul.f32 v8, v2;
	[tilespmem:s15+$0x250] =	vst v4  }
0x115: {  	v28 =	vpop (erf);
	v4 =	vbroadcast v18, $0x0;
	v9 =	vld [tilespmem:s24+$0x260]  }
0x116: {  	v7 =	vld [tilespmem:s24+$0x0];
	v11 =	vbroadcast v17, $0x0;
	v29 =	vpop (erf)  }
0x117: {  	v3 =	vld [tilespmem:s24+$0xFFFFFD30];
	v12 =	vbroadcast v27, $0x0;
	v4 =	vmul.f32 v4, v1;
	v1 =	vpop (erf)  }
0x118: {  	v8 =	vld [tilespmem:s24+$0x120];
	v6 =	vmul.f32 v11, v6;
	v11 =	vbroadcast v13, $0x2;
	[tilespmem:s15+$0xFFFFFDC0] =	vst v2;
	v2 =	vpop (erf)  }
0x119: {  	v10 =	vld [tilespmem:s24+$0x90];
	v5 =	vmul.f32 v12, v5;
	[tilespmem:s15+$0xFFFFFE50] =	vst v4;
	v4 =	vbroadcast v28, $0x0;
	v19 =	vpop (erf)  }
0x11a: {  	v14 =	vld [tilespmem:s24+$0x1B0];
	[tilespmem:s15+$0xFFFFFEE0] =	vst v6;
	v6 =	vbroadcast v19, $0x0;
	v9 =	vmul.f32 v11, v9  }
0x11b: {  	v12 =	vld [tilespmem:s24+$0xFFFFFDD0];
	[tilespmem:s15+$0xFFFFFF70] =	vst v5;
	v5 =	vbroadcast v1, $0x0;
	v4 =	vmul.f32 v4, v7  }
0x11c: {  	v15 =	vld [tilespmem:s24+$0xFFFFFE60];
	v11 =	vbroadcast v29, $0x0;
	v3 =	vmul.f32 v6, v3;
	[tilespmem:s15+$0x260] =	vst v9  }
0x11d: {  	v20 =	vld [tilespmem:s24+$0xFFFFFEF0];
	v6 =	vbroadcast v2, $0x0;
	v5 =	vmul.f32 v5, v8;
	[tilespmem:s15+$0x0] =	vst v4  }
0x11e: {  	v4 =	vmul.f32 v11, v10;
	v10 =	vbroadcast v16, $0x1;
	v9 =	vld [tilespmem:s24+$0x270];
	[tilespmem:s15+$0xFFFFFD30] =	vst v3  }
0x11f: {  	v7 =	vld [tilespmem:s24+$0xFFFFFF80];
	v3 =	vbroadcast v18, $0x1;
	v6 =	vmul.f32 v6, v14;
	[tilespmem:s15+$0x120] =	vst v5  }
0x120: {  	[tilespmem:s15+$0x90] =	vst v4;
	v4 =	vld [tilespmem:s24+$0xFFFFFD40];
	v10 =	vmul.f32 v10, v12;
	v12 =	vbroadcast v17, $0x1  }
0x121: {  	v8 =	vld [tilespmem:s24+$0x10];
	v5 =	vbroadcast v13, $0x3;
	v3 =	vmul.f32 v3, v15;
	[tilespmem:s15+$0x1B0] =	vst v6  }
0x122: {  	v14 =	vld [tilespmem:s24+$0x130];
	[tilespmem:s15+$0xFFFFFDD0] =	vst v10;
	v12 =	vmul.f32 v12, v20  }
0x123: {  	v11 =	vld [tilespmem:s24+$0xA0];
	v6 =	vbroadcast v19, $0x1;
	[tilespmem:s15+$0xFFFFFE60] =	vst v3;
	v5 =	vmul.f32 v9, v5  }
0x124: {  	v10 =	vld [tilespmem:s24+$0x1C0];
	v3 =	vbroadcast v28, $0x1;
	v9 =	vbroadcast v27, $0x1;
	[tilespmem:s15+$0xFFFFFEF0] =	vst v12  }
0x125: {  	v15 =	vld [tilespmem:s24+$0xFFFFFDE0];
	v12 =	vbroadcast v16, $0x2;
	v4 =	vmul.f32 v6, v4;
	[tilespmem:s15+$0x270] =	vst v5  }
0x126: {  	v5 =	vbroadcast v29, $0x1;
	v6 =	vmul.f32 v9, v7;
	v7 =	vld [tilespmem:s24+$0x280]  }
0x127: {  	v3 =	vmul.f32 v3, v8;
	v8 =	vld [tilespmem:s24+$0xFFFFFF00];
	[tilespmem:s15+$0xFFFFFD40] =	vst v4;
	v4 =	vbroadcast v2, $0x1  }
0x128: {  	v9 =	vbroadcast v1, $0x1;
	v5 =	vmul.f32 v5, v11;
	[tilespmem:s15+$0xFFFFFF80] =	vst v6;
	v6 =	vld [tilespmem:s24+$0xFFFFFD50]  }
0x129: {  	v20 =	vld [tilespmem:s24+$0xFFFFFE70];
	[tilespmem:s15+$0x10] =	vst v3;
	v3 =	vbroadcast v13, $0x4;
	v4 =	vmul.f32 v4, v10  }
0x12a: {  	v45 =	vld [tilespmem:s22+$0x10];
	v9 =	vmul.f32 v9, v14;
	[tilespmem:s15+$0xA0] =	vst v5;
	v5 =	vbroadcast v19, $0x2  }
0x12b: {  	v11 =	vld [tilespmem:s24+$0xFFFFFF90];
	[tilespmem:s15+$0x1C0] =	vst v4;
	v4 =	vbroadcast v17, $0x2;
	v3 =	vmul.f32 v7, v3  }
0x12c: {  	v10 =	vld [tilespmem:s24+$0x20];
	[tilespmem:s15+$0x130] =	vst v9;
	v9 =	vmul.f32 v12, v15;
	v7 =	vbroadcast v18, $0x2  }
0x12d: {  	v58 =	vadd.f32 v35, v33;
	v14 =	vld [tilespmem:s24+$0xB0];
	v5 =	vmul.f32 v5, v6;
	v4 =	vmul.f32 v4, v8;
	[tilespmem:s15+$0x280] =	vst v3  }
0x12e: {  	[tilespmem:s15+$0xFFFFFDE0] =	vst v9;
	v3 =	vbroadcast v27, $0x2;
	v6 =	vmul.f32 v7, v20;
	v7 =	vld [tilespmem:s24+$0x290]  }
0x12f: {  	v62 =	vmul.f32 $2.000000030e-01, v58;
	v12 =	vld [tilespmem:s24+$0x140];
	v9 =	vbroadcast v28, $0x2;
	[tilespmem:s15+$0xFFFFFD50] =	vst v5  }
0x130: {  	v15 =	vld [tilespmem:s24+$0x1D0];
	v8 =	vbroadcast v29, $0x2;
	[tilespmem:s15+$0xFFFFFF00] =	vst v4;
	v3 =	vmul.f32 v3, v11  }
0x131: {  	v5 =	vld [tilespmem:s24+$0xFFFFFDF0];
	v4 =	vbroadcast v13, $0x5;
	[tilespmem:s15+$0xFFFFFE70] =	vst v6;
	v6 =	vmul.f32 v9, v10  }
0x132: {  	v11 =	vld [tilespmem:s24+$0xFFFFFD60];
	v10 =	vbroadcast v1, $0x2;
	v8 =	vmul.f32 v8, v14;
	[tilespmem:s15+$0xFFFFFF90] =	vst v3  }
0x133: {  	v9 =	vld [tilespmem:s24+$0xFFFFFE80];
	v3 =	vbroadcast v2, $0x2;
	[tilespmem:s15+$0x20] =	vst v6;
	v4 =	vmul.f32 v7, v4  }
0x134: {  	v14 =	vld [tilespmem:s24+$0xFFFFFF10];
	[tilespmem:s15+$0xB0] =	vst v8;
	v8 =	vbroadcast v16, $0x3;
	v7 =	vmul.f32 v10, v12  }
0x135: {  	v6 =	vbroadcast v19, $0x3;
	v20 =	vld [tilespmem:s24+$0xFFFFFFA0];
	v3 =	vmul.f32 v3, v15;
	[tilespmem:s15+$0x290] =	vst v4  }
0x136: {  	v10 =	vld [tilespmem:s24+$0x30];
	v5 =	vmul.f32 v5, v8;
	v4 =	vbroadcast v18, $0x3;
	[tilespmem:s15+$0x140] =	vst v7  }
0x137: {  	v60 =	vadd.f32 v37, v36;
	v12 =	vld [tilespmem:s24+$0xC0];
	v6 =	vmul.f32 v11, v6;
	v11 =	vbroadcast v17, $0x3;
	[tilespmem:s15+$0x1D0] =	vst v3  }
0x138: {  	v3 =	vbroadcast v27, $0x3;
	[tilespmem:s15+$0xFFFFFDF0] =	vst v5;
	v7 =	vld [tilespmem:s24+$0x2A0];
	v4 =	vmul.f32 v9, v4  }
0x139: {  	v46 =	vmul.f32 $2.000000030e-01, v60;
	v8 =	vld [tilespmem:s24+$0x150];
	[tilespmem:s15+$0xFFFFFD60] =	vst v6;
	v9 =	vmul.f32 v14, v11  }
0x13a: {  	v6 =	vld [tilespmem:s24+$0x1E0];
	v14 =	vbroadcast v28, $0x3;
	v3 =	vmul.f32 v20, v3;
	[tilespmem:s15+$0xFFFFFE80] =	vst v4  }
0x13b: {  	v5 =	vbroadcast v13, $0x6;
	v15 =	vld [tilespmem:s24+$0xFFFFFE00];
	v4 =	vbroadcast v29, $0x3;
	[tilespmem:s15+$0xFFFFFF10] =	vst v9  }
0x13c: {  	v11 =	vld [tilespmem:s24+$0xFFFFFD70];
	v9 =	vmul.f32 v10, v14;
	[tilespmem:s15+$0xFFFFFFA0] =	vst v3;
	v3 =	vbroadcast v2, $0x3  }
0x13d: {  	v20 =	vld [tilespmem:s24+$0xFFFFFE90];
	v5 =	vmul.f32 v7, v5;
	v7 =	vbroadcast v1, $0x3  }
0x13e: {  	v10 =	vld [tilespmem:s24+$0xFFFFFF20];
	v4 =	vmul.f32 v12, v4;
	[tilespmem:s15+$0x30] =	vst v9;
	v9 =	vbroadcast v16, $0x4  }
0x13f: {  	v12 =	vld [tilespmem:s24+$0xFFFFFFB0];
	v3 =	vmul.f32 v6, v3;
	[tilespmem:s15+$0x2A0] =	vst v5;
	v5 =	vbroadcast v19, $0x4  }
0x140: {  	v6 =	vld [tilespmem:s24+$0x40];
	v7 =	vmul.f32 v8, v7;
	[tilespmem:s15+$0xC0] =	vst v4;
	v4 =	vbroadcast v18, $0x4  }
0x141: {  	v42 =	vld [tilespmem:s21+$0x1A0];
	v9 =	vmul.f32 v15, v9;
	[tilespmem:s15+$0x1E0] =	vst v3;
	v3 =	vbroadcast v27, $0x4  }
0x142: {  	v5 =	vmul.f32 v11, v5;
	v11 =	vld [tilespmem:s24+$0xD0];
	[tilespmem:s15+$0x150] =	vst v7;
	v7 =	vbroadcast v17, $0x4  }
0x143: {  	v15 =	vbroadcast v28, $0x4;
	v4 =	vmul.f32 v20, v4;
	[tilespmem:s15+$0xFFFFFE00] =	vst v9;
	v14 =	vld [tilespmem:s24+$0x160]  }
0x144: {  	v63 =	vadd.f32 v40, v39;
	v3 =	vmul.f32 v12, v3;
	v12 =	vld [tilespmem:s24+$0xFFFFFE10];
	[tilespmem:s15+$0xFFFFFD70] =	vst v5;
	v7 =	vmul.f32 v10, v7  }
0x145: {  	v9 =	vbroadcast v29, $0x4;
	v5 =	vld [tilespmem:s24+$0x1F0];
	[tilespmem:s15+$0xFFFFFE90] =	vst v4;
	v6 =	vmul.f32 v6, v15  }
0x146: {  	v47 =	vmul.f32 $2.000000030e-01, v63;
	v4 =	vbroadcast v1, $0x4;
	v10 =	vld [tilespmem:s24+$0xFFFFFD80];
	[tilespmem:s15+$0xFFFFFF20] =	vst v7  }
0x147: {  	v15 =	vld [tilespmem:s24+$0xFFFFFEA0];
	[tilespmem:s15+$0x40] =	vst v6;
	v6 =	vbroadcast v16, $0x5;
	v9 =	vmul.f32 v11, v9  }
0x148: {  	[tilespmem:s15+$0xFFFFFFB0] =	vst v3;
	v7 =	vbroadcast v2, $0x4;
	v11 =	vld [tilespmem:s24+$0xFFFFFF30];
	v4 =	vmul.f32 v14, v4  }
0x149: {  	v35 =	vmax.f32 v60, v46;
	v3 =	vbroadcast v19, $0x5;
	v14 =	vld [tilespmem:s24+$0xFFFFFFC0];
	v6 =	vmul.f32 v12, v6;
	[tilespmem:s15+$0xD0] =	vst v9  }
0x14a: {  	v35 =	vmul.f32 $1.442695020e+00, v35;
	v5 =	vmul.f32 v5, v7;
	v7 =	vld [tilespmem:s24+$0x50];
	[tilespmem:s15+$0x160] =	vst v4  }
0x14b: {  	v9 =	vbroadcast v18, $0x5;
	v3 =	vmul.f32 v10, v3;
	v10 =	vld [tilespmem:s24+$0xE0];
	[tilespmem:s15+$0xFFFFFE10] =	vst v6  }
0x14c: {  	v4 =	vbroadcast v17, $0x5;
	v6 =	vbroadcast v29, $0x5;
	v12 =	vld [tilespmem:s24+$0x170];
	[tilespmem:s15+$0x1F0] =	vst v5  }
0x14d: {  	v5 =	vbroadcast v27, $0x5;
	v9 =	vmul.f32 v15, v9;
	[tilespmem:s15+$0xFFFFFD80] =	vst v3;
	v3 =	vld [tilespmem:s24+$0x200]  }
0x14e: {  	v48 =	vld [tilespmem:s22+$0x20];
	v15 =	vbroadcast v28, $0x5;
	v4 =	vmul.f32 v11, v4  }
0x14f: {  	v8 =	vld [tilespmem:s24+$0x2B0];
	v5 =	vmul.f32 v14, v5;
	[tilespmem:s15+$0xFFFFFEA0] =	vst v9;
	v9 =	vbroadcast v1, $0x5  }
0x150: {  	v11 =	vld [tilespmem:s24+$0xFFFFFD90];
	v7 =	vmul.f32 v7, v15;
	[tilespmem:s15+$0xFFFFFF30] =	vst v4;
	v4 =	vbroadcast v2, $0x5  }
0x151: {  	v15 =	vld [tilespmem:s24+$0xFFFFFEB0];
	v6 =	vmul.f32 v10, v6;
	[tilespmem:s15+$0xFFFFFFC0] =	vst v5;
	v5 =	vmul.f32 v12, v9  }
0x152: {  	v10 =	vld [tilespmem:s24+$0xFFFFFF40];
	v3 =	vmul.f32 v3, v4;
	v4 =	vbroadcast v13, $0x7  }
0x153: {  	v24 =	vbroadcast v17, $0x6;
	v25 =	vbroadcast v27, $0x6;
	[tilespmem:s15+$0x170] =	vst v5;
	v5 =	vld [tilespmem:s21+$0x2C0]  }
0x154: {  	v26 =	vbroadcast v28, $0x6;
	[tilespmem:s15+$0x50] =	vst v7;
	v22 =	vmul.f32 v8, v4;
	v8 =	vld [tilespmem:s22+$0x40]  }
0x155: {  	v31 =	vbroadcast v29, $0x6;
	v32 =	vbroadcast v1, $0x6;
	v12 =	vld [tilespmem:s24+$0x60]  }
0x156: {  	v14 =	vld [tilespmem:s24+$0xFFFFFE20];
	v7 =	vbroadcast v16, $0x7;
	[tilespmem:s15+$0xE0] =	vst v6;
	v6 =	vbroadcast v18, $0x6  }
0x157: {  	v20 =	vld [tilespmem:s24+$0xF0];
	[tilespmem:s15+$0x200] =	vst v3;
	v3 =	vbroadcast v19, $0x6;
	v4 =	vbroadcast v16, $0x6  }
0x158: {  	v9 =	vld [tilespmem:s24+$0xFFFFFFD0];
	v15 =	vmul.f32 v15, v6;
	v6 =	vbroadcast v28, $0x7  }
0x159: {  	v59 =	vld [tilespmem:s22+$0x0];
	v24 =	vmul.f32 v10, v24;
	v34 =	vmul.f32 v11, v3;
	v38 =	vadd.f32 v8, v5  }
0x15a: {  	v53 =	vadd.f32 v45, v61;
	v11 =	vbroadcast v2, $0x6;
	v26 =	vmul.f32 v12, v26;
	v12 =	vld [tilespmem:s22+$0xFFFFFFF0]  }
0x15b: {  	v55 =	vadd.f32 v48, v42;
	v21 =	vld [tilespmem:s24+$0x180];
	v3 =	vbroadcast v19, $0x7;
	v10 =	vmul.f32 $2.000000030e-01, v38  }
0x15c: {  	v37 =	vmax.f32 v63, v47;
	v14 =	vmul.f32 v14, v4;
	v20 =	vmul.f32 v20, v31;
	v31 =	vld [tilespmem:s21+$0x80]  }
0x15d: {  	v52 =	vld [tilespmem:s21+$0xFFFFFDB0];
	v4 =	vbroadcast v17, $0x7;
	v25 =	vmul.f32 v9, v25;
	[tilespmem:s15+$0x2B0] =	vst v22;
	v9 =	vmax.f32 v38, v10  }
0x15e: {  	v49 =	vld [tilespmem:s21+$0x230];
	v22 =	vmul.f32 $1.442695020e+00, v37;
	[tilespmem:s15+$0xFFFFFEB0] =	vst v15;
	v38 =	vmul.f32 $1.442695020e+00, v9  }
0x15f: {  	v51 =	vld [tilespmem:s22+$0x30];
	v15 =	vmul.f32 $2.000000030e-01, v53;
	[tilespmem:s15+$0xFFFFFFD0] =	vst v25;
	v25 =	vmul.f32 $2.000000030e-01, v55;
	v12 =	vadd.f32 v12, v41  }
0x160: {  	v23 =	vld [tilespmem:s24+$0x210];
	v21 =	vmul.f32 v21, v32;
	v32 =	vmax.f32 v58, v62;
	(erf) = vpow2.f32 v38  }
0x161: {  	v32 =	vmul.f32 $1.442695020e+00, v32;
	v31 =	vadd.f32 v59, v31;
	v50 =	vmul.f32 $2.000000030e-01, v12  }
0x162: {  	v30 =	vadd.f32 v30, v52;
	v8 =	vbroadcast v18, $0x7;
	v5 =	vbroadcast v27, $0x7  }
0x163: {  	[tilespmem:s15+$0xFFFFFF40] =	vst v24;
	v43 =	vmul.f32 $2.000000030e-01, v31;
	v12 =	vmax.f32 v12, v50;
	(erf) = vpow2.f32 v32  }
0x164: {  	v54 =	vld [tilespmem:s21+$0x240];
	v24 =	vadd.f32 v51, v49;
	[tilespmem:s15+$0xFFFFFE20] =	vst v14;
	v14 =	vmul.f32 $1.442695020e+00, v12;
	(erf) = vpow2.f32 v35  }
0x165: {  	v56 =	vld [tilespmem:s21+$0xFFFFFDC0];
	v23 =	vmul.f32 v23, v11;
	[tilespmem:s15+$0xF0] =	vst v20;
	v20 =	vmax.f32 v55, v25;
	(erf) = vpow2.f32 v22  }
0x166: {  	v61 =	vld [tilespmem:s21+$0x90];
	v25 =	vmul.f32 $2.000000030e-01, v30;
	v31 =	vmax.f32 v31, v43;
	(erf) = vpow2.f32 v14  }
0x167: {  	v60 =	vld [tilespmem:s21+$0x0];
	v11 =	vbroadcast v2, $0x7;
	v22 =	vmul.f32 $1.442695020e+00, v31;
	v14 =	vmax.f32 v53, v15  }
0x168: {  	v58 =	vld [tilespmem:s21+$0xFFFFFEE0];
	[tilespmem:s15+$0x180] =	vst v21;
	v21 =	vmax.f32 v30, v25;
	v15 =	vmul.f32 $2.000000030e-01, v24;
	v14 =	vmul.f32 $1.442695020e+00, v14  }
0x169: {  	[tilespmem:s15+$0x2C0] =	vst v13;
	v62 =	vld [tilespmem:s21+$0x1B0];
	v20 =	vmul.f32 $1.442695020e+00, v20;
	v21 =	vmul.f32 $1.442695020e+00, v21;
	v12 =	vpop (erf)  }
0x16a: {  	[tilespmem:s15+$0xFFFFFD90] =	vst v34;
	v30 =	vld [tilespmem:s21+$0x120];
	(erf) = vpow2.f32 v22;
	v15 =	vmax.f32 v24, v15;
	v57 =	vbroadcast v12, $0x0  }
0x16b: {  	[tilespmem:s15+$0x60] =	vst v26;
	v31 =	vld [tilespmem:s21+$0xFFFFFE50];
	v22 =	vmul.f32 $1.442695020e+00, v15;
	(erf) = vpow2.f32 v14  }
0x16c: {  	[tilespmem:s15+$0x210] =	vst v23;
	v59 =	vld [tilespmem:s21+$0xFFFFFF70];
	(erf) = vpow2.f32 v20;
	v14 =	vpop (erf);
	v26 =	vmul.f32 v57, v54  }
0x16d: {  	s23 =	simm.s32 $0x8890;
	(erf) = vpow2.f32 v22;
	v22 =	vld [tilespmem:s24+$0xFFFFFDA0];
	[tilespmem:s15+$0xFFFFFDB0] =	vst v19;
	v15 =	vpop (erf);
	v20 =	vbroadcast v14, $0x0  }
0x16e: {  	v23 =	vld [tilespmem:s24+$0xFFFFFE30];
	(erf) = vpow2.f32 v21;
	v13 =	vpop (erf);
	v19 =	vbroadcast v15, $0x0;
	[tilespmem:s23+$0x240] =	vst v26  }
0x16f: {  	[tilespmem:s15+$0xFFFFFE40] =	vst v16;
	v21 =	vbroadcast v13, $0x0;
	v20 =	vmul.f32 v20, v56;
	v16 =	vpop (erf);
	v25 =	vld [tilespmem:s21+$0x250]  }
0x170: {  	v24 =	vld [tilespmem:s24+$0xFFFFFEC0];
	[tilespmem:s15+$0xFFFFFED0] =	vst v18;
	v18 =	vmul.f32 v19, v31;
	v19 =	vbroadcast v16, $0x0  }
0x171: {  	v10 =	vbroadcast v1, $0x7;
	v35 =	vld [tilespmem:s21+$0xFFFFFD30];
	v21 =	vmul.f32 v21, v58;
	[tilespmem:s23+$0xFFFFFDC0] =	vst v20  }
0x172: {  	v26 =	vbroadcast v12, $0x1;
	v19 =	vmul.f32 v19, v59;
	v52 =	vld [tilespmem:s21+$0xFFFFFDD0];
	[tilespmem:s23+$0xFFFFFE50] =	vst v18  }
0x173: {  	v9 =	vbroadcast v29, $0x7;
	v46 =	vbroadcast v12, $0x2;
	v54 =	vld [tilespmem:s21+$0xFFFFFE60];
	[tilespmem:s23+$0xFFFFFEE0] =	vst v21  }
0x174: {  	v37 =	vbroadcast v15, $0x1;
	v44 =	vld [tilespmem:s21+$0xFFFFFEF0];
	[tilespmem:s23+$0xFFFFFF70] =	vst v19;
	v26 =	vmul.f32 v26, v25  }
0x175: {  	v39 =	vbroadcast v13, $0x1;
	v31 =	vbroadcast v14, $0x1;
	v25 =	vld [tilespmem:s24+$0xFFFFFF50];
	[tilespmem:s15+$0xFFFFFF60] =	vst v17;
	v17 =	vpop (erf)  }
0x176: {  	v55 =	vbroadcast v16, $0x1;
	v53 =	vbroadcast v17, $0x0;
	v18 =	vpop (erf);
	[tilespmem:s23+$0x250] =	vst v26;
	v26 =	vld [tilespmem:s24+$0xFFFFFFE0]  }
0x177: {  	v31 =	vmul.f32 v31, v52;
	v56 =	vbroadcast v18, $0x0;
	v20 =	vpop (erf);
	[tilespmem:s15+$0xFFFFFFF0] =	vst v27;
	v27 =	vld [tilespmem:s24+$0x70]  }
0x178: {  	[tilespmem:s15+$0x80] =	vst v28;
	v49 =	vbroadcast v18, $0x1;
	v37 =	vmul.f32 v37, v54;
	v63 =	vld [tilespmem:s21+$0x260];
	v21 =	vpop (erf)  }
0x179: {  	v47 =	vld [tilespmem:s21+$0xFFFFFF80];
	v45 =	vbroadcast v20, $0x0;
	v33 =	vmul.f32 v53, v60;
	[tilespmem:s23+$0xFFFFFDD0] =	vst v31;
	v19 =	vpop (erf)  }
0x17a: {  	v28 =	vld [tilespmem:s24+$0x100];
	v31 =	vmul.f32 v39, v44;
	[tilespmem:s23+$0xFFFFFE60] =	vst v37;
	v48 =	vbroadcast v19, $0x0  }
0x17b: {  	v50 =	vbroadcast v20, $0x1;
	v58 =	vmul.f32 v56, v61;
	v42 =	vld [tilespmem:s21+$0xFFFFFDE0];
	[tilespmem:s23+$0x0] =	vst v33  }
0x17c: {  	v53 =	vbroadcast v12, $0x3;
	v37 =	vld [tilespmem:s21+$0xFFFFFE70];
	[tilespmem:s23+$0xFFFFFEF0] =	vst v31;
	v59 =	vmul.f32 v48, v35  }
0x17d: {  	v57 =	vbroadcast v21, $0x0;
	v60 =	vld [tilespmem:s21+$0x10];
	[tilespmem:s23+$0x90] =	vst v58;
	v32 =	vmul.f32 v46, v63  }
0x17e: {  	v54 =	vmul.f32 v55, v47;
	v30 =	vmul.f32 v45, v30;
	v48 =	vld [tilespmem:s21+$0xA0];
	[tilespmem:s23+$0xFFFFFD30] =	vst v59  }
0x17f: {  	v56 =	vbroadcast v14, $0x2;
	v61 =	vbroadcast v19, $0x1;
	[tilespmem:s23+$0x260] =	vst v32;
	v51 =	vld [tilespmem:s21+$0xFFFFFD40]  }
0x180: {  	v36 =	vmul.f32 v57, v62;
	v62 =	vbroadcast v17, $0x1;
	[tilespmem:s23+$0x120] =	vst v30;
	v63 =	vld [tilespmem:s21+$0x270]  }
0x181: {  	[tilespmem:s23+$0xFFFFFF80] =	vst v54;
	v58 =	vbroadcast v13, $0x2;
	v54 =	vbroadcast v20, $0x2;
	v52 =	vld [tilespmem:s21+$0x130]  }
0x182: {  	[tilespmem:s15+$0x110] =	vst v29;
	v40 =	vld [tilespmem:s21+$0xFFFFFF00];
	v30 =	vbroadcast v21, $0x1;
	v35 =	vmul.f32 v62, v60  }
0x183: {  	[tilespmem:s23+$0x1B0] =	vst v36;
	v36 =	vbroadcast v19, $0x2;
	v59 =	vld [tilespmem:s21+$0xFFFFFF90];
	v31 =	vmul.f32 v49, v48  }
0x184: {  	v46 =	vbroadcast v20, $0x3;
	v55 =	vld [tilespmem:s21+$0x1C0];
	[tilespmem:s23+$0x10] =	vst v35;
	v32 =	vmul.f32 v61, v51  }
0x185: {  	v34 =	vmul.f32 v56, v42;
	[tilespmem:s23+$0xA0] =	vst v31;
	v33 =	vmul.f32 v63, v53;
	v63 =	vld [tilespmem:s21+$0x20]  }
0x186: {  	v38 =	vmul.f32 v50, v52;
	v61 =	vbroadcast v16, $0x2;
	v53 =	vld [tilespmem:s21+$0xB0];
	[tilespmem:s23+$0xFFFFFD40] =	vst v32  }
0x187: {  	v62 =	vbroadcast v17, $0x2;
	[tilespmem:s23+$0x270] =	vst v33;
	v33 =	vbroadcast v15, $0x2;
	v60 =	vld [tilespmem:s21+$0xFFFFFD50]  }
0x188: {  	[tilespmem:s23+$0x130] =	vst v38;
	v32 =	vmul.f32 v58, v40;
	v58 =	vmul.f32 v61, v59;
	v57 =	vld [tilespmem:s21+$0x280]  }
0x189: {  	[tilespmem:s23+$0xFFFFFDE0] =	vst v34;
	v31 =	vbroadcast v18, $0x2;
	v56 =	vld [tilespmem:s21+$0x140];
	v33 =	vmul.f32 v33, v37  }
0x18a: {  	v49 =	vbroadcast v15, $0x3;
	v30 =	vmul.f32 v30, v55;
	v61 =	vld [tilespmem:s21+$0xFFFFFDF0];
	[tilespmem:s23+$0xFFFFFF90] =	vst v58  }
0x18b: {  	v52 =	vbroadcast v12, $0x4;
	v58 =	vld [tilespmem:s21+$0xFFFFFFA0];
	v31 =	vmul.f32 v31, v53;
	[tilespmem:s23+$0xFFFFFE70] =	vst v33  }
0x18c: {  	v55 =	vbroadcast v21, $0x2;
	[tilespmem:s23+$0x1C0] =	vst v30;
	v36 =	vmul.f32 v36, v60;
	v50 =	vld [tilespmem:s21+$0xFFFFFE80]  }
0x18d: {  	v37 =	vbroadcast v20, $0x6;
	[tilespmem:s23+$0xB0] =	vst v31;
	v30 =	vmul.f32 v57, v52;
	v57 =	vld [tilespmem:s21+$0x1D0]  }
0x18e: {  	v59 =	vmul.f32 v62, v63;
	v62 =	vbroadcast v14, $0x3;
	v52 =	vld [tilespmem:s21+$0xC0];
	[tilespmem:s23+$0xFFFFFD50] =	vst v36  }
0x18f: {  	v38 =	vmul.f32 v54, v56;
	v54 =	vbroadcast v12, $0x5;
	[tilespmem:s23+$0x280] =	vst v30;
	v63 =	vld [tilespmem:s21+$0xFFFFFD60]  }
0x190: {  	[tilespmem:s23+$0xFFFFFF00] =	vst v32;
	v56 =	vbroadcast v13, $0x3;
	v61 =	vmul.f32 v61, v62;
	v60 =	vld [tilespmem:s21+$0x290]  }
0x191: {  	v29 =	vld [tilespmem:s24+$0x190];
	[tilespmem:s23+$0x140] =	vst v38;
	v30 =	vbroadcast v19, $0x3;
	v33 =	vmul.f32 v50, v49  }
0x192: {  	[tilespmem:s23+$0x20] =	vst v59;
	v48 =	vld [tilespmem:s21+$0x150];
	v51 =	vmul.f32 v55, v57;
	v57 =	vbroadcast v16, $0x3  }
0x193: {  	v53 =	vbroadcast v21, $0x3;
	v31 =	vbroadcast v18, $0x3;
	v55 =	vld [tilespmem:s21+$0xFFFFFF10];
	[tilespmem:s23+$0xFFFFFE80] =	vst v33  }
0x194: {  	[tilespmem:s23+$0xFFFFFDF0] =	vst v61;
	v30 =	vmul.f32 v63, v30;
	v49 =	vmul.f32 v58, v57;
	v57 =	vld [tilespmem:s21+$0xFFFFFE90]  }
0x195: {  	v31 =	vmul.f32 v52, v31;
	[tilespmem:s23+$0x1D0] =	vst v51;
	v35 =	vmul.f32 v60, v54;
	v60 =	vld [tilespmem:s21+$0x30]  }
0x196: {  	v59 =	vbroadcast v17, $0x3;
	v38 =	vbroadcast v19, $0x4;
	v50 =	vld [tilespmem:s21+$0x1E0];
	[tilespmem:s23+$0xFFFFFD60] =	vst v30  }
0x197: {  	v42 =	vmul.f32 v48, v46;
	v52 =	vbroadcast v17, $0x4;
	[tilespmem:s23+$0xC0] =	vst v31;
	v51 =	vld [tilespmem:s21+$0xFFFFFD70]  }
0x198: {  	[tilespmem:s23+$0xFFFFFFA0] =	vst v49;
	v63 =	vmul.f32 v55, v56;
	v55 =	vld [tilespmem:s21+$0xFFFFFE00];
	v56 =	vbroadcast v15, $0x4  }
0x199: {  	v58 =	vbroadcast v13, $0x4;
	v31 =	vbroadcast v21, $0x4;
	[tilespmem:s23+$0x150] =	vst v42;
	v61 =	vld [tilespmem:s21+$0xFFFFFFB0]  }
0x19a: {  	v54 =	vbroadcast v12, $0x6;
	v48 =	vld [tilespmem:s21+$0xD0];
	[tilespmem:s23+$0x290] =	vst v35;
	v33 =	vmul.f32 v57, v56  }
0x19b: {  	v30 =	vbroadcast v14, $0x4;
	v62 =	vld [tilespmem:s21+$0x2A0];
	[tilespmem:s23+$0xFFFFFF10] =	vst v63;
	v34 =	vmul.f32 v60, v59  }
0x19c: {  	v49 =	vld [tilespmem:s21+$0x160];
	v60 =	vbroadcast v16, $0x4;
	v39 =	vmul.f32 v50, v53;
	[tilespmem:s23+$0xFFFFFE90] =	vst v33  }
0x19d: {  	v57 =	vbroadcast v14, $0x5;
	v59 =	vld [tilespmem:s21+$0xFFFFFF20];
	[tilespmem:s23+$0x30] =	vst v34;
	v38 =	vmul.f32 v51, v38  }
0x19e: {  	v30 =	vmul.f32 v55, v30;
	[tilespmem:s23+$0x1E0] =	vst v39;
	v32 =	vmul.f32 v61, v60;
	v60 =	vld [tilespmem:s21+$0xFFFFFEA0]  }
0x19f: {  	v53 =	vbroadcast v18, $0x4;
	v50 =	vbroadcast v12, $0x7;
	v63 =	vld [tilespmem:s21+$0x40];
	[tilespmem:s23+$0xFFFFFD70] =	vst v38  }
0x1a0: {  	v51 =	vbroadcast v19, $0x5;
	v35 =	vmul.f32 v62, v54;
	v55 =	vld [tilespmem:s21+$0x1F0];
	[tilespmem:s23+$0xFFFFFE00] =	vst v30  }
0x1a1: {  	v34 =	vmul.f32 v48, v53;
	v54 =	vbroadcast v20, $0x4;
	[tilespmem:s23+$0xFFFFFFB0] =	vst v32;
	v56 =	vld [tilespmem:s21+$0xFFFFFD80]  }
0x1a2: {  	[tilespmem:s23+$0x2A0] =	vst v35;
	v36 =	vmul.f32 v59, v58;
	v58 =	vld [tilespmem:s21+$0xFFFFFE10];
	v59 =	vbroadcast v15, $0x5  }
0x1a3: {  	v61 =	vbroadcast v13, $0x5;
	[tilespmem:s23+$0xD0] =	vst v34;
	v35 =	vmul.f32 v49, v54;
	v62 =	vld [tilespmem:s21+$0x2B0]  }
0x1a4: {  	v32 =	vbroadcast v17, $0x5;
	v53 =	vld [tilespmem:s21+$0xFFFFFFC0];
	[tilespmem:s23+$0xFFFFFF20] =	vst v36;
	v33 =	vmul.f32 v60, v59  }
0x1a5: {  	v34 =	vbroadcast v16, $0x6;
	[tilespmem:s23+$0x160] =	vst v35;
	v43 =	vmul.f32 v63, v52;
	v52 =	vld [tilespmem:s21+$0xFFFFFF30]  }
0x1a6: {  	v54 =	vbroadcast v18, $0x5;
	v31 =	vmul.f32 v55, v31;
	v59 =	vld [tilespmem:s21+$0x170];
	[tilespmem:s23+$0xFFFFFEA0] =	vst v33  }
0x1a7: {  	v49 =	vbroadcast v15, $0x6;
	[tilespmem:s23+$0x40] =	vst v43;
	v38 =	vmul.f32 v56, v51;
	v56 =	vld [tilespmem:s21+$0xE0]  }
0x1a8: {  	v36 =	vbroadcast v16, $0x5;
	[tilespmem:s23+$0x1F0] =	vst v31;
	v30 =	vmul.f32 v62, v50;
	v62 =	vld [tilespmem:s21+$0x50]  }
0x1a9: {  	v35 =	vbroadcast v17, $0x6;
	v55 =	vmul.f32 v58, v57;
	v60 =	vld [tilespmem:s21+$0x200];
	[tilespmem:s23+$0xFFFFFD80] =	vst v38  }
0x1aa: {  	v63 =	vbroadcast v21, $0x5;
	v33 =	vbroadcast v19, $0x7;
	[tilespmem:s23+$0x2B0] =	vst v30;
	v30 =	vld [tilespmem:s24+$0x220]  }
0x1ab: {  	v43 =	vbroadcast v20, $0x5;
	[tilespmem:s23+$0xFFFFFE10] =	vst v55;
	v31 =	vmul.f32 v52, v61;
	v61 =	vld [tilespmem:s21+$0xFFFFFD90]  }
0x1ac: {  	v57 =	vbroadcast v19, $0x6;
	v36 =	vmul.f32 v53, v36;
	v51 =	vld [tilespmem:s21+$0xFFFFFE20]  }
0x1ad: {  	v58 =	vbroadcast v14, $0x6;
	[tilespmem:s23+$0xFFFFFF30] =	vst v31;
	v32 =	vmul.f32 v62, v32;
	v62 =	vld [tilespmem:s21+$0xFFFFFEB0]  }
0x1ae: {  	v50 =	vbroadcast v13, $0x6;
	[tilespmem:s23+$0xFFFFFFC0] =	vst v36;
	v31 =	vmul.f32 v56, v54;
	v52 =	vld [tilespmem:s21+$0xFFFFFF40]  }
0x1af: {  	v36 =	vbroadcast v18, $0x6;
	v43 =	vmul.f32 v59, v43;
	v39 =	vld [tilespmem:s21+$0xFFFFFFD0];
	[tilespmem:s23+$0x50] =	vst v32  }
0x1b0: {  	v38 =	vbroadcast v21, $0x6;
	v63 =	vmul.f32 v60, v63;
	[tilespmem:s23+$0xE0] =	vst v31;
	v40 =	vld [tilespmem:s21+$0x60]  }
0x1b1: {  	[tilespmem:s23+$0x170] =	vst v43;
	v31 =	vbroadcast v14, $0x7;
	v46 =	vmul.f32 v61, v57;
	v41 =	vld [tilespmem:s21+$0xF0]  }
0x1b2: {  	v42 =	vld [tilespmem:s21+$0x180];
	v44 =	vmul.f32 v51, v58;
	[tilespmem:s23+$0x200] =	vst v63;
	v32 =	vbroadcast v15, $0x7  }
0x1b3: {  	s25 =	simm.s32 $0x5EB0;
	s24 =	simm.s32 $0xA;
	v43 =	vld [tilespmem:s21+$0x210];
	[tilespmem:s23+$0xFFFFFD90] =	vst v46;
	v45 =	vmul.f32 v62, v49;
	v46 =	vmul.f32 v52, v50  }
.LBB2_5:
0x1b4: {  	v47 =	vld [tilespmem:s25+$0x2C0];
	[tilespmem:s23+$0xFFFFFE20] =	vst v44;
	v44 =	vbroadcast v13, $0x7;
	v34 =	vmul.f32 v39, v34;
	s22 =	sadd.s32 $0xA0, s22  }
0x1b5: {  	s24 =	sadd.s32 $0xA, s24;
	v39 =	vld [tilespmem:s22+$0x40];
	[tilespmem:s23+$0xFFFFFEB0] =	vst v45;
	v45 =	vbroadcast v16, $0x7;
	v35 =	vmul.f32 v40, v35  }
0x1b6: {  	p1 =	slt.u32 s24, $0x1E;
	v40 =	vld [tilespmem:s22+$0xFFFFFFB0];
	[tilespmem:s23+$0xFFFFFF40] =	vst v46;
	v46 =	vbroadcast v17, $0x7;
	v36 =	vmul.f32 v41, v36  }
0x1b7: {  	v41 =	vld [tilespmem:s25+$0xFFFFFE40];
	[tilespmem:s23+$0xFFFFFFD0] =	vst v34;
	v34 =	vbroadcast v18, $0x7;
	v37 =	vmul.f32 v42, v37  }
0x1b8: {  	v42 =	vld [tilespmem:s22+$0xFFFFFFC0];
	[tilespmem:s23+$0x60] =	vst v35;
	v35 =	vbroadcast v20, $0x7;
	v38 =	vmul.f32 v43, v38  }
0x1b9: {  	v22 =	vmul.f32 v22, v3;
	v3 =	vmov v33;
	v43 =	vld [tilespmem:s25+$0xFFFFFED0];
	[tilespmem:s23+$0xF0] =	vst v36;
	v36 =	vbroadcast v21, $0x7  }
0x1ba: {  	v23 =	vmul.f32 v23, v7;
	v24 =	vmul.f32 v24, v8;
	v33 =	vld [tilespmem:s22+$0xFFFFFFD0];
	v39 =	vadd.f32 v39, v47;
	[tilespmem:s23+$0x180] =	vst v37  }
0x1bb: {  	v25 =	vmul.f32 v25, v4;
	v26 =	vmul.f32 v26, v5;
	v4 =	vmovc v44;
	v5 =	vmov v45;
	v37 =	vld [tilespmem:s25+$0xFFFFFF60];
	[tilespmem:s23+$0x210] =	vst v38  }
0x1bc: {  	v7 =	vmovc v31;
	v8 =	vmovc v32;
	v38 =	vld [tilespmem:s22+$0xFFFFFFE0];
	v44 =	vmul.f32 $2.000000030e-01, v39;
	[tilespmem:s15+$0xFFFFFDA0] =	vst v22;
	v22 =	vmul.f32 v27, v6;
	v6 =	vmov v46  }
0x1bd: {  	v27 =	vadd.f32 v42, v41;
	v31 =	vld [tilespmem:s25+$0xFFFFFFF0];
	[tilespmem:s15+$0xFFFFFE30] =	vst v23;
	v23 =	vmul.f32 v28, v9;
	v28 =	vmul.f32 v29, v10  }
0x1be: {  	v9 =	vmovc v34;
	v10 =	vmov v35;
	v29 =	vld [tilespmem:s22+$0xFFFFFFF0];
	v32 =	vmax.f32 v39, v44;
	[tilespmem:s15+$0xFFFFFEC0] =	vst v24;
	v24 =	vmul.f32 v30, v11  }
0x1bf: {  	v11 =	vmovc v36;
	v30 =	vmul.f32 $2.000000030e-01, v27;
	v33 =	vadd.f32 v33, v43;
	v34 =	vld [tilespmem:s25+$0x80];
	v32 =	vmul.f32 $1.442695020e+00, v32;
	[tilespmem:s15+$0xFFFFFF50] =	vst v25  }
0x1c0: {  	v25 =	vld [tilespmem:s22+$0x0];
	[tilespmem:s15+$0xFFFFFFE0] =	vst v26  }
0x1c1: {  	v26 =	vmul.f32 $2.000000030e-01, v33;
	v35 =	vadd.f32 v38, v37;
	v36 =	vld [tilespmem:s25+$0x110];
	(erf) = vpow2.f32 v32;
	[tilespmem:s15+$0x70] =	vst v22  }
0x1c2: {  	v22 =	vmax.f32 v27, v30;
	v27 =	vld [tilespmem:s22+$0x10];
	[tilespmem:s15+$0x100] =	vst v23  }
0x1c3: {  	v23 =	vmax.f32 v33, v26;
	v26 =	vmul.f32 $2.000000030e-01, v35;
	v29 =	vadd.f32 v29, v31;
	v30 =	vld [tilespmem:s25+$0x1A0];
	[tilespmem:s15+$0x190] =	vst v28  }
0x1c4: {  	v22 =	vmul.f32 $1.442695020e+00, v22;
	v23 =	vmul.f32 $1.442695020e+00, v23;
	v28 =	vld [tilespmem:s22+$0x20];
	[tilespmem:s15+$0x220] =	vst v24  }
0x1c5: {  	v24 =	vmax.f32 v35, v26;
	v26 =	vmul.f32 $2.000000030e-01, v29;
	v25 =	vadd.f32 v25, v34;
	v31 =	vld [tilespmem:s25+$0x230];
	[tilespmem:s15+$0x1A0] =	vst v1;
	v1 =	vmovc v20  }
0x1c6: {  	v20 =	vmul.f32 $1.442695020e+00, v24;
	v24 =	vld [tilespmem:s22+$0x30];
	(erf) = vpow2.f32 v22;
	[tilespmem:s15+$0x230] =	vst v2;
	v2 =	vmov v21;
	s15 =	smov.u32 s23  }
0x1c7: {  	v21 =	vld [tilespmem:s25+$0xFFFFFDB0];
	v22 =	vmax.f32 v29, v26;
	v26 =	vmul.f32 $2.000000030e-01, v25;
	v27 =	vadd.f32 v27, v36;
	[tilespmem:s23+$0x2C0] =	vst v12  }
0x1c8: {  	v22 =	vmul.f32 $1.442695020e+00, v22;
	v29 =	vld [tilespmem:s25+$0x240];
	(erf) = vpow2.f32 v23  }
0x1c9: {  	v32 =	vld [tilespmem:s25+$0xFFFFFD30];
	v33 =	vmax.f32 v25, v26;
	v23 =	vmul.f32 $2.000000030e-01, v27;
	v25 =	vadd.f32 v28, v30  }
0x1ca: {  	v26 =	vld [tilespmem:s25+$0xFFFFFDC0];
	v28 =	vmul.f32 $1.442695020e+00, v33;
	(erf) = vpow2.f32 v20;
	v12 =	vpop (erf)  }
0x1cb: {  	v20 =	vld [tilespmem:s25+$0xFFFFFE50];
	v30 =	vmul.f32 $2.000000030e-01, v25;
	v24 =	vadd.f32 v24, v31;
	v31 =	vbroadcast v12, $0x0  }
0x1cc: {  	v23 =	vmax.f32 v27, v23;
	v21 =	vadd.f32 v40, v21;
	v33 =	vld [tilespmem:s25+$0xFFFFFEE0];
	(erf) = vpow2.f32 v22  }
0x1cd: {  	v27 =	vld [tilespmem:s25+$0xFFFFFF70];
	v22 =	vmax.f32 v25, v30;
	v35 =	vmul.f32 $2.000000030e-01, v24;
	v29 =	vmul.f32 v31, v29  }
0x1ce: {  	s23 =	sadd.s32 $0x5A0, s23;
	v23 =	vmul.f32 $1.442695020e+00, v23;
	v36 =	vmul.f32 $2.000000030e-01, v21;
	v31 =	vld [tilespmem:s25+$0x0]  }
0x1cf: {  	v22 =	vmul.f32 $1.442695020e+00, v22;
	v34 =	vld [tilespmem:s25+$0x90];
	v24 =	vmax.f32 v24, v35;
	[tilespmem:s23+$0x240] =	vst v29;
	v25 =	vpop (erf);
	(erf) = vpow2.f32 v28  }
0x1d0: {  	v21 =	vmax.f32 v21, v36;
	v24 =	vmul.f32 $1.442695020e+00, v24;
	v28 =	vld [tilespmem:s25+$0x250];
	(erf) = vpow2.f32 v23  }
0x1d1: {  	v23 =	vmul.f32 $1.442695020e+00, v21;
	v29 =	vld [tilespmem:s25+$0x120];
	v30 =	vpop (erf);
	(erf) = vpow2.f32 v22  }
0x1d2: {  	v35 =	vbroadcast v25, $0x0;
	v36 =	vld [tilespmem:s25+$0x1B0];
	(erf) = vpow2.f32 v24  }
0x1d3: {  	v24 =	vbroadcast v12, $0x1;
	(erf) = vpow2.f32 v23;
	v21 =	vpop (erf);
	v22 =	vld [tilespmem:s21+$0xFFFFFDA0];
	[tilespmem:s15+$0xFFFFFDB0] =	vst v19  }
0x1d4: {  	v19 =	vbroadcast v30, $0x0;
	v37 =	vbroadcast v21, $0x0;
	v23 =	vld [tilespmem:s21+$0xFFFFFE30];
	[tilespmem:s15+$0xFFFFFE40] =	vst v14;
	v14 =	vmov v25  }
0x1d5: {  	v35 =	vmul.f32 v35, v26;
	v26 =	vmul.f32 v24, v28;
	v28 =	vpop (erf);
	v24 =	vld [tilespmem:s21+$0xFFFFFEC0];
	[tilespmem:s15+$0xFFFFFED0] =	vst v15;
	v15 =	vmov v30  }
0x1d6: {  	v19 =	vmul.f32 v19, v20;
	v20 =	vbroadcast v28, $0x0;
	v25 =	vld [tilespmem:s21+$0xFFFFFF50];
	[tilespmem:s15+$0xFFFFFF60] =	vst v13;
	v13 =	vmov v21  }
0x1d7: {  	v30 =	vbroadcast v14, $0x1;
	v21 =	vmul.f32 v37, v33;
	[tilespmem:s23+$0x250] =	vst v26;
	v26 =	vld [tilespmem:s21+$0xFFFFFFE0]  }
0x1d8: {  	v33 =	vbroadcast v15, $0x1;
	[tilespmem:s23+$0xFFFFFDC0] =	vst v35;
	v27 =	vmul.f32 v20, v27;
	v35 =	vld [tilespmem:s25+$0x260];
	v37 =	vpop (erf)  }
0x1d9: {  	v39 =	vbroadcast v13, $0x1;
	v38 =	vld [tilespmem:s25+$0xFFFFFDD0];
	[tilespmem:s23+$0xFFFFFE50] =	vst v19;
	v48 =	vbroadcast v37, $0x0;
	v40 =	vpop (erf)  }
0x1da: {  	v42 =	vbroadcast v28, $0x1;
	v41 =	vld [tilespmem:s25+$0xFFFFFE60];
	[tilespmem:s23+$0xFFFFFEE0] =	vst v21;
	v43 =	vbroadcast v40, $0x0;
	v20 =	vpop (erf)  }
0x1db: {  	v44 =	vld [tilespmem:s25+$0xFFFFFEF0];
	[tilespmem:s23+$0xFFFFFF70] =	vst v27;
	v45 =	vbroadcast v20, $0x0;
	v27 =	vbroadcast v12, $0x2;
	v21 =	vpop (erf)  }
0x1dc: {  	v31 =	vmul.f32 v48, v31;
	v46 =	vld [tilespmem:s25+$0xFFFFFF80];
	v47 =	vbroadcast v21, $0x0;
	v19 =	vpop (erf);
	[tilespmem:s15+$0xFFFFFFF0] =	vst v16;
	v16 =	vmov v28  }
0x1dd: {  	v48 =	vbroadcast v19, $0x0;
	v35 =	vmul.f32 v27, v35;
	v27 =	vld [tilespmem:s21+$0x70];
	[tilespmem:s15+$0x80] =	vst v17;
	v17 =	vmov v37  }
0x1de: {  	v29 =	vmul.f32 v45, v29;
	[tilespmem:s23+$0x0] =	vst v31;
	v31 =	vmul.f32 v43, v34;
	v28 =	vld [tilespmem:s21+$0x100]  }
0x1df: {  	v36 =	vmul.f32 v47, v36;
	v32 =	vmul.f32 v48, v32;
	v34 =	vld [tilespmem:s25+$0x10];
	[tilespmem:s23+$0x260] =	vst v35  }
0x1e0: {  	v37 =	vbroadcast v17, $0x1;
	v35 =	vbroadcast v19, $0x1;
	[tilespmem:s23+$0x90] =	vst v31;
	v31 =	vld [tilespmem:s25+$0x270]  }
0x1e1: {  	v45 =	vbroadcast v20, $0x1;
	v43 =	vbroadcast v40, $0x1;
	[tilespmem:s23+$0xFFFFFD30] =	vst v32;
	v32 =	vld [tilespmem:s25+$0xA0]  }
0x1e2: {  	v30 =	vmul.f32 v30, v38;
	v47 =	vld [tilespmem:s25+$0xFFFFFD40];
	[tilespmem:s23+$0x120] =	vst v29;
	v29 =	vbroadcast v21, $0x1  }
0x1e3: {  	v33 =	vmul.f32 v33, v41;
	v38 =	vld [tilespmem:s25+$0x130];
	[tilespmem:s23+$0x1B0] =	vst v36;
	v36 =	vbroadcast v12, $0x3  }
0x1e4: {  	[tilespmem:s23+$0xFFFFFDD0] =	vst v30;
	v30 =	vmul.f32 v39, v44;
	v39 =	vmul.f32 v42, v46;
	v41 =	vld [tilespmem:s25+$0x1C0]  }
0x1e5: {  	v42 =	vld [tilespmem:s25+$0xFFFFFDE0];
	[tilespmem:s23+$0xFFFFFE60] =	vst v33;
	v33 =	vmul.f32 v37, v34;
	v31 =	vmul.f32 v31, v36  }
0x1e6: {  	v34 =	vbroadcast v19, $0x2;
	v36 =	vld [tilespmem:s25+$0xFFFFFE70];
	[tilespmem:s23+$0xFFFFFEF0] =	vst v30;
	v30 =	vmul.f32 v43, v32  }
0x1e7: {  	v32 =	vmul.f32 v35, v47;
	v35 =	vbroadcast v14, $0x2;
	v37 =	vld [tilespmem:s25+$0xFFFFFF00];
	[tilespmem:s23+$0x270] =	vst v31  }
0x1e8: {  	v31 =	vbroadcast v15, $0x2;
	[tilespmem:s23+$0xFFFFFF80] =	vst v39;
	v38 =	vmul.f32 v45, v38;
	v39 =	vld [tilespmem:s25+$0x280]  }
0x1e9: {  	[tilespmem:s23+$0xFFFFFD40] =	vst v32;
	v32 =	vbroadcast v13, $0x2;
	v43 =	vld [tilespmem:s25+$0xFFFFFF90];
	v29 =	vmul.f32 v29, v41  }
0x1ea: {  	v44 =	vbroadcast v16, $0x2;
	v41 =	vld [tilespmem:s25+$0xFFFFFD50];
	[tilespmem:s23+$0x10] =	vst v33;
	v33 =	vbroadcast v17, $0x2  }
0x1eb: {  	v46 =	vbroadcast v12, $0x4;
	v45 =	vld [tilespmem:s25+$0x20];
	[tilespmem:s23+$0xA0] =	vst v30;
	v30 =	vbroadcast v40, $0x2  }
0x1ec: {  	v48 =	vbroadcast v21, $0x2;
	v47 =	vld [tilespmem:s25+$0xB0];
	[tilespmem:s23+$0x130] =	vst v38;
	v38 =	vbroadcast v20, $0x2  }
0x1ed: {  	v35 =	vmul.f32 v35, v42;
	v42 =	vld [tilespmem:s25+$0x140];
	[tilespmem:s23+$0x1C0] =	vst v29;
	v29 =	vmul.f32 v39, v46  }
0x1ee: {  	v31 =	vmul.f32 v31, v36;
	v32 =	vmul.f32 v32, v37;
	v36 =	vld [tilespmem:s25+$0x1D0];
	[tilespmem:s15+$0x110] =	vst v18;
	v18 =	vmov v40  }
0x1ef: {  	v37 =	vmul.f32 v44, v43;
	v34 =	vmul.f32 v34, v41;
	[tilespmem:s23+$0x280] =	vst v29;
	v29 =	vld [tilespmem:s21+$0x190]  }
0x1f0: {  	v39 =	vbroadcast v19, $0x3;
	[tilespmem:s23+$0xFFFFFDE0] =	vst v35;
	v33 =	vmul.f32 v33, v45;
	v35 =	vld [tilespmem:s25+$0x290]  }
0x1f1: {  	v40 =	vbroadcast v14, $0x3;
	[tilespmem:s23+$0xFFFFFD50] =	vst v34;
	v34 =	vld [tilespmem:s25+$0xFFFFFDF0];
	v30 =	vmul.f32 v30, v47  }
0x1f2: {  	v41 =	vld [tilespmem:s25+$0xFFFFFD60];
	[tilespmem:s23+$0xFFFFFE70] =	vst v31;
	v31 =	vbroadcast v15, $0x3;
	v38 =	vmul.f32 v38, v42  }
0x1f3: {  	v42 =	vld [tilespmem:s25+$0xFFFFFE80];
	[tilespmem:s23+$0xFFFFFF00] =	vst v32;
	v32 =	vmul.f32 v48, v36;
	v36 =	vbroadcast v12, $0x5  }
0x1f4: {  	v44 =	vbroadcast v13, $0x3;
	v43 =	vld [tilespmem:s25+$0xFFFFFF10];
	[tilespmem:s23+$0xFFFFFF90] =	vst v37;
	v37 =	vbroadcast v16, $0x3  }
0x1f5: {  	v45 =	vld [tilespmem:s25+$0xFFFFFFA0];
	[tilespmem:s23+$0x20] =	vst v33;
	v33 =	vbroadcast v17, $0x3;
	v35 =	vmul.f32 v35, v36  }
0x1f6: {  	v46 =	vbroadcast v20, $0x3;
	v36 =	vld [tilespmem:s25+$0x30];
	[tilespmem:s23+$0xB0] =	vst v30;
	v30 =	vbroadcast v18, $0x3  }
0x1f7: {  	v47 =	vbroadcast v21, $0x3;
	v39 =	vmul.f32 v41, v39;
	v41 =	vld [tilespmem:s25+$0xC0];
	[tilespmem:s23+$0x290] =	vst v35  }
0x1f8: {  	v34 =	vmul.f32 v34, v40;
	v31 =	vmul.f32 v42, v31;
	[tilespmem:s23+$0x140] =	vst v38;
	v35 =	vld [tilespmem:s25+$0x2A0]  }
0x1f9: {  	v38 =	vbroadcast v19, $0x4;
	v40 =	vmul.f32 v43, v44;
	v42 =	vld [tilespmem:s25+$0x150];
	[tilespmem:s23+$0x1D0] =	vst v32  }
0x1fa: {  	v32 =	vbroadcast v14, $0x4;
	[tilespmem:s23+$0xFFFFFD60] =	vst v39;
	v37 =	vmul.f32 v45, v37;
	v39 =	vld [tilespmem:s25+$0x1E0]  }
0x1fb: {  	v43 =	vld [tilespmem:s25+$0xFFFFFD70];
	[tilespmem:s23+$0xFFFFFDF0] =	vst v34;
	v33 =	vmul.f32 v36, v33;
	v34 =	vbroadcast v12, $0x6  }
0x1fc: {  	v36 =	vld [tilespmem:s25+$0xFFFFFE00];
	[tilespmem:s23+$0xFFFFFE80] =	vst v31;
	v31 =	vbroadcast v15, $0x4;
	v30 =	vmul.f32 v41, v30  }
0x1fd: {  	v41 =	vld [tilespmem:s25+$0xFFFFFE90];
	[tilespmem:s23+$0xFFFFFF10] =	vst v40;
	v40 =	vbroadcast v13, $0x4;
	v34 =	vmul.f32 v35, v34  }
0x1fe: {  	v35 =	vld [tilespmem:s25+$0xFFFFFF20];
	[tilespmem:s23+$0xFFFFFFA0] =	vst v37;
	v37 =	vbroadcast v16, $0x4;
	v42 =	vmul.f32 v42, v46  }
0x1ff: {  	v45 =	vbroadcast v17, $0x4;
	v44 =	vld [tilespmem:s25+$0xFFFFFFB0];
	v39 =	vmul.f32 v39, v47;
	[tilespmem:s23+$0x2A0] =	vst v34  }
0x200: {  	v34 =	vbroadcast v20, $0x4;
	[tilespmem:s23+$0x30] =	vst v33;
	v33 =	vbroadcast v18, $0x4;
	v46 =	vld [tilespmem:s25+$0x2B0]  }
0x201: {  	v47 =	vbroadcast v21, $0x4;
	v38 =	vmul.f32 v43, v38;
	v43 =	vld [tilespmem:s25+$0x40];
	[tilespmem:s23+$0xC0] =	vst v30  }
0x202: {  	v30 =	vmul.f32 v36, v32;
	v31 =	vmul.f32 v41, v31;
	v32 =	vld [tilespmem:s25+$0xD0];
	[tilespmem:s23+$0x150] =	vst v42  }
0x203: {  	v35 =	vmul.f32 v35, v40;
	v36 =	vld [tilespmem:s25+$0x160];
	[tilespmem:s23+$0x1E0] =	vst v39;
	v39 =	vbroadcast v12, $0x7  }
0x204: {  	[tilespmem:s23+$0xFFFFFD70] =	vst v38;
	v38 =	vbroadcast v19, $0x5;
	v37 =	vmul.f32 v44, v37;
	v40 =	vld [tilespmem:s25+$0x1F0]  }
0x205: {  	v42 =	vbroadcast v14, $0x5;
	v41 =	vld [tilespmem:s25+$0xFFFFFD80];
	[tilespmem:s23+$0xFFFFFE00] =	vst v30;
	v30 =	vmul.f32 v46, v39  }
0x206: {  	v39 =	vld [tilespmem:s25+$0xFFFFFE10];
	[tilespmem:s23+$0xFFFFFE90] =	vst v31;
	v31 =	vbroadcast v15, $0x5;
	v43 =	vmul.f32 v43, v45  }
0x207: {  	v45 =	vbroadcast v13, $0x5;
	v44 =	vld [tilespmem:s25+$0xFFFFFEA0];
	v32 =	vmul.f32 v32, v33;
	[tilespmem:s23+$0x2B0] =	vst v30  }
0x208: {  	v33 =	vbroadcast v16, $0x5;
	[tilespmem:s23+$0xFFFFFF20] =	vst v35;
	v34 =	vmul.f32 v36, v34;
	v30 =	vld [tilespmem:s21+$0x220];
	s21 =	smov.u32 s25  }
0x209: {  	v36 =	vbroadcast v17, $0x5;
	v35 =	vld [tilespmem:s25+$0xFFFFFF30];
	[tilespmem:s23+$0xFFFFFFB0] =	vst v37;
	v37 =	vmul.f32 v40, v47  }
0x20a: {  	v46 =	vbroadcast v20, $0x5;
	v40 =	vld [tilespmem:s25+$0xFFFFFFC0];
	[tilespmem:s23+$0x40] =	vst v43;
	v43 =	vbroadcast v18, $0x5  }
0x20b: {  	v38 =	vmul.f32 v41, v38;
	v41 =	vld [tilespmem:s25+$0x50];
	[tilespmem:s23+$0xD0] =	vst v32;
	v32 =	vbroadcast v21, $0x5  }
0x20c: {  	v39 =	vmul.f32 v39, v42;
	v31 =	vmul.f32 v44, v31;
	v42 =	vld [tilespmem:s25+$0xE0];
	[tilespmem:s23+$0x160] =	vst v34  }
0x20d: {  	v47 =	vbroadcast v14, $0x6;
	v44 =	vbroadcast v19, $0x6;
	v48 =	vld [tilespmem:s25+$0x170];
	[tilespmem:s23+$0x1F0] =	vst v37  }
0x20e: {  	v49 =	vbroadcast v15, $0x6;
	[tilespmem:s23+$0xFFFFFD80] =	vst v38;
	v35 =	vmul.f32 v35, v45;
	v38 =	vld [tilespmem:s25+$0x200]  }
0x20f: {  	v50 =	vbroadcast v13, $0x6;
	v45 =	vld [tilespmem:s25+$0xFFFFFD90];
	[tilespmem:s23+$0xFFFFFE10] =	vst v39;
	v33 =	vmul.f32 v40, v33  }
0x210: {  	v34 =	vbroadcast v16, $0x6;
	v51 =	vld [tilespmem:s25+$0xFFFFFE20];
	[tilespmem:s23+$0xFFFFFEA0] =	vst v31;
	v31 =	vmul.f32 v41, v36  }
0x211: {  	v52 =	vld [tilespmem:s25+$0xFFFFFEB0];
	[tilespmem:s23+$0xFFFFFF30] =	vst v35;
	v35 =	vbroadcast v17, $0x6;
	v41 =	vmul.f32 v42, v43  }
0x212: {  	v36 =	vbroadcast v18, $0x6;
	v43 =	vld [tilespmem:s25+$0xFFFFFF40];
	[tilespmem:s23+$0xFFFFFFC0] =	vst v33;
	v42 =	vmul.f32 v48, v46  }
.Ltmp3:
0x213: {  	v37 =	vbroadcast v20, $0x6;
	v39 =	vld [tilespmem:s25+$0xFFFFFFD0];
	[tilespmem:s23+$0x50] =	vst v31;
	v32 =	vmul.f32 v38, v32;
	(pc) =	sbr.rel @p1 .LBB2_5-.Ltmp3, $4  }
0x214: {  	v38 =	vbroadcast v21, $0x6;
	v46 =	vmul.f32 v45, v44;
	v40 =	vld [tilespmem:s25+$0x60];
	[tilespmem:s23+$0xE0] =	vst v41  }
0x215: {  	v33 =	vbroadcast v19, $0x7;
	v44 =	vmul.f32 v51, v47;
	v41 =	vld [tilespmem:s25+$0xF0];
	[tilespmem:s23+$0x170] =	vst v42  }
0x216: {  	v31 =	vbroadcast v14, $0x7;
	v45 =	vmul.f32 v52, v49;
	v42 =	vld [tilespmem:s25+$0x180];
	[tilespmem:s23+$0x200] =	vst v32  }
0x217: {  	v32 =	vbroadcast v15, $0x7;
	s25 =	sadd.s32 $0x5A0, s25;
	[tilespmem:s23+$0xFFFFFD90] =	vst v46;
	v46 =	vmul.f32 v43, v50;
	v43 =	vld [tilespmem:s21+$0x210]  }
0x218: {  	[tilespmem:s23+$0xFFFFFE20] =	vst v44  }
0x219: {  	[tilespmem:s23+$0xFFFFFEB0] =	vst v45  }
0x21a: {  	[tilespmem:s15+$0x1A0] =	vst v1  }
0x21b: {  	[tilespmem:s15+$0x230] =	vst v2  }
0x21c: {  	[tilespmem:s23+$0x2C0] =	vst v12  }
0x21d: {  	v1 =	vld [tilespmem:s21+$0xFFFFFDA0];
	[tilespmem:s23+$0xFFFFFDB0] =	vst v19  }
0x21e: {  	v34 =	vmul.f32 v39, v34;
	[tilespmem:s23+$0xFFFFFF40] =	vst v46  }
0x21f: {  	v3 =	vmul.f32 v22, v3;
	v2 =	vld [tilespmem:s21+$0xFFFFFE30];
	[tilespmem:s23+$0xFFFFFE40] =	vst v14  }
0x220: {  	v7 =	vmul.f32 v23, v7;
	[tilespmem:s23+$0xFFFFFFD0] =	vst v34  }
0x221: {  	v8 =	vmul.f32 v24, v8;
	[tilespmem:s15+$0xFFFFFDA0] =	vst v3  }
0x222: {  	v35 =	vmul.f32 v40, v35;
	[tilespmem:s15+$0xFFFFFE30] =	vst v7  }
0x223: {  	v36 =	vmul.f32 v41, v36;
	[tilespmem:s15+$0xFFFFFEC0] =	vst v8  }
0x224: {  	v3 =	vmul.f32 v25, v4;
	[tilespmem:s23+$0x60] =	vst v35  }
0x225: {  	v4 =	vmul.f32 v26, v5;
	[tilespmem:s23+$0xF0] =	vst v36  }
0x226: {  	v5 =	vmul.f32 v27, v6;
	[tilespmem:s15+$0xFFFFFF50] =	vst v3  }
0x227: {  	[tilespmem:s15+$0xFFFFFFE0] =	vst v4  }
0x228: {  	v45 =	vmul.f32 v42, v37;
	[tilespmem:s15+$0x70] =	vst v5  }
0x229: {  	v6 =	vld [tilespmem:s21+$0x70];
	[tilespmem:s23+$0x80] =	vst v17  }
0x22a: {  	v46 =	vmul.f32 v43, v38;
	[tilespmem:s23+$0x180] =	vst v45  }
0x22b: {  	v3 =	vmul.f32 v28, v9;
	v7 =	vld [tilespmem:s21+$0x100];
	[tilespmem:s23+$0x110] =	vst v18  }
0x22c: {  	v4 =	vmul.f32 v29, v10;
	[tilespmem:s23+$0x210] =	vst v46  }
0x22d: {  	v5 =	vmul.f32 v30, v11;
	[tilespmem:s15+$0x100] =	vst v3  }
0x22e: {  	[tilespmem:s15+$0x190] =	vst v4  }
0x22f: {  	[tilespmem:s15+$0x220] =	vst v5  }
0x230: {  	v3 =	vld [tilespmem:s21+$0xFFFFFEC0];
	[tilespmem:s23+$0xFFFFFED0] =	vst v15  }
0x231: {  	v1 =	vmul.f32 v1, v33;
	v4 =	vld [tilespmem:s21+$0xFFFFFF50];
	[tilespmem:s23+$0xFFFFFF60] =	vst v13  }
0x232: {  	v5 =	vld [tilespmem:s21+$0xFFFFFFE0];
	[tilespmem:s23+$0xFFFFFFF0] =	vst v16  }
0x233: {  	[tilespmem:s23+$0xFFFFFDA0] =	vst v1;
	v1 =	vbroadcast v17, $0x7  }
0x234: {  	v2 =	vmul.f32 v2, v31;
	v10 =	vld [tilespmem:s21+$0x190];
	[tilespmem:s23+$0x1A0] =	vst v20  }
0x235: {  	v8 =	vbroadcast v13, $0x7;
	v11 =	vld [tilespmem:s21+$0x220];
	[tilespmem:s23+$0x230] =	vst v21;
	v1 =	vmul.f32 v6, v1  }
0x236: {  	[tilespmem:s23+$0xFFFFFE30] =	vst v2;
	v2 =	vbroadcast v18, $0x7;
	v3 =	vmul.f32 v3, v32  }
0x237: {  	v9 =	vbroadcast v16, $0x7;
	v4 =	vmul.f32 v4, v8;
	[tilespmem:s23+$0x70] =	vst v1  }
0x238: {  	v2 =	vmul.f32 v7, v2;
	[tilespmem:s23+$0xFFFFFEC0] =	vst v3;
	v3 =	vbroadcast v20, $0x7  }
0x239: {  	v5 =	vmul.f32 v5, v9;
	[tilespmem:s23+$0xFFFFFF50] =	vst v4;
	v4 =	vbroadcast v21, $0x7  }
0x23a: {  	s24 =	smul.u32 $0x140, s10;
	[tilespmem:s23+$0x100] =	vst v2;
	v3 =	vmul.f32 v10, v3  }
0x23b: {  	[tilespmem:s23+$0xFFFFFFE0] =	vst v5;
	v1 =	vmul.f32 v11, v4  }
0x23c: {  	p1 =	seq.s32 s10, $0x7C;
	s15 =	sshra.s32 s24, $0x2;
	[tilespmem:s23+$0x190] =	vst v3  }
0x23d: {  	s22 =	smul.u32 @!p1 $0x50, s10;
	s25 =	sadd.s32 $0x2710, s15;
	[tilespmem:s23+$0x220] =	vst v1  }
0x23e: {  	[spmem:s19] =	stream.indirect.scatter.add.f32 [tilespmem:s13], [sflag:$0x3], $0x90, s25, s16, $0xb8;
	[tilespmem:$0x1F630] =	vst v63  }
0x23f: {  	s24 =	simm.s32 @!p1 $0x4E20;
	s21 =	sadd.s32 @!p1 $0x2760, s22;
	s23 =	simm.s32 @!p1 $0x28  }
0x240: {  	[tilespmem:s24], [sflag:$0x1] =	stream.indirect.gather @!p1 [hbm4b:s11+s23], $0x10, s21, s23, $0xb8;
	[tilespmem:$0x1F630] =	vst v63  }
0x241: {  	s21 =	sadd.s32 @!p1 $0x50, s22;
	s22 =	simm.s32 @!p1 $0x50A0  }
0x242: {  	[tilespmem:s22], [sflag:$0x1] =	stream.indirect.gather @!p1 [hbm4b:s0+s23], $0x90, s21, s23, $0xb8;
	[tilespmem:$0x1F630] =	vst v63  }
0x243: {  	_ =	swait.ge [sflag:s9], $0x280  }
0x244: {  	[sflag:s9] =	ssyncset.done $0x0  }
0x245: {  	[sflag:s9] =	ssyncadd.s32 $0xFFFFFD80  }
0x246: {  	_ =	swait.ge [sflag:s9], $0x1680  }
0x247: {  	[sflag:s9] =	ssyncset.done $0x0  }
0x248: {  	[sflag:s9] =	ssyncadd.s32 $0xFFFFE980  }
0x249: {  	_ =	swait.ge [sflag:s8], $0x1680  }
0x24a: {  	[sflag:s8] =	ssyncset.done $0x0  }
0x24b: {  	s25 =	simm.s32 $0x6C70;
	[sflag:s8] =	ssyncadd.s32 $0xFFFFE980  }
0x24c: {  	s26 =	simm.s32 $0x6770;
	v1 =	vld [tilespmem:s25+$0x2C0]  }
0x24d: {  	v2 =	vld [tilespmem:s26+$0x40]  }
0x24e: {  	v3 =	vld [tilespmem:s26+$0xFFFFFFB0]  }
0x24f: {  	v4 =	vld [tilespmem:s25+$0xFFFFFE40]  }
0x250: {  	v5 =	vld [tilespmem:s26+$0xFFFFFFC0]  }
0x251: {  	v6 =	vld [tilespmem:s25+$0xFFFFFED0]  }
0x252: {  	v7 =	vld [tilespmem:s26+$0xFFFFFFD0];
	v1 =	vadd.f32 v2, v1  }
0x253: {  	v8 =	vld [tilespmem:s26+$0xFFFFFFE0]  }
0x254: {  	v10 =	vld [tilespmem:s25+$0xFFFFFFF0];
	v9 =	vmul.f32 $2.000000030e-01, v1  }
0x255: {  	v2 =	vld [tilespmem:s25+$0xFFFFFF60]  }
0x256: {  	v11 =	vld [tilespmem:s26+$0xFFFFFFF0];
	v1 =	vmax.f32 v1, v9  }
0x257: {  	v4 =	vadd.f32 v5, v4;
	v5 =	vld [tilespmem:s26+$0x0];
	v1 =	vmul.f32 $1.442695020e+00, v1  }
0x258: {  	v6 =	vadd.f32 v7, v6;
	v9 =	vld [tilespmem:s25+$0x80]  }
0x259: {  	v13 =	vld [tilespmem:s25+$0x1A0];
	(erf) = vpow2.f32 v1  }
0x25a: {  	v7 =	vld [tilespmem:s25+$0x110];
	v12 =	vmul.f32 $2.000000030e-01, v6;
	v2 =	vadd.f32 v8, v2;
	v1 =	vmul.f32 $2.000000030e-01, v4  }
0x25b: {  	v10 =	vadd.f32 v11, v10;
	v8 =	vld [tilespmem:s26+$0x10]  }
0x25c: {  	v11 =	vld [tilespmem:s26+$0x20];
	v6 =	vmax.f32 v6, v12;
	v1 =	vmax.f32 v4, v1;
	v4 =	vmul.f32 $2.000000030e-01, v2  }
0x25d: {  	v12 =	vld [tilespmem:s26+$0x30];
	v6 =	vmul.f32 $1.442695020e+00, v6;
	v5 =	vadd.f32 v5, v9  }
0x25e: {  	v9 =	vld [tilespmem:s25+$0x230];
	v1 =	vmul.f32 $1.442695020e+00, v1;
	v2 =	vmax.f32 v2, v4;
	v4 =	vmul.f32 $2.000000030e-01, v10  }
0x25f: {  	v14 =	vld [tilespmem:s25+$0xFFFFFDB0];
	v15 =	vmul.f32 $2.000000030e-01, v5;
	v2 =	vmul.f32 $1.442695020e+00, v2  }
0x260: {  	s23 =	simm.s32 $0x6810;
	(erf) = vpow2.f32 v1;
	v1 =	vmax.f32 v10, v4;
	v4 =	vadd.f32 v8, v7;
	v7 =	vld [tilespmem:s25+$0x240]  }
0x261: {  	s22 =	simm.s32 $0x7210;
	v30 =	vld [tilespmem:s23+$0xFFFFFFB0];
	(erf) = vpow2.f32 v6;
	v5 =	vmax.f32 v5, v15;
	v1 =	vmul.f32 $1.442695020e+00, v1  }
0x262: {  	v48 =	vld [tilespmem:s22+$0xFFFFFE40];
	v8 =	vadd.f32 v11, v13;
	v5 =	vmul.f32 $1.442695020e+00, v5;
	v6 =	vmul.f32 $2.000000030e-01, v4;
	v13 =	vpop (erf)  }
0x263: {  	v49 =	vld [tilespmem:s23+$0xFFFFFFC0];
	(erf) = vpow2.f32 v2;
	v2 =	vadd.f32 v12, v9;
	v9 =	vbroadcast v13, $0x0  }
0x264: {  	v50 =	vld [tilespmem:s22+$0xFFFFFED0];
	v3 =	vadd.f32 v3, v14;
	v10 =	vmul.f32 $2.000000030e-01, v8;
	(erf) = vpow2.f32 v1  }
0x265: {  	v51 =	vld [tilespmem:s23+$0xFFFFFFD0];
	v1 =	vmax.f32 v4, v6;
	v4 =	vmul.f32 $2.000000030e-01, v2;
	v6 =	vmul.f32 v9, v7  }
0x266: {  	s21 =	simm.s32 $0x82F0;
	v53 =	vld [tilespmem:s22+$0xFFFFFF60];
	v1 =	vmul.f32 $1.442695020e+00, v1;
	v7 =	vmax.f32 v8, v10;
	v8 =	vmul.f32 $2.000000030e-01, v3  }
0x267: {  	v54 =	vld [tilespmem:s23+$0xFFFFFFE0];
	(erf) = vpow2.f32 v5;
	v7 =	vmul.f32 $1.442695020e+00, v7;
	v2 =	vmax.f32 v2, v4;
	[tilespmem:s21+$0x240] =	vst v6  }
0x268: {  	(erf) = vpow2.f32 v1;
	v3 =	vmax.f32 v3, v8;
	v2 =	vmul.f32 $1.442695020e+00, v2;
	v4 =	vld [tilespmem:s25+$0x250]  }
0x269: {  	v55 =	vld [tilespmem:s22+$0xFFFFFFF0];
	v1 =	vmul.f32 $1.442695020e+00, v3;
	(erf) = vpow2.f32 v7  }
0x26a: {  	(erf) = vpow2.f32 v2;
	v2 =	vld [tilespmem:s25+$0xFFFFFDC0]  }
0x26b: {  	v57 =	vld [tilespmem:s23+$0x0];
	v5 =	vbroadcast v13, $0x1;
	(erf) = vpow2.f32 v1  }
0x26c: {  	v59 =	vld [tilespmem:s22+$0x110];
	v16 =	vpop (erf)  }
0x26d: {  	v18 =	vpop (erf);
	v8 =	vbroadcast v16, $0x0;
	v1 =	vld [tilespmem:s25+$0xFFFFFE50];
	v4 =	vmul.f32 v5, v4  }
0x26e: {  	v6 =	vld [tilespmem:s25+$0xFFFFFEE0];
	v17 =	vpop (erf)  }
0x26f: {  	v27 =	vpop (erf);
	v5 =	vld [tilespmem:s25+$0xFFFFFF70];
	v2 =	vmul.f32 v8, v2;
	[tilespmem:s21+$0x250] =	vst v4  }
0x270: {  	v28 =	vpop (erf);
	v4 =	vbroadcast v18, $0x0;
	v9 =	vld [tilespmem:s25+$0x260]  }
0x271: {  	v7 =	vld [tilespmem:s25+$0x0];
	v11 =	vbroadcast v17, $0x0;
	v29 =	vpop (erf)  }
0x272: {  	v3 =	vld [tilespmem:s25+$0xFFFFFD30];
	v12 =	vbroadcast v27, $0x0;
	v4 =	vmul.f32 v4, v1;
	v1 =	vpop (erf)  }
0x273: {  	v8 =	vld [tilespmem:s25+$0x120];
	v6 =	vmul.f32 v11, v6;
	v11 =	vbroadcast v13, $0x2;
	[tilespmem:s21+$0xFFFFFDC0] =	vst v2;
	v2 =	vpop (erf)  }
0x274: {  	v10 =	vld [tilespmem:s25+$0x90];
	v5 =	vmul.f32 v12, v5;
	[tilespmem:s21+$0xFFFFFE50] =	vst v4;
	v4 =	vbroadcast v28, $0x0;
	v19 =	vpop (erf)  }
0x275: {  	v14 =	vld [tilespmem:s25+$0x1B0];
	[tilespmem:s21+$0xFFFFFEE0] =	vst v6;
	v6 =	vbroadcast v19, $0x0;
	v9 =	vmul.f32 v11, v9  }
0x276: {  	v12 =	vld [tilespmem:s25+$0xFFFFFDD0];
	[tilespmem:s21+$0xFFFFFF70] =	vst v5;
	v5 =	vbroadcast v1, $0x0;
	v4 =	vmul.f32 v4, v7  }
0x277: {  	v15 =	vld [tilespmem:s25+$0xFFFFFE60];
	v11 =	vbroadcast v29, $0x0;
	v3 =	vmul.f32 v6, v3;
	[tilespmem:s21+$0x260] =	vst v9  }
0x278: {  	v20 =	vld [tilespmem:s25+$0xFFFFFEF0];
	v6 =	vbroadcast v2, $0x0;
	v5 =	vmul.f32 v5, v8;
	[tilespmem:s21+$0x0] =	vst v4  }
0x279: {  	v4 =	vmul.f32 v11, v10;
	v10 =	vbroadcast v16, $0x1;
	v9 =	vld [tilespmem:s25+$0x270];
	[tilespmem:s21+$0xFFFFFD30] =	vst v3  }
0x27a: {  	v7 =	vld [tilespmem:s25+$0xFFFFFF80];
	v3 =	vbroadcast v18, $0x1;
	v6 =	vmul.f32 v6, v14;
	[tilespmem:s21+$0x120] =	vst v5  }
0x27b: {  	[tilespmem:s21+$0x90] =	vst v4;
	v4 =	vld [tilespmem:s25+$0xFFFFFD40];
	v10 =	vmul.f32 v10, v12;
	v12 =	vbroadcast v17, $0x1  }
0x27c: {  	v8 =	vld [tilespmem:s25+$0x10];
	v5 =	vbroadcast v13, $0x3;
	v3 =	vmul.f32 v3, v15;
	[tilespmem:s21+$0x1B0] =	vst v6  }
0x27d: {  	v14 =	vld [tilespmem:s25+$0x130];
	[tilespmem:s21+$0xFFFFFDD0] =	vst v10;
	v12 =	vmul.f32 v12, v20  }
0x27e: {  	v11 =	vld [tilespmem:s25+$0xA0];
	v6 =	vbroadcast v19, $0x1;
	[tilespmem:s21+$0xFFFFFE60] =	vst v3;
	v5 =	vmul.f32 v9, v5  }
0x27f: {  	v10 =	vld [tilespmem:s25+$0x1C0];
	v3 =	vbroadcast v28, $0x1;
	v9 =	vbroadcast v27, $0x1;
	[tilespmem:s21+$0xFFFFFEF0] =	vst v12  }
0x280: {  	v15 =	vld [tilespmem:s25+$0xFFFFFDE0];
	v12 =	vbroadcast v16, $0x2;
	v4 =	vmul.f32 v6, v4;
	[tilespmem:s21+$0x270] =	vst v5  }
0x281: {  	v5 =	vbroadcast v29, $0x1;
	v6 =	vmul.f32 v9, v7;
	v7 =	vld [tilespmem:s25+$0x280]  }
0x282: {  	v3 =	vmul.f32 v3, v8;
	v8 =	vld [tilespmem:s25+$0xFFFFFF00];
	[tilespmem:s21+$0xFFFFFD40] =	vst v4;
	v4 =	vbroadcast v2, $0x1  }
0x283: {  	v9 =	vbroadcast v1, $0x1;
	v5 =	vmul.f32 v5, v11;
	[tilespmem:s21+$0xFFFFFF80] =	vst v6;
	v6 =	vld [tilespmem:s25+$0xFFFFFD50]  }
0x284: {  	v20 =	vld [tilespmem:s25+$0xFFFFFE70];
	[tilespmem:s21+$0x10] =	vst v3;
	v3 =	vbroadcast v13, $0x4;
	v4 =	vmul.f32 v4, v10  }
0x285: {  	v62 =	vld [tilespmem:s23+$0x10];
	v9 =	vmul.f32 v9, v14;
	[tilespmem:s21+$0xA0] =	vst v5;
	v5 =	vbroadcast v19, $0x2  }
0x286: {  	v11 =	vld [tilespmem:s25+$0xFFFFFF90];
	[tilespmem:s21+$0x1C0] =	vst v4;
	v4 =	vbroadcast v17, $0x2;
	v3 =	vmul.f32 v7, v3  }
0x287: {  	v10 =	vld [tilespmem:s25+$0x20];
	[tilespmem:s21+$0x130] =	vst v9;
	v9 =	vmul.f32 v12, v15;
	v7 =	vbroadcast v18, $0x2  }
0x288: {  	v56 =	vadd.f32 v49, v48;
	v14 =	vld [tilespmem:s25+$0xB0];
	v5 =	vmul.f32 v5, v6;
	v4 =	vmul.f32 v4, v8;
	[tilespmem:s21+$0x280] =	vst v3  }
0x289: {  	[tilespmem:s21+$0xFFFFFDE0] =	vst v9;
	v3 =	vbroadcast v27, $0x2;
	v6 =	vmul.f32 v7, v20;
	v7 =	vld [tilespmem:s25+$0x290]  }
0x28a: {  	v60 =	vmul.f32 $2.000000030e-01, v56;
	v12 =	vld [tilespmem:s25+$0x140];
	v9 =	vbroadcast v28, $0x2;
	[tilespmem:s21+$0xFFFFFD50] =	vst v5  }
0x28b: {  	v15 =	vld [tilespmem:s25+$0x1D0];
	v8 =	vbroadcast v29, $0x2;
	[tilespmem:s21+$0xFFFFFF00] =	vst v4;
	v3 =	vmul.f32 v3, v11  }
0x28c: {  	v5 =	vld [tilespmem:s25+$0xFFFFFDF0];
	v4 =	vbroadcast v13, $0x5;
	[tilespmem:s21+$0xFFFFFE70] =	vst v6;
	v6 =	vmul.f32 v9, v10  }
0x28d: {  	v11 =	vld [tilespmem:s25+$0xFFFFFD60];
	v10 =	vbroadcast v1, $0x2;
	v8 =	vmul.f32 v8, v14;
	[tilespmem:s21+$0xFFFFFF90] =	vst v3  }
0x28e: {  	v9 =	vld [tilespmem:s25+$0xFFFFFE80];
	v3 =	vbroadcast v2, $0x2;
	[tilespmem:s21+$0x20] =	vst v6;
	v4 =	vmul.f32 v7, v4  }
0x28f: {  	v14 =	vld [tilespmem:s25+$0xFFFFFF10];
	[tilespmem:s21+$0xB0] =	vst v8;
	v8 =	vbroadcast v16, $0x3;
	v7 =	vmul.f32 v10, v12  }
0x290: {  	v6 =	vbroadcast v19, $0x3;
	v20 =	vld [tilespmem:s25+$0xFFFFFFA0];
	v3 =	vmul.f32 v3, v15;
	[tilespmem:s21+$0x290] =	vst v4  }
0x291: {  	v10 =	vld [tilespmem:s25+$0x30];
	v5 =	vmul.f32 v5, v8;
	v4 =	vbroadcast v18, $0x3;
	[tilespmem:s21+$0x140] =	vst v7  }
0x292: {  	v58 =	vadd.f32 v51, v50;
	v12 =	vld [tilespmem:s25+$0xC0];
	v6 =	vmul.f32 v11, v6;
	v11 =	vbroadcast v17, $0x3;
	[tilespmem:s21+$0x1D0] =	vst v3  }
0x293: {  	v3 =	vbroadcast v27, $0x3;
	[tilespmem:s21+$0xFFFFFDF0] =	vst v5;
	v7 =	vld [tilespmem:s25+$0x2A0];
	v4 =	vmul.f32 v9, v4  }
0x294: {  	v63 =	vmul.f32 $2.000000030e-01, v58;
	v8 =	vld [tilespmem:s25+$0x150];
	[tilespmem:s21+$0xFFFFFD60] =	vst v6;
	v9 =	vmul.f32 v14, v11  }
0x295: {  	v6 =	vld [tilespmem:s25+$0x1E0];
	v14 =	vbroadcast v28, $0x3;
	v3 =	vmul.f32 v20, v3;
	[tilespmem:s21+$0xFFFFFE80] =	vst v4  }
0x296: {  	v5 =	vbroadcast v13, $0x6;
	v15 =	vld [tilespmem:s25+$0xFFFFFE00];
	v4 =	vbroadcast v29, $0x3;
	[tilespmem:s21+$0xFFFFFF10] =	vst v9  }
0x297: {  	v11 =	vld [tilespmem:s25+$0xFFFFFD70];
	v9 =	vmul.f32 v10, v14;
	[tilespmem:s21+$0xFFFFFFA0] =	vst v3;
	v3 =	vbroadcast v2, $0x3  }
0x298: {  	v20 =	vld [tilespmem:s25+$0xFFFFFE90];
	v5 =	vmul.f32 v7, v5;
	v7 =	vbroadcast v1, $0x3  }
0x299: {  	v10 =	vld [tilespmem:s25+$0xFFFFFF20];
	v4 =	vmul.f32 v12, v4;
	[tilespmem:s21+$0x30] =	vst v9;
	v9 =	vbroadcast v16, $0x4  }
0x29a: {  	v12 =	vld [tilespmem:s25+$0xFFFFFFB0];
	v3 =	vmul.f32 v6, v3;
	[tilespmem:s21+$0x2A0] =	vst v5;
	v5 =	vbroadcast v19, $0x4  }
0x29b: {  	v6 =	vld [tilespmem:s25+$0x40];
	v7 =	vmul.f32 v8, v7;
	[tilespmem:s21+$0xC0] =	vst v4;
	v4 =	vbroadcast v18, $0x4  }
0x29c: {  	v45 =	vld [tilespmem:s22+$0x1A0];
	v9 =	vmul.f32 v15, v9;
	[tilespmem:s21+$0x1E0] =	vst v3;
	v3 =	vbroadcast v27, $0x4  }
0x29d: {  	v5 =	vmul.f32 v11, v5;
	v11 =	vld [tilespmem:s25+$0xD0];
	[tilespmem:s21+$0x150] =	vst v7;
	v7 =	vbroadcast v17, $0x4  }
0x29e: {  	v15 =	vbroadcast v28, $0x4;
	v4 =	vmul.f32 v20, v4;
	[tilespmem:s21+$0xFFFFFE00] =	vst v9;
	v14 =	vld [tilespmem:s25+$0x160]  }
0x29f: {  	v61 =	vadd.f32 v54, v53;
	v3 =	vmul.f32 v12, v3;
	v12 =	vld [tilespmem:s25+$0xFFFFFE10];
	[tilespmem:s21+$0xFFFFFD70] =	vst v5;
	v7 =	vmul.f32 v10, v7  }
0x2a0: {  	v9 =	vbroadcast v29, $0x4;
	v5 =	vld [tilespmem:s25+$0x1F0];
	[tilespmem:s21+$0xFFFFFE90] =	vst v4;
	v6 =	vmul.f32 v6, v15  }
0x2a1: {  	v46 =	vmul.f32 $2.000000030e-01, v61;
	v4 =	vbroadcast v1, $0x4;
	v10 =	vld [tilespmem:s25+$0xFFFFFD80];
	[tilespmem:s21+$0xFFFFFF20] =	vst v7  }
0x2a2: {  	v15 =	vld [tilespmem:s25+$0xFFFFFEA0];
	[tilespmem:s21+$0x40] =	vst v6;
	v6 =	vbroadcast v16, $0x5;
	v9 =	vmul.f32 v11, v9  }
0x2a3: {  	[tilespmem:s21+$0xFFFFFFB0] =	vst v3;
	v7 =	vbroadcast v2, $0x4;
	v11 =	vld [tilespmem:s25+$0xFFFFFF30];
	v4 =	vmul.f32 v14, v4  }
0x2a4: {  	v3 =	vbroadcast v19, $0x5;
	v14 =	vld [tilespmem:s25+$0xFFFFFFC0];
	v6 =	vmul.f32 v12, v6;
	[tilespmem:s21+$0xD0] =	vst v9  }
0x2a5: {  	v5 =	vmul.f32 v5, v7;
	v7 =	vld [tilespmem:s25+$0x50];
	v9 =	vbroadcast v18, $0x5;
	[tilespmem:s21+$0x160] =	vst v4  }
0x2a6: {  	v8 =	vld [tilespmem:s25+$0x2B0];
	v3 =	vmul.f32 v10, v3;
	v4 =	vbroadcast v17, $0x5;
	[tilespmem:s21+$0xFFFFFE10] =	vst v6  }
0x2a7: {  	v12 =	vld [tilespmem:s25+$0x170];
	[tilespmem:s21+$0x1F0] =	vst v5;
	v5 =	vbroadcast v27, $0x5;
	v9 =	vmul.f32 v15, v9  }
0x2a8: {  	v32 =	vmax.f32 v56, v60;
	v15 =	vbroadcast v28, $0x5;
	[tilespmem:s21+$0xFFFFFD80] =	vst v3;
	v3 =	vld [tilespmem:s25+$0x200];
	v4 =	vmul.f32 v11, v4  }
0x2a9: {  	v32 =	vmul.f32 $1.442695020e+00, v32;
	v10 =	vld [tilespmem:s25+$0xE0];
	v5 =	vmul.f32 v14, v5;
	[tilespmem:s21+$0xFFFFFEA0] =	vst v9  }
0x2aa: {  	v35 =	vmax.f32 v58, v63;
	v11 =	vld [tilespmem:s25+$0xFFFFFD90];
	v9 =	vbroadcast v1, $0x5;
	v7 =	vmul.f32 v7, v15;
	[tilespmem:s21+$0xFFFFFF30] =	vst v4  }
0x2ab: {  	v35 =	vmul.f32 $1.442695020e+00, v35;
	v14 =	vld [tilespmem:s25+$0xFFFFFE20];
	v4 =	vbroadcast v2, $0x5;
	[tilespmem:s21+$0xFFFFFFC0] =	vst v5  }
0x2ac: {  	v6 =	vbroadcast v29, $0x5;
	v15 =	vld [tilespmem:s25+$0xFFFFFEB0];
	v5 =	vmul.f32 v12, v9;
	[tilespmem:s21+$0x50] =	vst v7  }
0x2ad: {  	v3 =	vmul.f32 v3, v4;
	v12 =	vld [tilespmem:s25+$0x60];
	v4 =	vbroadcast v13, $0x7  }
0x2ae: {  	v24 =	vbroadcast v17, $0x6;
	v6 =	vmul.f32 v10, v6;
	[tilespmem:s21+$0x170] =	vst v5;
	v5 =	vld [tilespmem:s22+$0x2C0]  }
0x2af: {  	v25 =	vbroadcast v27, $0x6;
	v22 =	vmul.f32 v8, v4;
	v8 =	vld [tilespmem:s23+$0x40]  }
0x2b0: {  	v26 =	vbroadcast v28, $0x6;
	v31 =	vbroadcast v29, $0x6;
	v10 =	vld [tilespmem:s25+$0xFFFFFF40];
	[tilespmem:s21+$0xE0] =	vst v6  }
0x2b1: {  	v47 =	vbroadcast v1, $0x6;
	v6 =	vbroadcast v18, $0x6;
	v20 =	vld [tilespmem:s25+$0xF0]  }
0x2b2: {  	v9 =	vld [tilespmem:s25+$0xFFFFFFD0];
	v7 =	vbroadcast v16, $0x7;
	[tilespmem:s21+$0x200] =	vst v3;
	v3 =	vbroadcast v19, $0x6  }
0x2b3: {  	v21 =	vld [tilespmem:s25+$0x180];
	v4 =	vbroadcast v16, $0x6;
	v15 =	vmul.f32 v15, v6  }
0x2b4: {  	v6 =	vbroadcast v28, $0x7;
	v26 =	vmul.f32 v12, v26;
	v12 =	vld [tilespmem:s23+$0xFFFFFFF0];
	v52 =	vadd.f32 v8, v5  }
0x2b5: {  	v48 =	vld [tilespmem:s22+$0x230];
	v24 =	vmul.f32 v10, v24;
	v34 =	vmul.f32 v11, v3  }
0x2b6: {  	v20 =	vmul.f32 v20, v31;
	v31 =	vld [tilespmem:s22+$0x80];
	v10 =	vmul.f32 $2.000000030e-01, v52  }
0x2b7: {  	v51 =	vld [tilespmem:s22+$0xFFFFFDB0];
	v37 =	vmax.f32 v61, v46;
	v11 =	vbroadcast v2, $0x6;
	v3 =	vbroadcast v19, $0x7  }
0x2b8: {  	v50 =	vld [tilespmem:s23+$0x30];
	v14 =	vmul.f32 v14, v4;
	v25 =	vmul.f32 v9, v25;
	v9 =	vmax.f32 v52, v10  }
0x2b9: {  	v21 =	vmul.f32 v21, v47;
	v47 =	vld [tilespmem:s23+$0x20];
	v12 =	vadd.f32 v12, v55;
	v38 =	vmul.f32 $1.442695020e+00, v9  }
0x2ba: {  	v53 =	vadd.f32 v62, v59;
	v23 =	vld [tilespmem:s25+$0x210];
	v4 =	vbroadcast v17, $0x7;
	[tilespmem:s21+$0x2B0] =	vst v22;
	v22 =	vmul.f32 $1.442695020e+00, v37  }
0x2bb: {  	v31 =	vadd.f32 v57, v31;
	v49 =	vmul.f32 $2.000000030e-01, v12;
	(erf) = vpow2.f32 v38  }
0x2bc: {  	v30 =	vadd.f32 v30, v51;
	[tilespmem:s21+$0xFFFFFEB0] =	vst v15;
	v15 =	vmul.f32 $2.000000030e-01, v53;
	v8 =	vbroadcast v18, $0x7  }
0x2bd: {  	v52 =	vmul.f32 $2.000000030e-01, v31;
	v12 =	vmax.f32 v12, v49;
	(erf) = vpow2.f32 v32  }
0x2be: {  	[tilespmem:s21+$0xFFFFFE20] =	vst v14;
	v55 =	vadd.f32 v47, v45;
	v14 =	vmul.f32 $1.442695020e+00, v12;
	(erf) = vpow2.f32 v35  }
0x2bf: {  	v54 =	vld [tilespmem:s22+$0x240];
	[tilespmem:s21+$0xFFFFFF40] =	vst v24;
	v24 =	vadd.f32 v50, v48;
	v23 =	vmul.f32 v23, v11;
	(erf) = vpow2.f32 v22  }
0x2c0: {  	v59 =	vld [tilespmem:s22+$0xFFFFFF70];
	[tilespmem:s21+$0xFFFFFFD0] =	vst v25;
	v25 =	vmul.f32 $2.000000030e-01, v55;
	v31 =	vmax.f32 v31, v52;
	(erf) = vpow2.f32 v14  }
0x2c1: {  	v62 =	vld [tilespmem:s22+$0x1B0];
	[tilespmem:s21+$0x2C0] =	vst v13;
	v22 =	vmul.f32 $1.442695020e+00, v31;
	v14 =	vmax.f32 v53, v15;
	v15 =	vmul.f32 $2.000000030e-01, v24  }
0x2c2: {  	v56 =	vld [tilespmem:s22+$0xFFFFFDC0];
	[tilespmem:s21+$0xF0] =	vst v20;
	v20 =	vmax.f32 v55, v25;
	v25 =	vmul.f32 $2.000000030e-01, v30;
	v14 =	vmul.f32 $1.442695020e+00, v14  }
0x2c3: {  	v58 =	vld [tilespmem:s22+$0xFFFFFEE0];
	[tilespmem:s21+$0xFFFFFD90] =	vst v34;
	v20 =	vmul.f32 $1.442695020e+00, v20;
	(erf) = vpow2.f32 v22;
	v15 =	vmax.f32 v24, v15  }
0x2c4: {  	v60 =	vld [tilespmem:s22+$0x0];
	[tilespmem:s21+$0x60] =	vst v26;
	v22 =	vmul.f32 $1.442695020e+00, v15;
	(erf) = vpow2.f32 v14;
	v12 =	vpop (erf)  }
0x2c5: {  	[tilespmem:s21+$0x180] =	vst v21;
	v31 =	vld [tilespmem:s22+$0xFFFFFE50];
	v21 =	vmax.f32 v30, v25;
	(erf) = vpow2.f32 v20;
	v57 =	vbroadcast v12, $0x0  }
0x2c6: {  	v61 =	vld [tilespmem:s22+$0x90];
	[tilespmem:s21+$0x210] =	vst v23;
	v21 =	vmul.f32 $1.442695020e+00, v21;
	v14 =	vpop (erf);
	(erf) = vpow2.f32 v22  }
0x2c7: {  	v23 =	vld [tilespmem:s25+$0xFFFFFE30];
	[tilespmem:s21+$0xFFFFFE40] =	vst v16;
	v15 =	vpop (erf);
	v20 =	vbroadcast v14, $0x0;
	v26 =	vmul.f32 v57, v54  }
0x2c8: {  	s24 =	simm.s32 $0x8890;
	v22 =	vld [tilespmem:s25+$0xFFFFFDA0];
	[tilespmem:s21+$0xFFFFFDB0] =	vst v19;
	(erf) = vpow2.f32 v21;
	v13 =	vpop (erf);
	v19 =	vbroadcast v15, $0x0  }
0x2c9: {  	v24 =	vld [tilespmem:s25+$0xFFFFFEC0];
	v21 =	vbroadcast v13, $0x0;
	v20 =	vmul.f32 v20, v56;
	v16 =	vpop (erf);
	[tilespmem:s24+$0x240] =	vst v26  }
0x2ca: {  	[tilespmem:s21+$0xFFFFFED0] =	vst v18;
	v18 =	vmul.f32 v19, v31;
	v19 =	vbroadcast v16, $0x0;
	v25 =	vld [tilespmem:s22+$0x250]  }
0x2cb: {  	v5 =	vbroadcast v27, $0x7;
	v35 =	vld [tilespmem:s22+$0xFFFFFD30];
	v21 =	vmul.f32 v21, v58;
	[tilespmem:s24+$0xFFFFFDC0] =	vst v20  }
0x2cc: {  	v11 =	vbroadcast v2, $0x7;
	v19 =	vmul.f32 v19, v59;
	v38 =	vld [tilespmem:s22+$0xFFFFFDD0];
	[tilespmem:s24+$0xFFFFFE50] =	vst v18  }
0x2cd: {  	v10 =	vbroadcast v1, $0x7;
	v26 =	vbroadcast v12, $0x1;
	v52 =	vld [tilespmem:s22+$0xFFFFFE60];
	[tilespmem:s24+$0xFFFFFEE0] =	vst v21  }
0x2ce: {  	v9 =	vbroadcast v29, $0x7;
	v37 =	vbroadcast v15, $0x1;
	v54 =	vld [tilespmem:s22+$0xFFFFFEF0];
	[tilespmem:s24+$0xFFFFFF70] =	vst v19  }
0x2cf: {  	v39 =	vbroadcast v13, $0x1;
	v47 =	vld [tilespmem:s22+$0xFFFFFF80];
	v26 =	vmul.f32 v26, v25  }
0x2d0: {  	v56 =	vbroadcast v12, $0x2;
	v31 =	vbroadcast v14, $0x1;
	v25 =	vld [tilespmem:s25+$0xFFFFFF50];
	[tilespmem:s21+$0xFFFFFF60] =	vst v17;
	v17 =	vpop (erf)  }
0x2d1: {  	v42 =	vbroadcast v16, $0x1;
	v51 =	vbroadcast v17, $0x0;
	v18 =	vpop (erf);
	[tilespmem:s24+$0x250] =	vst v26;
	v26 =	vld [tilespmem:s25+$0xFFFFFFE0]  }
0x2d2: {  	v31 =	vmul.f32 v31, v38;
	v53 =	vbroadcast v18, $0x0;
	v20 =	vpop (erf);
	[tilespmem:s21+$0xFFFFFFF0] =	vst v27;
	v27 =	vld [tilespmem:s25+$0x70]  }
0x2d3: {  	[tilespmem:s21+$0x80] =	vst v28;
	v49 =	vbroadcast v18, $0x1;
	v37 =	vmul.f32 v37, v52;
	v63 =	vld [tilespmem:s22+$0x260];
	v21 =	vpop (erf)  }
0x2d4: {  	v30 =	vld [tilespmem:s22+$0x120];
	v55 =	vbroadcast v20, $0x0;
	v33 =	vmul.f32 v51, v60;
	[tilespmem:s24+$0xFFFFFDD0] =	vst v31;
	v19 =	vpop (erf)  }
0x2d5: {  	v28 =	vld [tilespmem:s25+$0x100];
	v31 =	vmul.f32 v39, v54;
	[tilespmem:s24+$0xFFFFFE60] =	vst v37;
	v48 =	vbroadcast v19, $0x0  }
0x2d6: {  	v58 =	vmul.f32 v53, v61;
	v54 =	vmul.f32 v42, v47;
	v42 =	vld [tilespmem:s22+$0xFFFFFDE0];
	[tilespmem:s24+$0x0] =	vst v33  }
0x2d7: {  	v50 =	vbroadcast v20, $0x1;
	v37 =	vld [tilespmem:s22+$0xFFFFFE70];
	[tilespmem:s24+$0xFFFFFEF0] =	vst v31;
	v59 =	vmul.f32 v48, v35  }
0x2d8: {  	v46 =	vbroadcast v20, $0x3;
	v60 =	vld [tilespmem:s22+$0x10];
	[tilespmem:s24+$0x90] =	vst v58;
	v32 =	vmul.f32 v56, v63  }
0x2d9: {  	v57 =	vbroadcast v21, $0x0;
	v30 =	vmul.f32 v55, v30;
	v48 =	vld [tilespmem:s22+$0xA0];
	[tilespmem:s24+$0xFFFFFD30] =	vst v59  }
0x2da: {  	v53 =	vbroadcast v12, $0x3;
	v61 =	vbroadcast v19, $0x1;
	[tilespmem:s24+$0x260] =	vst v32;
	v51 =	vld [tilespmem:s22+$0xFFFFFD40]  }
0x2db: {  	v36 =	vmul.f32 v57, v62;
	v62 =	vbroadcast v17, $0x1;
	[tilespmem:s24+$0x120] =	vst v30;
	v63 =	vld [tilespmem:s22+$0x270]  }
0x2dc: {  	[tilespmem:s24+$0xFFFFFF80] =	vst v54;
	v58 =	vbroadcast v13, $0x2;
	v54 =	vbroadcast v20, $0x2;
	v52 =	vld [tilespmem:s22+$0x130]  }
0x2dd: {  	[tilespmem:s21+$0x110] =	vst v29;
	v40 =	vld [tilespmem:s22+$0xFFFFFF00];
	v30 =	vbroadcast v21, $0x1;
	v35 =	vmul.f32 v62, v60  }
0x2de: {  	[tilespmem:s24+$0x1B0] =	vst v36;
	v56 =	vbroadcast v14, $0x2;
	v59 =	vld [tilespmem:s22+$0xFFFFFF90];
	v31 =	vmul.f32 v49, v48  }
0x2df: {  	v36 =	vbroadcast v19, $0x2;
	v55 =	vld [tilespmem:s22+$0x1C0];
	[tilespmem:s24+$0x10] =	vst v35;
	v32 =	vmul.f32 v61, v51  }
0x2e0: {  	v34 =	vmul.f32 v56, v42;
	[tilespmem:s24+$0xA0] =	vst v31;
	v33 =	vmul.f32 v63, v53;
	v63 =	vld [tilespmem:s22+$0x20]  }
0x2e1: {  	v38 =	vmul.f32 v50, v52;
	v61 =	vbroadcast v16, $0x2;
	v53 =	vld [tilespmem:s22+$0xB0];
	[tilespmem:s24+$0xFFFFFD40] =	vst v32  }
0x2e2: {  	v62 =	vbroadcast v17, $0x2;
	[tilespmem:s24+$0x270] =	vst v33;
	v33 =	vbroadcast v15, $0x2;
	v60 =	vld [tilespmem:s22+$0xFFFFFD50]  }
0x2e3: {  	[tilespmem:s24+$0x130] =	vst v38;
	v32 =	vmul.f32 v58, v40;
	v58 =	vmul.f32 v61, v59;
	v57 =	vld [tilespmem:s22+$0x280]  }
0x2e4: {  	[tilespmem:s24+$0xFFFFFDE0] =	vst v34;
	v31 =	vbroadcast v18, $0x2;
	v56 =	vld [tilespmem:s22+$0x140];
	v33 =	vmul.f32 v33, v37  }
0x2e5: {  	v49 =	vbroadcast v15, $0x3;
	v30 =	vmul.f32 v30, v55;
	v61 =	vld [tilespmem:s22+$0xFFFFFDF0];
	[tilespmem:s24+$0xFFFFFF90] =	vst v58  }
0x2e6: {  	v52 =	vbroadcast v12, $0x4;
	v58 =	vld [tilespmem:s22+$0xFFFFFFA0];
	v31 =	vmul.f32 v31, v53;
	[tilespmem:s24+$0xFFFFFE70] =	vst v33  }
0x2e7: {  	v55 =	vbroadcast v21, $0x2;
	[tilespmem:s24+$0x1C0] =	vst v30;
	v36 =	vmul.f32 v36, v60;
	v50 =	vld [tilespmem:s22+$0xFFFFFE80]  }
0x2e8: {  	v37 =	vbroadcast v20, $0x6;
	[tilespmem:s24+$0xB0] =	vst v31;
	v30 =	vmul.f32 v57, v52;
	v57 =	vld [tilespmem:s22+$0x1D0]  }
0x2e9: {  	v59 =	vmul.f32 v62, v63;
	v62 =	vbroadcast v14, $0x3;
	v52 =	vld [tilespmem:s22+$0xC0];
	[tilespmem:s24+$0xFFFFFD50] =	vst v36  }
0x2ea: {  	v38 =	vmul.f32 v54, v56;
	v54 =	vbroadcast v12, $0x5;
	[tilespmem:s24+$0x280] =	vst v30;
	v63 =	vld [tilespmem:s22+$0xFFFFFD60]  }
0x2eb: {  	[tilespmem:s24+$0xFFFFFF00] =	vst v32;
	v56 =	vbroadcast v13, $0x3;
	v61 =	vmul.f32 v61, v62;
	v60 =	vld [tilespmem:s22+$0x290]  }
0x2ec: {  	v29 =	vld [tilespmem:s25+$0x190];
	[tilespmem:s24+$0x140] =	vst v38;
	v30 =	vbroadcast v19, $0x3;
	v33 =	vmul.f32 v50, v49  }
0x2ed: {  	[tilespmem:s24+$0x20] =	vst v59;
	v48 =	vld [tilespmem:s22+$0x150];
	v51 =	vmul.f32 v55, v57;
	v57 =	vbroadcast v16, $0x3  }
0x2ee: {  	v53 =	vbroadcast v21, $0x3;
	v31 =	vbroadcast v18, $0x3;
	v55 =	vld [tilespmem:s22+$0xFFFFFF10];
	[tilespmem:s24+$0xFFFFFE80] =	vst v33  }
0x2ef: {  	[tilespmem:s24+$0xFFFFFDF0] =	vst v61;
	v30 =	vmul.f32 v63, v30;
	v49 =	vmul.f32 v58, v57;
	v57 =	vld [tilespmem:s22+$0xFFFFFE90]  }
0x2f0: {  	v31 =	vmul.f32 v52, v31;
	[tilespmem:s24+$0x1D0] =	vst v51;
	v35 =	vmul.f32 v60, v54;
	v60 =	vld [tilespmem:s22+$0x30]  }
0x2f1: {  	v59 =	vbroadcast v17, $0x3;
	v38 =	vbroadcast v19, $0x4;
	v50 =	vld [tilespmem:s22+$0x1E0];
	[tilespmem:s24+$0xFFFFFD60] =	vst v30  }
0x2f2: {  	v42 =	vmul.f32 v48, v46;
	v52 =	vbroadcast v17, $0x4;
	[tilespmem:s24+$0xC0] =	vst v31;
	v51 =	vld [tilespmem:s22+$0xFFFFFD70]  }
0x2f3: {  	[tilespmem:s24+$0xFFFFFFA0] =	vst v49;
	v63 =	vmul.f32 v55, v56;
	v55 =	vld [tilespmem:s22+$0xFFFFFE00];
	v56 =	vbroadcast v15, $0x4  }
0x2f4: {  	v58 =	vbroadcast v13, $0x4;
	v31 =	vbroadcast v21, $0x4;
	[tilespmem:s24+$0x150] =	vst v42;
	v61 =	vld [tilespmem:s22+$0xFFFFFFB0]  }
0x2f5: {  	v54 =	vbroadcast v12, $0x6;
	v48 =	vld [tilespmem:s22+$0xD0];
	[tilespmem:s24+$0x290] =	vst v35;
	v33 =	vmul.f32 v57, v56  }
0x2f6: {  	v30 =	vbroadcast v14, $0x4;
	v62 =	vld [tilespmem:s22+$0x2A0];
	[tilespmem:s24+$0xFFFFFF10] =	vst v63;
	v34 =	vmul.f32 v60, v59  }
0x2f7: {  	v49 =	vld [tilespmem:s22+$0x160];
	v60 =	vbroadcast v16, $0x4;
	v39 =	vmul.f32 v50, v53;
	[tilespmem:s24+$0xFFFFFE90] =	vst v33  }
0x2f8: {  	v57 =	vbroadcast v14, $0x5;
	v59 =	vld [tilespmem:s22+$0xFFFFFF20];
	[tilespmem:s24+$0x30] =	vst v34;
	v38 =	vmul.f32 v51, v38  }
0x2f9: {  	v30 =	vmul.f32 v55, v30;
	[tilespmem:s24+$0x1E0] =	vst v39;
	v32 =	vmul.f32 v61, v60;
	v60 =	vld [tilespmem:s22+$0xFFFFFEA0]  }
0x2fa: {  	v53 =	vbroadcast v18, $0x4;
	v50 =	vbroadcast v12, $0x7;
	v63 =	vld [tilespmem:s22+$0x40];
	[tilespmem:s24+$0xFFFFFD70] =	vst v38  }
0x2fb: {  	v51 =	vbroadcast v19, $0x5;
	v35 =	vmul.f32 v62, v54;
	v55 =	vld [tilespmem:s22+$0x1F0];
	[tilespmem:s24+$0xFFFFFE00] =	vst v30  }
0x2fc: {  	v34 =	vmul.f32 v48, v53;
	v54 =	vbroadcast v20, $0x4;
	[tilespmem:s24+$0xFFFFFFB0] =	vst v32;
	v56 =	vld [tilespmem:s22+$0xFFFFFD80]  }
0x2fd: {  	[tilespmem:s24+$0x2A0] =	vst v35;
	v36 =	vmul.f32 v59, v58;
	v58 =	vld [tilespmem:s22+$0xFFFFFE10];
	v59 =	vbroadcast v15, $0x5  }
0x2fe: {  	v61 =	vbroadcast v13, $0x5;
	[tilespmem:s24+$0xD0] =	vst v34;
	v35 =	vmul.f32 v49, v54;
	v62 =	vld [tilespmem:s22+$0x2B0]  }
0x2ff: {  	v32 =	vbroadcast v17, $0x5;
	v53 =	vld [tilespmem:s22+$0xFFFFFFC0];
	[tilespmem:s24+$0xFFFFFF20] =	vst v36;
	v33 =	vmul.f32 v60, v59  }
0x300: {  	v34 =	vbroadcast v16, $0x6;
	[tilespmem:s24+$0x160] =	vst v35;
	v43 =	vmul.f32 v63, v52;
	v52 =	vld [tilespmem:s22+$0xFFFFFF30]  }
0x301: {  	v54 =	vbroadcast v18, $0x5;
	v31 =	vmul.f32 v55, v31;
	v59 =	vld [tilespmem:s22+$0x170];
	[tilespmem:s24+$0xFFFFFEA0] =	vst v33  }
0x302: {  	v49 =	vbroadcast v15, $0x6;
	[tilespmem:s24+$0x40] =	vst v43;
	v38 =	vmul.f32 v56, v51;
	v56 =	vld [tilespmem:s22+$0xE0]  }
0x303: {  	v36 =	vbroadcast v16, $0x5;
	[tilespmem:s24+$0x1F0] =	vst v31;
	v30 =	vmul.f32 v62, v50;
	v62 =	vld [tilespmem:s22+$0x50]  }
0x304: {  	v35 =	vbroadcast v17, $0x6;
	v55 =	vmul.f32 v58, v57;
	v60 =	vld [tilespmem:s22+$0x200];
	[tilespmem:s24+$0xFFFFFD80] =	vst v38  }
0x305: {  	v63 =	vbroadcast v21, $0x5;
	v33 =	vbroadcast v19, $0x7;
	[tilespmem:s24+$0x2B0] =	vst v30;
	v30 =	vld [tilespmem:s25+$0x220]  }
0x306: {  	v43 =	vbroadcast v20, $0x5;
	[tilespmem:s24+$0xFFFFFE10] =	vst v55;
	v31 =	vmul.f32 v52, v61;
	v61 =	vld [tilespmem:s22+$0xFFFFFD90]  }
0x307: {  	v57 =	vbroadcast v19, $0x6;
	v36 =	vmul.f32 v53, v36;
	v51 =	vld [tilespmem:s22+$0xFFFFFE20]  }
0x308: {  	v58 =	vbroadcast v14, $0x6;
	[tilespmem:s24+$0xFFFFFF30] =	vst v31;
	v32 =	vmul.f32 v62, v32;
	v62 =	vld [tilespmem:s22+$0xFFFFFEB0]  }
0x309: {  	v50 =	vbroadcast v13, $0x6;
	[tilespmem:s24+$0xFFFFFFC0] =	vst v36;
	v31 =	vmul.f32 v56, v54;
	v52 =	vld [tilespmem:s22+$0xFFFFFF40]  }
0x30a: {  	v36 =	vbroadcast v18, $0x6;
	v43 =	vmul.f32 v59, v43;
	v39 =	vld [tilespmem:s22+$0xFFFFFFD0];
	[tilespmem:s24+$0x50] =	vst v32  }
0x30b: {  	v38 =	vbroadcast v21, $0x6;
	v63 =	vmul.f32 v60, v63;
	[tilespmem:s24+$0xE0] =	vst v31;
	v40 =	vld [tilespmem:s22+$0x60]  }
0x30c: {  	[tilespmem:s24+$0x170] =	vst v43;
	v31 =	vbroadcast v14, $0x7;
	v46 =	vmul.f32 v61, v57;
	v41 =	vld [tilespmem:s22+$0xF0]  }
0x30d: {  	v42 =	vld [tilespmem:s22+$0x180];
	v44 =	vmul.f32 v51, v58;
	[tilespmem:s24+$0x200] =	vst v63;
	v32 =	vbroadcast v15, $0x7  }
0x30e: {  	s26 =	simm.s32 $0x77B0;
	s25 =	simm.s32 $0xA;
	v43 =	vld [tilespmem:s22+$0x210];
	[tilespmem:s24+$0xFFFFFD90] =	vst v46;
	v45 =	vmul.f32 v62, v49;
	v46 =	vmul.f32 v52, v50  }
.LBB2_7:
0x30f: {  	v47 =	vld [tilespmem:s26+$0x2C0];
	[tilespmem:s24+$0xFFFFFE20] =	vst v44;
	v44 =	vbroadcast v13, $0x7;
	v34 =	vmul.f32 v39, v34;
	s23 =	sadd.s32 $0xA0, s23  }
0x310: {  	s25 =	sadd.s32 $0xA, s25;
	v39 =	vld [tilespmem:s23+$0x40];
	[tilespmem:s24+$0xFFFFFEB0] =	vst v45;
	v45 =	vbroadcast v16, $0x7;
	v35 =	vmul.f32 v40, v35  }
0x311: {  	p2 =	slt.u32 s25, $0x1E;
	v40 =	vld [tilespmem:s23+$0xFFFFFFB0];
	[tilespmem:s24+$0xFFFFFF40] =	vst v46;
	v46 =	vbroadcast v17, $0x7;
	v36 =	vmul.f32 v41, v36  }
0x312: {  	v41 =	vld [tilespmem:s26+$0xFFFFFE40];
	[tilespmem:s24+$0xFFFFFFD0] =	vst v34;
	v34 =	vbroadcast v18, $0x7;
	v37 =	vmul.f32 v42, v37  }
0x313: {  	v42 =	vld [tilespmem:s23+$0xFFFFFFC0];
	[tilespmem:s24+$0x60] =	vst v35;
	v35 =	vbroadcast v20, $0x7;
	v38 =	vmul.f32 v43, v38  }
0x314: {  	v22 =	vmul.f32 v22, v3;
	v3 =	vmov v33;
	v43 =	vld [tilespmem:s26+$0xFFFFFED0];
	[tilespmem:s24+$0xF0] =	vst v36;
	v36 =	vbroadcast v21, $0x7  }
0x315: {  	v23 =	vmul.f32 v23, v7;
	v24 =	vmul.f32 v24, v8;
	v33 =	vld [tilespmem:s23+$0xFFFFFFD0];
	v39 =	vadd.f32 v39, v47;
	[tilespmem:s24+$0x180] =	vst v37  }
0x316: {  	v25 =	vmul.f32 v25, v4;
	v26 =	vmul.f32 v26, v5;
	v4 =	vmovc v44;
	v5 =	vmov v45;
	v37 =	vld [tilespmem:s26+$0xFFFFFF60];
	[tilespmem:s24+$0x210] =	vst v38  }
0x317: {  	v7 =	vmovc v31;
	v8 =	vmovc v32;
	v38 =	vld [tilespmem:s23+$0xFFFFFFE0];
	v44 =	vmul.f32 $2.000000030e-01, v39;
	[tilespmem:s21+$0xFFFFFDA0] =	vst v22;
	v22 =	vmul.f32 v27, v6;
	v6 =	vmov v46  }
0x318: {  	v27 =	vadd.f32 v42, v41;
	v31 =	vld [tilespmem:s26+$0xFFFFFFF0];
	[tilespmem:s21+$0xFFFFFE30] =	vst v23;
	v23 =	vmul.f32 v28, v9;
	v28 =	vmul.f32 v29, v10  }
0x319: {  	v9 =	vmovc v34;
	v10 =	vmov v35;
	v29 =	vld [tilespmem:s23+$0xFFFFFFF0];
	v32 =	vmax.f32 v39, v44;
	[tilespmem:s21+$0xFFFFFEC0] =	vst v24;
	v24 =	vmul.f32 v30, v11  }
0x31a: {  	v11 =	vmovc v36;
	v30 =	vmul.f32 $2.000000030e-01, v27;
	v33 =	vadd.f32 v33, v43;
	v34 =	vld [tilespmem:s26+$0x80];
	v32 =	vmul.f32 $1.442695020e+00, v32;
	[tilespmem:s21+$0xFFFFFF50] =	vst v25  }
0x31b: {  	v25 =	vld [tilespmem:s23+$0x0];
	[tilespmem:s21+$0xFFFFFFE0] =	vst v26  }
0x31c: {  	v26 =	vmul.f32 $2.000000030e-01, v33;
	v35 =	vadd.f32 v38, v37;
	v36 =	vld [tilespmem:s26+$0x110];
	(erf) = vpow2.f32 v32;
	[tilespmem:s21+$0x70] =	vst v22  }
0x31d: {  	v22 =	vmax.f32 v27, v30;
	v27 =	vld [tilespmem:s23+$0x10];
	[tilespmem:s21+$0x100] =	vst v23  }
0x31e: {  	v23 =	vmax.f32 v33, v26;
	v26 =	vmul.f32 $2.000000030e-01, v35;
	v29 =	vadd.f32 v29, v31;
	v30 =	vld [tilespmem:s26+$0x1A0];
	[tilespmem:s21+$0x190] =	vst v28  }
0x31f: {  	v22 =	vmul.f32 $1.442695020e+00, v22;
	v23 =	vmul.f32 $1.442695020e+00, v23;
	v28 =	vld [tilespmem:s23+$0x20];
	[tilespmem:s21+$0x220] =	vst v24  }
0x320: {  	v24 =	vmax.f32 v35, v26;
	v26 =	vmul.f32 $2.000000030e-01, v29;
	v25 =	vadd.f32 v25, v34;
	v31 =	vld [tilespmem:s26+$0x230];
	[tilespmem:s21+$0x1A0] =	vst v1;
	v1 =	vmovc v20  }
0x321: {  	v20 =	vmul.f32 $1.442695020e+00, v24;
	v24 =	vld [tilespmem:s23+$0x30];
	(erf) = vpow2.f32 v22;
	[tilespmem:s21+$0x230] =	vst v2;
	v2 =	vmov v21;
	s21 =	smov.u32 s24  }
0x322: {  	v21 =	vld [tilespmem:s26+$0xFFFFFDB0];
	v22 =	vmax.f32 v29, v26;
	v26 =	vmul.f32 $2.000000030e-01, v25;
	v27 =	vadd.f32 v27, v36;
	[tilespmem:s24+$0x2C0] =	vst v12  }
0x323: {  	v22 =	vmul.f32 $1.442695020e+00, v22;
	v29 =	vld [tilespmem:s26+$0x240];
	(erf) = vpow2.f32 v23  }
0x324: {  	v32 =	vld [tilespmem:s26+$0xFFFFFD30];
	v33 =	vmax.f32 v25, v26;
	v23 =	vmul.f32 $2.000000030e-01, v27;
	v25 =	vadd.f32 v28, v30  }
0x325: {  	v26 =	vld [tilespmem:s26+$0xFFFFFDC0];
	v28 =	vmul.f32 $1.442695020e+00, v33;
	(erf) = vpow2.f32 v20;
	v12 =	vpop (erf)  }
0x326: {  	v20 =	vld [tilespmem:s26+$0xFFFFFE50];
	v30 =	vmul.f32 $2.000000030e-01, v25;
	v24 =	vadd.f32 v24, v31;
	v31 =	vbroadcast v12, $0x0  }
0x327: {  	v23 =	vmax.f32 v27, v23;
	v21 =	vadd.f32 v40, v21;
	v33 =	vld [tilespmem:s26+$0xFFFFFEE0];
	(erf) = vpow2.f32 v22  }
0x328: {  	v27 =	vld [tilespmem:s26+$0xFFFFFF70];
	v22 =	vmax.f32 v25, v30;
	v35 =	vmul.f32 $2.000000030e-01, v24;
	v29 =	vmul.f32 v31, v29  }
0x329: {  	s24 =	sadd.s32 $0x5A0, s24;
	v23 =	vmul.f32 $1.442695020e+00, v23;
	v36 =	vmul.f32 $2.000000030e-01, v21;
	v31 =	vld [tilespmem:s26+$0x0]  }
0x32a: {  	v22 =	vmul.f32 $1.442695020e+00, v22;
	v34 =	vld [tilespmem:s26+$0x90];
	v24 =	vmax.f32 v24, v35;
	[tilespmem:s24+$0x240] =	vst v29;
	v25 =	vpop (erf);
	(erf) = vpow2.f32 v28  }
0x32b: {  	v21 =	vmax.f32 v21, v36;
	v24 =	vmul.f32 $1.442695020e+00, v24;
	v28 =	vld [tilespmem:s26+$0x250];
	(erf) = vpow2.f32 v23  }
0x32c: {  	v23 =	vmul.f32 $1.442695020e+00, v21;
	v29 =	vld [tilespmem:s26+$0x120];
	v30 =	vpop (erf);
	(erf) = vpow2.f32 v22  }
0x32d: {  	v35 =	vbroadcast v25, $0x0;
	v36 =	vld [tilespmem:s26+$0x1B0];
	(erf) = vpow2.f32 v24  }
0x32e: {  	v24 =	vbroadcast v12, $0x1;
	(erf) = vpow2.f32 v23;
	v21 =	vpop (erf);
	v22 =	vld [tilespmem:s22+$0xFFFFFDA0];
	[tilespmem:s21+$0xFFFFFDB0] =	vst v19  }
0x32f: {  	v19 =	vbroadcast v30, $0x0;
	v37 =	vbroadcast v21, $0x0;
	v23 =	vld [tilespmem:s22+$0xFFFFFE30];
	[tilespmem:s21+$0xFFFFFE40] =	vst v14;
	v14 =	vmov v25  }
0x330: {  	v35 =	vmul.f32 v35, v26;
	v26 =	vmul.f32 v24, v28;
	v28 =	vpop (erf);
	v24 =	vld [tilespmem:s22+$0xFFFFFEC0];
	[tilespmem:s21+$0xFFFFFED0] =	vst v15;
	v15 =	vmov v30  }
0x331: {  	v19 =	vmul.f32 v19, v20;
	v20 =	vbroadcast v28, $0x0;
	v25 =	vld [tilespmem:s22+$0xFFFFFF50];
	[tilespmem:s21+$0xFFFFFF60] =	vst v13;
	v13 =	vmov v21  }
0x332: {  	v30 =	vbroadcast v14, $0x1;
	v21 =	vmul.f32 v37, v33;
	[tilespmem:s24+$0x250] =	vst v26;
	v26 =	vld [tilespmem:s22+$0xFFFFFFE0]  }
0x333: {  	v33 =	vbroadcast v15, $0x1;
	[tilespmem:s24+$0xFFFFFDC0] =	vst v35;
	v27 =	vmul.f32 v20, v27;
	v35 =	vld [tilespmem:s26+$0x260];
	v37 =	vpop (erf)  }
0x334: {  	v39 =	vbroadcast v13, $0x1;
	v38 =	vld [tilespmem:s26+$0xFFFFFDD0];
	[tilespmem:s24+$0xFFFFFE50] =	vst v19;
	v48 =	vbroadcast v37, $0x0;
	v40 =	vpop (erf)  }
0x335: {  	v42 =	vbroadcast v28, $0x1;
	v41 =	vld [tilespmem:s26+$0xFFFFFE60];
	[tilespmem:s24+$0xFFFFFEE0] =	vst v21;
	v43 =	vbroadcast v40, $0x0;
	v20 =	vpop (erf)  }
0x336: {  	v44 =	vld [tilespmem:s26+$0xFFFFFEF0];
	[tilespmem:s24+$0xFFFFFF70] =	vst v27;
	v45 =	vbroadcast v20, $0x0;
	v27 =	vbroadcast v12, $0x2;
	v21 =	vpop (erf)  }
0x337: {  	v31 =	vmul.f32 v48, v31;
	v46 =	vld [tilespmem:s26+$0xFFFFFF80];
	v47 =	vbroadcast v21, $0x0;
	v19 =	vpop (erf);
	[tilespmem:s21+$0xFFFFFFF0] =	vst v16;
	v16 =	vmov v28  }
0x338: {  	v48 =	vbroadcast v19, $0x0;
	v35 =	vmul.f32 v27, v35;
	v27 =	vld [tilespmem:s22+$0x70];
	[tilespmem:s21+$0x80] =	vst v17;
	v17 =	vmov v37  }
0x339: {  	v29 =	vmul.f32 v45, v29;
	[tilespmem:s24+$0x0] =	vst v31;
	v31 =	vmul.f32 v43, v34;
	v28 =	vld [tilespmem:s22+$0x100]  }
0x33a: {  	v36 =	vmul.f32 v47, v36;
	v32 =	vmul.f32 v48, v32;
	v34 =	vld [tilespmem:s26+$0x10];
	[tilespmem:s24+$0x260] =	vst v35  }
0x33b: {  	v37 =	vbroadcast v17, $0x1;
	v35 =	vbroadcast v19, $0x1;
	[tilespmem:s24+$0x90] =	vst v31;
	v31 =	vld [tilespmem:s26+$0x270]  }
0x33c: {  	v45 =	vbroadcast v20, $0x1;
	v43 =	vbroadcast v40, $0x1;
	[tilespmem:s24+$0xFFFFFD30] =	vst v32;
	v32 =	vld [tilespmem:s26+$0xA0]  }
0x33d: {  	v30 =	vmul.f32 v30, v38;
	v47 =	vld [tilespmem:s26+$0xFFFFFD40];
	[tilespmem:s24+$0x120] =	vst v29;
	v29 =	vbroadcast v21, $0x1  }
0x33e: {  	v33 =	vmul.f32 v33, v41;
	v38 =	vld [tilespmem:s26+$0x130];
	[tilespmem:s24+$0x1B0] =	vst v36;
	v36 =	vbroadcast v12, $0x3  }
0x33f: {  	[tilespmem:s24+$0xFFFFFDD0] =	vst v30;
	v30 =	vmul.f32 v39, v44;
	v39 =	vmul.f32 v42, v46;
	v41 =	vld [tilespmem:s26+$0x1C0]  }
0x340: {  	v42 =	vld [tilespmem:s26+$0xFFFFFDE0];
	[tilespmem:s24+$0xFFFFFE60] =	vst v33;
	v33 =	vmul.f32 v37, v34;
	v31 =	vmul.f32 v31, v36  }
0x341: {  	v34 =	vbroadcast v19, $0x2;
	v36 =	vld [tilespmem:s26+$0xFFFFFE70];
	[tilespmem:s24+$0xFFFFFEF0] =	vst v30;
	v30 =	vmul.f32 v43, v32  }
0x342: {  	v32 =	vmul.f32 v35, v47;
	v35 =	vbroadcast v14, $0x2;
	v37 =	vld [tilespmem:s26+$0xFFFFFF00];
	[tilespmem:s24+$0x270] =	vst v31  }
0x343: {  	v31 =	vbroadcast v15, $0x2;
	[tilespmem:s24+$0xFFFFFF80] =	vst v39;
	v38 =	vmul.f32 v45, v38;
	v39 =	vld [tilespmem:s26+$0x280]  }
0x344: {  	[tilespmem:s24+$0xFFFFFD40] =	vst v32;
	v32 =	vbroadcast v13, $0x2;
	v43 =	vld [tilespmem:s26+$0xFFFFFF90];
	v29 =	vmul.f32 v29, v41  }
0x345: {  	v44 =	vbroadcast v16, $0x2;
	v41 =	vld [tilespmem:s26+$0xFFFFFD50];
	[tilespmem:s24+$0x10] =	vst v33;
	v33 =	vbroadcast v17, $0x2  }
0x346: {  	v46 =	vbroadcast v12, $0x4;
	v45 =	vld [tilespmem:s26+$0x20];
	[tilespmem:s24+$0xA0] =	vst v30;
	v30 =	vbroadcast v40, $0x2  }
0x347: {  	v48 =	vbroadcast v21, $0x2;
	v47 =	vld [tilespmem:s26+$0xB0];
	[tilespmem:s24+$0x130] =	vst v38;
	v38 =	vbroadcast v20, $0x2  }
0x348: {  	v35 =	vmul.f32 v35, v42;
	v42 =	vld [tilespmem:s26+$0x140];
	[tilespmem:s24+$0x1C0] =	vst v29;
	v29 =	vmul.f32 v39, v46  }
0x349: {  	v31 =	vmul.f32 v31, v36;
	v32 =	vmul.f32 v32, v37;
	v36 =	vld [tilespmem:s26+$0x1D0];
	[tilespmem:s21+$0x110] =	vst v18;
	v18 =	vmov v40  }
0x34a: {  	v37 =	vmul.f32 v44, v43;
	v34 =	vmul.f32 v34, v41;
	[tilespmem:s24+$0x280] =	vst v29;
	v29 =	vld [tilespmem:s22+$0x190]  }
0x34b: {  	v39 =	vbroadcast v19, $0x3;
	[tilespmem:s24+$0xFFFFFDE0] =	vst v35;
	v33 =	vmul.f32 v33, v45;
	v35 =	vld [tilespmem:s26+$0x290]  }
0x34c: {  	v40 =	vbroadcast v14, $0x3;
	[tilespmem:s24+$0xFFFFFD50] =	vst v34;
	v34 =	vld [tilespmem:s26+$0xFFFFFDF0];
	v30 =	vmul.f32 v30, v47  }
0x34d: {  	v41 =	vld [tilespmem:s26+$0xFFFFFD60];
	[tilespmem:s24+$0xFFFFFE70] =	vst v31;
	v31 =	vbroadcast v15, $0x3;
	v38 =	vmul.f32 v38, v42  }
0x34e: {  	v42 =	vld [tilespmem:s26+$0xFFFFFE80];
	[tilespmem:s24+$0xFFFFFF00] =	vst v32;
	v32 =	vmul.f32 v48, v36;
	v36 =	vbroadcast v12, $0x5  }
0x34f: {  	v44 =	vbroadcast v13, $0x3;
	v43 =	vld [tilespmem:s26+$0xFFFFFF10];
	[tilespmem:s24+$0xFFFFFF90] =	vst v37;
	v37 =	vbroadcast v16, $0x3  }
0x350: {  	v45 =	vld [tilespmem:s26+$0xFFFFFFA0];
	[tilespmem:s24+$0x20] =	vst v33;
	v33 =	vbroadcast v17, $0x3;
	v35 =	vmul.f32 v35, v36  }
0x351: {  	v46 =	vbroadcast v20, $0x3;
	v36 =	vld [tilespmem:s26+$0x30];
	[tilespmem:s24+$0xB0] =	vst v30;
	v30 =	vbroadcast v18, $0x3  }
0x352: {  	v47 =	vbroadcast v21, $0x3;
	v39 =	vmul.f32 v41, v39;
	v41 =	vld [tilespmem:s26+$0xC0];
	[tilespmem:s24+$0x290] =	vst v35  }
0x353: {  	v34 =	vmul.f32 v34, v40;
	v31 =	vmul.f32 v42, v31;
	[tilespmem:s24+$0x140] =	vst v38;
	v35 =	vld [tilespmem:s26+$0x2A0]  }
0x354: {  	v38 =	vbroadcast v19, $0x4;
	v40 =	vmul.f32 v43, v44;
	v42 =	vld [tilespmem:s26+$0x150];
	[tilespmem:s24+$0x1D0] =	vst v32  }
0x355: {  	v32 =	vbroadcast v14, $0x4;
	[tilespmem:s24+$0xFFFFFD60] =	vst v39;
	v37 =	vmul.f32 v45, v37;
	v39 =	vld [tilespmem:s26+$0x1E0]  }
0x356: {  	v43 =	vld [tilespmem:s26+$0xFFFFFD70];
	[tilespmem:s24+$0xFFFFFDF0] =	vst v34;
	v33 =	vmul.f32 v36, v33;
	v34 =	vbroadcast v12, $0x6  }
0x357: {  	v36 =	vld [tilespmem:s26+$0xFFFFFE00];
	[tilespmem:s24+$0xFFFFFE80] =	vst v31;
	v31 =	vbroadcast v15, $0x4;
	v30 =	vmul.f32 v41, v30  }
0x358: {  	v41 =	vld [tilespmem:s26+$0xFFFFFE90];
	[tilespmem:s24+$0xFFFFFF10] =	vst v40;
	v40 =	vbroadcast v13, $0x4;
	v34 =	vmul.f32 v35, v34  }
0x359: {  	v35 =	vld [tilespmem:s26+$0xFFFFFF20];
	[tilespmem:s24+$0xFFFFFFA0] =	vst v37;
	v37 =	vbroadcast v16, $0x4;
	v42 =	vmul.f32 v42, v46  }
0x35a: {  	v45 =	vbroadcast v17, $0x4;
	v44 =	vld [tilespmem:s26+$0xFFFFFFB0];
	v39 =	vmul.f32 v39, v47;
	[tilespmem:s24+$0x2A0] =	vst v34  }
0x35b: {  	v34 =	vbroadcast v20, $0x4;
	[tilespmem:s24+$0x30] =	vst v33;
	v33 =	vbroadcast v18, $0x4;
	v46 =	vld [tilespmem:s26+$0x2B0]  }
0x35c: {  	v47 =	vbroadcast v21, $0x4;
	v38 =	vmul.f32 v43, v38;
	v43 =	vld [tilespmem:s26+$0x40];
	[tilespmem:s24+$0xC0] =	vst v30  }
0x35d: {  	v30 =	vmul.f32 v36, v32;
	v31 =	vmul.f32 v41, v31;
	v32 =	vld [tilespmem:s26+$0xD0];
	[tilespmem:s24+$0x150] =	vst v42  }
0x35e: {  	v35 =	vmul.f32 v35, v40;
	v36 =	vld [tilespmem:s26+$0x160];
	[tilespmem:s24+$0x1E0] =	vst v39;
	v39 =	vbroadcast v12, $0x7  }
0x35f: {  	[tilespmem:s24+$0xFFFFFD70] =	vst v38;
	v38 =	vbroadcast v19, $0x5;
	v37 =	vmul.f32 v44, v37;
	v40 =	vld [tilespmem:s26+$0x1F0]  }
0x360: {  	v42 =	vbroadcast v14, $0x5;
	v41 =	vld [tilespmem:s26+$0xFFFFFD80];
	[tilespmem:s24+$0xFFFFFE00] =	vst v30;
	v30 =	vmul.f32 v46, v39  }
0x361: {  	v39 =	vld [tilespmem:s26+$0xFFFFFE10];
	[tilespmem:s24+$0xFFFFFE90] =	vst v31;
	v31 =	vbroadcast v15, $0x5;
	v43 =	vmul.f32 v43, v45  }
0x362: {  	v45 =	vbroadcast v13, $0x5;
	v44 =	vld [tilespmem:s26+$0xFFFFFEA0];
	v32 =	vmul.f32 v32, v33;
	[tilespmem:s24+$0x2B0] =	vst v30  }
0x363: {  	v33 =	vbroadcast v16, $0x5;
	[tilespmem:s24+$0xFFFFFF20] =	vst v35;
	v34 =	vmul.f32 v36, v34;
	v30 =	vld [tilespmem:s22+$0x220];
	s22 =	smov.u32 s26  }
0x364: {  	v36 =	vbroadcast v17, $0x5;
	v35 =	vld [tilespmem:s26+$0xFFFFFF30];
	[tilespmem:s24+$0xFFFFFFB0] =	vst v37;
	v37 =	vmul.f32 v40, v47  }
0x365: {  	v46 =	vbroadcast v20, $0x5;
	v40 =	vld [tilespmem:s26+$0xFFFFFFC0];
	[tilespmem:s24+$0x40] =	vst v43;
	v43 =	vbroadcast v18, $0x5  }
0x366: {  	v38 =	vmul.f32 v41, v38;
	v41 =	vld [tilespmem:s26+$0x50];
	[tilespmem:s24+$0xD0] =	vst v32;
	v32 =	vbroadcast v21, $0x5  }
0x367: {  	v39 =	vmul.f32 v39, v42;
	v31 =	vmul.f32 v44, v31;
	v42 =	vld [tilespmem:s26+$0xE0];
	[tilespmem:s24+$0x160] =	vst v34  }
0x368: {  	v47 =	vbroadcast v14, $0x6;
	v44 =	vbroadcast v19, $0x6;
	v48 =	vld [tilespmem:s26+$0x170];
	[tilespmem:s24+$0x1F0] =	vst v37  }
0x369: {  	v49 =	vbroadcast v15, $0x6;
	[tilespmem:s24+$0xFFFFFD80] =	vst v38;
	v35 =	vmul.f32 v35, v45;
	v38 =	vld [tilespmem:s26+$0x200]  }
0x36a: {  	v50 =	vbroadcast v13, $0x6;
	v45 =	vld [tilespmem:s26+$0xFFFFFD90];
	[tilespmem:s24+$0xFFFFFE10] =	vst v39;
	v33 =	vmul.f32 v40, v33  }
0x36b: {  	v34 =	vbroadcast v16, $0x6;
	v51 =	vld [tilespmem:s26+$0xFFFFFE20];
	[tilespmem:s24+$0xFFFFFEA0] =	vst v31;
	v31 =	vmul.f32 v41, v36  }
0x36c: {  	v52 =	vld [tilespmem:s26+$0xFFFFFEB0];
	[tilespmem:s24+$0xFFFFFF30] =	vst v35;
	v35 =	vbroadcast v17, $0x6;
	v41 =	vmul.f32 v42, v43  }
0x36d: {  	v36 =	vbroadcast v18, $0x6;
	v43 =	vld [tilespmem:s26+$0xFFFFFF40];
	[tilespmem:s24+$0xFFFFFFC0] =	vst v33;
	v42 =	vmul.f32 v48, v46  }
.Ltmp4:
0x36e: {  	v37 =	vbroadcast v20, $0x6;
	v39 =	vld [tilespmem:s26+$0xFFFFFFD0];
	[tilespmem:s24+$0x50] =	vst v31;
	v32 =	vmul.f32 v38, v32;
	(pc) =	sbr.rel @p2 .LBB2_7-.Ltmp4, $4  }
0x36f: {  	v38 =	vbroadcast v21, $0x6;
	v46 =	vmul.f32 v45, v44;
	v40 =	vld [tilespmem:s26+$0x60];
	[tilespmem:s24+$0xE0] =	vst v41  }
0x370: {  	v33 =	vbroadcast v19, $0x7;
	v44 =	vmul.f32 v51, v47;
	v41 =	vld [tilespmem:s26+$0xF0];
	[tilespmem:s24+$0x170] =	vst v42  }
0x371: {  	v31 =	vbroadcast v14, $0x7;
	v45 =	vmul.f32 v52, v49;
	v42 =	vld [tilespmem:s26+$0x180];
	[tilespmem:s24+$0x200] =	vst v32  }
0x372: {  	v32 =	vbroadcast v15, $0x7;
	s26 =	sadd.s32 $0x5A0, s26;
	[tilespmem:s24+$0xFFFFFD90] =	vst v46;
	v46 =	vmul.f32 v43, v50;
	v43 =	vld [tilespmem:s22+$0x210]  }
0x373: {  	[tilespmem:s24+$0xFFFFFE20] =	vst v44  }
0x374: {  	[tilespmem:s24+$0xFFFFFEB0] =	vst v45  }
0x375: {  	[tilespmem:s21+$0x1A0] =	vst v1  }
0x376: {  	[tilespmem:s21+$0x230] =	vst v2  }
0x377: {  	[tilespmem:s24+$0x2C0] =	vst v12  }
0x378: {  	v1 =	vld [tilespmem:s22+$0xFFFFFDA0];
	[tilespmem:s24+$0xFFFFFDB0] =	vst v19  }
0x379: {  	v34 =	vmul.f32 v39, v34;
	[tilespmem:s24+$0xFFFFFF40] =	vst v46  }
0x37a: {  	v3 =	vmul.f32 v22, v3;
	v2 =	vld [tilespmem:s22+$0xFFFFFE30];
	[tilespmem:s24+$0xFFFFFE40] =	vst v14  }
0x37b: {  	v7 =	vmul.f32 v23, v7;
	[tilespmem:s24+$0xFFFFFFD0] =	vst v34  }
0x37c: {  	v8 =	vmul.f32 v24, v8;
	[tilespmem:s21+$0xFFFFFDA0] =	vst v3  }
0x37d: {  	v51 =	vmul.f32 v26, v5;
	[tilespmem:s21+$0xFFFFFE30] =	vst v7  }
0x37e: {  	v52 =	vmul.f32 v27, v6;
	[tilespmem:s21+$0xFFFFFEC0] =	vst v8  }
0x37f: {  	v53 =	vmul.f32 v29, v10;
	[tilespmem:s21+$0xFFFFFFE0] =	vst v51  }
0x380: {  	v54 =	vmul.f32 v30, v11;
	[tilespmem:s21+$0x70] =	vst v52  }
0x381: {  	[tilespmem:s21+$0x190] =	vst v53  }
0x382: {  	v35 =	vmul.f32 v40, v35;
	[tilespmem:s21+$0x220] =	vst v54  }
0x383: {  	v55 =	vld [tilespmem:s22+$0xFFFFFF50];
	[tilespmem:s24+$0xFFFFFF60] =	vst v13  }
0x384: {  	v36 =	vmul.f32 v41, v36;
	[tilespmem:s24+$0x60] =	vst v35  }
0x385: {  	v3 =	vmul.f32 v25, v4;
	v56 =	vld [tilespmem:s22+$0xFFFFFFE0];
	[tilespmem:s24+$0xFFFFFFF0] =	vst v16  }
0x386: {  	[tilespmem:s24+$0xF0] =	vst v36  }
0x387: {  	v49 =	vmul.f32 v42, v37;
	[tilespmem:s21+$0xFFFFFF50] =	vst v3  }
0x388: {  	v57 =	vld [tilespmem:s22+$0x70];
	[tilespmem:s24+$0x80] =	vst v17  }
0x389: {  	v50 =	vmul.f32 v43, v38;
	[tilespmem:s24+$0x180] =	vst v49  }
0x38a: {  	v3 =	vmul.f32 v28, v9;
	v58 =	vld [tilespmem:s22+$0x100];
	[tilespmem:s24+$0x110] =	vst v18  }
0x38b: {  	[tilespmem:s24+$0x210] =	vst v50  }
0x38c: {  	[tilespmem:s21+$0x100] =	vst v3  }
0x38d: {  	v1 =	vmul.f32 v1, v33;
	v3 =	vld [tilespmem:s22+$0xFFFFFEC0];
	[tilespmem:s24+$0xFFFFFED0] =	vst v15  }
0x38e: {  	v59 =	vbroadcast v13, $0x7;
	v61 =	vld [tilespmem:s22+$0x190];
	[tilespmem:s24+$0x1A0] =	vst v20  }
0x38f: {  	v60 =	vbroadcast v16, $0x7;
	v2 =	vmul.f32 v2, v31;
	[tilespmem:s24+$0xFFFFFDA0] =	vst v1  }
0x390: {  	v62 =	vld [tilespmem:s22+$0x220];
	v4 =	vmul.f32 v55, v59;
	[tilespmem:s24+$0x230] =	vst v21  }
0x391: {  	v1 =	vbroadcast v17, $0x7;
	[tilespmem:s24+$0xFFFFFE30] =	vst v2;
	v5 =	vmul.f32 v56, v60  }
0x392: {  	v2 =	vbroadcast v18, $0x7;
	[tilespmem:s24+$0xFFFFFF50] =	vst v4;
	v3 =	vmul.f32 v3, v32  }
0x393: {  	v63 =	vbroadcast v21, $0x7;
	v1 =	vmul.f32 v57, v1;
	[tilespmem:s24+$0xFFFFFFE0] =	vst v5  }
0x394: {  	v2 =	vmul.f32 v58, v2;
	[tilespmem:s24+$0xFFFFFEC0] =	vst v3;
	v3 =	vbroadcast v20, $0x7  }
.Ltmp5:
0x395: {  	[tilespmem:s24+$0x70] =	vst v1;
	v1 =	vmul.f32 v62, v63;
	(pc) =	sbr.rel @p1 .LBB2_10-.Ltmp5, $4  }
0x396: {  	[tilespmem:s24+$0x100] =	vst v2;
	v3 =	vmul.f32 v61, v3  }
0x397: {  	[tilespmem:s24+$0x220] =	vst v1  }
0x398: {  	s15 =	sadd.s32 $0x2738, s15;
	[tilespmem:s24+$0x190] =	vst v3  }
0x399: {  	[spmem:s19] =	stream.indirect.scatter.add.f32 [tilespmem:s13], [sflag:$0x3], $0x90, s15, s16, $0xb8;
	[tilespmem:$0x1F630] =	vst v63  }
0x39a: {  	s15 =	smul.u32 $0x50, s10  }
.Ltmp6:
0x39b: {  	_ = 	snop;
	(pc) =	sbr.rel .LBB2_4-.Ltmp6, $4  }
0x39c: {  	s21 =	sadd.s32 $0x2788, s15  }
0x39d: {  	[tilespmem:s18], [sflag:$0x2] =	stream.indirect.gather [hbm4b:s11+s16], $0x10, s21, s16, $0xb8;
	[tilespmem:$0x1F630] =	vst v63  }
0x39e: {  	s10 =	sadd.s32 $0x1, s10;
	s15 =	sadd.s32 $0x78, s15  }
0x39f: {  	[tilespmem:s20], [sflag:$0x2] =	stream.indirect.gather [hbm4b:s0+s16], $0x90, s15, s16, $0xb8;
	[tilespmem:$0x1F630] =	vst v63  }
.LBB2_11:
0x3a0: {  	_ =	sfence.sel $0x180000  }
0x3a1: {  	[bflag:$0x0] =	sbarrier.arrive $0xFFFF  }
0x3a2: {  	_ =	strace $0x90000047  }
0x3a3: {  	s0 =	stileid.u32;
	[bflag:$0x2] =	sbarrier.arrive $0xFFFF  }
0x3a4: {  	p0 =	sne.s32 s0, $0x0;
	s0 =	rddreg [dreg:$0x2]  }
0x3a5: {  	s0 =	sadd.s32 @!p0 $0x100000, s0  }
0x3a6: {  	[sflag:s0] =	ssyncadd.tile.s32 @!p0 $0x1;
	_ =	shalt  }
.Lfunc_end2:
_tile_overlayer_lowered:
.L_overlay_start_2:
0x3a7: {  	(tag) =	ssettag $0x2  }
0x3a8: {  	s0 =	rddreg [dreg:$0x0];
	s2 =	stileid.u32  }
0x3a9: {  	s1 =	rddreg [dreg:$0x1];
	p0 =	sne.s32 s2, $0x0  }
0x3aa: {  	s3 =	rddreg [dreg:$0x2];
	[bflag:$0x3] =	sbarrier.arrive $0xFFFF;
	s2 =	simm.s32 @!p0 $0x1C04  }
0x3ab: {  	[timem:s3], [sflag:s2] =	dma.local @!p0 [hbm:s0], s1  }
0x3ac: {  	s0 =	simm.s32 @!p0 $0x4  }
0x3ad: {  	_ =	swait.ge @!p0 [sflag:s0], s1  }
0x3ae: {  	s1 =	ssub.s32 @!p0 $0x0, s1;
	[sflag:s0] =	ssyncset.done @!p0 $0x0  }
0x3af: {  	[sflag:s0] =	ssyncadd.s32 @!p0 s1  }
0x3b0: {  	[bflag:$0x3] =	sbarrier.arrive $0xFFFF  }
0x3b1: {  	_ =	shalt  }

</sc_bundles>
